<compile_context>
chip_gen: v7x
topology: tpu7x:2x2x1
jax: 0.10.2.dev20260603
libtpu: 0.0.44.dev20260713+nightly
codegen_flags: <defaults>
</compile_context>

<pallas_src>
import jax
import jax.numpy as jnp
import numpy as np
from jax import lax
from jax.experimental import pallas as pl
from jax.experimental.pallas import tpu as pltpu
from jax.experimental.pallas import tpu_sc as plsc

B = 2
N = 16384
S = 1024
K = 32
NUM_CORES = 2
NUM_SUBCORES = 16
NUM_WORKERS = NUM_CORES * NUM_SUBCORES
KP_PER_WORKER = (B * S) // NUM_WORKERS
WORKERS_PER_BATCH = NUM_WORKERS // B
THR = np.float32(0.2 ** 2)


def _bf16_round(x):
    bits = plsc.bitcast(x, jnp.int32)
    lsb = jnp.bitwise_and(lax.shift_right_logical(bits, 16), 1)
    rounded = bits + (32767 + lsb)
    return plsc.bitcast(jnp.bitwise_and(rounded, jnp.int32(-65536)),
                        jnp.float32)


def _ball_query_body(src_hbm, xyzt_hbm, psq_hbm, kpt_hbm, ksq_hbm,
                     out_hbm,
                     xv, yv, zv, psqv, kxv, kyv, kzv, ksqv,
                     idxb, idxg0, idxg1, rows0, rows1,
                     gsem0, gsem1, osem0, osem1):
    wid = lax.axis_index("s") * NUM_CORES + lax.axis_index("c")
    b = wid // WORKERS_PER_BATCH
    s0 = (wid % WORKERS_PER_BATCH) * KP_PER_WORKER
    kp0 = b * S + s0

    pltpu.sync_copy(xyzt_hbm.at[pl.ds((b * 3 + 0) * N, N)], xv)
    pltpu.sync_copy(xyzt_hbm.at[pl.ds((b * 3 + 1) * N, N)], yv)
    pltpu.sync_copy(xyzt_hbm.at[pl.ds((b * 3 + 2) * N, N)], zv)
    pltpu.sync_copy(psq_hbm.at[pl.ds(b * N, N)], psqv)
    pltpu.sync_copy(kpt_hbm.at[pl.ds((b * 3 + 0) * S + s0, KP_PER_WORKER)], kxv)
    pltpu.sync_copy(kpt_hbm.at[pl.ds((b * 3 + 1) * S + s0, KP_PER_WORKER)], kyv)
    pltpu.sync_copy(kpt_hbm.at[pl.ds((b * 3 + 2) * S + s0, KP_PER_WORKER)], kzv)
    pltpu.sync_copy(ksq_hbm.at[pl.ds(b * S + s0, KP_PER_WORKER)], ksqv)

    lanes16 = jnp.arange(16, dtype=jnp.int32)
    zeros16 = jnp.zeros((16,), jnp.int32)

    def scan_kp(j, idxg):
        jv = jnp.full((16,), j, jnp.int32)
        kxb = _bf16_round(plsc.load_gather(kxv, [jv]))
        kyb = _bf16_round(plsc.load_gather(kyv, [jv]))
        kzb = _bf16_round(plsc.load_gather(kzv, [jv]))
        ksq = plsc.load_gather(ksqv, [jv])

        UNROLL = 16

        def cond(carry):
            i, cntv = carry
            return jnp.logical_and(jnp.all(cntv < K), i < N // (16 * UNROLL))

        def body(carry):
            i, cntv = carry
            base = i * (16 * UNROLL)
            ms, cs, ps = [], [], []
            for u in range(UNROLL):
                ds = pl.ds(base + u * 16, 16)
                xc = _bf16_round(xv[ds])
                yc = _bf16_round(yv[ds])
                zc = _bf16_round(zv[ds])
                psqc = psqv[ds]
                dot = (kxb * xc + kyb * yc) + kzb * zc
                d = ((-2.0) * dot + ksq) + psqc
                m = d <= THR
                ms.append(m)
                cs.append(plsc.cumsum(m.astype(jnp.int32)))
                ps.append(plsc.all_reduce_population_count(m))
            off = cntv
            for u in range(UNROLL):
                pos = off + cs[u] - 1
                wm = jnp.logical_and(ms[u], pos < K)
                plsc.store_scatter(idxb, [pos],
                                   lanes16 + (base + u * 16), mask=wm)
                off = off + ps[u]
            return i + 1, off

        _, cntv = lax.while_loop(
            cond, body, (jnp.int32(0), jnp.zeros((16,), jnp.int32)))

        first = plsc.load_gather(idxb, [zeros16])
        fillv = jnp.where(cntv == 0, jnp.full((16,), N - 1, jnp.int32), first)
        for j2 in range(K // 16):
            lanes = lanes16 + 16 * j2
            cur = idxb[pl.ds(16 * j2, 16)]
            fin = jnp.where(lanes < cntv, cur, fillv)
            idxg[pl.ds(16 * j2, 16)] = fin + b * N

    def process_kp(j, idxg, rows, osem):
        jv = jnp.full((16,), j, jnp.int32)
        kx = plsc.load_gather(kxv, [jv])
        ky = plsc.load_gather(kyv, [jv])
        kz = plsc.load_gather(kzv, [jv])
        for j2 in range(K // 16):
            lanes = lanes16 + 16 * j2
            fin = idxg[pl.ds(16 * j2, 16)] - b * N
            gx = plsc.load_gather(xv, [fin])
            gy = plsc.load_gather(yv, [fin])
            gz = plsc.load_gather(zv, [fin])
            c0 = jnp.full((16,), 0, jnp.int32)
            git = plsc.load_gather(rows, [lanes, c0 + 68])
            plsc.store_scatter(rows, [lanes, c0], gx - kx)
            plsc.store_scatter(rows, [lanes, c0 + 1], gy - ky)
            plsc.store_scatter(rows, [lanes, c0 + 2], gz - kz)
            plsc.store_scatter(rows, [lanes, c0 + 3], git)
        kp = kp0 + j
        pltpu.async_copy(rows, out_hbm.at[pl.ds(kp * K, K)], osem)

    def wait_gather(idxg, rows, gsem):
        pltpu.make_async_copy(src_hbm.at[idxg], rows, gsem).wait()

    def wait_out(rows, osem):
        pltpu.make_async_copy(rows, out_hbm.at[pl.ds(0, K)], osem).wait()

    def pipelined(jj, carry):
        j0 = 2 * jj
        scan_kp(j0, idxg0)

        @pl.when(jj > 0)
        def _():
            wait_gather(idxg1, rows1, gsem1)
            process_kp(j0 - 1, idxg1, rows1, osem1)
            wait_out(rows0, osem0)

        pltpu.async_copy(src_hbm.at[idxg0], rows0, gsem0)

        scan_kp(j0 + 1, idxg1)
        wait_gather(idxg0, rows0, gsem0)
        process_kp(j0, idxg0, rows0, osem0)

        @pl.when(jj > 0)
        def _():
            wait_out(rows1, osem1)

        pltpu.async_copy(src_hbm.at[idxg1], rows1, gsem1)
        return carry

    lax.fori_loop(0, KP_PER_WORKER // 2, pipelined, 0)

    wait_gather(idxg1, rows1, gsem1)
    process_kp(KP_PER_WORKER - 1, idxg1, rows1, osem1)
    wait_out(rows0, osem0)
    wait_out(rows1, osem1)


@jax.jit
def kernel(source, source_intensity, keypoints):
    src_pad = jnp.concatenate(
        [jnp.zeros((B, N, 4), jnp.float32), source, source_intensity,
         jnp.zeros((B, N, 59), jnp.float32)], axis=-1).reshape(B * N, 128)
    xyz = source[:, :, :3]
    kpt3 = keypoints[:, :, :3]
    xyzt = jnp.transpose(xyz, (0, 2, 1)).reshape(B * 3 * N)
    kpt = jnp.transpose(kpt3, (0, 2, 1)).reshape(B * 3 * S)
    psq = jnp.sum(xyz ** 2, axis=-1).reshape(B * N)
    ksq = jnp.sum(kpt3 ** 2, axis=-1).reshape(B * S)

    mesh = plsc.VectorSubcoreMesh(
        core_axis_name="c", subcore_axis_name="s",
        num_cores=NUM_CORES, num_subcores=NUM_SUBCORES)
    call = pl.kernel(
        _ball_query_body,
        out_type=jax.ShapeDtypeStruct((B * S * K, 128), jnp.float32),
        mesh=mesh,
        compiler_params=pltpu.CompilerParams(needs_layout_passes=False),
        scratch_types=[
            pltpu.VMEM((N,), jnp.float32),
            pltpu.VMEM((N,), jnp.float32),
            pltpu.VMEM((N,), jnp.float32),
            pltpu.VMEM((N,), jnp.float32),
            pltpu.VMEM((KP_PER_WORKER,), jnp.float32),
            pltpu.VMEM((KP_PER_WORKER,), jnp.float32),
            pltpu.VMEM((KP_PER_WORKER,), jnp.float32),
            pltpu.VMEM((KP_PER_WORKER,), jnp.float32),
            pltpu.VMEM((2 * K,), jnp.int32),
            pltpu.VMEM((K,), jnp.int32),
            pltpu.VMEM((K,), jnp.int32),
            pltpu.VMEM((K, 128), jnp.float32),
            pltpu.VMEM((K, 128), jnp.float32),
            pltpu.SemaphoreType.DMA,
            pltpu.SemaphoreType.DMA,
            pltpu.SemaphoreType.DMA,
            pltpu.SemaphoreType.DMA,
        ],
    )
    out = call(src_pad, xyzt, psq, kpt, ksq)
    return out.reshape(B, S, K, 128)[..., :68]

# --- scband reference (transcript-rebuilt; emitter-appended) ---
"""Pipeline reference for scband-deep-feature-embedding-35064113005003 (READ-ONLY COPY).

The authoritative reference and input builder live on the scoring server;
editing this copy changes nothing except your own understanding.
"""

import jax, jax.numpy as jnp
import numpy as np

K = 32
RADIUS = 0.2


def square_distance(src, dst):
    # src: [B, S, C], dst: [B, N, C] -> [B, S, N]
    dist = -2.0 * jnp.matmul(src, jnp.swapaxes(dst, -1, -2))
    dist = dist + jnp.sum(src ** 2, axis=-1)[..., :, None]
    dist = dist + jnp.sum(dst ** 2, axis=-1)[..., None, :]
    return dist


def index_points(points, idx):
    # points: [B, N, C], idx: [B, S, K] -> [B, S, K, C]
    B = points.shape[0]
    batch_idx = jnp.arange(B)[:, None, None]
    return points[batch_idx, idx]


def query_ball_point(radius, nsample, xyz, new_xyz):
    B, N, C = xyz.shape
    S = new_xyz.shape[1]
    sqrdists = square_distance(new_xyz, xyz)  # [B, S, N]
    group_idx = jnp.broadcast_to(jnp.arange(N, dtype=jnp.int32), (B, S, N))
    group_idx = jnp.where(sqrdists > radius ** 2, N, group_idx)
    group_idx = jnp.sort(group_idx, axis=-1)[:, :, :nsample]
    group_first = jnp.broadcast_to(group_idx[:, :, :1], group_idx.shape)
    mask = group_idx == N
    group_idx = jnp.where(mask, group_first, group_idx)
    return group_idx


def setup_inputs(seed: int = 0) -> dict:
    key = jax.random.key(seed)
    k1, k2, k3 = jax.random.split(key, 3)
    source = jax.random.uniform(k1, (2, 16384, 64), dtype=jnp.float32)
    source_intensity = jax.random.uniform(k2, (2, 16384, 1), dtype=jnp.float32)
    keypoints = jax.random.uniform(k3, (2, 1024, 3), dtype=jnp.float32)
    return {"source": source, "source_intensity": source_intensity, "keypoints": keypoints}


def reference(source, source_intensity, keypoints):
    keypoints = keypoints[:, :, :3]
    xyz = source[:, :, :3]
    B, N, C = xyz.shape
    S = keypoints.shape[1]
    idx = query_ball_point(RADIUS, K, xyz, keypoints)  # [B, S, K]
    grouped_xyz = index_points(xyz, idx)  # [B, S, K, 3]
    grouped_xyz_norm = grouped_xyz - keypoints.reshape(B, S, 1, C)
    grouped_points = index_points(source, idx)  # [B, S, K, 64]
    intensity = index_points(source_intensity, idx)  # [B, S, K, 1]
    new_points = jnp.concatenate([grouped_xyz_norm, intensity, grouped_points], axis=-1)
    return new_points

if __name__ == "__main__":
    import jax
    _d = setup_inputs()
    print(jax.jit(kernel)(*tuple(_d.values())))

</pallas_src>

<mosaic_0001>
#map = affine_map<(d0, d1) -> (0, 0)>
#map1 = affine_map<(d0, d1) -> (0)>
module attributes {stable_mosaic.version = 14 : i64} {
  func.func @_ball_query_body(%arg0: i32, %arg1: i32, %arg2: memref<32768x128xf32, #tpu.memory_space<hbm>>, %arg3: memref<98304xf32, #tpu.memory_space<hbm>>, %arg4: memref<32768xf32, #tpu.memory_space<hbm>>, %arg5: memref<6144xf32, #tpu.memory_space<hbm>>, %arg6: memref<2048xf32, #tpu.memory_space<hbm>>, %arg7: memref<65536x128xf32, #tpu.memory_space<hbm>>, %arg8: memref<16384xf32, #tpu.memory_space<vmem>>, %arg9: memref<16384xf32, #tpu.memory_space<vmem>>, %arg10: memref<16384xf32, #tpu.memory_space<vmem>>, %arg11: memref<16384xf32, #tpu.memory_space<vmem>>, %arg12: memref<64xf32, #tpu.memory_space<vmem>>, %arg13: memref<64xf32, #tpu.memory_space<vmem>>, %arg14: memref<64xf32, #tpu.memory_space<vmem>>, %arg15: memref<64xf32, #tpu.memory_space<vmem>>, %arg16: memref<64xi32, #tpu.memory_space<vmem>>, %arg17: memref<32xi32, #tpu.memory_space<vmem>>, %arg18: memref<32xi32, #tpu.memory_space<vmem>>, %arg19: memref<32x128xf32, #tpu.memory_space<vmem>>, %arg20: memref<32x128xf32, #tpu.memory_space<vmem>>, %arg21: memref<!tpu.dma_semaphore, #tpu.memory_space<semaphore_mem>>, %arg22: memref<!tpu.dma_semaphore, #tpu.memory_space<semaphore_mem>>, %arg23: memref<!tpu.dma_semaphore, #tpu.memory_space<semaphore_mem>>, %arg24: memref<!tpu.dma_semaphore, #tpu.memory_space<semaphore_mem>>) attributes {dimension_semantics = [#tpu.dimension_semantics<core_parallel>, #tpu.dimension_semantics<subcore_parallel>], iteration_bounds = array<i64: 2, 16>, scalar_prefetch = 0 : i64, scratch_operands = 17 : i64, tpu.core_type = #tpu.core_type<sc_vector_subcore>, window_params = [{transform_indices = #map}, {transform_indices = #map1}, {transform_indices = #map1}, {transform_indices = #map1}, {transform_indices = #map1}, {transform_indices = #map}]} {
    %mul3A = arith.constant 2 : i32
    %mul3A_0 = arith.muli %arg1, %mul3A : i32
    %add3A = arith.addi %mul3A_0, %arg0 : i32
    %jit3A = arith.constant 16 : i32
    %div3A = arith.divsi %add3A, %jit3A : i32
    %sign3A = arith.constant 0 : i32
    %sign3A_1 = arith.cmpi sgt, %add3A, %sign3A : i32
    %sign3A_2 = arith.extui %sign3A_1 : i1 to i32
    %sign3A_3 = arith.constant 0 : i32
    %sign3A_4 = arith.cmpi slt, %add3A, %sign3A_3 : i32
    %sign3A_5 = arith.extui %sign3A_4 : i1 to i32
    %sign3A_6 = arith.subi %sign3A_2, %sign3A_5 : i32
    %sign3A_7 = arith.constant 0 : i32
    %sign3A_8 = arith.cmpi sgt, %jit3A, %sign3A_7 : i32
    %sign3A_9 = arith.extui %sign3A_8 : i1 to i32
    %sign3A_10 = arith.constant 0 : i32
    %sign3A_11 = arith.cmpi slt, %jit3A, %sign3A_10 : i32
    %sign3A_12 = arith.extui %sign3A_11 : i1 to i32
    %sign3A_13 = arith.subi %sign3A_9, %sign3A_12 : i32
    %ne3A = arith.cmpi ne, %sign3A_6, %sign3A_13 : i32
    %rem3A = arith.remsi %add3A, %jit3A : i32
    %ne3A_14 = arith.constant 0 : i32
    %ne3A_15 = arith.cmpi ne, %rem3A, %ne3A_14 : i32
    %and3A = arith.andi %ne3A, %ne3A_15 : i1
    %sub3A = arith.constant 1 : i32
    %sub3A_16 = arith.subi %div3A, %sub3A : i32
    %select_n3A = arith.select %and3A, %sub3A_16, %div3A : i32
    %jit3A_17 = arith.constant 16 : i32
    %eq3A = arith.constant 0 : i32
    %eq3A_18 = arith.cmpi eq, %jit3A_17, %eq3A : i32
    %jit3A_19 = arith.constant 1 : i32
    %select_n3A_20 = arith.select %eq3A_18, %jit3A_19, %jit3A_17 : i32
    %rem3A_21 = arith.remsi %add3A, %select_n3A_20 : i32
    %ne3A_22 = arith.constant 0 : i32
    %ne3A_23 = arith.cmpi ne, %rem3A_21, %ne3A_22 : i32
    %lt3A = arith.constant 0 : i32
    %lt3A_24 = arith.cmpi slt, %rem3A_21, %lt3A : i32
    %lt3A_25 = arith.constant 0 : i32
    %lt3A_26 = arith.cmpi slt, %select_n3A_20, %lt3A_25 : i32
    %ne3A_27 = arith.xori %lt3A_24, %lt3A_26 : i1
    %and3A_28 = arith.andi %ne3A_27, %ne3A_23 : i1
    %add3A_29 = arith.addi %rem3A_21, %select_n3A_20 : i32
    %select_n3A_30 = arith.select %and3A_28, %add3A_29, %rem3A_21 : i32
    %mul3A_31 = arith.constant 64 : i32
    %mul3A_32 = arith.muli %select_n3A_30, %mul3A_31 : i32
    %mul3A_33 = arith.constant 1024 : i32
    %mul3A_34 = arith.muli %select_n3A, %mul3A_33 : i32
    %add3A_35 = arith.addi %mul3A_34, %mul3A_32 : i32
    %mul3A_36 = arith.constant 3 : i32
    %mul3A_37 = arith.muli %select_n3A, %mul3A_36 : i32
    %add3A_38 = arith.constant 0 : i32
    %add3A_39 = arith.addi %mul3A_37, %add3A_38 : i32
    %mul3A_40 = arith.constant 16384 : i32
    %mul3A_41 = arith.muli %add3A_39, %mul3A_40 : i32
    "tpu.region"() ({
      %run_scoped3A = tpu.sem_alloc : memref<!tpu.dma_semaphore, #tpu.memory_space<semaphore_mem>>
      %dma_start3A_170 = tpu.memref_slice %arg3[%mul3A_41] : memref<98304xf32, #tpu.memory_space<hbm>> -> memref<16384xf32, #tpu.memory_space<hbm>>
      %dma_start3A_171 = tpu.memref_slice %arg3[%mul3A_41] : memref<98304xf32, #tpu.memory_space<hbm>> -> memref<16384xf32, #tpu.memory_space<hbm>>
      tpu.enqueue_dma source(%dma_start3A_171 : memref<16384xf32, #tpu.memory_space<hbm>>) target(%arg8 : memref<16384xf32, #tpu.memory_space<vmem>>) target_semaphore(%run_scoped3A : memref<!tpu.dma_semaphore, #tpu.memory_space<semaphore_mem>>)
      %dma_wait3A_172 = tpu.memref_slice %arg3[%mul3A_41] : memref<98304xf32, #tpu.memory_space<hbm>> -> memref<16384xf32, #tpu.memory_space<hbm>>
      %dma_wait3A_173 = tpu.memref_slice %arg3[%mul3A_41] : memref<98304xf32, #tpu.memory_space<hbm>> -> memref<16384xf32, #tpu.memory_space<hbm>>
      tpu.wait_dma2 semaphore(%run_scoped3A : memref<!tpu.dma_semaphore, #tpu.memory_space<semaphore_mem>>) src(%dma_wait3A_173 : memref<16384xf32, #tpu.memory_space<hbm>>) dst(%arg8 : memref<16384xf32, #tpu.memory_space<vmem>>)
      tpu.yield
    }) : () -> ()
    %mul3A_42 = arith.constant 3 : i32
    %mul3A_43 = arith.muli %select_n3A, %mul3A_42 : i32
    %add3A_44 = arith.constant 1 : i32
    %add3A_45 = arith.addi %mul3A_43, %add3A_44 : i32
    %mul3A_46 = arith.constant 16384 : i32
    %mul3A_47 = arith.muli %add3A_45, %mul3A_46 : i32
    "tpu.region"() ({
      %run_scoped3A = tpu.sem_alloc : memref<!tpu.dma_semaphore, #tpu.memory_space<semaphore_mem>>
      %dma_start3A_170 = tpu.memref_slice %arg3[%mul3A_47] : memref<98304xf32, #tpu.memory_space<hbm>> -> memref<16384xf32, #tpu.memory_space<hbm>>
      %dma_start3A_171 = tpu.memref_slice %arg3[%mul3A_47] : memref<98304xf32, #tpu.memory_space<hbm>> -> memref<16384xf32, #tpu.memory_space<hbm>>
      tpu.enqueue_dma source(%dma_start3A_171 : memref<16384xf32, #tpu.memory_space<hbm>>) target(%arg9 : memref<16384xf32, #tpu.memory_space<vmem>>) target_semaphore(%run_scoped3A : memref<!tpu.dma_semaphore, #tpu.memory_space<semaphore_mem>>)
      %dma_wait3A_172 = tpu.memref_slice %arg3[%mul3A_47] : memref<98304xf32, #tpu.memory_space<hbm>> -> memref<16384xf32, #tpu.memory_space<hbm>>
      %dma_wait3A_173 = tpu.memref_slice %arg3[%mul3A_47] : memref<98304xf32, #tpu.memory_space<hbm>> -> memref<16384xf32, #tpu.memory_space<hbm>>
      tpu.wait_dma2 semaphore(%run_scoped3A : memref<!tpu.dma_semaphore, #tpu.memory_space<semaphore_mem>>) src(%dma_wait3A_173 : memref<16384xf32, #tpu.memory_space<hbm>>) dst(%arg9 : memref<16384xf32, #tpu.memory_space<vmem>>)
      tpu.yield
    }) : () -> ()
    %mul3A_48 = arith.constant 3 : i32
    %mul3A_49 = arith.muli %select_n3A, %mul3A_48 : i32
    %add3A_50 = arith.constant 2 : i32
    %add3A_51 = arith.addi %mul3A_49, %add3A_50 : i32
    %mul3A_52 = arith.constant 16384 : i32
    %mul3A_53 = arith.muli %add3A_51, %mul3A_52 : i32
    "tpu.region"() ({
      %run_scoped3A = tpu.sem_alloc : memref<!tpu.dma_semaphore, #tpu.memory_space<semaphore_mem>>
      %dma_start3A_170 = tpu.memref_slice %arg3[%mul3A_53] : memref<98304xf32, #tpu.memory_space<hbm>> -> memref<16384xf32, #tpu.memory_space<hbm>>
      %dma_start3A_171 = tpu.memref_slice %arg3[%mul3A_53] : memref<98304xf32, #tpu.memory_space<hbm>> -> memref<16384xf32, #tpu.memory_space<hbm>>
      tpu.enqueue_dma source(%dma_start3A_171 : memref<16384xf32, #tpu.memory_space<hbm>>) target(%arg10 : memref<16384xf32, #tpu.memory_space<vmem>>) target_semaphore(%run_scoped3A : memref<!tpu.dma_semaphore, #tpu.memory_space<semaphore_mem>>)
      %dma_wait3A_172 = tpu.memref_slice %arg3[%mul3A_53] : memref<98304xf32, #tpu.memory_space<hbm>> -> memref<16384xf32, #tpu.memory_space<hbm>>
      %dma_wait3A_173 = tpu.memref_slice %arg3[%mul3A_53] : memref<98304xf32, #tpu.memory_space<hbm>> -> memref<16384xf32, #tpu.memory_space<hbm>>
      tpu.wait_dma2 semaphore(%run_scoped3A : memref<!tpu.dma_semaphore, #tpu.memory_space<semaphore_mem>>) src(%dma_wait3A_173 : memref<16384xf32, #tpu.memory_space<hbm>>) dst(%arg10 : memref<16384xf32, #tpu.memory_space<vmem>>)
      tpu.yield
    }) : () -> ()
    %mul3A_54 = arith.constant 16384 : i32
    %mul3A_55 = arith.muli %select_n3A, %mul3A_54 : i32
    "tpu.region"() ({
      %run_scoped3A = tpu.sem_alloc : memref<!tpu.dma_semaphore, #tpu.memory_space<semaphore_mem>>
      %dma_start3A_170 = tpu.memref_slice %arg4[%mul3A_55] : memref<32768xf32, #tpu.memory_space<hbm>> -> memref<16384xf32, #tpu.memory_space<hbm>>
      %dma_start3A_171 = tpu.memref_slice %arg4[%mul3A_55] : memref<32768xf32, #tpu.memory_space<hbm>> -> memref<16384xf32, #tpu.memory_space<hbm>>
      tpu.enqueue_dma source(%dma_start3A_171 : memref<16384xf32, #tpu.memory_space<hbm>>) target(%arg11 : memref<16384xf32, #tpu.memory_space<vmem>>) target_semaphore(%run_scoped3A : memref<!tpu.dma_semaphore, #tpu.memory_space<semaphore_mem>>)
      %dma_wait3A_172 = tpu.memref_slice %arg4[%mul3A_55] : memref<32768xf32, #tpu.memory_space<hbm>> -> memref<16384xf32, #tpu.memory_space<hbm>>
      %dma_wait3A_173 = tpu.memref_slice %arg4[%mul3A_55] : memref<32768xf32, #tpu.memory_space<hbm>> -> memref<16384xf32, #tpu.memory_space<hbm>>
      tpu.wait_dma2 semaphore(%run_scoped3A : memref<!tpu.dma_semaphore, #tpu.memory_space<semaphore_mem>>) src(%dma_wait3A_173 : memref<16384xf32, #tpu.memory_space<hbm>>) dst(%arg11 : memref<16384xf32, #tpu.memory_space<vmem>>)
      tpu.yield
    }) : () -> ()
    %mul3A_56 = arith.constant 3 : i32
    %mul3A_57 = arith.muli %select_n3A, %mul3A_56 : i32
    %add3A_58 = arith.constant 0 : i32
    %add3A_59 = arith.addi %mul3A_57, %add3A_58 : i32
    %mul3A_60 = arith.constant 1024 : i32
    %mul3A_61 = arith.muli %add3A_59, %mul3A_60 : i32
    %add3A_62 = arith.addi %mul3A_61, %mul3A_32 : i32
    "tpu.region"() ({
      %run_scoped3A = tpu.sem_alloc : memref<!tpu.dma_semaphore, #tpu.memory_space<semaphore_mem>>
      %dma_start3A_170 = tpu.memref_slice %arg5[%add3A_62] : memref<6144xf32, #tpu.memory_space<hbm>> -> memref<64xf32, #tpu.memory_space<hbm>>
      %dma_start3A_171 = tpu.memref_slice %arg5[%add3A_62] : memref<6144xf32, #tpu.memory_space<hbm>> -> memref<64xf32, #tpu.memory_space<hbm>>
      tpu.enqueue_dma source(%dma_start3A_171 : memref<64xf32, #tpu.memory_space<hbm>>) target(%arg12 : memref<64xf32, #tpu.memory_space<vmem>>) target_semaphore(%run_scoped3A : memref<!tpu.dma_semaphore, #tpu.memory_space<semaphore_mem>>)
      %dma_wait3A_172 = tpu.memref_slice %arg5[%add3A_62] : memref<6144xf32, #tpu.memory_space<hbm>> -> memref<64xf32, #tpu.memory_space<hbm>>
      %dma_wait3A_173 = tpu.memref_slice %arg5[%add3A_62] : memref<6144xf32, #tpu.memory_space<hbm>> -> memref<64xf32, #tpu.memory_space<hbm>>
      tpu.wait_dma2 semaphore(%run_scoped3A : memref<!tpu.dma_semaphore, #tpu.memory_space<semaphore_mem>>) src(%dma_wait3A_173 : memref<64xf32, #tpu.memory_space<hbm>>) dst(%arg12 : memref<64xf32, #tpu.memory_space<vmem>>)
      tpu.yield
    }) : () -> ()
    %mul3A_63 = arith.constant 3 : i32
    %mul3A_64 = arith.muli %select_n3A, %mul3A_63 : i32
    %add3A_65 = arith.constant 1 : i32
    %add3A_66 = arith.addi %mul3A_64, %add3A_65 : i32
    %mul3A_67 = arith.constant 1024 : i32
    %mul3A_68 = arith.muli %add3A_66, %mul3A_67 : i32
    %add3A_69 = arith.addi %mul3A_68, %mul3A_32 : i32
    "tpu.region"() ({
      %run_scoped3A = tpu.sem_alloc : memref<!tpu.dma_semaphore, #tpu.memory_space<semaphore_mem>>
      %dma_start3A_170 = tpu.memref_slice %arg5[%add3A_69] : memref<6144xf32, #tpu.memory_space<hbm>> -> memref<64xf32, #tpu.memory_space<hbm>>
      %dma_start3A_171 = tpu.memref_slice %arg5[%add3A_69] : memref<6144xf32, #tpu.memory_space<hbm>> -> memref<64xf32, #tpu.memory_space<hbm>>
      tpu.enqueue_dma source(%dma_start3A_171 : memref<64xf32, #tpu.memory_space<hbm>>) target(%arg13 : memref<64xf32, #tpu.memory_space<vmem>>) target_semaphore(%run_scoped3A : memref<!tpu.dma_semaphore, #tpu.memory_space<semaphore_mem>>)
      %dma_wait3A_172 = tpu.memref_slice %arg5[%add3A_69] : memref<6144xf32, #tpu.memory_space<hbm>> -> memref<64xf32, #tpu.memory_space<hbm>>
      %dma_wait3A_173 = tpu.memref_slice %arg5[%add3A_69] : memref<6144xf32, #tpu.memory_space<hbm>> -> memref<64xf32, #tpu.memory_space<hbm>>
      tpu.wait_dma2 semaphore(%run_scoped3A : memref<!tpu.dma_semaphore, #tpu.memory_space<semaphore_mem>>) src(%dma_wait3A_173 : memref<64xf32, #tpu.memory_space<hbm>>) dst(%arg13 : memref<64xf32, #tpu.memory_space<vmem>>)
      tpu.yield
    }) : () -> ()
    %mul3A_70 = arith.constant 3 : i32
    %mul3A_71 = arith.muli %select_n3A, %mul3A_70 : i32
    %add3A_72 = arith.constant 2 : i32
    %add3A_73 = arith.addi %mul3A_71, %add3A_72 : i32
    %mul3A_74 = arith.constant 1024 : i32
    %mul3A_75 = arith.muli %add3A_73, %mul3A_74 : i32
    %add3A_76 = arith.addi %mul3A_75, %mul3A_32 : i32
    "tpu.region"() ({
      %run_scoped3A = tpu.sem_alloc : memref<!tpu.dma_semaphore, #tpu.memory_space<semaphore_mem>>
      %dma_start3A_170 = tpu.memref_slice %arg5[%add3A_76] : memref<6144xf32, #tpu.memory_space<hbm>> -> memref<64xf32, #tpu.memory_space<hbm>>
      %dma_start3A_171 = tpu.memref_slice %arg5[%add3A_76] : memref<6144xf32, #tpu.memory_space<hbm>> -> memref<64xf32, #tpu.memory_space<hbm>>
      tpu.enqueue_dma source(%dma_start3A_171 : memref<64xf32, #tpu.memory_space<hbm>>) target(%arg14 : memref<64xf32, #tpu.memory_space<vmem>>) target_semaphore(%run_scoped3A : memref<!tpu.dma_semaphore, #tpu.memory_space<semaphore_mem>>)
      %dma_wait3A_172 = tpu.memref_slice %arg5[%add3A_76] : memref<6144xf32, #tpu.memory_space<hbm>> -> memref<64xf32, #tpu.memory_space<hbm>>
      %dma_wait3A_173 = tpu.memref_slice %arg5[%add3A_76] : memref<6144xf32, #tpu.memory_space<hbm>> -> memref<64xf32, #tpu.memory_space<hbm>>
      tpu.wait_dma2 semaphore(%run_scoped3A : memref<!tpu.dma_semaphore, #tpu.memory_space<semaphore_mem>>) src(%dma_wait3A_173 : memref<64xf32, #tpu.memory_space<hbm>>) dst(%arg14 : memref<64xf32, #tpu.memory_space<vmem>>)
      tpu.yield
    }) : () -> ()
    %mul3A_77 = arith.constant 1024 : i32
    %mul3A_78 = arith.muli %select_n3A, %mul3A_77 : i32
    %add3A_79 = arith.addi %mul3A_78, %mul3A_32 : i32
    "tpu.region"() ({
      %run_scoped3A = tpu.sem_alloc : memref<!tpu.dma_semaphore, #tpu.memory_space<semaphore_mem>>
      %dma_start3A_170 = tpu.memref_slice %arg6[%add3A_79] : memref<2048xf32, #tpu.memory_space<hbm>> -> memref<64xf32, #tpu.memory_space<hbm>>
      %dma_start3A_171 = tpu.memref_slice %arg6[%add3A_79] : memref<2048xf32, #tpu.memory_space<hbm>> -> memref<64xf32, #tpu.memory_space<hbm>>
      tpu.enqueue_dma source(%dma_start3A_171 : memref<64xf32, #tpu.memory_space<hbm>>) target(%arg15 : memref<64xf32, #tpu.memory_space<vmem>>) target_semaphore(%run_scoped3A : memref<!tpu.dma_semaphore, #tpu.memory_space<semaphore_mem>>)
      %dma_wait3A_172 = tpu.memref_slice %arg6[%add3A_79] : memref<2048xf32, #tpu.memory_space<hbm>> -> memref<64xf32, #tpu.memory_space<hbm>>
      %dma_wait3A_173 = tpu.memref_slice %arg6[%add3A_79] : memref<2048xf32, #tpu.memory_space<hbm>> -> memref<64xf32, #tpu.memory_space<hbm>>
      tpu.wait_dma2 semaphore(%run_scoped3A : memref<!tpu.dma_semaphore, #tpu.memory_space<semaphore_mem>>) src(%dma_wait3A_173 : memref<64xf32, #tpu.memory_space<hbm>>) dst(%arg15 : memref<64xf32, #tpu.memory_space<vmem>>)
      tpu.yield
    }) : () -> ()
    %iota3A = tpu.iota {dimensions = array<i32: 0>} : vector<16xi32>
    %broadcast_in_dim3A = arith.constant 0 : i32
    %broadcast_in_dim3A_80 = vector.broadcast %broadcast_in_dim3A : i32 to vector<16xi32>
    %scan3A = arith.constant 0 : i32
    %scan3A_81 = arith.constant 0 : i32
    %scan3A_82 = arith.constant 32 : i32
    %scan3A_83 = arith.addi %scan3A_81, %scan3A_82 : i32
    %scan3A_84 = arith.constant 1 : i32
    scf.for %scan3A_170 = %scan3A_81 to %scan3A_83 step %scan3A_84  : i32 {
      %mul3A_171 = arith.constant 2 : i32
      %mul3A_172 = arith.muli %mul3A_171, %scan3A_170 : i32
      %broadcast_in_dim3A_173 = vector.broadcast %mul3A_172 : i32 to vector<16xi32>
      %gather3A_174 = tpu.vector_load_idx %arg12[%broadcast_in_dim3A_173] : memref<64xf32, #tpu.memory_space<vmem>>[vector<16xi32>], vector<16xf32>,
      %bitcast3A = vector.bitcast %gather3A_174 : vector<16xf32> to vector<16xi32>
      %shift_right_logical3A = arith.constant 16 : i32
      %shift_right_logical3A_175 = vector.broadcast %shift_right_logical3A : i32 to vector<16xi32>
      %shift_right_logical3A_176 = arith.shrui %bitcast3A, %shift_right_logical3A_175 : vector<16xi32>
      %and3A_177 = arith.constant 1 : i32
      %and3A_178 = vector.broadcast %and3A_177 : i32 to vector<16xi32>
      %and3A_179 = arith.andi %shift_right_logical3A_176, %and3A_178 : vector<16xi32>
      %add3A_180 = arith.constant 32767 : i32
      %add3A_181 = vector.broadcast %add3A_180 : i32 to vector<16xi32>
      %add3A_182 = arith.addi %add3A_181, %and3A_179 : vector<16xi32>
      %add3A_183 = arith.addi %bitcast3A, %add3A_182 : vector<16xi32>
      %and3A_184 = arith.constant -65536 : i32
      %and3A_185 = vector.broadcast %and3A_184 : i32 to vector<16xi32>
      %and3A_186 = arith.andi %add3A_183, %and3A_185 : vector<16xi32>
      %bitcast3A_187 = vector.bitcast %and3A_186 : vector<16xi32> to vector<16xf32>
      %gather3A_188 = tpu.vector_load_idx %arg13[%broadcast_in_dim3A_173] : memref<64xf32, #tpu.memory_space<vmem>>[vector<16xi32>], vector<16xf32>,
      %bitcast3A_189 = vector.bitcast %gather3A_188 : vector<16xf32> to vector<16xi32>
      %shift_right_logical3A_190 = arith.constant 16 : i32
      %shift_right_logical3A_191 = vector.broadcast %shift_right_logical3A_190 : i32 to vector<16xi32>
      %shift_right_logical3A_192 = arith.shrui %bitcast3A_189, %shift_right_logical3A_191 : vector<16xi32>
      %and3A_193 = arith.constant 1 : i32
      %and3A_194 = vector.broadcast %and3A_193 : i32 to vector<16xi32>
      %and3A_195 = arith.andi %shift_right_logical3A_192, %and3A_194 : vector<16xi32>
      %add3A_196 = arith.constant 32767 : i32
      %add3A_197 = vector.broadcast %add3A_196 : i32 to vector<16xi32>
      %add3A_198 = arith.addi %add3A_197, %and3A_195 : vector<16xi32>
      %add3A_199 = arith.addi %bitcast3A_189, %add3A_198 : vector<16xi32>
      %and3A_200 = arith.constant -65536 : i32
      %and3A_201 = vector.broadcast %and3A_200 : i32 to vector<16xi32>
      %and3A_202 = arith.andi %add3A_199, %and3A_201 : vector<16xi32>
      %bitcast3A_203 = vector.bitcast %and3A_202 : vector<16xi32> to vector<16xf32>
      %gather3A_204 = tpu.vector_load_idx %arg14[%broadcast_in_dim3A_173] : memref<64xf32, #tpu.memory_space<vmem>>[vector<16xi32>], vector<16xf32>,
      %bitcast3A_205 = vector.bitcast %gather3A_204 : vector<16xf32> to vector<16xi32>
      %shift_right_logical3A_206 = arith.constant 16 : i32
      %shift_right_logical3A_207 = vector.broadcast %shift_right_logical3A_206 : i32 to vector<16xi32>
      %shift_right_logical3A_208 = arith.shrui %bitcast3A_205, %shift_right_logical3A_207 : vector<16xi32>
      %and3A_209 = arith.constant 1 : i32
      %and3A_210 = vector.broadcast %and3A_209 : i32 to vector<16xi32>
      %and3A_211 = arith.andi %shift_right_logical3A_208, %and3A_210 : vector<16xi32>
      %add3A_212 = arith.constant 32767 : i32
      %add3A_213 = vector.broadcast %add3A_212 : i32 to vector<16xi32>
      %add3A_214 = arith.addi %add3A_213, %and3A_211 : vector<16xi32>
      %add3A_215 = arith.addi %bitcast3A_205, %add3A_214 : vector<16xi32>
      %and3A_216 = arith.constant -65536 : i32
      %and3A_217 = vector.broadcast %and3A_216 : i32 to vector<16xi32>
      %and3A_218 = arith.andi %add3A_215, %and3A_217 : vector<16xi32>
      %bitcast3A_219 = vector.bitcast %and3A_218 : vector<16xi32> to vector<16xf32>
      %gather3A_220 = tpu.vector_load_idx %arg15[%broadcast_in_dim3A_173] : memref<64xf32, #tpu.memory_space<vmem>>[vector<16xi32>], vector<16xf32>,
      %broadcast_in_dim3A_221 = arith.constant 0 : i32
      %broadcast_in_dim3A_222 = vector.broadcast %broadcast_in_dim3A_221 : i32 to vector<16xi32>
      %while3A = arith.constant 0 : i32
      %while3A_223:2 = scf.while (%while3A_432 = %while3A, %while3A_433 = %broadcast_in_dim3A_222) : (i32, vector<16xi32>) -> (i32, vector<16xi32>) {
        %lt3A_434 = arith.constant 32 : i32
        %lt3A_435 = vector.broadcast %lt3A_434 : i32 to vector<16xi32>
        %lt3A_436 = arith.cmpi slt, %while3A_433, %lt3A_435 : vector<16xi32>
        %reduce_and3A = arith.constant 1.000000e+00 : f32
        %reduce_and3A_437 = arith.constant 0.000000e+00 : f32
        %reduce_and3A_438 = vector.broadcast %reduce_and3A : f32 to vector<16xf32>
        %reduce_and3A_439 = vector.broadcast %reduce_and3A_437 : f32 to vector<16xf32>
        %reduce_and3A_440 = arith.select %lt3A_436, %reduce_and3A_438, %reduce_and3A_439 : vector<16xi1>, vector<16xf32>
        %reduce_and3A_441 = arith.constant true
        %reduce_and3A_442 = vector.broadcast %reduce_and3A_441 : i1 to vector<16xi1>
        %reduce_and3A_443 = tpu.scan <min>, %reduce_and3A_440 masked %reduce_and3A_442 : vector<16xf32>, vector<16xi1> -> vector<16xf32>
        %reduce_and3A_444 = vector.extract %reduce_and3A_443[15] : f32 from vector<16xf32>
        %reduce_and3A_445 = arith.constant 0.000000e+00 : f32
        %reduce_and3A_446 = arith.cmpf ogt, %reduce_and3A_444, %reduce_and3A_445 : f32
        %lt3A_447 = arith.constant 64 : i32
        %lt3A_448 = arith.cmpi slt, %while3A_432, %lt3A_447 : i32
        %and3A_449 = arith.andi %reduce_and3A_446, %lt3A_448 : i1
        scf.condition(%and3A_449) %while3A_432, %while3A_433 : i32, vector<16xi32>
      } do {
      ^bb0(%while3A_432: i32, %while3A_433: vector<16xi32>):
        %mul3A_434 = arith.constant 256 : i32
        %mul3A_435 = arith.muli %while3A_432, %mul3A_434 : i32
        %add3A_436 = arith.constant 0 : i32
        %add3A_437 = arith.addi %mul3A_435, %add3A_436 : i32
        %get3A_438 = arith.index_cast %add3A_437 : i32 to index
        %get3A_439 = tpu.vector_load %arg8[%get3A_438] {strides = array<i32>} : memref<16384xf32, #tpu.memory_space<vmem>>, vector<16xf32>,
        %bitcast3A_440 = vector.bitcast %get3A_439 : vector<16xf32> to vector<16xi32>
        %shift_right_logical3A_441 = arith.constant 16 : i32
        %shift_right_logical3A_442 = vector.broadcast %shift_right_logical3A_441 : i32 to vector<16xi32>
        %shift_right_logical3A_443 = arith.shrui %bitcast3A_440, %shift_right_logical3A_442 : vector<16xi32>
        %and3A_444 = arith.constant 1 : i32
        %and3A_445 = vector.broadcast %and3A_444 : i32 to vector<16xi32>
        %and3A_446 = arith.andi %shift_right_logical3A_443, %and3A_445 : vector<16xi32>
        %add3A_447 = arith.constant 32767 : i32
        %add3A_448 = vector.broadcast %add3A_447 : i32 to vector<16xi32>
        %add3A_449 = arith.addi %add3A_448, %and3A_446 : vector<16xi32>
        %add3A_450 = arith.addi %bitcast3A_440, %add3A_449 : vector<16xi32>
        %and3A_451 = arith.constant -65536 : i32
        %and3A_452 = vector.broadcast %and3A_451 : i32 to vector<16xi32>
        %and3A_453 = arith.andi %add3A_450, %and3A_452 : vector<16xi32>
        %bitcast3A_454 = vector.bitcast %and3A_453 : vector<16xi32> to vector<16xf32>
        %get3A_455 = arith.index_cast %add3A_437 : i32 to index
        %get3A_456 = tpu.vector_load %arg9[%get3A_455] {strides = array<i32>} : memref<16384xf32, #tpu.memory_space<vmem>>, vector<16xf32>,
        %bitcast3A_457 = vector.bitcast %get3A_456 : vector<16xf32> to vector<16xi32>
        %shift_right_logical3A_458 = arith.constant 16 : i32
        %shift_right_logical3A_459 = vector.broadcast %shift_right_logical3A_458 : i32 to vector<16xi32>
        %shift_right_logical3A_460 = arith.shrui %bitcast3A_457, %shift_right_logical3A_459 : vector<16xi32>
        %and3A_461 = arith.constant 1 : i32
        %and3A_462 = vector.broadcast %and3A_461 : i32 to vector<16xi32>
        %and3A_463 = arith.andi %shift_right_logical3A_460, %and3A_462 : vector<16xi32>
        %add3A_464 = arith.constant 32767 : i32
        %add3A_465 = vector.broadcast %add3A_464 : i32 to vector<16xi32>
        %add3A_466 = arith.addi %add3A_465, %and3A_463 : vector<16xi32>
        %add3A_467 = arith.addi %bitcast3A_457, %add3A_466 : vector<16xi32>
        %and3A_468 = arith.constant -65536 : i32
        %and3A_469 = vector.broadcast %and3A_468 : i32 to vector<16xi32>
        %and3A_470 = arith.andi %add3A_467, %and3A_469 : vector<16xi32>
        %bitcast3A_471 = vector.bitcast %and3A_470 : vector<16xi32> to vector<16xf32>
        %get3A_472 = arith.index_cast %add3A_437 : i32 to index
        %get3A_473 = tpu.vector_load %arg10[%get3A_472] {strides = array<i32>} : memref<16384xf32, #tpu.memory_space<vmem>>, vector<16xf32>,
        %bitcast3A_474 = vector.bitcast %get3A_473 : vector<16xf32> to vector<16xi32>
        %shift_right_logical3A_475 = arith.constant 16 : i32
        %shift_right_logical3A_476 = vector.broadcast %shift_right_logical3A_475 : i32 to vector<16xi32>
        %shift_right_logical3A_477 = arith.shrui %bitcast3A_474, %shift_right_logical3A_476 : vector<16xi32>
        %and3A_478 = arith.constant 1 : i32
        %and3A_479 = vector.broadcast %and3A_478 : i32 to vector<16xi32>
        %and3A_480 = arith.andi %shift_right_logical3A_477, %and3A_479 : vector<16xi32>
        %add3A_481 = arith.constant 32767 : i32
        %add3A_482 = vector.broadcast %add3A_481 : i32 to vector<16xi32>
        %add3A_483 = arith.addi %add3A_482, %and3A_480 : vector<16xi32>
        %add3A_484 = arith.addi %bitcast3A_474, %add3A_483 : vector<16xi32>
        %and3A_485 = arith.constant -65536 : i32
        %and3A_486 = vector.broadcast %and3A_485 : i32 to vector<16xi32>
        %and3A_487 = arith.andi %add3A_484, %and3A_486 : vector<16xi32>
        %bitcast3A_488 = vector.bitcast %and3A_487 : vector<16xi32> to vector<16xf32>
        %get3A_489 = arith.index_cast %add3A_437 : i32 to index
        %get3A_490 = tpu.vector_load %arg11[%get3A_489] {strides = array<i32>} : memref<16384xf32, #tpu.memory_space<vmem>>, vector<16xf32>,
        %mul3A_491 = arith.mulf %bitcast3A_187, %bitcast3A_454 : vector<16xf32>
        %mul3A_492 = arith.mulf %bitcast3A_203, %bitcast3A_471 : vector<16xf32>
        %add3A_493 = arith.addf %mul3A_491, %mul3A_492 : vector<16xf32>
        %mul3A_494 = arith.mulf %bitcast3A_219, %bitcast3A_488 : vector<16xf32>
        %add3A_495 = arith.addf %add3A_493, %mul3A_494 : vector<16xf32>
        %mul3A_496 = arith.constant -2.000000e+00 : f32
        %mul3A_497 = vector.broadcast %mul3A_496 : f32 to vector<16xf32>
        %mul3A_498 = arith.mulf %mul3A_497, %add3A_495 : vector<16xf32>
        %add3A_499 = arith.addf %mul3A_498, %gather3A_220 : vector<16xf32>
        %add3A_500 = arith.addf %add3A_499, %get3A_490 : vector<16xf32>
        %le3A = arith.constant 4.000000e-02 : f32
        %le3A_501 = vector.broadcast %le3A : f32 to vector<16xf32>
        %le3A_502 = arith.cmpf ole, %add3A_500, %le3A_501 : vector<16xf32>
        %convert_element_type3A_503 = arith.extui %le3A_502 : vector<16xi1> to vector<16xi32>
        %broadcast_in_dim3A_504 = arith.constant true
        %broadcast_in_dim3A_505 = vector.broadcast %broadcast_in_dim3A_504 : i1 to vector<16xi1>
        %masked_cumsum3A = tpu.scan <sum>, %convert_element_type3A_503 masked %broadcast_in_dim3A_505 : vector<16xi32>, vector<16xi1> -> vector<16xi32>
        %all_reduce_population_count3A = tpu.all_reduce %le3A_502 {dim = 0 : i64, kind = #tpu.reduction_kind<sum>} : vector<16xi1> -> vector<16xi32>
        %add3A_506 = arith.constant 16 : i32
        %add3A_507 = arith.addi %mul3A_435, %add3A_506 : i32
        %get3A_508 = arith.index_cast %add3A_507 : i32 to index
        %get3A_509 = tpu.vector_load %arg8[%get3A_508] {strides = array<i32>} : memref<16384xf32, #tpu.memory_space<vmem>>, vector<16xf32>,
        %bitcast3A_510 = vector.bitcast %get3A_509 : vector<16xf32> to vector<16xi32>
        %shift_right_logical3A_511 = arith.constant 16 : i32
        %shift_right_logical3A_512 = vector.broadcast %shift_right_logical3A_511 : i32 to vector<16xi32>
        %shift_right_logical3A_513 = arith.shrui %bitcast3A_510, %shift_right_logical3A_512 : vector<16xi32>
        %and3A_514 = arith.constant 1 : i32
        %and3A_515 = vector.broadcast %and3A_514 : i32 to vector<16xi32>
        %and3A_516 = arith.andi %shift_right_logical3A_513, %and3A_515 : vector<16xi32>
        %add3A_517 = arith.constant 32767 : i32
        %add3A_518 = vector.broadcast %add3A_517 : i32 to vector<16xi32>
        %add3A_519 = arith.addi %add3A_518, %and3A_516 : vector<16xi32>
        %add3A_520 = arith.addi %bitcast3A_510, %add3A_519 : vector<16xi32>
        %and3A_521 = arith.constant -65536 : i32
        %and3A_522 = vector.broadcast %and3A_521 : i32 to vector<16xi32>
        %and3A_523 = arith.andi %add3A_520, %and3A_522 : vector<16xi32>
        %bitcast3A_524 = vector.bitcast %and3A_523 : vector<16xi32> to vector<16xf32>
        %get3A_525 = arith.index_cast %add3A_507 : i32 to index
        %get3A_526 = tpu.vector_load %arg9[%get3A_525] {strides = array<i32>} : memref<16384xf32, #tpu.memory_space<vmem>>, vector<16xf32>,
        %bitcast3A_527 = vector.bitcast %get3A_526 : vector<16xf32> to vector<16xi32>
        %shift_right_logical3A_528 = arith.constant 16 : i32
        %shift_right_logical3A_529 = vector.broadcast %shift_right_logical3A_528 : i32 to vector<16xi32>
        %shift_right_logical3A_530 = arith.shrui %bitcast3A_527, %shift_right_logical3A_529 : vector<16xi32>
        %and3A_531 = arith.constant 1 : i32
        %and3A_532 = vector.broadcast %and3A_531 : i32 to vector<16xi32>
        %and3A_533 = arith.andi %shift_right_logical3A_530, %and3A_532 : vector<16xi32>
        %add3A_534 = arith.constant 32767 : i32
        %add3A_535 = vector.broadcast %add3A_534 : i32 to vector<16xi32>
        %add3A_536 = arith.addi %add3A_535, %and3A_533 : vector<16xi32>
        %add3A_537 = arith.addi %bitcast3A_527, %add3A_536 : vector<16xi32>
        %and3A_538 = arith.constant -65536 : i32
        %and3A_539 = vector.broadcast %and3A_538 : i32 to vector<16xi32>
        %and3A_540 = arith.andi %add3A_537, %and3A_539 : vector<16xi32>
        %bitcast3A_541 = vector.bitcast %and3A_540 : vector<16xi32> to vector<16xf32>
        %get3A_542 = arith.index_cast %add3A_507 : i32 to index
        %get3A_543 = tpu.vector_load %arg10[%get3A_542] {strides = array<i32>} : memref<16384xf32, #tpu.memory_space<vmem>>, vector<16xf32>,
        %bitcast3A_544 = vector.bitcast %get3A_543 : vector<16xf32> to vector<16xi32>
        %shift_right_logical3A_545 = arith.constant 16 : i32
        %shift_right_logical3A_546 = vector.broadcast %shift_right_logical3A_545 : i32 to vector<16xi32>
        %shift_right_logical3A_547 = arith.shrui %bitcast3A_544, %shift_right_logical3A_546 : vector<16xi32>
        %and3A_548 = arith.constant 1 : i32
        %and3A_549 = vector.broadcast %and3A_548 : i32 to vector<16xi32>
        %and3A_550 = arith.andi %shift_right_logical3A_547, %and3A_549 : vector<16xi32>
        %add3A_551 = arith.constant 32767 : i32
        %add3A_552 = vector.broadcast %add3A_551 : i32 to vector<16xi32>
        %add3A_553 = arith.addi %add3A_552, %and3A_550 : vector<16xi32>
        %add3A_554 = arith.addi %bitcast3A_544, %add3A_553 : vector<16xi32>
        %and3A_555 = arith.constant -65536 : i32
        %and3A_556 = vector.broadcast %and3A_555 : i32 to vector<16xi32>
        %and3A_557 = arith.andi %add3A_554, %and3A_556 : vector<16xi32>
        %bitcast3A_558 = vector.bitcast %and3A_557 : vector<16xi32> to vector<16xf32>
        %get3A_559 = arith.index_cast %add3A_507 : i32 to index
        %get3A_560 = tpu.vector_load %arg11[%get3A_559] {strides = array<i32>} : memref<16384xf32, #tpu.memory_space<vmem>>, vector<16xf32>,
        %mul3A_561 = arith.mulf %bitcast3A_187, %bitcast3A_524 : vector<16xf32>
        %mul3A_562 = arith.mulf %bitcast3A_203, %bitcast3A_541 : vector<16xf32>
        %add3A_563 = arith.addf %mul3A_561, %mul3A_562 : vector<16xf32>
        %mul3A_564 = arith.mulf %bitcast3A_219, %bitcast3A_558 : vector<16xf32>
        %add3A_565 = arith.addf %add3A_563, %mul3A_564 : vector<16xf32>
        %mul3A_566 = arith.constant -2.000000e+00 : f32
        %mul3A_567 = vector.broadcast %mul3A_566 : f32 to vector<16xf32>
        %mul3A_568 = arith.mulf %mul3A_567, %add3A_565 : vector<16xf32>
        %add3A_569 = arith.addf %mul3A_568, %gather3A_220 : vector<16xf32>
        %add3A_570 = arith.addf %add3A_569, %get3A_560 : vector<16xf32>
        %le3A_571 = arith.constant 4.000000e-02 : f32
        %le3A_572 = vector.broadcast %le3A_571 : f32 to vector<16xf32>
        %le3A_573 = arith.cmpf ole, %add3A_570, %le3A_572 : vector<16xf32>
        %convert_element_type3A_574 = arith.extui %le3A_573 : vector<16xi1> to vector<16xi32>
        %broadcast_in_dim3A_575 = arith.constant true
        %broadcast_in_dim3A_576 = vector.broadcast %broadcast_in_dim3A_575 : i1 to vector<16xi1>
        %masked_cumsum3A_577 = tpu.scan <sum>, %convert_element_type3A_574 masked %broadcast_in_dim3A_576 : vector<16xi32>, vector<16xi1> -> vector<16xi32>
        %all_reduce_population_count3A_578 = tpu.all_reduce %le3A_573 {dim = 0 : i64, kind = #tpu.reduction_kind<sum>} : vector<16xi1> -> vector<16xi32>
        %add3A_579 = arith.constant 32 : i32
        %add3A_580 = arith.addi %mul3A_435, %add3A_579 : i32
        %get3A_581 = arith.index_cast %add3A_580 : i32 to index
        %get3A_582 = tpu.vector_load %arg8[%get3A_581] {strides = array<i32>} : memref<16384xf32, #tpu.memory_space<vmem>>, vector<16xf32>,
        %bitcast3A_583 = vector.bitcast %get3A_582 : vector<16xf32> to vector<16xi32>
        %shift_right_logical3A_584 = arith.constant 16 : i32
        %shift_right_logical3A_585 = vector.broadcast %shift_right_logical3A_584 : i32 to vector<16xi32>
        %shift_right_logical3A_586 = arith.shrui %bitcast3A_583, %shift_right_logical3A_585 : vector<16xi32>
        %and3A_587 = arith.constant 1 : i32
        %and3A_588 = vector.broadcast %and3A_587 : i32 to vector<16xi32>
        %and3A_589 = arith.andi %shift_right_logical3A_586, %and3A_588 : vector<16xi32>
        %add3A_590 = arith.constant 32767 : i32
        %add3A_591 = vector.broadcast %add3A_590 : i32 to vector<16xi32>
        %add3A_592 = arith.addi %add3A_591, %and3A_589 : vector<16xi32>
        %add3A_593 = arith.addi %bitcast3A_583, %add3A_592 : vector<16xi32>
        %and3A_594 = arith.constant -65536 : i32
        %and3A_595 = vector.broadcast %and3A_594 : i32 to vector<16xi32>
        %and3A_596 = arith.andi %add3A_593, %and3A_595 : vector<16xi32>
        %bitcast3A_597 = vector.bitcast %and3A_596 : vector<16xi32> to vector<16xf32>
        %get3A_598 = arith.index_cast %add3A_580 : i32 to index
        %get3A_599 = tpu.vector_load %arg9[%get3A_598] {strides = array<i32>} : memref<16384xf32, #tpu.memory_space<vmem>>, vector<16xf32>,
        %bitcast3A_600 = vector.bitcast %get3A_599 : vector<16xf32> to vector<16xi32>
        %shift_right_logical3A_601 = arith.constant 16 : i32
        %shift_right_logical3A_602 = vector.broadcast %shift_right_logical3A_601 : i32 to vector<16xi32>
        %shift_right_logical3A_603 = arith.shrui %bitcast3A_600, %shift_right_logical3A_602 : vector<16xi32>
        %and3A_604 = arith.constant 1 : i32
        %and3A_605 = vector.broadcast %and3A_604 : i32 to vector<16xi32>
        %and3A_606 = arith.andi %shift_right_logical3A_603, %and3A_605 : vector<16xi32>
        %add3A_607 = arith.constant 32767 : i32
        %add3A_608 = vector.broadcast %add3A_607 : i32 to vector<16xi32>
        %add3A_609 = arith.addi %add3A_608, %and3A_606 : vector<16xi32>
        %add3A_610 = arith.addi %bitcast3A_600, %add3A_609 : vector<16xi32>
        %and3A_611 = arith.constant -65536 : i32
        %and3A_612 = vector.broadcast %and3A_611 : i32 to vector<16xi32>
        %and3A_613 = arith.andi %add3A_610, %and3A_612 : vector<16xi32>
        %bitcast3A_614 = vector.bitcast %and3A_613 : vector<16xi32> to vector<16xf32>
        %get3A_615 = arith.index_cast %add3A_580 : i32 to index
        %get3A_616 = tpu.vector_load %arg10[%get3A_615] {strides = array<i32>} : memref<16384xf32, #tpu.memory_space<vmem>>, vector<16xf32>,
        %bitcast3A_617 = vector.bitcast %get3A_616 : vector<16xf32> to vector<16xi32>
        %shift_right_logical3A_618 = arith.constant 16 : i32
        %shift_right_logical3A_619 = vector.broadcast %shift_right_logical3A_618 : i32 to vector<16xi32>
        %shift_right_logical3A_620 = arith.shrui %bitcast3A_617, %shift_right_logical3A_619 : vector<16xi32>
        %and3A_621 = arith.constant 1 : i32
        %and3A_622 = vector.broadcast %and3A_621 : i32 to vector<16xi32>
        %and3A_623 = arith.andi %shift_right_logical3A_620, %and3A_622 : vector<16xi32>
        %add3A_624 = arith.constant 32767 : i32
        %add3A_625 = vector.broadcast %add3A_624 : i32 to vector<16xi32>
        %add3A_626 = arith.addi %add3A_625, %and3A_623 : vector<16xi32>
        %add3A_627 = arith.addi %bitcast3A_617, %add3A_626 : vector<16xi32>
        %and3A_628 = arith.constant -65536 : i32
        %and3A_629 = vector.broadcast %and3A_628 : i32 to vector<16xi32>
        %and3A_630 = arith.andi %add3A_627, %and3A_629 : vector<16xi32>
        %bitcast3A_631 = vector.bitcast %and3A_630 : vector<16xi32> to vector<16xf32>
        %get3A_632 = arith.index_cast %add3A_580 : i32 to index
        %get3A_633 = tpu.vector_load %arg11[%get3A_632] {strides = array<i32>} : memref<16384xf32, #tpu.memory_space<vmem>>, vector<16xf32>,
        %mul3A_634 = arith.mulf %bitcast3A_187, %bitcast3A_597 : vector<16xf32>
        %mul3A_635 = arith.mulf %bitcast3A_203, %bitcast3A_614 : vector<16xf32>
        %add3A_636 = arith.addf %mul3A_634, %mul3A_635 : vector<16xf32>
        %mul3A_637 = arith.mulf %bitcast3A_219, %bitcast3A_631 : vector<16xf32>
        %add3A_638 = arith.addf %add3A_636, %mul3A_637 : vector<16xf32>
        %mul3A_639 = arith.constant -2.000000e+00 : f32
        %mul3A_640 = vector.broadcast %mul3A_639 : f32 to vector<16xf32>
        %mul3A_641 = arith.mulf %mul3A_640, %add3A_638 : vector<16xf32>
        %add3A_642 = arith.addf %mul3A_641, %gather3A_220 : vector<16xf32>
        %add3A_643 = arith.addf %add3A_642, %get3A_633 : vector<16xf32>
        %le3A_644 = arith.constant 4.000000e-02 : f32
        %le3A_645 = vector.broadcast %le3A_644 : f32 to vector<16xf32>
        %le3A_646 = arith.cmpf ole, %add3A_643, %le3A_645 : vector<16xf32>
        %convert_element_type3A_647 = arith.extui %le3A_646 : vector<16xi1> to vector<16xi32>
        %broadcast_in_dim3A_648 = arith.constant true
        %broadcast_in_dim3A_649 = vector.broadcast %broadcast_in_dim3A_648 : i1 to vector<16xi1>
        %masked_cumsum3A_650 = tpu.scan <sum>, %convert_element_type3A_647 masked %broadcast_in_dim3A_649 : vector<16xi32>, vector<16xi1> -> vector<16xi32>
        %all_reduce_population_count3A_651 = tpu.all_reduce %le3A_646 {dim = 0 : i64, kind = #tpu.reduction_kind<sum>} : vector<16xi1> -> vector<16xi32>
        %add3A_652 = arith.constant 48 : i32
        %add3A_653 = arith.addi %mul3A_435, %add3A_652 : i32
        %get3A_654 = arith.index_cast %add3A_653 : i32 to index
        %get3A_655 = tpu.vector_load %arg8[%get3A_654] {strides = array<i32>} : memref<16384xf32, #tpu.memory_space<vmem>>, vector<16xf32>,
        %bitcast3A_656 = vector.bitcast %get3A_655 : vector<16xf32> to vector<16xi32>
        %shift_right_logical3A_657 = arith.constant 16 : i32
        %shift_right_logical3A_658 = vector.broadcast %shift_right_logical3A_657 : i32 to vector<16xi32>
        %shift_right_logical3A_659 = arith.shrui %bitcast3A_656, %shift_right_logical3A_658 : vector<16xi32>
        %and3A_660 = arith.constant 1 : i32
        %and3A_661 = vector.broadcast %and3A_660 : i32 to vector<16xi32>
        %and3A_662 = arith.andi %shift_right_logical3A_659, %and3A_661 : vector<16xi32>
        %add3A_663 = arith.constant 32767 : i32
        %add3A_664 = vector.broadcast %add3A_663 : i32 to vector<16xi32>
        %add3A_665 = arith.addi %add3A_664, %and3A_662 : vector<16xi32>
        %add3A_666 = arith.addi %bitcast3A_656, %add3A_665 : vector<16xi32>
        %and3A_667 = arith.constant -65536 : i32
        %and3A_668 = vector.broadcast %and3A_667 : i32 to vector<16xi32>
        %and3A_669 = arith.andi %add3A_666, %and3A_668 : vector<16xi32>
        %bitcast3A_670 = vector.bitcast %and3A_669 : vector<16xi32> to vector<16xf32>
        %get3A_671 = arith.index_cast %add3A_653 : i32 to index
        %get3A_672 = tpu.vector_load %arg9[%get3A_671] {strides = array<i32>} : memref<16384xf32, #tpu.memory_space<vmem>>, vector<16xf32>,
        %bitcast3A_673 = vector.bitcast %get3A_672 : vector<16xf32> to vector<16xi32>
        %shift_right_logical3A_674 = arith.constant 16 : i32
        %shift_right_logical3A_675 = vector.broadcast %shift_right_logical3A_674 : i32 to vector<16xi32>
        %shift_right_logical3A_676 = arith.shrui %bitcast3A_673, %shift_right_logical3A_675 : vector<16xi32>
        %and3A_677 = arith.constant 1 : i32
        %and3A_678 = vector.broadcast %and3A_677 : i32 to vector<16xi32>
        %and3A_679 = arith.andi %shift_right_logical3A_676, %and3A_678 : vector<16xi32>
        %add3A_680 = arith.constant 32767 : i32
        %add3A_681 = vector.broadcast %add3A_680 : i32 to vector<16xi32>
        %add3A_682 = arith.addi %add3A_681, %and3A_679 : vector<16xi32>
        %add3A_683 = arith.addi %bitcast3A_673, %add3A_682 : vector<16xi32>
        %and3A_684 = arith.constant -65536 : i32
        %and3A_685 = vector.broadcast %and3A_684 : i32 to vector<16xi32>
        %and3A_686 = arith.andi %add3A_683, %and3A_685 : vector<16xi32>
        %bitcast3A_687 = vector.bitcast %and3A_686 : vector<16xi32> to vector<16xf32>
        %get3A_688 = arith.index_cast %add3A_653 : i32 to index
        %get3A_689 = tpu.vector_load %arg10[%get3A_688] {strides = array<i32>} : memref<16384xf32, #tpu.memory_space<vmem>>, vector<16xf32>,
        %bitcast3A_690 = vector.bitcast %get3A_689 : vector<16xf32> to vector<16xi32>
        %shift_right_logical3A_691 = arith.constant 16 : i32
        %shift_right_logical3A_692 = vector.broadcast %shift_right_logical3A_691 : i32 to vector<16xi32>
        %shift_right_logical3A_693 = arith.shrui %bitcast3A_690, %shift_right_logical3A_692 : vector<16xi32>
        %and3A_694 = arith.constant 1 : i32
        %and3A_695 = vector.broadcast %and3A_694 : i32 to vector<16xi32>
        %and3A_696 = arith.andi %shift_right_logical3A_693, %and3A_695 : vector<16xi32>
        %add3A_697 = arith.constant 32767 : i32
        %add3A_698 = vector.broadcast %add3A_697 : i32 to vector<16xi32>
        %add3A_699 = arith.addi %add3A_698, %and3A_696 : vector<16xi32>
        %add3A_700 = arith.addi %bitcast3A_690, %add3A_699 : vector<16xi32>
        %and3A_701 = arith.constant -65536 : i32
        %and3A_702 = vector.broadcast %and3A_701 : i32 to vector<16xi32>
        %and3A_703 = arith.andi %add3A_700, %and3A_702 : vector<16xi32>
        %bitcast3A_704 = vector.bitcast %and3A_703 : vector<16xi32> to vector<16xf32>
        %get3A_705 = arith.index_cast %add3A_653 : i32 to index
        %get3A_706 = tpu.vector_load %arg11[%get3A_705] {strides = array<i32>} : memref<16384xf32, #tpu.memory_space<vmem>>, vector<16xf32>,
        %mul3A_707 = arith.mulf %bitcast3A_187, %bitcast3A_670 : vector<16xf32>
        %mul3A_708 = arith.mulf %bitcast3A_203, %bitcast3A_687 : vector<16xf32>
        %add3A_709 = arith.addf %mul3A_707, %mul3A_708 : vector<16xf32>
        %mul3A_710 = arith.mulf %bitcast3A_219, %bitcast3A_704 : vector<16xf32>
        %add3A_711 = arith.addf %add3A_709, %mul3A_710 : vector<16xf32>
        %mul3A_712 = arith.constant -2.000000e+00 : f32
        %mul3A_713 = vector.broadcast %mul3A_712 : f32 to vector<16xf32>
        %mul3A_714 = arith.mulf %mul3A_713, %add3A_711 : vector<16xf32>
        %add3A_715 = arith.addf %mul3A_714, %gather3A_220 : vector<16xf32>
        %add3A_716 = arith.addf %add3A_715, %get3A_706 : vector<16xf32>
        %le3A_717 = arith.constant 4.000000e-02 : f32
        %le3A_718 = vector.broadcast %le3A_717 : f32 to vector<16xf32>
        %le3A_719 = arith.cmpf ole, %add3A_716, %le3A_718 : vector<16xf32>
        %convert_element_type3A_720 = arith.extui %le3A_719 : vector<16xi1> to vector<16xi32>
        %broadcast_in_dim3A_721 = arith.constant true
        %broadcast_in_dim3A_722 = vector.broadcast %broadcast_in_dim3A_721 : i1 to vector<16xi1>
        %masked_cumsum3A_723 = tpu.scan <sum>, %convert_element_type3A_720 masked %broadcast_in_dim3A_722 : vector<16xi32>, vector<16xi1> -> vector<16xi32>
        %all_reduce_population_count3A_724 = tpu.all_reduce %le3A_719 {dim = 0 : i64, kind = #tpu.reduction_kind<sum>} : vector<16xi1> -> vector<16xi32>
        %add3A_725 = arith.constant 64 : i32
        %add3A_726 = arith.addi %mul3A_435, %add3A_725 : i32
        %get3A_727 = arith.index_cast %add3A_726 : i32 to index
        %get3A_728 = tpu.vector_load %arg8[%get3A_727] {strides = array<i32>} : memref<16384xf32, #tpu.memory_space<vmem>>, vector<16xf32>,
        %bitcast3A_729 = vector.bitcast %get3A_728 : vector<16xf32> to vector<16xi32>
        %shift_right_logical3A_730 = arith.constant 16 : i32
        %shift_right_logical3A_731 = vector.broadcast %shift_right_logical3A_730 : i32 to vector<16xi32>
        %shift_right_logical3A_732 = arith.shrui %bitcast3A_729, %shift_right_logical3A_731 : vector<16xi32>
        %and3A_733 = arith.constant 1 : i32
        %and3A_734 = vector.broadcast %and3A_733 : i32 to vector<16xi32>
        %and3A_735 = arith.andi %shift_right_logical3A_732, %and3A_734 : vector<16xi32>
        %add3A_736 = arith.constant 32767 : i32
        %add3A_737 = vector.broadcast %add3A_736 : i32 to vector<16xi32>
        %add3A_738 = arith.addi %add3A_737, %and3A_735 : vector<16xi32>
        %add3A_739 = arith.addi %bitcast3A_729, %add3A_738 : vector<16xi32>
        %and3A_740 = arith.constant -65536 : i32
        %and3A_741 = vector.broadcast %and3A_740 : i32 to vector<16xi32>
        %and3A_742 = arith.andi %add3A_739, %and3A_741 : vector<16xi32>
        %bitcast3A_743 = vector.bitcast %and3A_742 : vector<16xi32> to vector<16xf32>
        %get3A_744 = arith.index_cast %add3A_726 : i32 to index
        %get3A_745 = tpu.vector_load %arg9[%get3A_744] {strides = array<i32>} : memref<16384xf32, #tpu.memory_space<vmem>>, vector<16xf32>,
        %bitcast3A_746 = vector.bitcast %get3A_745 : vector<16xf32> to vector<16xi32>
        %shift_right_logical3A_747 = arith.constant 16 : i32
        %shift_right_logical3A_748 = vector.broadcast %shift_right_logical3A_747 : i32 to vector<16xi32>
        %shift_right_logical3A_749 = arith.shrui %bitcast3A_746, %shift_right_logical3A_748 : vector<16xi32>
        %and3A_750 = arith.constant 1 : i32
        %and3A_751 = vector.broadcast %and3A_750 : i32 to vector<16xi32>
        %and3A_752 = arith.andi %shift_right_logical3A_749, %and3A_751 : vector<16xi32>
        %add3A_753 = arith.constant 32767 : i32
        %add3A_754 = vector.broadcast %add3A_753 : i32 to vector<16xi32>
        %add3A_755 = arith.addi %add3A_754, %and3A_752 : vector<16xi32>
        %add3A_756 = arith.addi %bitcast3A_746, %add3A_755 : vector<16xi32>
        %and3A_757 = arith.constant -65536 : i32
        %and3A_758 = vector.broadcast %and3A_757 : i32 to vector<16xi32>
        %and3A_759 = arith.andi %add3A_756, %and3A_758 : vector<16xi32>
        %bitcast3A_760 = vector.bitcast %and3A_759 : vector<16xi32> to vector<16xf32>
        %get3A_761 = arith.index_cast %add3A_726 : i32 to index
        %get3A_762 = tpu.vector_load %arg10[%get3A_761] {strides = array<i32>} : memref<16384xf32, #tpu.memory_space<vmem>>, vector<16xf32>,
        %bitcast3A_763 = vector.bitcast %get3A_762 : vector<16xf32> to vector<16xi32>
        %shift_right_logical3A_764 = arith.constant 16 : i32
        %shift_right_logical3A_765 = vector.broadcast %shift_right_logical3A_764 : i32 to vector<16xi32>
        %shift_right_logical3A_766 = arith.shrui %bitcast3A_763, %shift_right_logical3A_765 : vector<16xi32>
        %and3A_767 = arith.constant 1 : i32
        %and3A_768 = vector.broadcast %and3A_767 : i32 to vector<16xi32>
        %and3A_769 = arith.andi %shift_right_logical3A_766, %and3A_768 : vector<16xi32>
        %add3A_770 = arith.constant 32767 : i32
        %add3A_771 = vector.broadcast %add3A_770 : i32 to vector<16xi32>
        %add3A_772 = arith.addi %add3A_771, %and3A_769 : vector<16xi32>
        %add3A_773 = arith.addi %bitcast3A_763, %add3A_772 : vector<16xi32>
        %and3A_774 = arith.constant -65536 : i32
        %and3A_775 = vector.broadcast %and3A_774 : i32 to vector<16xi32>
        %and3A_776 = arith.andi %add3A_773, %and3A_775 : vector<16xi32>
        %bitcast3A_777 = vector.bitcast %and3A_776 : vector<16xi32> to vector<16xf32>
        %get3A_778 = arith.index_cast %add3A_726 : i32 to index
        %get3A_779 = tpu.vector_load %arg11[%get3A_778] {strides = array<i32>} : memref<16384xf32, #tpu.memory_space<vmem>>, vector<16xf32>,
        %mul3A_780 = arith.mulf %bitcast3A_187, %bitcast3A_743 : vector<16xf32>
        %mul3A_781 = arith.mulf %bitcast3A_203, %bitcast3A_760 : vector<16xf32>
        %add3A_782 = arith.addf %mul3A_780, %mul3A_781 : vector<16xf32>
        %mul3A_783 = arith.mulf %bitcast3A_219, %bitcast3A_777 : vector<16xf32>
        %add3A_784 = arith.addf %add3A_782, %mul3A_783 : vector<16xf32>
        %mul3A_785 = arith.constant -2.000000e+00 : f32
        %mul3A_786 = vector.broadcast %mul3A_785 : f32 to vector<16xf32>
        %mul3A_787 = arith.mulf %mul3A_786, %add3A_784 : vector<16xf32>
        %add3A_788 = arith.addf %mul3A_787, %gather3A_220 : vector<16xf32>
        %add3A_789 = arith.addf %add3A_788, %get3A_779 : vector<16xf32>
        %le3A_790 = arith.constant 4.000000e-02 : f32
        %le3A_791 = vector.broadcast %le3A_790 : f32 to vector<16xf32>
        %le3A_792 = arith.cmpf ole, %add3A_789, %le3A_791 : vector<16xf32>
        %convert_element_type3A_793 = arith.extui %le3A_792 : vector<16xi1> to vector<16xi32>
        %broadcast_in_dim3A_794 = arith.constant true
        %broadcast_in_dim3A_795 = vector.broadcast %broadcast_in_dim3A_794 : i1 to vector<16xi1>
        %masked_cumsum3A_796 = tpu.scan <sum>, %convert_element_type3A_793 masked %broadcast_in_dim3A_795 : vector<16xi32>, vector<16xi1> -> vector<16xi32>
        %all_reduce_population_count3A_797 = tpu.all_reduce %le3A_792 {dim = 0 : i64, kind = #tpu.reduction_kind<sum>} : vector<16xi1> -> vector<16xi32>
        %add3A_798 = arith.constant 80 : i32
        %add3A_799 = arith.addi %mul3A_435, %add3A_798 : i32
        %get3A_800 = arith.index_cast %add3A_799 : i32 to index
        %get3A_801 = tpu.vector_load %arg8[%get3A_800] {strides = array<i32>} : memref<16384xf32, #tpu.memory_space<vmem>>, vector<16xf32>,
        %bitcast3A_802 = vector.bitcast %get3A_801 : vector<16xf32> to vector<16xi32>
        %shift_right_logical3A_803 = arith.constant 16 : i32
        %shift_right_logical3A_804 = vector.broadcast %shift_right_logical3A_803 : i32 to vector<16xi32>
        %shift_right_logical3A_805 = arith.shrui %bitcast3A_802, %shift_right_logical3A_804 : vector<16xi32>
        %and3A_806 = arith.constant 1 : i32
        %and3A_807 = vector.broadcast %and3A_806 : i32 to vector<16xi32>
        %and3A_808 = arith.andi %shift_right_logical3A_805, %and3A_807 : vector<16xi32>
        %add3A_809 = arith.constant 32767 : i32
        %add3A_810 = vector.broadcast %add3A_809 : i32 to vector<16xi32>
        %add3A_811 = arith.addi %add3A_810, %and3A_808 : vector<16xi32>
        %add3A_812 = arith.addi %bitcast3A_802, %add3A_811 : vector<16xi32>
        %and3A_813 = arith.constant -65536 : i32
        %and3A_814 = vector.broadcast %and3A_813 : i32 to vector<16xi32>
        %and3A_815 = arith.andi %add3A_812, %and3A_814 : vector<16xi32>
        %bitcast3A_816 = vector.bitcast %and3A_815 : vector<16xi32> to vector<16xf32>
        %get3A_817 = arith.index_cast %add3A_799 : i32 to index
        %get3A_818 = tpu.vector_load %arg9[%get3A_817] {strides = array<i32>} : memref<16384xf32, #tpu.memory_space<vmem>>, vector<16xf32>,
        %bitcast3A_819 = vector.bitcast %get3A_818 : vector<16xf32> to vector<16xi32>
        %shift_right_logical3A_820 = arith.constant 16 : i32
        %shift_right_logical3A_821 = vector.broadcast %shift_right_logical3A_820 : i32 to vector<16xi32>
        %shift_right_logical3A_822 = arith.shrui %bitcast3A_819, %shift_right_logical3A_821 : vector<16xi32>
        %and3A_823 = arith.constant 1 : i32
        %and3A_824 = vector.broadcast %and3A_823 : i32 to vector<16xi32>
        %and3A_825 = arith.andi %shift_right_logical3A_822, %and3A_824 : vector<16xi32>
        %add3A_826 = arith.constant 32767 : i32
        %add3A_827 = vector.broadcast %add3A_826 : i32 to vector<16xi32>
        %add3A_828 = arith.addi %add3A_827, %and3A_825 : vector<16xi32>
        %add3A_829 = arith.addi %bitcast3A_819, %add3A_828 : vector<16xi32>
        %and3A_830 = arith.constant -65536 : i32
        %and3A_831 = vector.broadcast %and3A_830 : i32 to vector<16xi32>
        %and3A_832 = arith.andi %add3A_829, %and3A_831 : vector<16xi32>
        %bitcast3A_833 = vector.bitcast %and3A_832 : vector<16xi32> to vector<16xf32>
        %get3A_834 = arith.index_cast %add3A_799 : i32 to index
        %get3A_835 = tpu.vector_load %arg10[%get3A_834] {strides = array<i32>} : memref<16384xf32, #tpu.memory_space<vmem>>, vector<16xf32>,
        %bitcast3A_836 = vector.bitcast %get3A_835 : vector<16xf32> to vector<16xi32>
        %shift_right_logical3A_837 = arith.constant 16 : i32
        %shift_right_logical3A_838 = vector.broadcast %shift_right_logical3A_837 : i32 to vector<16xi32>
        %shift_right_logical3A_839 = arith.shrui %bitcast3A_836, %shift_right_logical3A_838 : vector<16xi32>
        %and3A_840 = arith.constant 1 : i32
        %and3A_841 = vector.broadcast %and3A_840 : i32 to vector<16xi32>
        %and3A_842 = arith.andi %shift_right_logical3A_839, %and3A_841 : vector<16xi32>
        %add3A_843 = arith.constant 32767 : i32
        %add3A_844 = vector.broadcast %add3A_843 : i32 to vector<16xi32>
        %add3A_845 = arith.addi %add3A_844, %and3A_842 : vector<16xi32>
        %add3A_846 = arith.addi %bitcast3A_836, %add3A_845 : vector<16xi32>
        %and3A_847 = arith.constant -65536 : i32
        %and3A_848 = vector.broadcast %and3A_847 : i32 to vector<16xi32>
        %and3A_849 = arith.andi %add3A_846, %and3A_848 : vector<16xi32>
        %bitcast3A_850 = vector.bitcast %and3A_849 : vector<16xi32> to vector<16xf32>
        %get3A_851 = arith.index_cast %add3A_799 : i32 to index
        %get3A_852 = tpu.vector_load %arg11[%get3A_851] {strides = array<i32>} : memref<16384xf32, #tpu.memory_space<vmem>>, vector<16xf32>,
        %mul3A_853 = arith.mulf %bitcast3A_187, %bitcast3A_816 : vector<16xf32>
        %mul3A_854 = arith.mulf %bitcast3A_203, %bitcast3A_833 : vector<16xf32>
        %add3A_855 = arith.addf %mul3A_853, %mul3A_854 : vector<16xf32>
        %mul3A_856 = arith.mulf %bitcast3A_219, %bitcast3A_850 : vector<16xf32>
        %add3A_857 = arith.addf %add3A_855, %mul3A_856 : vector<16xf32>
        %mul3A_858 = arith.constant -2.000000e+00 : f32
        %mul3A_859 = vector.broadcast %mul3A_858 : f32 to vector<16xf32>
        %mul3A_860 = arith.mulf %mul3A_859, %add3A_857 : vector<16xf32>
        %add3A_861 = arith.addf %mul3A_860, %gather3A_220 : vector<16xf32>
        %add3A_862 = arith.addf %add3A_861, %get3A_852 : vector<16xf32>
        %le3A_863 = arith.constant 4.000000e-02 : f32
        %le3A_864 = vector.broadcast %le3A_863 : f32 to vector<16xf32>
        %le3A_865 = arith.cmpf ole, %add3A_862, %le3A_864 : vector<16xf32>
        %convert_element_type3A_866 = arith.extui %le3A_865 : vector<16xi1> to vector<16xi32>
        %broadcast_in_dim3A_867 = arith.constant true
        %broadcast_in_dim3A_868 = vector.broadcast %broadcast_in_dim3A_867 : i1 to vector<16xi1>
        %masked_cumsum3A_869 = tpu.scan <sum>, %convert_element_type3A_866 masked %broadcast_in_dim3A_868 : vector<16xi32>, vector<16xi1> -> vector<16xi32>
        %all_reduce_population_count3A_870 = tpu.all_reduce %le3A_865 {dim = 0 : i64, kind = #tpu.reduction_kind<sum>} : vector<16xi1> -> vector<16xi32>
        %add3A_871 = arith.constant 96 : i32
        %add3A_872 = arith.addi %mul3A_435, %add3A_871 : i32
        %get3A_873 = arith.index_cast %add3A_872 : i32 to index
        %get3A_874 = tpu.vector_load %arg8[%get3A_873] {strides = array<i32>} : memref<16384xf32, #tpu.memory_space<vmem>>, vector<16xf32>,
        %bitcast3A_875 = vector.bitcast %get3A_874 : vector<16xf32> to vector<16xi32>
        %shift_right_logical3A_876 = arith.constant 16 : i32
        %shift_right_logical3A_877 = vector.broadcast %shift_right_logical3A_876 : i32 to vector<16xi32>
        %shift_right_logical3A_878 = arith.shrui %bitcast3A_875, %shift_right_logical3A_877 : vector<16xi32>
        %and3A_879 = arith.constant 1 : i32
        %and3A_880 = vector.broadcast %and3A_879 : i32 to vector<16xi32>
        %and3A_881 = arith.andi %shift_right_logical3A_878, %and3A_880 : vector<16xi32>
        %add3A_882 = arith.constant 32767 : i32
        %add3A_883 = vector.broadcast %add3A_882 : i32 to vector<16xi32>
        %add3A_884 = arith.addi %add3A_883, %and3A_881 : vector<16xi32>
        %add3A_885 = arith.addi %bitcast3A_875, %add3A_884 : vector<16xi32>
        %and3A_886 = arith.constant -65536 : i32
        %and3A_887 = vector.broadcast %and3A_886 : i32 to vector<16xi32>
        %and3A_888 = arith.andi %add3A_885, %and3A_887 : vector<16xi32>
        %bitcast3A_889 = vector.bitcast %and3A_888 : vector<16xi32> to vector<16xf32>
        %get3A_890 = arith.index_cast %add3A_872 : i32 to index
        %get3A_891 = tpu.vector_load %arg9[%get3A_890] {strides = array<i32>} : memref<16384xf32, #tpu.memory_space<vmem>>, vector<16xf32>,
        %bitcast3A_892 = vector.bitcast %get3A_891 : vector<16xf32> to vector<16xi32>
        %shift_right_logical3A_893 = arith.constant 16 : i32
        %shift_right_logical3A_894 = vector.broadcast %shift_right_logical3A_893 : i32 to vector<16xi32>
        %shift_right_logical3A_895 = arith.shrui %bitcast3A_892, %shift_right_logical3A_894 : vector<16xi32>
        %and3A_896 = arith.constant 1 : i32
        %and3A_897 = vector.broadcast %and3A_896 : i32 to vector<16xi32>
        %and3A_898 = arith.andi %shift_right_logical3A_895, %and3A_897 : vector<16xi32>
        %add3A_899 = arith.constant 32767 : i32
        %add3A_900 = vector.broadcast %add3A_899 : i32 to vector<16xi32>
        %add3A_901 = arith.addi %add3A_900, %and3A_898 : vector<16xi32>
        %add3A_902 = arith.addi %bitcast3A_892, %add3A_901 : vector<16xi32>
        %and3A_903 = arith.constant -65536 : i32
        %and3A_904 = vector.broadcast %and3A_903 : i32 to vector<16xi32>
        %and3A_905 = arith.andi %add3A_902, %and3A_904 : vector<16xi32>
        %bitcast3A_906 = vector.bitcast %and3A_905 : vector<16xi32> to vector<16xf32>
        %get3A_907 = arith.index_cast %add3A_872 : i32 to index
        %get3A_908 = tpu.vector_load %arg10[%get3A_907] {strides = array<i32>} : memref<16384xf32, #tpu.memory_space<vmem>>, vector<16xf32>,
        %bitcast3A_909 = vector.bitcast %get3A_908 : vector<16xf32> to vector<16xi32>
        %shift_right_logical3A_910 = arith.constant 16 : i32
        %shift_right_logical3A_911 = vector.broadcast %shift_right_logical3A_910 : i32 to vector<16xi32>
        %shift_right_logical3A_912 = arith.shrui %bitcast3A_909, %shift_right_logical3A_911 : vector<16xi32>
        %and3A_913 = arith.constant 1 : i32
        %and3A_914 = vector.broadcast %and3A_913 : i32 to vector<16xi32>
        %and3A_915 = arith.andi %shift_right_logical3A_912, %and3A_914 : vector<16xi32>
        %add3A_916 = arith.constant 32767 : i32
        %add3A_917 = vector.broadcast %add3A_916 : i32 to vector<16xi32>
        %add3A_918 = arith.addi %add3A_917, %and3A_915 : vector<16xi32>
        %add3A_919 = arith.addi %bitcast3A_909, %add3A_918 : vector<16xi32>
        %and3A_920 = arith.constant -65536 : i32
        %and3A_921 = vector.broadcast %and3A_920 : i32 to vector<16xi32>
        %and3A_922 = arith.andi %add3A_919, %and3A_921 : vector<16xi32>
        %bitcast3A_923 = vector.bitcast %and3A_922 : vector<16xi32> to vector<16xf32>
        %get3A_924 = arith.index_cast %add3A_872 : i32 to index
        %get3A_925 = tpu.vector_load %arg11[%get3A_924] {strides = array<i32>} : memref<16384xf32, #tpu.memory_space<vmem>>, vector<16xf32>,
        %mul3A_926 = arith.mulf %bitcast3A_187, %bitcast3A_889 : vector<16xf32>
        %mul3A_927 = arith.mulf %bitcast3A_203, %bitcast3A_906 : vector<16xf32>
        %add3A_928 = arith.addf %mul3A_926, %mul3A_927 : vector<16xf32>
        %mul3A_929 = arith.mulf %bitcast3A_219, %bitcast3A_923 : vector<16xf32>
        %add3A_930 = arith.addf %add3A_928, %mul3A_929 : vector<16xf32>
        %mul3A_931 = arith.constant -2.000000e+00 : f32
        %mul3A_932 = vector.broadcast %mul3A_931 : f32 to vector<16xf32>
        %mul3A_933 = arith.mulf %mul3A_932, %add3A_930 : vector<16xf32>
        %add3A_934 = arith.addf %mul3A_933, %gather3A_220 : vector<16xf32>
        %add3A_935 = arith.addf %add3A_934, %get3A_925 : vector<16xf32>
        %le3A_936 = arith.constant 4.000000e-02 : f32
        %le3A_937 = vector.broadcast %le3A_936 : f32 to vector<16xf32>
        %le3A_938 = arith.cmpf ole, %add3A_935, %le3A_937 : vector<16xf32>
        %convert_element_type3A_939 = arith.extui %le3A_938 : vector<16xi1> to vector<16xi32>
        %broadcast_in_dim3A_940 = arith.constant true
        %broadcast_in_dim3A_941 = vector.broadcast %broadcast_in_dim3A_940 : i1 to vector<16xi1>
        %masked_cumsum3A_942 = tpu.scan <sum>, %convert_element_type3A_939 masked %broadcast_in_dim3A_941 : vector<16xi32>, vector<16xi1> -> vector<16xi32>
        %all_reduce_population_count3A_943 = tpu.all_reduce %le3A_938 {dim = 0 : i64, kind = #tpu.reduction_kind<sum>} : vector<16xi1> -> vector<16xi32>
        %add3A_944 = arith.constant 112 : i32
        %add3A_945 = arith.addi %mul3A_435, %add3A_944 : i32
        %get3A_946 = arith.index_cast %add3A_945 : i32 to index
        %get3A_947 = tpu.vector_load %arg8[%get3A_946] {strides = array<i32>} : memref<16384xf32, #tpu.memory_space<vmem>>, vector<16xf32>,
        %bitcast3A_948 = vector.bitcast %get3A_947 : vector<16xf32> to vector<16xi32>
        %shift_right_logical3A_949 = arith.constant 16 : i32
        %shift_right_logical3A_950 = vector.broadcast %shift_right_logical3A_949 : i32 to vector<16xi32>
        %shift_right_logical3A_951 = arith.shrui %bitcast3A_948, %shift_right_logical3A_950 : vector<16xi32>
        %and3A_952 = arith.constant 1 : i32
        %and3A_953 = vector.broadcast %and3A_952 : i32 to vector<16xi32>
        %and3A_954 = arith.andi %shift_right_logical3A_951, %and3A_953 : vector<16xi32>
        %add3A_955 = arith.constant 32767 : i32
        %add3A_956 = vector.broadcast %add3A_955 : i32 to vector<16xi32>
        %add3A_957 = arith.addi %add3A_956, %and3A_954 : vector<16xi32>
        %add3A_958 = arith.addi %bitcast3A_948, %add3A_957 : vector<16xi32>
        %and3A_959 = arith.constant -65536 : i32
        %and3A_960 = vector.broadcast %and3A_959 : i32 to vector<16xi32>
        %and3A_961 = arith.andi %add3A_958, %and3A_960 : vector<16xi32>
        %bitcast3A_962 = vector.bitcast %and3A_961 : vector<16xi32> to vector<16xf32>
        %get3A_963 = arith.index_cast %add3A_945 : i32 to index
        %get3A_964 = tpu.vector_load %arg9[%get3A_963] {strides = array<i32>} : memref<16384xf32, #tpu.memory_space<vmem>>, vector<16xf32>,
        %bitcast3A_965 = vector.bitcast %get3A_964 : vector<16xf32> to vector<16xi32>
        %shift_right_logical3A_966 = arith.constant 16 : i32
        %shift_right_logical3A_967 = vector.broadcast %shift_right_logical3A_966 : i32 to vector<16xi32>
        %shift_right_logical3A_968 = arith.shrui %bitcast3A_965, %shift_right_logical3A_967 : vector<16xi32>
        %and3A_969 = arith.constant 1 : i32
        %and3A_970 = vector.broadcast %and3A_969 : i32 to vector<16xi32>
        %and3A_971 = arith.andi %shift_right_logical3A_968, %and3A_970 : vector<16xi32>
        %add3A_972 = arith.constant 32767 : i32
        %add3A_973 = vector.broadcast %add3A_972 : i32 to vector<16xi32>
        %add3A_974 = arith.addi %add3A_973, %and3A_971 : vector<16xi32>
        %add3A_975 = arith.addi %bitcast3A_965, %add3A_974 : vector<16xi32>
        %and3A_976 = arith.constant -65536 : i32
        %and3A_977 = vector.broadcast %and3A_976 : i32 to vector<16xi32>
        %and3A_978 = arith.andi %add3A_975, %and3A_977 : vector<16xi32>
        %bitcast3A_979 = vector.bitcast %and3A_978 : vector<16xi32> to vector<16xf32>
        %get3A_980 = arith.index_cast %add3A_945 : i32 to index
        %get3A_981 = tpu.vector_load %arg10[%get3A_980] {strides = array<i32>} : memref<16384xf32, #tpu.memory_space<vmem>>, vector<16xf32>,
        %bitcast3A_982 = vector.bitcast %get3A_981 : vector<16xf32> to vector<16xi32>
        %shift_right_logical3A_983 = arith.constant 16 : i32
        %shift_right_logical3A_984 = vector.broadcast %shift_right_logical3A_983 : i32 to vector<16xi32>
        %shift_right_logical3A_985 = arith.shrui %bitcast3A_982, %shift_right_logical3A_984 : vector<16xi32>
        %and3A_986 = arith.constant 1 : i32
        %and3A_987 = vector.broadcast %and3A_986 : i32 to vector<16xi32>
        %and3A_988 = arith.andi %shift_right_logical3A_985, %and3A_987 : vector<16xi32>
        %add3A_989 = arith.constant 32767 : i32
        %add3A_990 = vector.broadcast %add3A_989 : i32 to vector<16xi32>
        %add3A_991 = arith.addi %add3A_990, %and3A_988 : vector<16xi32>
        %add3A_992 = arith.addi %bitcast3A_982, %add3A_991 : vector<16xi32>
        %and3A_993 = arith.constant -65536 : i32
        %and3A_994 = vector.broadcast %and3A_993 : i32 to vector<16xi32>
        %and3A_995 = arith.andi %add3A_992, %and3A_994 : vector<16xi32>
        %bitcast3A_996 = vector.bitcast %and3A_995 : vector<16xi32> to vector<16xf32>
        %get3A_997 = arith.index_cast %add3A_945 : i32 to index
        %get3A_998 = tpu.vector_load %arg11[%get3A_997] {strides = array<i32>} : memref<16384xf32, #tpu.memory_space<vmem>>, vector<16xf32>,
        %mul3A_999 = arith.mulf %bitcast3A_187, %bitcast3A_962 : vector<16xf32>
        %mul3A_1000 = arith.mulf %bitcast3A_203, %bitcast3A_979 : vector<16xf32>
        %add3A_1001 = arith.addf %mul3A_999, %mul3A_1000 : vector<16xf32>
        %mul3A_1002 = arith.mulf %bitcast3A_219, %bitcast3A_996 : vector<16xf32>
        %add3A_1003 = arith.addf %add3A_1001, %mul3A_1002 : vector<16xf32>
        %mul3A_1004 = arith.constant -2.000000e+00 : f32
        %mul3A_1005 = vector.broadcast %mul3A_1004 : f32 to vector<16xf32>
        %mul3A_1006 = arith.mulf %mul3A_1005, %add3A_1003 : vector<16xf32>
        %add3A_1007 = arith.addf %mul3A_1006, %gather3A_220 : vector<16xf32>
        %add3A_1008 = arith.addf %add3A_1007, %get3A_998 : vector<16xf32>
        %le3A_1009 = arith.constant 4.000000e-02 : f32
        %le3A_1010 = vector.broadcast %le3A_1009 : f32 to vector<16xf32>
        %le3A_1011 = arith.cmpf ole, %add3A_1008, %le3A_1010 : vector<16xf32>
        %convert_element_type3A_1012 = arith.extui %le3A_1011 : vector<16xi1> to vector<16xi32>
        %broadcast_in_dim3A_1013 = arith.constant true
        %broadcast_in_dim3A_1014 = vector.broadcast %broadcast_in_dim3A_1013 : i1 to vector<16xi1>
        %masked_cumsum3A_1015 = tpu.scan <sum>, %convert_element_type3A_1012 masked %broadcast_in_dim3A_1014 : vector<16xi32>, vector<16xi1> -> vector<16xi32>
        %all_reduce_population_count3A_1016 = tpu.all_reduce %le3A_1011 {dim = 0 : i64, kind = #tpu.reduction_kind<sum>} : vector<16xi1> -> vector<16xi32>
        %add3A_1017 = arith.constant 128 : i32
        %add3A_1018 = arith.addi %mul3A_435, %add3A_1017 : i32
        %get3A_1019 = arith.index_cast %add3A_1018 : i32 to index
        %get3A_1020 = tpu.vector_load %arg8[%get3A_1019] {strides = array<i32>} : memref<16384xf32, #tpu.memory_space<vmem>>, vector<16xf32>,
        %bitcast3A_1021 = vector.bitcast %get3A_1020 : vector<16xf32> to vector<16xi32>
        %shift_right_logical3A_1022 = arith.constant 16 : i32
        %shift_right_logical3A_1023 = vector.broadcast %shift_right_logical3A_1022 : i32 to vector<16xi32>
        %shift_right_logical3A_1024 = arith.shrui %bitcast3A_1021, %shift_right_logical3A_1023 : vector<16xi32>
        %and3A_1025 = arith.constant 1 : i32
        %and3A_1026 = vector.broadcast %and3A_1025 : i32 to vector<16xi32>
        %and3A_1027 = arith.andi %shift_right_logical3A_1024, %and3A_1026 : vector<16xi32>
        %add3A_1028 = arith.constant 32767 : i32
        %add3A_1029 = vector.broadcast %add3A_1028 : i32 to vector<16xi32>
        %add3A_1030 = arith.addi %add3A_1029, %and3A_1027 : vector<16xi32>
        %add3A_1031 = arith.addi %bitcast3A_1021, %add3A_1030 : vector<16xi32>
        %and3A_1032 = arith.constant -65536 : i32
        %and3A_1033 = vector.broadcast %and3A_1032 : i32 to vector<16xi32>
        %and3A_1034 = arith.andi %add3A_1031, %and3A_1033 : vector<16xi32>
        %bitcast3A_1035 = vector.bitcast %and3A_1034 : vector<16xi32> to vector<16xf32>
        %get3A_1036 = arith.index_cast %add3A_1018 : i32 to index
        %get3A_1037 = tpu.vector_load %arg9[%get3A_1036] {strides = array<i32>} : memref<16384xf32, #tpu.memory_space<vmem>>, vector<16xf32>,
        %bitcast3A_1038 = vector.bitcast %get3A_1037 : vector<16xf32> to vector<16xi32>
        %shift_right_logical3A_1039 = arith.constant 16 : i32
        %shift_right_logical3A_1040 = vector.broadcast %shift_right_logical3A_1039 : i32 to vector<16xi32>
        %shift_right_logical3A_1041 = arith.shrui %bitcast3A_1038, %shift_right_logical3A_1040 : vector<16xi32>
        %and3A_1042 = arith.constant 1 : i32
        %and3A_1043 = vector.broadcast %and3A_1042 : i32 to vector<16xi32>
        %and3A_1044 = arith.andi %shift_right_logical3A_1041, %and3A_1043 : vector<16xi32>
        %add3A_1045 = arith.constant 32767 : i32
        %add3A_1046 = vector.broadcast %add3A_1045 : i32 to vector<16xi32>
        %add3A_1047 = arith.addi %add3A_1046, %and3A_1044 : vector<16xi32>
        %add3A_1048 = arith.addi %bitcast3A_1038, %add3A_1047 : vector<16xi32>
        %and3A_1049 = arith.constant -65536 : i32
        %and3A_1050 = vector.broadcast %and3A_1049 : i32 to vector<16xi32>
        %and3A_1051 = arith.andi %add3A_1048, %and3A_1050 : vector<16xi32>
        %bitcast3A_1052 = vector.bitcast %and3A_1051 : vector<16xi32> to vector<16xf32>
        %get3A_1053 = arith.index_cast %add3A_1018 : i32 to index
        %get3A_1054 = tpu.vector_load %arg10[%get3A_1053] {strides = array<i32>} : memref<16384xf32, #tpu.memory_space<vmem>>, vector<16xf32>,
        %bitcast3A_1055 = vector.bitcast %get3A_1054 : vector<16xf32> to vector<16xi32>
        %shift_right_logical3A_1056 = arith.constant 16 : i32
        %shift_right_logical3A_1057 = vector.broadcast %shift_right_logical3A_1056 : i32 to vector<16xi32>
        %shift_right_logical3A_1058 = arith.shrui %bitcast3A_1055, %shift_right_logical3A_1057 : vector<16xi32>
        %and3A_1059 = arith.constant 1 : i32
        %and3A_1060 = vector.broadcast %and3A_1059 : i32 to vector<16xi32>
        %and3A_1061 = arith.andi %shift_right_logical3A_1058, %and3A_1060 : vector<16xi32>
        %add3A_1062 = arith.constant 32767 : i32
        %add3A_1063 = vector.broadcast %add3A_1062 : i32 to vector<16xi32>
        %add3A_1064 = arith.addi %add3A_1063, %and3A_1061 : vector<16xi32>
        %add3A_1065 = arith.addi %bitcast3A_1055, %add3A_1064 : vector<16xi32>
        %and3A_1066 = arith.constant -65536 : i32
        %and3A_1067 = vector.broadcast %and3A_1066 : i32 to vector<16xi32>
        %and3A_1068 = arith.andi %add3A_1065, %and3A_1067 : vector<16xi32>
        %bitcast3A_1069 = vector.bitcast %and3A_1068 : vector<16xi32> to vector<16xf32>
        %get3A_1070 = arith.index_cast %add3A_1018 : i32 to index
        %get3A_1071 = tpu.vector_load %arg11[%get3A_1070] {strides = array<i32>} : memref<16384xf32, #tpu.memory_space<vmem>>, vector<16xf32>,
        %mul3A_1072 = arith.mulf %bitcast3A_187, %bitcast3A_1035 : vector<16xf32>
        %mul3A_1073 = arith.mulf %bitcast3A_203, %bitcast3A_1052 : vector<16xf32>
        %add3A_1074 = arith.addf %mul3A_1072, %mul3A_1073 : vector<16xf32>
        %mul3A_1075 = arith.mulf %bitcast3A_219, %bitcast3A_1069 : vector<16xf32>
        %add3A_1076 = arith.addf %add3A_1074, %mul3A_1075 : vector<16xf32>
        %mul3A_1077 = arith.constant -2.000000e+00 : f32
        %mul3A_1078 = vector.broadcast %mul3A_1077 : f32 to vector<16xf32>
        %mul3A_1079 = arith.mulf %mul3A_1078, %add3A_1076 : vector<16xf32>
        %add3A_1080 = arith.addf %mul3A_1079, %gather3A_220 : vector<16xf32>
        %add3A_1081 = arith.addf %add3A_1080, %get3A_1071 : vector<16xf32>
        %le3A_1082 = arith.constant 4.000000e-02 : f32
        %le3A_1083 = vector.broadcast %le3A_1082 : f32 to vector<16xf32>
        %le3A_1084 = arith.cmpf ole, %add3A_1081, %le3A_1083 : vector<16xf32>
        %convert_element_type3A_1085 = arith.extui %le3A_1084 : vector<16xi1> to vector<16xi32>
        %broadcast_in_dim3A_1086 = arith.constant true
        %broadcast_in_dim3A_1087 = vector.broadcast %broadcast_in_dim3A_1086 : i1 to vector<16xi1>
        %masked_cumsum3A_1088 = tpu.scan <sum>, %convert_element_type3A_1085 masked %broadcast_in_dim3A_1087 : vector<16xi32>, vector<16xi1> -> vector<16xi32>
        %all_reduce_population_count3A_1089 = tpu.all_reduce %le3A_1084 {dim = 0 : i64, kind = #tpu.reduction_kind<sum>} : vector<16xi1> -> vector<16xi32>
        %add3A_1090 = arith.constant 144 : i32
        %add3A_1091 = arith.addi %mul3A_435, %add3A_1090 : i32
        %get3A_1092 = arith.index_cast %add3A_1091 : i32 to index
        %get3A_1093 = tpu.vector_load %arg8[%get3A_1092] {strides = array<i32>} : memref<16384xf32, #tpu.memory_space<vmem>>, vector<16xf32>,
        %bitcast3A_1094 = vector.bitcast %get3A_1093 : vector<16xf32> to vector<16xi32>
        %shift_right_logical3A_1095 = arith.constant 16 : i32
        %shift_right_logical3A_1096 = vector.broadcast %shift_right_logical3A_1095 : i32 to vector<16xi32>
        %shift_right_logical3A_1097 = arith.shrui %bitcast3A_1094, %shift_right_logical3A_1096 : vector<16xi32>
        %and3A_1098 = arith.constant 1 : i32
        %and3A_1099 = vector.broadcast %and3A_1098 : i32 to vector<16xi32>
        %and3A_1100 = arith.andi %shift_right_logical3A_1097, %and3A_1099 : vector<16xi32>
        %add3A_1101 = arith.constant 32767 : i32
        %add3A_1102 = vector.broadcast %add3A_1101 : i32 to vector<16xi32>
        %add3A_1103 = arith.addi %add3A_1102, %and3A_1100 : vector<16xi32>
        %add3A_1104 = arith.addi %bitcast3A_1094, %add3A_1103 : vector<16xi32>
        %and3A_1105 = arith.constant -65536 : i32
        %and3A_1106 = vector.broadcast %and3A_1105 : i32 to vector<16xi32>
        %and3A_1107 = arith.andi %add3A_1104, %and3A_1106 : vector<16xi32>
        %bitcast3A_1108 = vector.bitcast %and3A_1107 : vector<16xi32> to vector<16xf32>
        %get3A_1109 = arith.index_cast %add3A_1091 : i32 to index
        %get3A_1110 = tpu.vector_load %arg9[%get3A_1109] {strides = array<i32>} : memref<16384xf32, #tpu.memory_space<vmem>>, vector<16xf32>,
        %bitcast3A_1111 = vector.bitcast %get3A_1110 : vector<16xf32> to vector<16xi32>
        %shift_right_logical3A_1112 = arith.constant 16 : i32
        %shift_right_logical3A_1113 = vector.broadcast %shift_right_logical3A_1112 : i32 to vector<16xi32>
        %shift_right_logical3A_1114 = arith.shrui %bitcast3A_1111, %shift_right_logical3A_1113 : vector<16xi32>
        %and3A_1115 = arith.constant 1 : i32
        %and3A_1116 = vector.broadcast %and3A_1115 : i32 to vector<16xi32>
        %and3A_1117 = arith.andi %shift_right_logical3A_1114, %and3A_1116 : vector<16xi32>
        %add3A_1118 = arith.constant 32767 : i32
        %add3A_1119 = vector.broadcast %add3A_1118 : i32 to vector<16xi32>
        %add3A_1120 = arith.addi %add3A_1119, %and3A_1117 : vector<16xi32>
        %add3A_1121 = arith.addi %bitcast3A_1111, %add3A_1120 : vector<16xi32>
        %and3A_1122 = arith.constant -65536 : i32
        %and3A_1123 = vector.broadcast %and3A_1122 : i32 to vector<16xi32>
        %and3A_1124 = arith.andi %add3A_1121, %and3A_1123 : vector<16xi32>
        %bitcast3A_1125 = vector.bitcast %and3A_1124 : vector<16xi32> to vector<16xf32>
        %get3A_1126 = arith.index_cast %add3A_1091 : i32 to index
        %get3A_1127 = tpu.vector_load %arg10[%get3A_1126] {strides = array<i32>} : memref<16384xf32, #tpu.memory_space<vmem>>, vector<16xf32>,
        %bitcast3A_1128 = vector.bitcast %get3A_1127 : vector<16xf32> to vector<16xi32>
        %shift_right_logical3A_1129 = arith.constant 16 : i32
        %shift_right_logical3A_1130 = vector.broadcast %shift_right_logical3A_1129 : i32 to vector<16xi32>
        %shift_right_logical3A_1131 = arith.shrui %bitcast3A_1128, %shift_right_logical3A_1130 : vector<16xi32>
        %and3A_1132 = arith.constant 1 : i32
        %and3A_1133 = vector.broadcast %and3A_1132 : i32 to vector<16xi32>
        %and3A_1134 = arith.andi %shift_right_logical3A_1131, %and3A_1133 : vector<16xi32>
        %add3A_1135 = arith.constant 32767 : i32
        %add3A_1136 = vector.broadcast %add3A_1135 : i32 to vector<16xi32>
        %add3A_1137 = arith.addi %add3A_1136, %and3A_1134 : vector<16xi32>
        %add3A_1138 = arith.addi %bitcast3A_1128, %add3A_1137 : vector<16xi32>
        %and3A_1139 = arith.constant -65536 : i32
        %and3A_1140 = vector.broadcast %and3A_1139 : i32 to vector<16xi32>
        %and3A_1141 = arith.andi %add3A_1138, %and3A_1140 : vector<16xi32>
        %bitcast3A_1142 = vector.bitcast %and3A_1141 : vector<16xi32> to vector<16xf32>
        %get3A_1143 = arith.index_cast %add3A_1091 : i32 to index
        %get3A_1144 = tpu.vector_load %arg11[%get3A_1143] {strides = array<i32>} : memref<16384xf32, #tpu.memory_space<vmem>>, vector<16xf32>,
        %mul3A_1145 = arith.mulf %bitcast3A_187, %bitcast3A_1108 : vector<16xf32>
        %mul3A_1146 = arith.mulf %bitcast3A_203, %bitcast3A_1125 : vector<16xf32>
        %add3A_1147 = arith.addf %mul3A_1145, %mul3A_1146 : vector<16xf32>
        %mul3A_1148 = arith.mulf %bitcast3A_219, %bitcast3A_1142 : vector<16xf32>
        %add3A_1149 = arith.addf %add3A_1147, %mul3A_1148 : vector<16xf32>
        %mul3A_1150 = arith.constant -2.000000e+00 : f32
        %mul3A_1151 = vector.broadcast %mul3A_1150 : f32 to vector<16xf32>
        %mul3A_1152 = arith.mulf %mul3A_1151, %add3A_1149 : vector<16xf32>
        %add3A_1153 = arith.addf %mul3A_1152, %gather3A_220 : vector<16xf32>
        %add3A_1154 = arith.addf %add3A_1153, %get3A_1144 : vector<16xf32>
        %le3A_1155 = arith.constant 4.000000e-02 : f32
        %le3A_1156 = vector.broadcast %le3A_1155 : f32 to vector<16xf32>
        %le3A_1157 = arith.cmpf ole, %add3A_1154, %le3A_1156 : vector<16xf32>
        %convert_element_type3A_1158 = arith.extui %le3A_1157 : vector<16xi1> to vector<16xi32>
        %broadcast_in_dim3A_1159 = arith.constant true
        %broadcast_in_dim3A_1160 = vector.broadcast %broadcast_in_dim3A_1159 : i1 to vector<16xi1>
        %masked_cumsum3A_1161 = tpu.scan <sum>, %convert_element_type3A_1158 masked %broadcast_in_dim3A_1160 : vector<16xi32>, vector<16xi1> -> vector<16xi32>
        %all_reduce_population_count3A_1162 = tpu.all_reduce %le3A_1157 {dim = 0 : i64, kind = #tpu.reduction_kind<sum>} : vector<16xi1> -> vector<16xi32>
        %add3A_1163 = arith.constant 160 : i32
        %add3A_1164 = arith.addi %mul3A_435, %add3A_1163 : i32
        %get3A_1165 = arith.index_cast %add3A_1164 : i32 to index
        %get3A_1166 = tpu.vector_load %arg8[%get3A_1165] {strides = array<i32>} : memref<16384xf32, #tpu.memory_space<vmem>>, vector<16xf32>,
        %bitcast3A_1167 = vector.bitcast %get3A_1166 : vector<16xf32> to vector<16xi32>
        %shift_right_logical3A_1168 = arith.constant 16 : i32
        %shift_right_logical3A_1169 = vector.broadcast %shift_right_logical3A_1168 : i32 to vector<16xi32>
        %shift_right_logical3A_1170 = arith.shrui %bitcast3A_1167, %shift_right_logical3A_1169 : vector<16xi32>
        %and3A_1171 = arith.constant 1 : i32
        %and3A_1172 = vector.broadcast %and3A_1171 : i32 to vector<16xi32>
        %and3A_1173 = arith.andi %shift_right_logical3A_1170, %and3A_1172 : vector<16xi32>
        %add3A_1174 = arith.constant 32767 : i32
        %add3A_1175 = vector.broadcast %add3A_1174 : i32 to vector<16xi32>
        %add3A_1176 = arith.addi %add3A_1175, %and3A_1173 : vector<16xi32>
        %add3A_1177 = arith.addi %bitcast3A_1167, %add3A_1176 : vector<16xi32>
        %and3A_1178 = arith.constant -65536 : i32
        %and3A_1179 = vector.broadcast %and3A_1178 : i32 to vector<16xi32>
        %and3A_1180 = arith.andi %add3A_1177, %and3A_1179 : vector<16xi32>
        %bitcast3A_1181 = vector.bitcast %and3A_1180 : vector<16xi32> to vector<16xf32>
        %get3A_1182 = arith.index_cast %add3A_1164 : i32 to index
        %get3A_1183 = tpu.vector_load %arg9[%get3A_1182] {strides = array<i32>} : memref<16384xf32, #tpu.memory_space<vmem>>, vector<16xf32>,
        %bitcast3A_1184 = vector.bitcast %get3A_1183 : vector<16xf32> to vector<16xi32>
        %shift_right_logical3A_1185 = arith.constant 16 : i32
        %shift_right_logical3A_1186 = vector.broadcast %shift_right_logical3A_1185 : i32 to vector<16xi32>
        %shift_right_logical3A_1187 = arith.shrui %bitcast3A_1184, %shift_right_logical3A_1186 : vector<16xi32>
        %and3A_1188 = arith.constant 1 : i32
        %and3A_1189 = vector.broadcast %and3A_1188 : i32 to vector<16xi32>
        %and3A_1190 = arith.andi %shift_right_logical3A_1187, %and3A_1189 : vector<16xi32>
        %add3A_1191 = arith.constant 32767 : i32
        %add3A_1192 = vector.broadcast %add3A_1191 : i32 to vector<16xi32>
        %add3A_1193 = arith.addi %add3A_1192, %and3A_1190 : vector<16xi32>
        %add3A_1194 = arith.addi %bitcast3A_1184, %add3A_1193 : vector<16xi32>
        %and3A_1195 = arith.constant -65536 : i32
        %and3A_1196 = vector.broadcast %and3A_1195 : i32 to vector<16xi32>
        %and3A_1197 = arith.andi %add3A_1194, %and3A_1196 : vector<16xi32>
        %bitcast3A_1198 = vector.bitcast %and3A_1197 : vector<16xi32> to vector<16xf32>
        %get3A_1199 = arith.index_cast %add3A_1164 : i32 to index
        %get3A_1200 = tpu.vector_load %arg10[%get3A_1199] {strides = array<i32>} : memref<16384xf32, #tpu.memory_space<vmem>>, vector<16xf32>,
        %bitcast3A_1201 = vector.bitcast %get3A_1200 : vector<16xf32> to vector<16xi32>
        %shift_right_logical3A_1202 = arith.constant 16 : i32
        %shift_right_logical3A_1203 = vector.broadcast %shift_right_logical3A_1202 : i32 to vector<16xi32>
        %shift_right_logical3A_1204 = arith.shrui %bitcast3A_1201, %shift_right_logical3A_1203 : vector<16xi32>
        %and3A_1205 = arith.constant 1 : i32
        %and3A_1206 = vector.broadcast %and3A_1205 : i32 to vector<16xi32>
        %and3A_1207 = arith.andi %shift_right_logical3A_1204, %and3A_1206 : vector<16xi32>
        %add3A_1208 = arith.constant 32767 : i32
        %add3A_1209 = vector.broadcast %add3A_1208 : i32 to vector<16xi32>
        %add3A_1210 = arith.addi %add3A_1209, %and3A_1207 : vector<16xi32>
        %add3A_1211 = arith.addi %bitcast3A_1201, %add3A_1210 : vector<16xi32>
        %and3A_1212 = arith.constant -65536 : i32
        %and3A_1213 = vector.broadcast %and3A_1212 : i32 to vector<16xi32>
        %and3A_1214 = arith.andi %add3A_1211, %and3A_1213 : vector<16xi32>
        %bitcast3A_1215 = vector.bitcast %and3A_1214 : vector<16xi32> to vector<16xf32>
        %get3A_1216 = arith.index_cast %add3A_1164 : i32 to index
        %get3A_1217 = tpu.vector_load %arg11[%get3A_1216] {strides = array<i32>} : memref<16384xf32, #tpu.memory_space<vmem>>, vector<16xf32>,
        %mul3A_1218 = arith.mulf %bitcast3A_187, %bitcast3A_1181 : vector<16xf32>
        %mul3A_1219 = arith.mulf %bitcast3A_203, %bitcast3A_1198 : vector<16xf32>
        %add3A_1220 = arith.addf %mul3A_1218, %mul3A_1219 : vector<16xf32>
        %mul3A_1221 = arith.mulf %bitcast3A_219, %bitcast3A_1215 : vector<16xf32>
        %add3A_1222 = arith.addf %add3A_1220, %mul3A_1221 : vector<16xf32>
        %mul3A_1223 = arith.constant -2.000000e+00 : f32
        %mul3A_1224 = vector.broadcast %mul3A_1223 : f32 to vector<16xf32>
        %mul3A_1225 = arith.mulf %mul3A_1224, %add3A_1222 : vector<16xf32>
        %add3A_1226 = arith.addf %mul3A_1225, %gather3A_220 : vector<16xf32>
        %add3A_1227 = arith.addf %add3A_1226, %get3A_1217 : vector<16xf32>
        %le3A_1228 = arith.constant 4.000000e-02 : f32
        %le3A_1229 = vector.broadcast %le3A_1228 : f32 to vector<16xf32>
        %le3A_1230 = arith.cmpf ole, %add3A_1227, %le3A_1229 : vector<16xf32>
        %convert_element_type3A_1231 = arith.extui %le3A_1230 : vector<16xi1> to vector<16xi32>
        %broadcast_in_dim3A_1232 = arith.constant true
        %broadcast_in_dim3A_1233 = vector.broadcast %broadcast_in_dim3A_1232 : i1 to vector<16xi1>
        %masked_cumsum3A_1234 = tpu.scan <sum>, %convert_element_type3A_1231 masked %broadcast_in_dim3A_1233 : vector<16xi32>, vector<16xi1> -> vector<16xi32>
        %all_reduce_population_count3A_1235 = tpu.all_reduce %le3A_1230 {dim = 0 : i64, kind = #tpu.reduction_kind<sum>} : vector<16xi1> -> vector<16xi32>
        %add3A_1236 = arith.constant 176 : i32
        %add3A_1237 = arith.addi %mul3A_435, %add3A_1236 : i32
        %get3A_1238 = arith.index_cast %add3A_1237 : i32 to index
        %get3A_1239 = tpu.vector_load %arg8[%get3A_1238] {strides = array<i32>} : memref<16384xf32, #tpu.memory_space<vmem>>, vector<16xf32>,
        %bitcast3A_1240 = vector.bitcast %get3A_1239 : vector<16xf32> to vector<16xi32>
        %shift_right_logical3A_1241 = arith.constant 16 : i32
        %shift_right_logical3A_1242 = vector.broadcast %shift_right_logical3A_1241 : i32 to vector<16xi32>
        %shift_right_logical3A_1243 = arith.shrui %bitcast3A_1240, %shift_right_logical3A_1242 : vector<16xi32>
        %and3A_1244 = arith.constant 1 : i32
        %and3A_1245 = vector.broadcast %and3A_1244 : i32 to vector<16xi32>
        %and3A_1246 = arith.andi %shift_right_logical3A_1243, %and3A_1245 : vector<16xi32>
        %add3A_1247 = arith.constant 32767 : i32
        %add3A_1248 = vector.broadcast %add3A_1247 : i32 to vector<16xi32>
        %add3A_1249 = arith.addi %add3A_1248, %and3A_1246 : vector<16xi32>
        %add3A_1250 = arith.addi %bitcast3A_1240, %add3A_1249 : vector<16xi32>
        %and3A_1251 = arith.constant -65536 : i32
        %and3A_1252 = vector.broadcast %and3A_1251 : i32 to vector<16xi32>
        %and3A_1253 = arith.andi %add3A_1250, %and3A_1252 : vector<16xi32>
        %bitcast3A_1254 = vector.bitcast %and3A_1253 : vector<16xi32> to vector<16xf32>
        %get3A_1255 = arith.index_cast %add3A_1237 : i32 to index
        %get3A_1256 = tpu.vector_load %arg9[%get3A_1255] {strides = array<i32>} : memref<16384xf32, #tpu.memory_space<vmem>>, vector<16xf32>,
        %bitcast3A_1257 = vector.bitcast %get3A_1256 : vector<16xf32> to vector<16xi32>
        %shift_right_logical3A_1258 = arith.constant 16 : i32
        %shift_right_logical3A_1259 = vector.broadcast %shift_right_logical3A_1258 : i32 to vector<16xi32>
        %shift_right_logical3A_1260 = arith.shrui %bitcast3A_1257, %shift_right_logical3A_1259 : vector<16xi32>
        %and3A_1261 = arith.constant 1 : i32
        %and3A_1262 = vector.broadcast %and3A_1261 : i32 to vector<16xi32>
        %and3A_1263 = arith.andi %shift_right_logical3A_1260, %and3A_1262 : vector<16xi32>
        %add3A_1264 = arith.constant 32767 : i32
        %add3A_1265 = vector.broadcast %add3A_1264 : i32 to vector<16xi32>
        %add3A_1266 = arith.addi %add3A_1265, %and3A_1263 : vector<16xi32>
        %add3A_1267 = arith.addi %bitcast3A_1257, %add3A_1266 : vector<16xi32>
        %and3A_1268 = arith.constant -65536 : i32
        %and3A_1269 = vector.broadcast %and3A_1268 : i32 to vector<16xi32>
        %and3A_1270 = arith.andi %add3A_1267, %and3A_1269 : vector<16xi32>
        %bitcast3A_1271 = vector.bitcast %and3A_1270 : vector<16xi32> to vector<16xf32>
        %get3A_1272 = arith.index_cast %add3A_1237 : i32 to index
        %get3A_1273 = tpu.vector_load %arg10[%get3A_1272] {strides = array<i32>} : memref<16384xf32, #tpu.memory_space<vmem>>, vector<16xf32>,
        %bitcast3A_1274 = vector.bitcast %get3A_1273 : vector<16xf32> to vector<16xi32>
        %shift_right_logical3A_1275 = arith.constant 16 : i32
        %shift_right_logical3A_1276 = vector.broadcast %shift_right_logical3A_1275 : i32 to vector<16xi32>
        %shift_right_logical3A_1277 = arith.shrui %bitcast3A_1274, %shift_right_logical3A_1276 : vector<16xi32>
        %and3A_1278 = arith.constant 1 : i32
        %and3A_1279 = vector.broadcast %and3A_1278 : i32 to vector<16xi32>
        %and3A_1280 = arith.andi %shift_right_logical3A_1277, %and3A_1279 : vector<16xi32>
        %add3A_1281 = arith.constant 32767 : i32
        %add3A_1282 = vector.broadcast %add3A_1281 : i32 to vector<16xi32>
        %add3A_1283 = arith.addi %add3A_1282, %and3A_1280 : vector<16xi32>
        %add3A_1284 = arith.addi %bitcast3A_1274, %add3A_1283 : vector<16xi32>
        %and3A_1285 = arith.constant -65536 : i32
        %and3A_1286 = vector.broadcast %and3A_1285 : i32 to vector<16xi32>
        %and3A_1287 = arith.andi %add3A_1284, %and3A_1286 : vector<16xi32>
        %bitcast3A_1288 = vector.bitcast %and3A_1287 : vector<16xi32> to vector<16xf32>
        %get3A_1289 = arith.index_cast %add3A_1237 : i32 to index
        %get3A_1290 = tpu.vector_load %arg11[%get3A_1289] {strides = array<i32>} : memref<16384xf32, #tpu.memory_space<vmem>>, vector<16xf32>,
        %mul3A_1291 = arith.mulf %bitcast3A_187, %bitcast3A_1254 : vector<16xf32>
        %mul3A_1292 = arith.mulf %bitcast3A_203, %bitcast3A_1271 : vector<16xf32>
        %add3A_1293 = arith.addf %mul3A_1291, %mul3A_1292 : vector<16xf32>
        %mul3A_1294 = arith.mulf %bitcast3A_219, %bitcast3A_1288 : vector<16xf32>
        %add3A_1295 = arith.addf %add3A_1293, %mul3A_1294 : vector<16xf32>
        %mul3A_1296 = arith.constant -2.000000e+00 : f32
        %mul3A_1297 = vector.broadcast %mul3A_1296 : f32 to vector<16xf32>
        %mul3A_1298 = arith.mulf %mul3A_1297, %add3A_1295 : vector<16xf32>
        %add3A_1299 = arith.addf %mul3A_1298, %gather3A_220 : vector<16xf32>
        %add3A_1300 = arith.addf %add3A_1299, %get3A_1290 : vector<16xf32>
        %le3A_1301 = arith.constant 4.000000e-02 : f32
        %le3A_1302 = vector.broadcast %le3A_1301 : f32 to vector<16xf32>
        %le3A_1303 = arith.cmpf ole, %add3A_1300, %le3A_1302 : vector<16xf32>
        %convert_element_type3A_1304 = arith.extui %le3A_1303 : vector<16xi1> to vector<16xi32>
        %broadcast_in_dim3A_1305 = arith.constant true
        %broadcast_in_dim3A_1306 = vector.broadcast %broadcast_in_dim3A_1305 : i1 to vector<16xi1>
        %masked_cumsum3A_1307 = tpu.scan <sum>, %convert_element_type3A_1304 masked %broadcast_in_dim3A_1306 : vector<16xi32>, vector<16xi1> -> vector<16xi32>
        %all_reduce_population_count3A_1308 = tpu.all_reduce %le3A_1303 {dim = 0 : i64, kind = #tpu.reduction_kind<sum>} : vector<16xi1> -> vector<16xi32>
        %add3A_1309 = arith.constant 192 : i32
        %add3A_1310 = arith.addi %mul3A_435, %add3A_1309 : i32
        %get3A_1311 = arith.index_cast %add3A_1310 : i32 to index
        %get3A_1312 = tpu.vector_load %arg8[%get3A_1311] {strides = array<i32>} : memref<16384xf32, #tpu.memory_space<vmem>>, vector<16xf32>,
        %bitcast3A_1313 = vector.bitcast %get3A_1312 : vector<16xf32> to vector<16xi32>
        %shift_right_logical3A_1314 = arith.constant 16 : i32
        %shift_right_logical3A_1315 = vector.broadcast %shift_right_logical3A_1314 : i32 to vector<16xi32>
        %shift_right_logical3A_1316 = arith.shrui %bitcast3A_1313, %shift_right_logical3A_1315 : vector<16xi32>
        %and3A_1317 = arith.constant 1 : i32
        %and3A_1318 = vector.broadcast %and3A_1317 : i32 to vector<16xi32>
        %and3A_1319 = arith.andi %shift_right_logical3A_1316, %and3A_1318 : vector<16xi32>
        %add3A_1320 = arith.constant 32767 : i32
        %add3A_1321 = vector.broadcast %add3A_1320 : i32 to vector<16xi32>
        %add3A_1322 = arith.addi %add3A_1321, %and3A_1319 : vector<16xi32>
        %add3A_1323 = arith.addi %bitcast3A_1313, %add3A_1322 : vector<16xi32>
        %and3A_1324 = arith.constant -65536 : i32
        %and3A_1325 = vector.broadcast %and3A_1324 : i32 to vector<16xi32>
        %and3A_1326 = arith.andi %add3A_1323, %and3A_1325 : vector<16xi32>
        %bitcast3A_1327 = vector.bitcast %and3A_1326 : vector<16xi32> to vector<16xf32>
        %get3A_1328 = arith.index_cast %add3A_1310 : i32 to index
        %get3A_1329 = tpu.vector_load %arg9[%get3A_1328] {strides = array<i32>} : memref<16384xf32, #tpu.memory_space<vmem>>, vector<16xf32>,
        %bitcast3A_1330 = vector.bitcast %get3A_1329 : vector<16xf32> to vector<16xi32>
        %shift_right_logical3A_1331 = arith.constant 16 : i32
        %shift_right_logical3A_1332 = vector.broadcast %shift_right_logical3A_1331 : i32 to vector<16xi32>
        %shift_right_logical3A_1333 = arith.shrui %bitcast3A_1330, %shift_right_logical3A_1332 : vector<16xi32>
        %and3A_1334 = arith.constant 1 : i32
        %and3A_1335 = vector.broadcast %and3A_1334 : i32 to vector<16xi32>
        %and3A_1336 = arith.andi %shift_right_logical3A_1333, %and3A_1335 : vector<16xi32>
        %add3A_1337 = arith.constant 32767 : i32
        %add3A_1338 = vector.broadcast %add3A_1337 : i32 to vector<16xi32>
        %add3A_1339 = arith.addi %add3A_1338, %and3A_1336 : vector<16xi32>
        %add3A_1340 = arith.addi %bitcast3A_1330, %add3A_1339 : vector<16xi32>
        %and3A_1341 = arith.constant -65536 : i32
        %and3A_1342 = vector.broadcast %and3A_1341 : i32 to vector<16xi32>
        %and3A_1343 = arith.andi %add3A_1340, %and3A_1342 : vector<16xi32>
        %bitcast3A_1344 = vector.bitcast %and3A_1343 : vector<16xi32> to vector<16xf32>
        %get3A_1345 = arith.index_cast %add3A_1310 : i32 to index
        %get3A_1346 = tpu.vector_load %arg10[%get3A_1345] {strides = array<i32>} : memref<16384xf32, #tpu.memory_space<vmem>>, vector<16xf32>,
        %bitcast3A_1347 = vector.bitcast %get3A_1346 : vector<16xf32> to vector<16xi32>
        %shift_right_logical3A_1348 = arith.constant 16 : i32
        %shift_right_logical3A_1349 = vector.broadcast %shift_right_logical3A_1348 : i32 to vector<16xi32>
        %shift_right_logical3A_1350 = arith.shrui %bitcast3A_1347, %shift_right_logical3A_1349 : vector<16xi32>
        %and3A_1351 = arith.constant 1 : i32
        %and3A_1352 = vector.broadcast %and3A_1351 : i32 to vector<16xi32>
        %and3A_1353 = arith.andi %shift_right_logical3A_1350, %and3A_1352 : vector<16xi32>
        %add3A_1354 = arith.constant 32767 : i32
        %add3A_1355 = vector.broadcast %add3A_1354 : i32 to vector<16xi32>
        %add3A_1356 = arith.addi %add3A_1355, %and3A_1353 : vector<16xi32>
        %add3A_1357 = arith.addi %bitcast3A_1347, %add3A_1356 : vector<16xi32>
        %and3A_1358 = arith.constant -65536 : i32
        %and3A_1359 = vector.broadcast %and3A_1358 : i32 to vector<16xi32>
        %and3A_1360 = arith.andi %add3A_1357, %and3A_1359 : vector<16xi32>
        %bitcast3A_1361 = vector.bitcast %and3A_1360 : vector<16xi32> to vector<16xf32>
        %get3A_1362 = arith.index_cast %add3A_1310 : i32 to index
        %get3A_1363 = tpu.vector_load %arg11[%get3A_1362] {strides = array<i32>} : memref<16384xf32, #tpu.memory_space<vmem>>, vector<16xf32>,
        %mul3A_1364 = arith.mulf %bitcast3A_187, %bitcast3A_1327 : vector<16xf32>
        %mul3A_1365 = arith.mulf %bitcast3A_203, %bitcast3A_1344 : vector<16xf32>
        %add3A_1366 = arith.addf %mul3A_1364, %mul3A_1365 : vector<16xf32>
        %mul3A_1367 = arith.mulf %bitcast3A_219, %bitcast3A_1361 : vector<16xf32>
        %add3A_1368 = arith.addf %add3A_1366, %mul3A_1367 : vector<16xf32>
        %mul3A_1369 = arith.constant -2.000000e+00 : f32
        %mul3A_1370 = vector.broadcast %mul3A_1369 : f32 to vector<16xf32>
        %mul3A_1371 = arith.mulf %mul3A_1370, %add3A_1368 : vector<16xf32>
        %add3A_1372 = arith.addf %mul3A_1371, %gather3A_220 : vector<16xf32>
        %add3A_1373 = arith.addf %add3A_1372, %get3A_1363 : vector<16xf32>
        %le3A_1374 = arith.constant 4.000000e-02 : f32
        %le3A_1375 = vector.broadcast %le3A_1374 : f32 to vector<16xf32>
        %le3A_1376 = arith.cmpf ole, %add3A_1373, %le3A_1375 : vector<16xf32>
        %convert_element_type3A_1377 = arith.extui %le3A_1376 : vector<16xi1> to vector<16xi32>
        %broadcast_in_dim3A_1378 = arith.constant true
        %broadcast_in_dim3A_1379 = vector.broadcast %broadcast_in_dim3A_1378 : i1 to vector<16xi1>
        %masked_cumsum3A_1380 = tpu.scan <sum>, %convert_element_type3A_1377 masked %broadcast_in_dim3A_1379 : vector<16xi32>, vector<16xi1> -> vector<16xi32>
        %all_reduce_population_count3A_1381 = tpu.all_reduce %le3A_1376 {dim = 0 : i64, kind = #tpu.reduction_kind<sum>} : vector<16xi1> -> vector<16xi32>
        %add3A_1382 = arith.constant 208 : i32
        %add3A_1383 = arith.addi %mul3A_435, %add3A_1382 : i32
        %get3A_1384 = arith.index_cast %add3A_1383 : i32 to index
        %get3A_1385 = tpu.vector_load %arg8[%get3A_1384] {strides = array<i32>} : memref<16384xf32, #tpu.memory_space<vmem>>, vector<16xf32>,
        %bitcast3A_1386 = vector.bitcast %get3A_1385 : vector<16xf32> to vector<16xi32>
        %shift_right_logical3A_1387 = arith.constant 16 : i32
        %shift_right_logical3A_1388 = vector.broadcast %shift_right_logical3A_1387 : i32 to vector<16xi32>
        %shift_right_logical3A_1389 = arith.shrui %bitcast3A_1386, %shift_right_logical3A_1388 : vector<16xi32>
        %and3A_1390 = arith.constant 1 : i32
        %and3A_1391 = vector.broadcast %and3A_1390 : i32 to vector<16xi32>
        %and3A_1392 = arith.andi %shift_right_logical3A_1389, %and3A_1391 : vector<16xi32>
        %add3A_1393 = arith.constant 32767 : i32
        %add3A_1394 = vector.broadcast %add3A_1393 : i32 to vector<16xi32>
        %add3A_1395 = arith.addi %add3A_1394, %and3A_1392 : vector<16xi32>
        %add3A_1396 = arith.addi %bitcast3A_1386, %add3A_1395 : vector<16xi32>
        %and3A_1397 = arith.constant -65536 : i32
        %and3A_1398 = vector.broadcast %and3A_1397 : i32 to vector<16xi32>
        %and3A_1399 = arith.andi %add3A_1396, %and3A_1398 : vector<16xi32>
        %bitcast3A_1400 = vector.bitcast %and3A_1399 : vector<16xi32> to vector<16xf32>
        %get3A_1401 = arith.index_cast %add3A_1383 : i32 to index
        %get3A_1402 = tpu.vector_load %arg9[%get3A_1401] {strides = array<i32>} : memref<16384xf32, #tpu.memory_space<vmem>>, vector<16xf32>,
        %bitcast3A_1403 = vector.bitcast %get3A_1402 : vector<16xf32> to vector<16xi32>
        %shift_right_logical3A_1404 = arith.constant 16 : i32
        %shift_right_logical3A_1405 = vector.broadcast %shift_right_logical3A_1404 : i32 to vector<16xi32>
        %shift_right_logical3A_1406 = arith.shrui %bitcast3A_1403, %shift_right_logical3A_1405 : vector<16xi32>
        %and3A_1407 = arith.constant 1 : i32
        %and3A_1408 = vector.broadcast %and3A_1407 : i32 to vector<16xi32>
        %and3A_1409 = arith.andi %shift_right_logical3A_1406, %and3A_1408 : vector<16xi32>
        %add3A_1410 = arith.constant 32767 : i32
        %add3A_1411 = vector.broadcast %add3A_1410 : i32 to vector<16xi32>
        %add3A_1412 = arith.addi %add3A_1411, %and3A_1409 : vector<16xi32>
        %add3A_1413 = arith.addi %bitcast3A_1403, %add3A_1412 : vector<16xi32>
        %and3A_1414 = arith.constant -65536 : i32
        %and3A_1415 = vector.broadcast %and3A_1414 : i32 to vector<16xi32>
        %and3A_1416 = arith.andi %add3A_1413, %and3A_1415 : vector<16xi32>
        %bitcast3A_1417 = vector.bitcast %and3A_1416 : vector<16xi32> to vector<16xf32>
        %get3A_1418 = arith.index_cast %add3A_1383 : i32 to index
        %get3A_1419 = tpu.vector_load %arg10[%get3A_1418] {strides = array<i32>} : memref<16384xf32, #tpu.memory_space<vmem>>, vector<16xf32>,
        %bitcast3A_1420 = vector.bitcast %get3A_1419 : vector<16xf32> to vector<16xi32>
        %shift_right_logical3A_1421 = arith.constant 16 : i32
        %shift_right_logical3A_1422 = vector.broadcast %shift_right_logical3A_1421 : i32 to vector<16xi32>
        %shift_right_logical3A_1423 = arith.shrui %bitcast3A_1420, %shift_right_logical3A_1422 : vector<16xi32>
        %and3A_1424 = arith.constant 1 : i32
        %and3A_1425 = vector.broadcast %and3A_1424 : i32 to vector<16xi32>
        %and3A_1426 = arith.andi %shift_right_logical3A_1423, %and3A_1425 : vector<16xi32>
        %add3A_1427 = arith.constant 32767 : i32
        %add3A_1428 = vector.broadcast %add3A_1427 : i32 to vector<16xi32>
        %add3A_1429 = arith.addi %add3A_1428, %and3A_1426 : vector<16xi32>
        %add3A_1430 = arith.addi %bitcast3A_1420, %add3A_1429 : vector<16xi32>
        %and3A_1431 = arith.constant -65536 : i32
        %and3A_1432 = vector.broadcast %and3A_1431 : i32 to vector<16xi32>
        %and3A_1433 = arith.andi %add3A_1430, %and3A_1432 : vector<16xi32>
        %bitcast3A_1434 = vector.bitcast %and3A_1433 : vector<16xi32> to vector<16xf32>
        %get3A_1435 = arith.index_cast %add3A_1383 : i32 to index
        %get3A_1436 = tpu.vector_load %arg11[%get3A_1435] {strides = array<i32>} : memref<16384xf32, #tpu.memory_space<vmem>>, vector<16xf32>,
        %mul3A_1437 = arith.mulf %bitcast3A_187, %bitcast3A_1400 : vector<16xf32>
        %mul3A_1438 = arith.mulf %bitcast3A_203, %bitcast3A_1417 : vector<16xf32>
        %add3A_1439 = arith.addf %mul3A_1437, %mul3A_1438 : vector<16xf32>
        %mul3A_1440 = arith.mulf %bitcast3A_219, %bitcast3A_1434 : vector<16xf32>
        %add3A_1441 = arith.addf %add3A_1439, %mul3A_1440 : vector<16xf32>
        %mul3A_1442 = arith.constant -2.000000e+00 : f32
        %mul3A_1443 = vector.broadcast %mul3A_1442 : f32 to vector<16xf32>
        %mul3A_1444 = arith.mulf %mul3A_1443, %add3A_1441 : vector<16xf32>
        %add3A_1445 = arith.addf %mul3A_1444, %gather3A_220 : vector<16xf32>
        %add3A_1446 = arith.addf %add3A_1445, %get3A_1436 : vector<16xf32>
        %le3A_1447 = arith.constant 4.000000e-02 : f32
        %le3A_1448 = vector.broadcast %le3A_1447 : f32 to vector<16xf32>
        %le3A_1449 = arith.cmpf ole, %add3A_1446, %le3A_1448 : vector<16xf32>
        %convert_element_type3A_1450 = arith.extui %le3A_1449 : vector<16xi1> to vector<16xi32>
        %broadcast_in_dim3A_1451 = arith.constant true
        %broadcast_in_dim3A_1452 = vector.broadcast %broadcast_in_dim3A_1451 : i1 to vector<16xi1>
        %masked_cumsum3A_1453 = tpu.scan <sum>, %convert_element_type3A_1450 masked %broadcast_in_dim3A_1452 : vector<16xi32>, vector<16xi1> -> vector<16xi32>
        %all_reduce_population_count3A_1454 = tpu.all_reduce %le3A_1449 {dim = 0 : i64, kind = #tpu.reduction_kind<sum>} : vector<16xi1> -> vector<16xi32>
        %add3A_1455 = arith.constant 224 : i32
        %add3A_1456 = arith.addi %mul3A_435, %add3A_1455 : i32
        %get3A_1457 = arith.index_cast %add3A_1456 : i32 to index
        %get3A_1458 = tpu.vector_load %arg8[%get3A_1457] {strides = array<i32>} : memref<16384xf32, #tpu.memory_space<vmem>>, vector<16xf32>,
        %bitcast3A_1459 = vector.bitcast %get3A_1458 : vector<16xf32> to vector<16xi32>
        %shift_right_logical3A_1460 = arith.constant 16 : i32
        %shift_right_logical3A_1461 = vector.broadcast %shift_right_logical3A_1460 : i32 to vector<16xi32>
        %shift_right_logical3A_1462 = arith.shrui %bitcast3A_1459, %shift_right_logical3A_1461 : vector<16xi32>
        %and3A_1463 = arith.constant 1 : i32
        %and3A_1464 = vector.broadcast %and3A_1463 : i32 to vector<16xi32>
        %and3A_1465 = arith.andi %shift_right_logical3A_1462, %and3A_1464 : vector<16xi32>
        %add3A_1466 = arith.constant 32767 : i32
        %add3A_1467 = vector.broadcast %add3A_1466 : i32 to vector<16xi32>
        %add3A_1468 = arith.addi %add3A_1467, %and3A_1465 : vector<16xi32>
        %add3A_1469 = arith.addi %bitcast3A_1459, %add3A_1468 : vector<16xi32>
        %and3A_1470 = arith.constant -65536 : i32
        %and3A_1471 = vector.broadcast %and3A_1470 : i32 to vector<16xi32>
        %and3A_1472 = arith.andi %add3A_1469, %and3A_1471 : vector<16xi32>
        %bitcast3A_1473 = vector.bitcast %and3A_1472 : vector<16xi32> to vector<16xf32>
        %get3A_1474 = arith.index_cast %add3A_1456 : i32 to index
        %get3A_1475 = tpu.vector_load %arg9[%get3A_1474] {strides = array<i32>} : memref<16384xf32, #tpu.memory_space<vmem>>, vector<16xf32>,
        %bitcast3A_1476 = vector.bitcast %get3A_1475 : vector<16xf32> to vector<16xi32>
        %shift_right_logical3A_1477 = arith.constant 16 : i32
        %shift_right_logical3A_1478 = vector.broadcast %shift_right_logical3A_1477 : i32 to vector<16xi32>
        %shift_right_logical3A_1479 = arith.shrui %bitcast3A_1476, %shift_right_logical3A_1478 : vector<16xi32>
        %and3A_1480 = arith.constant 1 : i32
        %and3A_1481 = vector.broadcast %and3A_1480 : i32 to vector<16xi32>
        %and3A_1482 = arith.andi %shift_right_logical3A_1479, %and3A_1481 : vector<16xi32>
        %add3A_1483 = arith.constant 32767 : i32
        %add3A_1484 = vector.broadcast %add3A_1483 : i32 to vector<16xi32>
        %add3A_1485 = arith.addi %add3A_1484, %and3A_1482 : vector<16xi32>
        %add3A_1486 = arith.addi %bitcast3A_1476, %add3A_1485 : vector<16xi32>
        %and3A_1487 = arith.constant -65536 : i32
        %and3A_1488 = vector.broadcast %and3A_1487 : i32 to vector<16xi32>
        %and3A_1489 = arith.andi %add3A_1486, %and3A_1488 : vector<16xi32>
        %bitcast3A_1490 = vector.bitcast %and3A_1489 : vector<16xi32> to vector<16xf32>
        %get3A_1491 = arith.index_cast %add3A_1456 : i32 to index
        %get3A_1492 = tpu.vector_load %arg10[%get3A_1491] {strides = array<i32>} : memref<16384xf32, #tpu.memory_space<vmem>>, vector<16xf32>,
        %bitcast3A_1493 = vector.bitcast %get3A_1492 : vector<16xf32> to vector<16xi32>
        %shift_right_logical3A_1494 = arith.constant 16 : i32
        %shift_right_logical3A_1495 = vector.broadcast %shift_right_logical3A_1494 : i32 to vector<16xi32>
        %shift_right_logical3A_1496 = arith.shrui %bitcast3A_1493, %shift_right_logical3A_1495 : vector<16xi32>
        %and3A_1497 = arith.constant 1 : i32
        %and3A_1498 = vector.broadcast %and3A_1497 : i32 to vector<16xi32>
        %and3A_1499 = arith.andi %shift_right_logical3A_1496, %and3A_1498 : vector<16xi32>
        %add3A_1500 = arith.constant 32767 : i32
        %add3A_1501 = vector.broadcast %add3A_1500 : i32 to vector<16xi32>
        %add3A_1502 = arith.addi %add3A_1501, %and3A_1499 : vector<16xi32>
        %add3A_1503 = arith.addi %bitcast3A_1493, %add3A_1502 : vector<16xi32>
        %and3A_1504 = arith.constant -65536 : i32
        %and3A_1505 = vector.broadcast %and3A_1504 : i32 to vector<16xi32>
        %and3A_1506 = arith.andi %add3A_1503, %and3A_1505 : vector<16xi32>
        %bitcast3A_1507 = vector.bitcast %and3A_1506 : vector<16xi32> to vector<16xf32>
        %get3A_1508 = arith.index_cast %add3A_1456 : i32 to index
        %get3A_1509 = tpu.vector_load %arg11[%get3A_1508] {strides = array<i32>} : memref<16384xf32, #tpu.memory_space<vmem>>, vector<16xf32>,
        %mul3A_1510 = arith.mulf %bitcast3A_187, %bitcast3A_1473 : vector<16xf32>
        %mul3A_1511 = arith.mulf %bitcast3A_203, %bitcast3A_1490 : vector<16xf32>
        %add3A_1512 = arith.addf %mul3A_1510, %mul3A_1511 : vector<16xf32>
        %mul3A_1513 = arith.mulf %bitcast3A_219, %bitcast3A_1507 : vector<16xf32>
        %add3A_1514 = arith.addf %add3A_1512, %mul3A_1513 : vector<16xf32>
        %mul3A_1515 = arith.constant -2.000000e+00 : f32
        %mul3A_1516 = vector.broadcast %mul3A_1515 : f32 to vector<16xf32>
        %mul3A_1517 = arith.mulf %mul3A_1516, %add3A_1514 : vector<16xf32>
        %add3A_1518 = arith.addf %mul3A_1517, %gather3A_220 : vector<16xf32>
        %add3A_1519 = arith.addf %add3A_1518, %get3A_1509 : vector<16xf32>
        %le3A_1520 = arith.constant 4.000000e-02 : f32
        %le3A_1521 = vector.broadcast %le3A_1520 : f32 to vector<16xf32>
        %le3A_1522 = arith.cmpf ole, %add3A_1519, %le3A_1521 : vector<16xf32>
        %convert_element_type3A_1523 = arith.extui %le3A_1522 : vector<16xi1> to vector<16xi32>
        %broadcast_in_dim3A_1524 = arith.constant true
        %broadcast_in_dim3A_1525 = vector.broadcast %broadcast_in_dim3A_1524 : i1 to vector<16xi1>
        %masked_cumsum3A_1526 = tpu.scan <sum>, %convert_element_type3A_1523 masked %broadcast_in_dim3A_1525 : vector<16xi32>, vector<16xi1> -> vector<16xi32>
        %all_reduce_population_count3A_1527 = tpu.all_reduce %le3A_1522 {dim = 0 : i64, kind = #tpu.reduction_kind<sum>} : vector<16xi1> -> vector<16xi32>
        %add3A_1528 = arith.constant 240 : i32
        %add3A_1529 = arith.addi %mul3A_435, %add3A_1528 : i32
        %get3A_1530 = arith.index_cast %add3A_1529 : i32 to index
        %get3A_1531 = tpu.vector_load %arg8[%get3A_1530] {strides = array<i32>} : memref<16384xf32, #tpu.memory_space<vmem>>, vector<16xf32>,
        %bitcast3A_1532 = vector.bitcast %get3A_1531 : vector<16xf32> to vector<16xi32>
        %shift_right_logical3A_1533 = arith.constant 16 : i32
        %shift_right_logical3A_1534 = vector.broadcast %shift_right_logical3A_1533 : i32 to vector<16xi32>
        %shift_right_logical3A_1535 = arith.shrui %bitcast3A_1532, %shift_right_logical3A_1534 : vector<16xi32>
        %and3A_1536 = arith.constant 1 : i32
        %and3A_1537 = vector.broadcast %and3A_1536 : i32 to vector<16xi32>
        %and3A_1538 = arith.andi %shift_right_logical3A_1535, %and3A_1537 : vector<16xi32>
        %add3A_1539 = arith.constant 32767 : i32
        %add3A_1540 = vector.broadcast %add3A_1539 : i32 to vector<16xi32>
        %add3A_1541 = arith.addi %add3A_1540, %and3A_1538 : vector<16xi32>
        %add3A_1542 = arith.addi %bitcast3A_1532, %add3A_1541 : vector<16xi32>
        %and3A_1543 = arith.constant -65536 : i32
        %and3A_1544 = vector.broadcast %and3A_1543 : i32 to vector<16xi32>
        %and3A_1545 = arith.andi %add3A_1542, %and3A_1544 : vector<16xi32>
        %bitcast3A_1546 = vector.bitcast %and3A_1545 : vector<16xi32> to vector<16xf32>
        %get3A_1547 = arith.index_cast %add3A_1529 : i32 to index
        %get3A_1548 = tpu.vector_load %arg9[%get3A_1547] {strides = array<i32>} : memref<16384xf32, #tpu.memory_space<vmem>>, vector<16xf32>,
        %bitcast3A_1549 = vector.bitcast %get3A_1548 : vector<16xf32> to vector<16xi32>
        %shift_right_logical3A_1550 = arith.constant 16 : i32
        %shift_right_logical3A_1551 = vector.broadcast %shift_right_logical3A_1550 : i32 to vector<16xi32>
        %shift_right_logical3A_1552 = arith.shrui %bitcast3A_1549, %shift_right_logical3A_1551 : vector<16xi32>
        %and3A_1553 = arith.constant 1 : i32
        %and3A_1554 = vector.broadcast %and3A_1553 : i32 to vector<16xi32>
        %and3A_1555 = arith.andi %shift_right_logical3A_1552, %and3A_1554 : vector<16xi32>
        %add3A_1556 = arith.constant 32767 : i32
        %add3A_1557 = vector.broadcast %add3A_1556 : i32 to vector<16xi32>
        %add3A_1558 = arith.addi %add3A_1557, %and3A_1555 : vector<16xi32>
        %add3A_1559 = arith.addi %bitcast3A_1549, %add3A_1558 : vector<16xi32>
        %and3A_1560 = arith.constant -65536 : i32
        %and3A_1561 = vector.broadcast %and3A_1560 : i32 to vector<16xi32>
        %and3A_1562 = arith.andi %add3A_1559, %and3A_1561 : vector<16xi32>
        %bitcast3A_1563 = vector.bitcast %and3A_1562 : vector<16xi32> to vector<16xf32>
        %get3A_1564 = arith.index_cast %add3A_1529 : i32 to index
        %get3A_1565 = tpu.vector_load %arg10[%get3A_1564] {strides = array<i32>} : memref<16384xf32, #tpu.memory_space<vmem>>, vector<16xf32>,
        %bitcast3A_1566 = vector.bitcast %get3A_1565 : vector<16xf32> to vector<16xi32>
        %shift_right_logical3A_1567 = arith.constant 16 : i32
        %shift_right_logical3A_1568 = vector.broadcast %shift_right_logical3A_1567 : i32 to vector<16xi32>
        %shift_right_logical3A_1569 = arith.shrui %bitcast3A_1566, %shift_right_logical3A_1568 : vector<16xi32>
        %and3A_1570 = arith.constant 1 : i32
        %and3A_1571 = vector.broadcast %and3A_1570 : i32 to vector<16xi32>
        %and3A_1572 = arith.andi %shift_right_logical3A_1569, %and3A_1571 : vector<16xi32>
        %add3A_1573 = arith.constant 32767 : i32
        %add3A_1574 = vector.broadcast %add3A_1573 : i32 to vector<16xi32>
        %add3A_1575 = arith.addi %add3A_1574, %and3A_1572 : vector<16xi32>
        %add3A_1576 = arith.addi %bitcast3A_1566, %add3A_1575 : vector<16xi32>
        %and3A_1577 = arith.constant -65536 : i32
        %and3A_1578 = vector.broadcast %and3A_1577 : i32 to vector<16xi32>
        %and3A_1579 = arith.andi %add3A_1576, %and3A_1578 : vector<16xi32>
        %bitcast3A_1580 = vector.bitcast %and3A_1579 : vector<16xi32> to vector<16xf32>
        %get3A_1581 = arith.index_cast %add3A_1529 : i32 to index
        %get3A_1582 = tpu.vector_load %arg11[%get3A_1581] {strides = array<i32>} : memref<16384xf32, #tpu.memory_space<vmem>>, vector<16xf32>,
        %mul3A_1583 = arith.mulf %bitcast3A_187, %bitcast3A_1546 : vector<16xf32>
        %mul3A_1584 = arith.mulf %bitcast3A_203, %bitcast3A_1563 : vector<16xf32>
        %add3A_1585 = arith.addf %mul3A_1583, %mul3A_1584 : vector<16xf32>
        %mul3A_1586 = arith.mulf %bitcast3A_219, %bitcast3A_1580 : vector<16xf32>
        %add3A_1587 = arith.addf %add3A_1585, %mul3A_1586 : vector<16xf32>
        %mul3A_1588 = arith.constant -2.000000e+00 : f32
        %mul3A_1589 = vector.broadcast %mul3A_1588 : f32 to vector<16xf32>
        %mul3A_1590 = arith.mulf %mul3A_1589, %add3A_1587 : vector<16xf32>
        %add3A_1591 = arith.addf %mul3A_1590, %gather3A_220 : vector<16xf32>
        %add3A_1592 = arith.addf %add3A_1591, %get3A_1582 : vector<16xf32>
        %le3A_1593 = arith.constant 4.000000e-02 : f32
        %le3A_1594 = vector.broadcast %le3A_1593 : f32 to vector<16xf32>
        %le3A_1595 = arith.cmpf ole, %add3A_1592, %le3A_1594 : vector<16xf32>
        %convert_element_type3A_1596 = arith.extui %le3A_1595 : vector<16xi1> to vector<16xi32>
        %broadcast_in_dim3A_1597 = arith.constant true
        %broadcast_in_dim3A_1598 = vector.broadcast %broadcast_in_dim3A_1597 : i1 to vector<16xi1>
        %masked_cumsum3A_1599 = tpu.scan <sum>, %convert_element_type3A_1596 masked %broadcast_in_dim3A_1598 : vector<16xi32>, vector<16xi1> -> vector<16xi32>
        %all_reduce_population_count3A_1600 = tpu.all_reduce %le3A_1595 {dim = 0 : i64, kind = #tpu.reduction_kind<sum>} : vector<16xi1> -> vector<16xi32>
        %add3A_1601 = arith.addi %while3A_433, %masked_cumsum3A : vector<16xi32>
        %sub3A_1602 = arith.constant 1 : i32
        %sub3A_1603 = vector.broadcast %sub3A_1602 : i32 to vector<16xi32>
        %sub3A_1604 = arith.subi %add3A_1601, %sub3A_1603 : vector<16xi32>
        %lt3A_1605 = arith.constant 32 : i32
        %lt3A_1606 = vector.broadcast %lt3A_1605 : i32 to vector<16xi32>
        %lt3A_1607 = arith.cmpi slt, %sub3A_1604, %lt3A_1606 : vector<16xi32>
        %and3A_1608 = arith.andi %le3A_502, %lt3A_1607 : vector<16xi1>
        %add3A_1609 = arith.constant 0 : i32
        %add3A_1610 = arith.addi %mul3A_435, %add3A_1609 : i32
        %add3A_1611 = vector.broadcast %add3A_1610 : i32 to vector<16xi32>
        %add3A_1612 = arith.addi %iota3A, %add3A_1611 : vector<16xi32>
        tpu.vector_store_idx %arg16[%sub3A_1604], %add3A_1612 masked %and3A_1608 : memref<64xi32, #tpu.memory_space<vmem>>[vector<16xi32>], vector<16xi32>, vector<16xi1>
        %add3A_1613 = arith.addi %while3A_433, %all_reduce_population_count3A : vector<16xi32>
        %add3A_1614 = arith.addi %add3A_1613, %masked_cumsum3A_577 : vector<16xi32>
        %sub3A_1615 = arith.constant 1 : i32
        %sub3A_1616 = vector.broadcast %sub3A_1615 : i32 to vector<16xi32>
        %sub3A_1617 = arith.subi %add3A_1614, %sub3A_1616 : vector<16xi32>
        %lt3A_1618 = arith.constant 32 : i32
        %lt3A_1619 = vector.broadcast %lt3A_1618 : i32 to vector<16xi32>
        %lt3A_1620 = arith.cmpi slt, %sub3A_1617, %lt3A_1619 : vector<16xi32>
        %and3A_1621 = arith.andi %le3A_573, %lt3A_1620 : vector<16xi1>
        %add3A_1622 = arith.constant 16 : i32
        %add3A_1623 = arith.addi %mul3A_435, %add3A_1622 : i32
        %add3A_1624 = vector.broadcast %add3A_1623 : i32 to vector<16xi32>
        %add3A_1625 = arith.addi %iota3A, %add3A_1624 : vector<16xi32>
        tpu.vector_store_idx %arg16[%sub3A_1617], %add3A_1625 masked %and3A_1621 : memref<64xi32, #tpu.memory_space<vmem>>[vector<16xi32>], vector<16xi32>, vector<16xi1>
        %add3A_1626 = arith.addi %add3A_1613, %all_reduce_population_count3A_578 : vector<16xi32>
        %add3A_1627 = arith.addi %add3A_1626, %masked_cumsum3A_650 : vector<16xi32>
        %sub3A_1628 = arith.constant 1 : i32
        %sub3A_1629 = vector.broadcast %sub3A_1628 : i32 to vector<16xi32>
        %sub3A_1630 = arith.subi %add3A_1627, %sub3A_1629 : vector<16xi32>
        %lt3A_1631 = arith.constant 32 : i32
        %lt3A_1632 = vector.broadcast %lt3A_1631 : i32 to vector<16xi32>
        %lt3A_1633 = arith.cmpi slt, %sub3A_1630, %lt3A_1632 : vector<16xi32>
        %and3A_1634 = arith.andi %le3A_646, %lt3A_1633 : vector<16xi1>
        %add3A_1635 = arith.constant 32 : i32
        %add3A_1636 = arith.addi %mul3A_435, %add3A_1635 : i32
        %add3A_1637 = vector.broadcast %add3A_1636 : i32 to vector<16xi32>
        %add3A_1638 = arith.addi %iota3A, %add3A_1637 : vector<16xi32>
        tpu.vector_store_idx %arg16[%sub3A_1630], %add3A_1638 masked %and3A_1634 : memref<64xi32, #tpu.memory_space<vmem>>[vector<16xi32>], vector<16xi32>, vector<16xi1>
        %add3A_1639 = arith.addi %add3A_1626, %all_reduce_population_count3A_651 : vector<16xi32>
        %add3A_1640 = arith.addi %add3A_1639, %masked_cumsum3A_723 : vector<16xi32>
        %sub3A_1641 = arith.constant 1 : i32
        %sub3A_1642 = vector.broadcast %sub3A_1641 : i32 to vector<16xi32>
        %sub3A_1643 = arith.subi %add3A_1640, %sub3A_1642 : vector<16xi32>
        %lt3A_1644 = arith.constant 32 : i32
        %lt3A_1645 = vector.broadcast %lt3A_1644 : i32 to vector<16xi32>
        %lt3A_1646 = arith.cmpi slt, %sub3A_1643, %lt3A_1645 : vector<16xi32>
        %and3A_1647 = arith.andi %le3A_719, %lt3A_1646 : vector<16xi1>
        %add3A_1648 = arith.constant 48 : i32
        %add3A_1649 = arith.addi %mul3A_435, %add3A_1648 : i32
        %add3A_1650 = vector.broadcast %add3A_1649 : i32 to vector<16xi32>
        %add3A_1651 = arith.addi %iota3A, %add3A_1650 : vector<16xi32>
        tpu.vector_store_idx %arg16[%sub3A_1643], %add3A_1651 masked %and3A_1647 : memref<64xi32, #tpu.memory_space<vmem>>[vector<16xi32>], vector<16xi32>, vector<16xi1>
        %add3A_1652 = arith.addi %add3A_1639, %all_reduce_population_count3A_724 : vector<16xi32>
        %add3A_1653 = arith.addi %add3A_1652, %masked_cumsum3A_796 : vector<16xi32>
        %sub3A_1654 = arith.constant 1 : i32
        %sub3A_1655 = vector.broadcast %sub3A_1654 : i32 to vector<16xi32>
        %sub3A_1656 = arith.subi %add3A_1653, %sub3A_1655 : vector<16xi32>
        %lt3A_1657 = arith.constant 32 : i32
        %lt3A_1658 = vector.broadcast %lt3A_1657 : i32 to vector<16xi32>
        %lt3A_1659 = arith.cmpi slt, %sub3A_1656, %lt3A_1658 : vector<16xi32>
        %and3A_1660 = arith.andi %le3A_792, %lt3A_1659 : vector<16xi1>
        %add3A_1661 = arith.constant 64 : i32
        %add3A_1662 = arith.addi %mul3A_435, %add3A_1661 : i32
        %add3A_1663 = vector.broadcast %add3A_1662 : i32 to vector<16xi32>
        %add3A_1664 = arith.addi %iota3A, %add3A_1663 : vector<16xi32>
        tpu.vector_store_idx %arg16[%sub3A_1656], %add3A_1664 masked %and3A_1660 : memref<64xi32, #tpu.memory_space<vmem>>[vector<16xi32>], vector<16xi32>, vector<16xi1>
        %add3A_1665 = arith.addi %add3A_1652, %all_reduce_population_count3A_797 : vector<16xi32>
        %add3A_1666 = arith.addi %add3A_1665, %masked_cumsum3A_869 : vector<16xi32>
        %sub3A_1667 = arith.constant 1 : i32
        %sub3A_1668 = vector.broadcast %sub3A_1667 : i32 to vector<16xi32>
        %sub3A_1669 = arith.subi %add3A_1666, %sub3A_1668 : vector<16xi32>
        %lt3A_1670 = arith.constant 32 : i32
        %lt3A_1671 = vector.broadcast %lt3A_1670 : i32 to vector<16xi32>
        %lt3A_1672 = arith.cmpi slt, %sub3A_1669, %lt3A_1671 : vector<16xi32>
        %and3A_1673 = arith.andi %le3A_865, %lt3A_1672 : vector<16xi1>
        %add3A_1674 = arith.constant 80 : i32
        %add3A_1675 = arith.addi %mul3A_435, %add3A_1674 : i32
        %add3A_1676 = vector.broadcast %add3A_1675 : i32 to vector<16xi32>
        %add3A_1677 = arith.addi %iota3A, %add3A_1676 : vector<16xi32>
        tpu.vector_store_idx %arg16[%sub3A_1669], %add3A_1677 masked %and3A_1673 : memref<64xi32, #tpu.memory_space<vmem>>[vector<16xi32>], vector<16xi32>, vector<16xi1>
        %add3A_1678 = arith.addi %add3A_1665, %all_reduce_population_count3A_870 : vector<16xi32>
        %add3A_1679 = arith.addi %add3A_1678, %masked_cumsum3A_942 : vector<16xi32>
        %sub3A_1680 = arith.constant 1 : i32
        %sub3A_1681 = vector.broadcast %sub3A_1680 : i32 to vector<16xi32>
        %sub3A_1682 = arith.subi %add3A_1679, %sub3A_1681 : vector<16xi32>
        %lt3A_1683 = arith.constant 32 : i32
        %lt3A_1684 = vector.broadcast %lt3A_1683 : i32 to vector<16xi32>
        %lt3A_1685 = arith.cmpi slt, %sub3A_1682, %lt3A_1684 : vector<16xi32>
        %and3A_1686 = arith.andi %le3A_938, %lt3A_1685 : vector<16xi1>
        %add3A_1687 = arith.constant 96 : i32
        %add3A_1688 = arith.addi %mul3A_435, %add3A_1687 : i32
        %add3A_1689 = vector.broadcast %add3A_1688 : i32 to vector<16xi32>
        %add3A_1690 = arith.addi %iota3A, %add3A_1689 : vector<16xi32>
        tpu.vector_store_idx %arg16[%sub3A_1682], %add3A_1690 masked %and3A_1686 : memref<64xi32, #tpu.memory_space<vmem>>[vector<16xi32>], vector<16xi32>, vector<16xi1>
        %add3A_1691 = arith.addi %add3A_1678, %all_reduce_population_count3A_943 : vector<16xi32>
        %add3A_1692 = arith.addi %add3A_1691, %masked_cumsum3A_1015 : vector<16xi32>
        %sub3A_1693 = arith.constant 1 : i32
        %sub3A_1694 = vector.broadcast %sub3A_1693 : i32 to vector<16xi32>
        %sub3A_1695 = arith.subi %add3A_1692, %sub3A_1694 : vector<16xi32>
        %lt3A_1696 = arith.constant 32 : i32
        %lt3A_1697 = vector.broadcast %lt3A_1696 : i32 to vector<16xi32>
        %lt3A_1698 = arith.cmpi slt, %sub3A_1695, %lt3A_1697 : vector<16xi32>
        %and3A_1699 = arith.andi %le3A_1011, %lt3A_1698 : vector<16xi1>
        %add3A_1700 = arith.constant 112 : i32
        %add3A_1701 = arith.addi %mul3A_435, %add3A_1700 : i32
        %add3A_1702 = vector.broadcast %add3A_1701 : i32 to vector<16xi32>
        %add3A_1703 = arith.addi %iota3A, %add3A_1702 : vector<16xi32>
        tpu.vector_store_idx %arg16[%sub3A_1695], %add3A_1703 masked %and3A_1699 : memref<64xi32, #tpu.memory_space<vmem>>[vector<16xi32>], vector<16xi32>, vector<16xi1>
        %add3A_1704 = arith.addi %add3A_1691, %all_reduce_population_count3A_1016 : vector<16xi32>
        %add3A_1705 = arith.addi %add3A_1704, %masked_cumsum3A_1088 : vector<16xi32>
        %sub3A_1706 = arith.constant 1 : i32
        %sub3A_1707 = vector.broadcast %sub3A_1706 : i32 to vector<16xi32>
        %sub3A_1708 = arith.subi %add3A_1705, %sub3A_1707 : vector<16xi32>
        %lt3A_1709 = arith.constant 32 : i32
        %lt3A_1710 = vector.broadcast %lt3A_1709 : i32 to vector<16xi32>
        %lt3A_1711 = arith.cmpi slt, %sub3A_1708, %lt3A_1710 : vector<16xi32>
        %and3A_1712 = arith.andi %le3A_1084, %lt3A_1711 : vector<16xi1>
        %add3A_1713 = arith.constant 128 : i32
        %add3A_1714 = arith.addi %mul3A_435, %add3A_1713 : i32
        %add3A_1715 = vector.broadcast %add3A_1714 : i32 to vector<16xi32>
        %add3A_1716 = arith.addi %iota3A, %add3A_1715 : vector<16xi32>
        tpu.vector_store_idx %arg16[%sub3A_1708], %add3A_1716 masked %and3A_1712 : memref<64xi32, #tpu.memory_space<vmem>>[vector<16xi32>], vector<16xi32>, vector<16xi1>
        %add3A_1717 = arith.addi %add3A_1704, %all_reduce_population_count3A_1089 : vector<16xi32>
        %add3A_1718 = arith.addi %add3A_1717, %masked_cumsum3A_1161 : vector<16xi32>
        %sub3A_1719 = arith.constant 1 : i32
        %sub3A_1720 = vector.broadcast %sub3A_1719 : i32 to vector<16xi32>
        %sub3A_1721 = arith.subi %add3A_1718, %sub3A_1720 : vector<16xi32>
        %lt3A_1722 = arith.constant 32 : i32
        %lt3A_1723 = vector.broadcast %lt3A_1722 : i32 to vector<16xi32>
        %lt3A_1724 = arith.cmpi slt, %sub3A_1721, %lt3A_1723 : vector<16xi32>
        %and3A_1725 = arith.andi %le3A_1157, %lt3A_1724 : vector<16xi1>
        %add3A_1726 = arith.constant 144 : i32
        %add3A_1727 = arith.addi %mul3A_435, %add3A_1726 : i32
        %add3A_1728 = vector.broadcast %add3A_1727 : i32 to vector<16xi32>
        %add3A_1729 = arith.addi %iota3A, %add3A_1728 : vector<16xi32>
        tpu.vector_store_idx %arg16[%sub3A_1721], %add3A_1729 masked %and3A_1725 : memref<64xi32, #tpu.memory_space<vmem>>[vector<16xi32>], vector<16xi32>, vector<16xi1>
        %add3A_1730 = arith.addi %add3A_1717, %all_reduce_population_count3A_1162 : vector<16xi32>
        %add3A_1731 = arith.addi %add3A_1730, %masked_cumsum3A_1234 : vector<16xi32>
        %sub3A_1732 = arith.constant 1 : i32
        %sub3A_1733 = vector.broadcast %sub3A_1732 : i32 to vector<16xi32>
        %sub3A_1734 = arith.subi %add3A_1731, %sub3A_1733 : vector<16xi32>
        %lt3A_1735 = arith.constant 32 : i32
        %lt3A_1736 = vector.broadcast %lt3A_1735 : i32 to vector<16xi32>
        %lt3A_1737 = arith.cmpi slt, %sub3A_1734, %lt3A_1736 : vector<16xi32>
        %and3A_1738 = arith.andi %le3A_1230, %lt3A_1737 : vector<16xi1>
        %add3A_1739 = arith.constant 160 : i32
        %add3A_1740 = arith.addi %mul3A_435, %add3A_1739 : i32
        %add3A_1741 = vector.broadcast %add3A_1740 : i32 to vector<16xi32>
        %add3A_1742 = arith.addi %iota3A, %add3A_1741 : vector<16xi32>
        tpu.vector_store_idx %arg16[%sub3A_1734], %add3A_1742 masked %and3A_1738 : memref<64xi32, #tpu.memory_space<vmem>>[vector<16xi32>], vector<16xi32>, vector<16xi1>
        %add3A_1743 = arith.addi %add3A_1730, %all_reduce_population_count3A_1235 : vector<16xi32>
        %add3A_1744 = arith.addi %add3A_1743, %masked_cumsum3A_1307 : vector<16xi32>
        %sub3A_1745 = arith.constant 1 : i32
        %sub3A_1746 = vector.broadcast %sub3A_1745 : i32 to vector<16xi32>
        %sub3A_1747 = arith.subi %add3A_1744, %sub3A_1746 : vector<16xi32>
        %lt3A_1748 = arith.constant 32 : i32
        %lt3A_1749 = vector.broadcast %lt3A_1748 : i32 to vector<16xi32>
        %lt3A_1750 = arith.cmpi slt, %sub3A_1747, %lt3A_1749 : vector<16xi32>
        %and3A_1751 = arith.andi %le3A_1303, %lt3A_1750 : vector<16xi1>
        %add3A_1752 = arith.constant 176 : i32
        %add3A_1753 = arith.addi %mul3A_435, %add3A_1752 : i32
        %add3A_1754 = vector.broadcast %add3A_1753 : i32 to vector<16xi32>
        %add3A_1755 = arith.addi %iota3A, %add3A_1754 : vector<16xi32>
        tpu.vector_store_idx %arg16[%sub3A_1747], %add3A_1755 masked %and3A_1751 : memref<64xi32, #tpu.memory_space<vmem>>[vector<16xi32>], vector<16xi32>, vector<16xi1>
        %add3A_1756 = arith.addi %add3A_1743, %all_reduce_population_count3A_1308 : vector<16xi32>
        %add3A_1757 = arith.addi %add3A_1756, %masked_cumsum3A_1380 : vector<16xi32>
        %sub3A_1758 = arith.constant 1 : i32
        %sub3A_1759 = vector.broadcast %sub3A_1758 : i32 to vector<16xi32>
        %sub3A_1760 = arith.subi %add3A_1757, %sub3A_1759 : vector<16xi32>
        %lt3A_1761 = arith.constant 32 : i32
        %lt3A_1762 = vector.broadcast %lt3A_1761 : i32 to vector<16xi32>
        %lt3A_1763 = arith.cmpi slt, %sub3A_1760, %lt3A_1762 : vector<16xi32>
        %and3A_1764 = arith.andi %le3A_1376, %lt3A_1763 : vector<16xi1>
        %add3A_1765 = arith.constant 192 : i32
        %add3A_1766 = arith.addi %mul3A_435, %add3A_1765 : i32
        %add3A_1767 = vector.broadcast %add3A_1766 : i32 to vector<16xi32>
        %add3A_1768 = arith.addi %iota3A, %add3A_1767 : vector<16xi32>
        tpu.vector_store_idx %arg16[%sub3A_1760], %add3A_1768 masked %and3A_1764 : memref<64xi32, #tpu.memory_space<vmem>>[vector<16xi32>], vector<16xi32>, vector<16xi1>
        %add3A_1769 = arith.addi %add3A_1756, %all_reduce_population_count3A_1381 : vector<16xi32>
        %add3A_1770 = arith.addi %add3A_1769, %masked_cumsum3A_1453 : vector<16xi32>
        %sub3A_1771 = arith.constant 1 : i32
        %sub3A_1772 = vector.broadcast %sub3A_1771 : i32 to vector<16xi32>
        %sub3A_1773 = arith.subi %add3A_1770, %sub3A_1772 : vector<16xi32>
        %lt3A_1774 = arith.constant 32 : i32
        %lt3A_1775 = vector.broadcast %lt3A_1774 : i32 to vector<16xi32>
        %lt3A_1776 = arith.cmpi slt, %sub3A_1773, %lt3A_1775 : vector<16xi32>
        %and3A_1777 = arith.andi %le3A_1449, %lt3A_1776 : vector<16xi1>
        %add3A_1778 = arith.constant 208 : i32
        %add3A_1779 = arith.addi %mul3A_435, %add3A_1778 : i32
        %add3A_1780 = vector.broadcast %add3A_1779 : i32 to vector<16xi32>
        %add3A_1781 = arith.addi %iota3A, %add3A_1780 : vector<16xi32>
        tpu.vector_store_idx %arg16[%sub3A_1773], %add3A_1781 masked %and3A_1777 : memref<64xi32, #tpu.memory_space<vmem>>[vector<16xi32>], vector<16xi32>, vector<16xi1>
        %add3A_1782 = arith.addi %add3A_1769, %all_reduce_population_count3A_1454 : vector<16xi32>
        %add3A_1783 = arith.addi %add3A_1782, %masked_cumsum3A_1526 : vector<16xi32>
        %sub3A_1784 = arith.constant 1 : i32
        %sub3A_1785 = vector.broadcast %sub3A_1784 : i32 to vector<16xi32>
        %sub3A_1786 = arith.subi %add3A_1783, %sub3A_1785 : vector<16xi32>
        %lt3A_1787 = arith.constant 32 : i32
        %lt3A_1788 = vector.broadcast %lt3A_1787 : i32 to vector<16xi32>
        %lt3A_1789 = arith.cmpi slt, %sub3A_1786, %lt3A_1788 : vector<16xi32>
        %and3A_1790 = arith.andi %le3A_1522, %lt3A_1789 : vector<16xi1>
        %add3A_1791 = arith.constant 224 : i32
        %add3A_1792 = arith.addi %mul3A_435, %add3A_1791 : i32
        %add3A_1793 = vector.broadcast %add3A_1792 : i32 to vector<16xi32>
        %add3A_1794 = arith.addi %iota3A, %add3A_1793 : vector<16xi32>
        tpu.vector_store_idx %arg16[%sub3A_1786], %add3A_1794 masked %and3A_1790 : memref<64xi32, #tpu.memory_space<vmem>>[vector<16xi32>], vector<16xi32>, vector<16xi1>
        %add3A_1795 = arith.addi %add3A_1782, %all_reduce_population_count3A_1527 : vector<16xi32>
        %add3A_1796 = arith.addi %add3A_1795, %masked_cumsum3A_1599 : vector<16xi32>
        %sub3A_1797 = arith.constant 1 : i32
        %sub3A_1798 = vector.broadcast %sub3A_1797 : i32 to vector<16xi32>
        %sub3A_1799 = arith.subi %add3A_1796, %sub3A_1798 : vector<16xi32>
        %lt3A_1800 = arith.constant 32 : i32
        %lt3A_1801 = vector.broadcast %lt3A_1800 : i32 to vector<16xi32>
        %lt3A_1802 = arith.cmpi slt, %sub3A_1799, %lt3A_1801 : vector<16xi32>
        %and3A_1803 = arith.andi %le3A_1595, %lt3A_1802 : vector<16xi1>
        %add3A_1804 = arith.constant 240 : i32
        %add3A_1805 = arith.addi %mul3A_435, %add3A_1804 : i32
        %add3A_1806 = vector.broadcast %add3A_1805 : i32 to vector<16xi32>
        %add3A_1807 = arith.addi %iota3A, %add3A_1806 : vector<16xi32>
        tpu.vector_store_idx %arg16[%sub3A_1799], %add3A_1807 masked %and3A_1803 : memref<64xi32, #tpu.memory_space<vmem>>[vector<16xi32>], vector<16xi32>, vector<16xi1>
        %add3A_1808 = arith.addi %add3A_1795, %all_reduce_population_count3A_1600 : vector<16xi32>
        %add3A_1809 = arith.constant 1 : i32
        %add3A_1810 = arith.addi %while3A_432, %add3A_1809 : i32
        scf.yield %add3A_1810, %add3A_1808 : i32, vector<16xi32>
      }
      %gather3A_224 = tpu.vector_load_idx %arg16[%broadcast_in_dim3A_80] : memref<64xi32, #tpu.memory_space<vmem>>[vector<16xi32>], vector<16xi32>,
      %eq3A_225 = arith.constant 0 : i32
      %eq3A_226 = vector.broadcast %eq3A_225 : i32 to vector<16xi32>
      %eq3A_227 = arith.cmpi eq, %while3A_223#1, %eq3A_226 : vector<16xi32>
      %broadcast_in_dim3A_228 = arith.constant 16383 : i32
      %broadcast_in_dim3A_229 = vector.broadcast %broadcast_in_dim3A_228 : i32 to vector<16xi32>
      %select_n3A_230 = arith.select %eq3A_227, %broadcast_in_dim3A_229, %gather3A_224 : vector<16xi1>, vector<16xi32>
      %add3A_231 = arith.constant 0 : i32
      %add3A_232 = vector.broadcast %add3A_231 : i32 to vector<16xi32>
      %add3A_233 = arith.addi %iota3A, %add3A_232 : vector<16xi32>
      %get3A_234 = arith.constant 0 : index
      %get3A_235 = tpu.vector_load %arg16[%get3A_234] {strides = array<i32>} : memref<64xi32, #tpu.memory_space<vmem>>, vector<16xi32>,
      %lt3A_236 = arith.cmpi slt, %add3A_233, %while3A_223#1 : vector<16xi32>
      %select_n3A_237 = arith.select %lt3A_236, %get3A_235, %select_n3A_230 : vector<16xi1>, vector<16xi32>
      %mul3A_238 = arith.constant 16384 : i32
      %mul3A_239 = arith.muli %select_n3A, %mul3A_238 : i32
      %add3A_240 = vector.broadcast %mul3A_239 : i32 to vector<16xi32>
      %add3A_241 = arith.addi %select_n3A_237, %add3A_240 : vector<16xi32>
      %swap3A = arith.constant 0 : index
      %swap3A_242 = tpu.vector_load %arg17[%swap3A] {strides = array<i32>} : memref<32xi32, #tpu.memory_space<vmem>>, vector<16xi32>,
      tpu.vector_store %arg17[%swap3A], %add3A_241 {strides = array<i32>} : memref<32xi32, #tpu.memory_space<vmem>>, vector<16xi32>,
      %add3A_243 = arith.constant 16 : i32
      %add3A_244 = vector.broadcast %add3A_243 : i32 to vector<16xi32>
      %add3A_245 = arith.addi %iota3A, %add3A_244 : vector<16xi32>
      %get3A_246 = arith.constant 16 : index
      %get3A_247 = tpu.vector_load %arg16[%get3A_246] {strides = array<i32>} : memref<64xi32, #tpu.memory_space<vmem>>, vector<16xi32>,
      %lt3A_248 = arith.cmpi slt, %add3A_245, %while3A_223#1 : vector<16xi32>
      %select_n3A_249 = arith.select %lt3A_248, %get3A_247, %select_n3A_230 : vector<16xi1>, vector<16xi32>
      %mul3A_250 = arith.constant 16384 : i32
      %mul3A_251 = arith.muli %select_n3A, %mul3A_250 : i32
      %add3A_252 = vector.broadcast %mul3A_251 : i32 to vector<16xi32>
      %add3A_253 = arith.addi %select_n3A_249, %add3A_252 : vector<16xi32>
      %swap3A_254 = arith.constant 16 : index
      %swap3A_255 = tpu.vector_load %arg17[%swap3A_254] {strides = array<i32>} : memref<32xi32, #tpu.memory_space<vmem>>, vector<16xi32>,
      tpu.vector_store %arg17[%swap3A_254], %add3A_253 {strides = array<i32>} : memref<32xi32, #tpu.memory_space<vmem>>, vector<16xi32>,
      %gt3A = arith.constant 0 : i32
      %gt3A_256 = arith.cmpi sgt, %scan3A_170, %gt3A : i32
      %convert_element_type3A = arith.extui %gt3A_256 : i1 to i32
      %cond3A = arith.constant 0 : i32
      %cond3A_257 = arith.cmpi ne, %convert_element_type3A, %cond3A : i32
      scf.if %cond3A_257 {
        %dma_wait3A_432 = arith.constant 0 : i32
        %dma_wait3A_433 = arith.constant 0 : i32
        %dma_wait3A_434 = tpu.memref_slice %arg2[%dma_wait3A_432, %dma_wait3A_433] : memref<32768x128xf32, #tpu.memory_space<hbm>> -> memref<32768x128xf32, #tpu.memory_space<hbm>>
        tpu.wait_indirect_dma semaphore(%arg22 : memref<!tpu.dma_semaphore, #tpu.memory_space<semaphore_mem>>) src(%dma_wait3A_434 : memref<32768x128xf32, #tpu.memory_space<hbm>>) dst(%arg20 : memref<32x128xf32, #tpu.memory_space<vmem>>)
        %sub3A_435 = arith.constant 1 : i32
        %sub3A_436 = arith.subi %mul3A_172, %sub3A_435 : i32
        %broadcast_in_dim3A_437 = vector.broadcast %sub3A_436 : i32 to vector<16xi32>
        %gather3A_438 = tpu.vector_load_idx %arg12[%broadcast_in_dim3A_437] : memref<64xf32, #tpu.memory_space<vmem>>[vector<16xi32>], vector<16xf32>,
        %gather3A_439 = tpu.vector_load_idx %arg13[%broadcast_in_dim3A_437] : memref<64xf32, #tpu.memory_space<vmem>>[vector<16xi32>], vector<16xf32>,
        %gather3A_440 = tpu.vector_load_idx %arg14[%broadcast_in_dim3A_437] : memref<64xf32, #tpu.memory_space<vmem>>[vector<16xi32>], vector<16xf32>,
        %add3A_441 = arith.constant 0 : i32
        %add3A_442 = vector.broadcast %add3A_441 : i32 to vector<16xi32>
        %add3A_443 = arith.addi %iota3A, %add3A_442 : vector<16xi32>
        %get3A_444 = arith.constant 0 : index
        %get3A_445 = tpu.vector_load %arg18[%get3A_444] {strides = array<i32>} : memref<32xi32, #tpu.memory_space<vmem>>, vector<16xi32>,
        %mul3A_446 = arith.constant 16384 : i32
        %mul3A_447 = arith.muli %select_n3A, %mul3A_446 : i32
        %sub3A_448 = vector.broadcast %mul3A_447 : i32 to vector<16xi32>
        %sub3A_449 = arith.subi %get3A_445, %sub3A_448 : vector<16xi32>
        %gather3A_450 = tpu.vector_load_idx %arg8[%sub3A_449] : memref<16384xf32, #tpu.memory_space<vmem>>[vector<16xi32>], vector<16xf32>,
        %gather3A_451 = tpu.vector_load_idx %arg9[%sub3A_449] : memref<16384xf32, #tpu.memory_space<vmem>>[vector<16xi32>], vector<16xf32>,
        %gather3A_452 = tpu.vector_load_idx %arg10[%sub3A_449] : memref<16384xf32, #tpu.memory_space<vmem>>[vector<16xi32>], vector<16xf32>,
        %broadcast_in_dim3A_453 = arith.constant 0 : i32
        %broadcast_in_dim3A_454 = vector.broadcast %broadcast_in_dim3A_453 : i32 to vector<16xi32>
        %add3A_455 = arith.constant 68 : i32
        %add3A_456 = vector.broadcast %add3A_455 : i32 to vector<16xi32>
        %add3A_457 = arith.addi %broadcast_in_dim3A_454, %add3A_456 : vector<16xi32>
        %gather3A_458 = tpu.vector_load_idx %arg20[%add3A_443, %add3A_457] : memref<32x128xf32, #tpu.memory_space<vmem>>[vector<16xi32>, vector<16xi32>], vector<16xf32>,
        %sub3A_459 = arith.subf %gather3A_450, %gather3A_438 : vector<16xf32>
        tpu.vector_store_idx %arg20[%add3A_443, %broadcast_in_dim3A_454], %sub3A_459 : memref<32x128xf32, #tpu.memory_space<vmem>>[vector<16xi32>, vector<16xi32>], vector<16xf32>,
        %add3A_460 = arith.constant 1 : i32
        %add3A_461 = vector.broadcast %add3A_460 : i32 to vector<16xi32>
        %add3A_462 = arith.addi %broadcast_in_dim3A_454, %add3A_461 : vector<16xi32>
        %sub3A_463 = arith.subf %gather3A_451, %gather3A_439 : vector<16xf32>
        tpu.vector_store_idx %arg20[%add3A_443, %add3A_462], %sub3A_463 : memref<32x128xf32, #tpu.memory_space<vmem>>[vector<16xi32>, vector<16xi32>], vector<16xf32>,
        %add3A_464 = arith.constant 2 : i32
        %add3A_465 = vector.broadcast %add3A_464 : i32 to vector<16xi32>
        %add3A_466 = arith.addi %broadcast_in_dim3A_454, %add3A_465 : vector<16xi32>
        %sub3A_467 = arith.subf %gather3A_452, %gather3A_440 : vector<16xf32>
        tpu.vector_store_idx %arg20[%add3A_443, %add3A_466], %sub3A_467 : memref<32x128xf32, #tpu.memory_space<vmem>>[vector<16xi32>, vector<16xi32>], vector<16xf32>,
        %add3A_468 = arith.constant 3 : i32
        %add3A_469 = vector.broadcast %add3A_468 : i32 to vector<16xi32>
        %add3A_470 = arith.addi %broadcast_in_dim3A_454, %add3A_469 : vector<16xi32>
        tpu.vector_store_idx %arg20[%add3A_443, %add3A_470], %gather3A_458 : memref<32x128xf32, #tpu.memory_space<vmem>>[vector<16xi32>, vector<16xi32>], vector<16xf32>,
        %add3A_471 = arith.constant 16 : i32
        %add3A_472 = vector.broadcast %add3A_471 : i32 to vector<16xi32>
        %add3A_473 = arith.addi %iota3A, %add3A_472 : vector<16xi32>
        %get3A_474 = arith.constant 16 : index
        %get3A_475 = tpu.vector_load %arg18[%get3A_474] {strides = array<i32>} : memref<32xi32, #tpu.memory_space<vmem>>, vector<16xi32>,
        %mul3A_476 = arith.constant 16384 : i32
        %mul3A_477 = arith.muli %select_n3A, %mul3A_476 : i32
        %sub3A_478 = vector.broadcast %mul3A_477 : i32 to vector<16xi32>
        %sub3A_479 = arith.subi %get3A_475, %sub3A_478 : vector<16xi32>
        %gather3A_480 = tpu.vector_load_idx %arg8[%sub3A_479] : memref<16384xf32, #tpu.memory_space<vmem>>[vector<16xi32>], vector<16xf32>,
        %gather3A_481 = tpu.vector_load_idx %arg9[%sub3A_479] : memref<16384xf32, #tpu.memory_space<vmem>>[vector<16xi32>], vector<16xf32>,
        %gather3A_482 = tpu.vector_load_idx %arg10[%sub3A_479] : memref<16384xf32, #tpu.memory_space<vmem>>[vector<16xi32>], vector<16xf32>,
        %broadcast_in_dim3A_483 = arith.constant 0 : i32
        %broadcast_in_dim3A_484 = vector.broadcast %broadcast_in_dim3A_483 : i32 to vector<16xi32>
        %add3A_485 = arith.constant 68 : i32
        %add3A_486 = vector.broadcast %add3A_485 : i32 to vector<16xi32>
        %add3A_487 = arith.addi %broadcast_in_dim3A_484, %add3A_486 : vector<16xi32>
        %gather3A_488 = tpu.vector_load_idx %arg20[%add3A_473, %add3A_487] : memref<32x128xf32, #tpu.memory_space<vmem>>[vector<16xi32>, vector<16xi32>], vector<16xf32>,
        %sub3A_489 = arith.subf %gather3A_480, %gather3A_438 : vector<16xf32>
        tpu.vector_store_idx %arg20[%add3A_473, %broadcast_in_dim3A_484], %sub3A_489 : memref<32x128xf32, #tpu.memory_space<vmem>>[vector<16xi32>, vector<16xi32>], vector<16xf32>,
        %add3A_490 = arith.constant 1 : i32
        %add3A_491 = vector.broadcast %add3A_490 : i32 to vector<16xi32>
        %add3A_492 = arith.addi %broadcast_in_dim3A_484, %add3A_491 : vector<16xi32>
        %sub3A_493 = arith.subf %gather3A_481, %gather3A_439 : vector<16xf32>
        tpu.vector_store_idx %arg20[%add3A_473, %add3A_492], %sub3A_493 : memref<32x128xf32, #tpu.memory_space<vmem>>[vector<16xi32>, vector<16xi32>], vector<16xf32>,
        %add3A_494 = arith.constant 2 : i32
        %add3A_495 = vector.broadcast %add3A_494 : i32 to vector<16xi32>
        %add3A_496 = arith.addi %broadcast_in_dim3A_484, %add3A_495 : vector<16xi32>
        %sub3A_497 = arith.subf %gather3A_482, %gather3A_440 : vector<16xf32>
        tpu.vector_store_idx %arg20[%add3A_473, %add3A_496], %sub3A_497 : memref<32x128xf32, #tpu.memory_space<vmem>>[vector<16xi32>, vector<16xi32>], vector<16xf32>,
        %add3A_498 = arith.constant 3 : i32
        %add3A_499 = vector.broadcast %add3A_498 : i32 to vector<16xi32>
        %add3A_500 = arith.addi %broadcast_in_dim3A_484, %add3A_499 : vector<16xi32>
        tpu.vector_store_idx %arg20[%add3A_473, %add3A_500], %gather3A_488 : memref<32x128xf32, #tpu.memory_space<vmem>>[vector<16xi32>, vector<16xi32>], vector<16xf32>,
        %add3A_501 = arith.addi %add3A_35, %sub3A_436 : i32
        %mul3A_502 = arith.constant 32 : i32
        %mul3A_503 = arith.muli %add3A_501, %mul3A_502 : i32
        %dma_start3A_504 = arith.constant 0 : i32
        %dma_start3A_505 = tpu.memref_slice %arg7[%mul3A_503, %dma_start3A_504] : memref<65536x128xf32, #tpu.memory_space<hbm>> -> memref<32x128xf32, #tpu.memory_space<hbm>>
        %dma_start3A_506 = arith.constant 0 : i32
        %dma_start3A_507 = tpu.memref_slice %arg7[%mul3A_503, %dma_start3A_506] : memref<65536x128xf32, #tpu.memory_space<hbm>> -> memref<32x128xf32, #tpu.memory_space<hbm>>
        tpu.enqueue_dma source(%arg20 : memref<32x128xf32, #tpu.memory_space<vmem>>) target(%dma_start3A_507 : memref<32x128xf32, #tpu.memory_space<hbm>>) target_semaphore(%arg24 : memref<!tpu.dma_semaphore, #tpu.memory_space<semaphore_mem>>)
        %dma_wait3A_508 = arith.constant 0 : i32
        %dma_wait3A_509 = arith.constant 0 : i32
        %dma_wait3A_510 = tpu.memref_slice %arg7[%dma_wait3A_508, %dma_wait3A_509] : memref<65536x128xf32, #tpu.memory_space<hbm>> -> memref<32x128xf32, #tpu.memory_space<hbm>>
        %dma_wait3A_511 = arith.constant 0 : i32
        %dma_wait3A_512 = arith.constant 0 : i32
        %dma_wait3A_513 = tpu.memref_slice %arg7[%dma_wait3A_511, %dma_wait3A_512] : memref<65536x128xf32, #tpu.memory_space<hbm>> -> memref<32x128xf32, #tpu.memory_space<hbm>>
        tpu.wait_dma2 semaphore(%arg23 : memref<!tpu.dma_semaphore, #tpu.memory_space<semaphore_mem>>) src(%arg19 : memref<32x128xf32, #tpu.memory_space<vmem>>) dst(%dma_wait3A_513 : memref<32x128xf32, #tpu.memory_space<hbm>>)
      } else {
      }
      %dma_start3A_258 = arith.constant 0 : i32
      %dma_start3A_259 = arith.constant 0 : i32
      %dma_start3A_260 = tpu.memref_slice %arg2[%dma_start3A_258, %dma_start3A_259] : memref<32768x128xf32, #tpu.memory_space<hbm>> -> memref<32768x128xf32, #tpu.memory_space<hbm>>
      tpu.enqueue_indirect_dma source(%dma_start3A_260 : memref<32768x128xf32, #tpu.memory_space<hbm>>) target(%arg19 : memref<32x128xf32, #tpu.memory_space<vmem>>) offsets(%arg17 : memref<32xi32, #tpu.memory_space<vmem>>) semaphore(%arg21 : memref<!tpu.dma_semaphore, #tpu.memory_space<semaphore_mem>>)
      %add3A_261 = arith.constant 1 : i32
      %add3A_262 = arith.addi %mul3A_172, %add3A_261 : i32
      %broadcast_in_dim3A_263 = vector.broadcast %add3A_262 : i32 to vector<16xi32>
      %gather3A_264 = tpu.vector_load_idx %arg12[%broadcast_in_dim3A_263] : memref<64xf32, #tpu.memory_space<vmem>>[vector<16xi32>], vector<16xf32>,
      %bitcast3A_265 = vector.bitcast %gather3A_264 : vector<16xf32> to vector<16xi32>
      %shift_right_logical3A_266 = arith.constant 16 : i32
      %shift_right_logical3A_267 = vector.broadcast %shift_right_logical3A_266 : i32 to vector<16xi32>
      %shift_right_logical3A_268 = arith.shrui %bitcast3A_265, %shift_right_logical3A_267 : vector<16xi32>
      %and3A_269 = arith.constant 1 : i32
      %and3A_270 = vector.broadcast %and3A_269 : i32 to vector<16xi32>
      %and3A_271 = arith.andi %shift_right_logical3A_268, %and3A_270 : vector<16xi32>
      %add3A_272 = arith.constant 32767 : i32
      %add3A_273 = vector.broadcast %add3A_272 : i32 to vector<16xi32>
      %add3A_274 = arith.addi %add3A_273, %and3A_271 : vector<16xi32>
      %add3A_275 = arith.addi %bitcast3A_265, %add3A_274 : vector<16xi32>
      %and3A_276 = arith.constant -65536 : i32
      %and3A_277 = vector.broadcast %and3A_276 : i32 to vector<16xi32>
      %and3A_278 = arith.andi %add3A_275, %and3A_277 : vector<16xi32>
      %bitcast3A_279 = vector.bitcast %and3A_278 : vector<16xi32> to vector<16xf32>
      %gather3A_280 = tpu.vector_load_idx %arg13[%broadcast_in_dim3A_263] : memref<64xf32, #tpu.memory_space<vmem>>[vector<16xi32>], vector<16xf32>,
      %bitcast3A_281 = vector.bitcast %gather3A_280 : vector<16xf32> to vector<16xi32>
      %shift_right_logical3A_282 = arith.constant 16 : i32
      %shift_right_logical3A_283 = vector.broadcast %shift_right_logical3A_282 : i32 to vector<16xi32>
      %shift_right_logical3A_284 = arith.shrui %bitcast3A_281, %shift_right_logical3A_283 : vector<16xi32>
      %and3A_285 = arith.constant 1 : i32
      %and3A_286 = vector.broadcast %and3A_285 : i32 to vector<16xi32>
      %and3A_287 = arith.andi %shift_right_logical3A_284, %and3A_286 : vector<16xi32>
      %add3A_288 = arith.constant 32767 : i32
      %add3A_289 = vector.broadcast %add3A_288 : i32 to vector<16xi32>
      %add3A_290 = arith.addi %add3A_289, %and3A_287 : vector<16xi32>
      %add3A_291 = arith.addi %bitcast3A_281, %add3A_290 : vector<16xi32>
      %and3A_292 = arith.constant -65536 : i32
      %and3A_293 = vector.broadcast %and3A_292 : i32 to vector<16xi32>
      %and3A_294 = arith.andi %add3A_291, %and3A_293 : vector<16xi32>
      %bitcast3A_295 = vector.bitcast %and3A_294 : vector<16xi32> to vector<16xf32>
      %gather3A_296 = tpu.vector_load_idx %arg14[%broadcast_in_dim3A_263] : memref<64xf32, #tpu.memory_space<vmem>>[vector<16xi32>], vector<16xf32>,
      %bitcast3A_297 = vector.bitcast %gather3A_296 : vector<16xf32> to vector<16xi32>
      %shift_right_logical3A_298 = arith.constant 16 : i32
      %shift_right_logical3A_299 = vector.broadcast %shift_right_logical3A_298 : i32 to vector<16xi32>
      %shift_right_logical3A_300 = arith.shrui %bitcast3A_297, %shift_right_logical3A_299 : vector<16xi32>
      %and3A_301 = arith.constant 1 : i32
      %and3A_302 = vector.broadcast %and3A_301 : i32 to vector<16xi32>
      %and3A_303 = arith.andi %shift_right_logical3A_300, %and3A_302 : vector<16xi32>
      %add3A_304 = arith.constant 32767 : i32
      %add3A_305 = vector.broadcast %add3A_304 : i32 to vector<16xi32>
      %add3A_306 = arith.addi %add3A_305, %and3A_303 : vector<16xi32>
      %add3A_307 = arith.addi %bitcast3A_297, %add3A_306 : vector<16xi32>
      %and3A_308 = arith.constant -65536 : i32
      %and3A_309 = vector.broadcast %and3A_308 : i32 to vector<16xi32>
      %and3A_310 = arith.andi %add3A_307, %and3A_309 : vector<16xi32>
      %bitcast3A_311 = vector.bitcast %and3A_310 : vector<16xi32> to vector<16xf32>
      %gather3A_312 = tpu.vector_load_idx %arg15[%broadcast_in_dim3A_263] : memref<64xf32, #tpu.memory_space<vmem>>[vector<16xi32>], vector<16xf32>,
      %broadcast_in_dim3A_313 = arith.constant 0 : i32
      %broadcast_in_dim3A_314 = vector.broadcast %broadcast_in_dim3A_313 : i32 to vector<16xi32>
      %while3A_315 = arith.constant 0 : i32
      %while3A_316:2 = scf.while (%while3A_432 = %while3A_315, %while3A_433 = %broadcast_in_dim3A_314) : (i32, vector<16xi32>) -> (i32, vector<16xi32>) {
        %lt3A_434 = arith.constant 32 : i32
        %lt3A_435 = vector.broadcast %lt3A_434 : i32 to vector<16xi32>
        %lt3A_436 = arith.cmpi slt, %while3A_433, %lt3A_435 : vector<16xi32>
        %reduce_and3A = arith.constant 1.000000e+00 : f32
        %reduce_and3A_437 = arith.constant 0.000000e+00 : f32
        %reduce_and3A_438 = vector.broadcast %reduce_and3A : f32 to vector<16xf32>
        %reduce_and3A_439 = vector.broadcast %reduce_and3A_437 : f32 to vector<16xf32>
        %reduce_and3A_440 = arith.select %lt3A_436, %reduce_and3A_438, %reduce_and3A_439 : vector<16xi1>, vector<16xf32>
        %reduce_and3A_441 = arith.constant true
        %reduce_and3A_442 = vector.broadcast %reduce_and3A_441 : i1 to vector<16xi1>
        %reduce_and3A_443 = tpu.scan <min>, %reduce_and3A_440 masked %reduce_and3A_442 : vector<16xf32>, vector<16xi1> -> vector<16xf32>
        %reduce_and3A_444 = vector.extract %reduce_and3A_443[15] : f32 from vector<16xf32>
        %reduce_and3A_445 = arith.constant 0.000000e+00 : f32
        %reduce_and3A_446 = arith.cmpf ogt, %reduce_and3A_444, %reduce_and3A_445 : f32
        %lt3A_447 = arith.constant 64 : i32
        %lt3A_448 = arith.cmpi slt, %while3A_432, %lt3A_447 : i32
        %and3A_449 = arith.andi %reduce_and3A_446, %lt3A_448 : i1
        scf.condition(%and3A_449) %while3A_432, %while3A_433 : i32, vector<16xi32>
      } do {
      ^bb0(%while3A_432: i32, %while3A_433: vector<16xi32>):
        %mul3A_434 = arith.constant 256 : i32
        %mul3A_435 = arith.muli %while3A_432, %mul3A_434 : i32
        %add3A_436 = arith.constant 0 : i32
        %add3A_437 = arith.addi %mul3A_435, %add3A_436 : i32
        %get3A_438 = arith.index_cast %add3A_437 : i32 to index
        %get3A_439 = tpu.vector_load %arg8[%get3A_438] {strides = array<i32>} : memref<16384xf32, #tpu.memory_space<vmem>>, vector<16xf32>,
        %bitcast3A_440 = vector.bitcast %get3A_439 : vector<16xf32> to vector<16xi32>
        %shift_right_logical3A_441 = arith.constant 16 : i32
        %shift_right_logical3A_442 = vector.broadcast %shift_right_logical3A_441 : i32 to vector<16xi32>
        %shift_right_logical3A_443 = arith.shrui %bitcast3A_440, %shift_right_logical3A_442 : vector<16xi32>
        %and3A_444 = arith.constant 1 : i32
        %and3A_445 = vector.broadcast %and3A_444 : i32 to vector<16xi32>
        %and3A_446 = arith.andi %shift_right_logical3A_443, %and3A_445 : vector<16xi32>
        %add3A_447 = arith.constant 32767 : i32
        %add3A_448 = vector.broadcast %add3A_447 : i32 to vector<16xi32>
        %add3A_449 = arith.addi %add3A_448, %and3A_446 : vector<16xi32>
        %add3A_450 = arith.addi %bitcast3A_440, %add3A_449 : vector<16xi32>
        %and3A_451 = arith.constant -65536 : i32
        %and3A_452 = vector.broadcast %and3A_451 : i32 to vector<16xi32>
        %and3A_453 = arith.andi %add3A_450, %and3A_452 : vector<16xi32>
        %bitcast3A_454 = vector.bitcast %and3A_453 : vector<16xi32> to vector<16xf32>
        %get3A_455 = arith.index_cast %add3A_437 : i32 to index
        %get3A_456 = tpu.vector_load %arg9[%get3A_455] {strides = array<i32>} : memref<16384xf32, #tpu.memory_space<vmem>>, vector<16xf32>,
        %bitcast3A_457 = vector.bitcast %get3A_456 : vector<16xf32> to vector<16xi32>
        %shift_right_logical3A_458 = arith.constant 16 : i32
        %shift_right_logical3A_459 = vector.broadcast %shift_right_logical3A_458 : i32 to vector<16xi32>
        %shift_right_logical3A_460 = arith.shrui %bitcast3A_457, %shift_right_logical3A_459 : vector<16xi32>
        %and3A_461 = arith.constant 1 : i32
        %and3A_462 = vector.broadcast %and3A_461 : i32 to vector<16xi32>
        %and3A_463 = arith.andi %shift_right_logical3A_460, %and3A_462 : vector<16xi32>
        %add3A_464 = arith.constant 32767 : i32
        %add3A_465 = vector.broadcast %add3A_464 : i32 to vector<16xi32>
        %add3A_466 = arith.addi %add3A_465, %and3A_463 : vector<16xi32>
        %add3A_467 = arith.addi %bitcast3A_457, %add3A_466 : vector<16xi32>
        %and3A_468 = arith.constant -65536 : i32
        %and3A_469 = vector.broadcast %and3A_468 : i32 to vector<16xi32>
        %and3A_470 = arith.andi %add3A_467, %and3A_469 : vector<16xi32>
        %bitcast3A_471 = vector.bitcast %and3A_470 : vector<16xi32> to vector<16xf32>
        %get3A_472 = arith.index_cast %add3A_437 : i32 to index
        %get3A_473 = tpu.vector_load %arg10[%get3A_472] {strides = array<i32>} : memref<16384xf32, #tpu.memory_space<vmem>>, vector<16xf32>,
        %bitcast3A_474 = vector.bitcast %get3A_473 : vector<16xf32> to vector<16xi32>
        %shift_right_logical3A_475 = arith.constant 16 : i32
        %shift_right_logical3A_476 = vector.broadcast %shift_right_logical3A_475 : i32 to vector<16xi32>
        %shift_right_logical3A_477 = arith.shrui %bitcast3A_474, %shift_right_logical3A_476 : vector<16xi32>
        %and3A_478 = arith.constant 1 : i32
        %and3A_479 = vector.broadcast %and3A_478 : i32 to vector<16xi32>
        %and3A_480 = arith.andi %shift_right_logical3A_477, %and3A_479 : vector<16xi32>
        %add3A_481 = arith.constant 32767 : i32
        %add3A_482 = vector.broadcast %add3A_481 : i32 to vector<16xi32>
        %add3A_483 = arith.addi %add3A_482, %and3A_480 : vector<16xi32>
        %add3A_484 = arith.addi %bitcast3A_474, %add3A_483 : vector<16xi32>
        %and3A_485 = arith.constant -65536 : i32
        %and3A_486 = vector.broadcast %and3A_485 : i32 to vector<16xi32>
        %and3A_487 = arith.andi %add3A_484, %and3A_486 : vector<16xi32>
        %bitcast3A_488 = vector.bitcast %and3A_487 : vector<16xi32> to vector<16xf32>
        %get3A_489 = arith.index_cast %add3A_437 : i32 to index
        %get3A_490 = tpu.vector_load %arg11[%get3A_489] {strides = array<i32>} : memref<16384xf32, #tpu.memory_space<vmem>>, vector<16xf32>,
        %mul3A_491 = arith.mulf %bitcast3A_279, %bitcast3A_454 : vector<16xf32>
        %mul3A_492 = arith.mulf %bitcast3A_295, %bitcast3A_471 : vector<16xf32>
        %add3A_493 = arith.addf %mul3A_491, %mul3A_492 : vector<16xf32>
        %mul3A_494 = arith.mulf %bitcast3A_311, %bitcast3A_488 : vector<16xf32>
        %add3A_495 = arith.addf %add3A_493, %mul3A_494 : vector<16xf32>
        %mul3A_496 = arith.constant -2.000000e+00 : f32
        %mul3A_497 = vector.broadcast %mul3A_496 : f32 to vector<16xf32>
        %mul3A_498 = arith.mulf %mul3A_497, %add3A_495 : vector<16xf32>
        %add3A_499 = arith.addf %mul3A_498, %gather3A_312 : vector<16xf32>
        %add3A_500 = arith.addf %add3A_499, %get3A_490 : vector<16xf32>
        %le3A = arith.constant 4.000000e-02 : f32
        %le3A_501 = vector.broadcast %le3A : f32 to vector<16xf32>
        %le3A_502 = arith.cmpf ole, %add3A_500, %le3A_501 : vector<16xf32>
        %convert_element_type3A_503 = arith.extui %le3A_502 : vector<16xi1> to vector<16xi32>
        %broadcast_in_dim3A_504 = arith.constant true
        %broadcast_in_dim3A_505 = vector.broadcast %broadcast_in_dim3A_504 : i1 to vector<16xi1>
        %masked_cumsum3A = tpu.scan <sum>, %convert_element_type3A_503 masked %broadcast_in_dim3A_505 : vector<16xi32>, vector<16xi1> -> vector<16xi32>
        %all_reduce_population_count3A = tpu.all_reduce %le3A_502 {dim = 0 : i64, kind = #tpu.reduction_kind<sum>} : vector<16xi1> -> vector<16xi32>
        %add3A_506 = arith.constant 16 : i32
        %add3A_507 = arith.addi %mul3A_435, %add3A_506 : i32
        %get3A_508 = arith.index_cast %add3A_507 : i32 to index
        %get3A_509 = tpu.vector_load %arg8[%get3A_508] {strides = array<i32>} : memref<16384xf32, #tpu.memory_space<vmem>>, vector<16xf32>,
        %bitcast3A_510 = vector.bitcast %get3A_509 : vector<16xf32> to vector<16xi32>
        %shift_right_logical3A_511 = arith.constant 16 : i32
        %shift_right_logical3A_512 = vector.broadcast %shift_right_logical3A_511 : i32 to vector<16xi32>
        %shift_right_logical3A_513 = arith.shrui %bitcast3A_510, %shift_right_logical3A_512 : vector<16xi32>
        %and3A_514 = arith.constant 1 : i32
        %and3A_515 = vector.broadcast %and3A_514 : i32 to vector<16xi32>
        %and3A_516 = arith.andi %shift_right_logical3A_513, %and3A_515 : vector<16xi32>
        %add3A_517 = arith.constant 32767 : i32
        %add3A_518 = vector.broadcast %add3A_517 : i32 to vector<16xi32>
        %add3A_519 = arith.addi %add3A_518, %and3A_516 : vector<16xi32>
        %add3A_520 = arith.addi %bitcast3A_510, %add3A_519 : vector<16xi32>
        %and3A_521 = arith.constant -65536 : i32
        %and3A_522 = vector.broadcast %and3A_521 : i32 to vector<16xi32>
        %and3A_523 = arith.andi %add3A_520, %and3A_522 : vector<16xi32>
        %bitcast3A_524 = vector.bitcast %and3A_523 : vector<16xi32> to vector<16xf32>
        %get3A_525 = arith.index_cast %add3A_507 : i32 to index
        %get3A_526 = tpu.vector_load %arg9[%get3A_525] {strides = array<i32>} : memref<16384xf32, #tpu.memory_space<vmem>>, vector<16xf32>,
        %bitcast3A_527 = vector.bitcast %get3A_526 : vector<16xf32> to vector<16xi32>
        %shift_right_logical3A_528 = arith.constant 16 : i32
        %shift_right_logical3A_529 = vector.broadcast %shift_right_logical3A_528 : i32 to vector<16xi32>
        %shift_right_logical3A_530 = arith.shrui %bitcast3A_527, %shift_right_logical3A_529 : vector<16xi32>
        %and3A_531 = arith.constant 1 : i32
        %and3A_532 = vector.broadcast %and3A_531 : i32 to vector<16xi32>
        %and3A_533 = arith.andi %shift_right_logical3A_530, %and3A_532 : vector<16xi32>
        %add3A_534 = arith.constant 32767 : i32
        %add3A_535 = vector.broadcast %add3A_534 : i32 to vector<16xi32>
        %add3A_536 = arith.addi %add3A_535, %and3A_533 : vector<16xi32>
        %add3A_537 = arith.addi %bitcast3A_527, %add3A_536 : vector<16xi32>
        %and3A_538 = arith.constant -65536 : i32
        %and3A_539 = vector.broadcast %and3A_538 : i32 to vector<16xi32>
        %and3A_540 = arith.andi %add3A_537, %and3A_539 : vector<16xi32>
        %bitcast3A_541 = vector.bitcast %and3A_540 : vector<16xi32> to vector<16xf32>
        %get3A_542 = arith.index_cast %add3A_507 : i32 to index
        %get3A_543 = tpu.vector_load %arg10[%get3A_542] {strides = array<i32>} : memref<16384xf32, #tpu.memory_space<vmem>>, vector<16xf32>,
        %bitcast3A_544 = vector.bitcast %get3A_543 : vector<16xf32> to vector<16xi32>
        %shift_right_logical3A_545 = arith.constant 16 : i32
        %shift_right_logical3A_546 = vector.broadcast %shift_right_logical3A_545 : i32 to vector<16xi32>
        %shift_right_logical3A_547 = arith.shrui %bitcast3A_544, %shift_right_logical3A_546 : vector<16xi32>
        %and3A_548 = arith.constant 1 : i32
        %and3A_549 = vector.broadcast %and3A_548 : i32 to vector<16xi32>
        %and3A_550 = arith.andi %shift_right_logical3A_547, %and3A_549 : vector<16xi32>
        %add3A_551 = arith.constant 32767 : i32
        %add3A_552 = vector.broadcast %add3A_551 : i32 to vector<16xi32>
        %add3A_553 = arith.addi %add3A_552, %and3A_550 : vector<16xi32>
        %add3A_554 = arith.addi %bitcast3A_544, %add3A_553 : vector<16xi32>
        %and3A_555 = arith.constant -65536 : i32
        %and3A_556 = vector.broadcast %and3A_555 : i32 to vector<16xi32>
        %and3A_557 = arith.andi %add3A_554, %and3A_556 : vector<16xi32>
        %bitcast3A_558 = vector.bitcast %and3A_557 : vector<16xi32> to vector<16xf32>
        %get3A_559 = arith.index_cast %add3A_507 : i32 to index
        %get3A_560 = tpu.vector_load %arg11[%get3A_559] {strides = array<i32>} : memref<16384xf32, #tpu.memory_space<vmem>>, vector<16xf32>,
        %mul3A_561 = arith.mulf %bitcast3A_279, %bitcast3A_524 : vector<16xf32>
        %mul3A_562 = arith.mulf %bitcast3A_295, %bitcast3A_541 : vector<16xf32>
        %add3A_563 = arith.addf %mul3A_561, %mul3A_562 : vector<16xf32>
        %mul3A_564 = arith.mulf %bitcast3A_311, %bitcast3A_558 : vector<16xf32>
        %add3A_565 = arith.addf %add3A_563, %mul3A_564 : vector<16xf32>
        %mul3A_566 = arith.constant -2.000000e+00 : f32
        %mul3A_567 = vector.broadcast %mul3A_566 : f32 to vector<16xf32>
        %mul3A_568 = arith.mulf %mul3A_567, %add3A_565 : vector<16xf32>
        %add3A_569 = arith.addf %mul3A_568, %gather3A_312 : vector<16xf32>
        %add3A_570 = arith.addf %add3A_569, %get3A_560 : vector<16xf32>
        %le3A_571 = arith.constant 4.000000e-02 : f32
        %le3A_572 = vector.broadcast %le3A_571 : f32 to vector<16xf32>
        %le3A_573 = arith.cmpf ole, %add3A_570, %le3A_572 : vector<16xf32>
        %convert_element_type3A_574 = arith.extui %le3A_573 : vector<16xi1> to vector<16xi32>
        %broadcast_in_dim3A_575 = arith.constant true
        %broadcast_in_dim3A_576 = vector.broadcast %broadcast_in_dim3A_575 : i1 to vector<16xi1>
        %masked_cumsum3A_577 = tpu.scan <sum>, %convert_element_type3A_574 masked %broadcast_in_dim3A_576 : vector<16xi32>, vector<16xi1> -> vector<16xi32>
        %all_reduce_population_count3A_578 = tpu.all_reduce %le3A_573 {dim = 0 : i64, kind = #tpu.reduction_kind<sum>} : vector<16xi1> -> vector<16xi32>
        %add3A_579 = arith.constant 32 : i32
        %add3A_580 = arith.addi %mul3A_435, %add3A_579 : i32
        %get3A_581 = arith.index_cast %add3A_580 : i32 to index
        %get3A_582 = tpu.vector_load %arg8[%get3A_581] {strides = array<i32>} : memref<16384xf32, #tpu.memory_space<vmem>>, vector<16xf32>,
        %bitcast3A_583 = vector.bitcast %get3A_582 : vector<16xf32> to vector<16xi32>
        %shift_right_logical3A_584 = arith.constant 16 : i32
        %shift_right_logical3A_585 = vector.broadcast %shift_right_logical3A_584 : i32 to vector<16xi32>
        %shift_right_logical3A_586 = arith.shrui %bitcast3A_583, %shift_right_logical3A_585 : vector<16xi32>
        %and3A_587 = arith.constant 1 : i32
        %and3A_588 = vector.broadcast %and3A_587 : i32 to vector<16xi32>
        %and3A_589 = arith.andi %shift_right_logical3A_586, %and3A_588 : vector<16xi32>
        %add3A_590 = arith.constant 32767 : i32
        %add3A_591 = vector.broadcast %add3A_590 : i32 to vector<16xi32>
        %add3A_592 = arith.addi %add3A_591, %and3A_589 : vector<16xi32>
        %add3A_593 = arith.addi %bitcast3A_583, %add3A_592 : vector<16xi32>
        %and3A_594 = arith.constant -65536 : i32
        %and3A_595 = vector.broadcast %and3A_594 : i32 to vector<16xi32>
        %and3A_596 = arith.andi %add3A_593, %and3A_595 : vector<16xi32>
        %bitcast3A_597 = vector.bitcast %and3A_596 : vector<16xi32> to vector<16xf32>
        %get3A_598 = arith.index_cast %add3A_580 : i32 to index
        %get3A_599 = tpu.vector_load %arg9[%get3A_598] {strides = array<i32>} : memref<16384xf32, #tpu.memory_space<vmem>>, vector<16xf32>,
        %bitcast3A_600 = vector.bitcast %get3A_599 : vector<16xf32> to vector<16xi32>
        %shift_right_logical3A_601 = arith.constant 16 : i32
        %shift_right_logical3A_602 = vector.broadcast %shift_right_logical3A_601 : i32 to vector<16xi32>
        %shift_right_logical3A_603 = arith.shrui %bitcast3A_600, %shift_right_logical3A_602 : vector<16xi32>
        %and3A_604 = arith.constant 1 : i32
        %and3A_605 = vector.broadcast %and3A_604 : i32 to vector<16xi32>
        %and3A_606 = arith.andi %shift_right_logical3A_603, %and3A_605 : vector<16xi32>
        %add3A_607 = arith.constant 32767 : i32
        %add3A_608 = vector.broadcast %add3A_607 : i32 to vector<16xi32>
        %add3A_609 = arith.addi %add3A_608, %and3A_606 : vector<16xi32>
        %add3A_610 = arith.addi %bitcast3A_600, %add3A_609 : vector<16xi32>
        %and3A_611 = arith.constant -65536 : i32
        %and3A_612 = vector.broadcast %and3A_611 : i32 to vector<16xi32>
        %and3A_613 = arith.andi %add3A_610, %and3A_612 : vector<16xi32>
        %bitcast3A_614 = vector.bitcast %and3A_613 : vector<16xi32> to vector<16xf32>
        %get3A_615 = arith.index_cast %add3A_580 : i32 to index
        %get3A_616 = tpu.vector_load %arg10[%get3A_615] {strides = array<i32>} : memref<16384xf32, #tpu.memory_space<vmem>>, vector<16xf32>,
        %bitcast3A_617 = vector.bitcast %get3A_616 : vector<16xf32> to vector<16xi32>
        %shift_right_logical3A_618 = arith.constant 16 : i32
        %shift_right_logical3A_619 = vector.broadcast %shift_right_logical3A_618 : i32 to vector<16xi32>
        %shift_right_logical3A_620 = arith.shrui %bitcast3A_617, %shift_right_logical3A_619 : vector<16xi32>
        %and3A_621 = arith.constant 1 : i32
        %and3A_622 = vector.broadcast %and3A_621 : i32 to vector<16xi32>
        %and3A_623 = arith.andi %shift_right_logical3A_620, %and3A_622 : vector<16xi32>
        %add3A_624 = arith.constant 32767 : i32
        %add3A_625 = vector.broadcast %add3A_624 : i32 to vector<16xi32>
        %add3A_626 = arith.addi %add3A_625, %and3A_623 : vector<16xi32>
        %add3A_627 = arith.addi %bitcast3A_617, %add3A_626 : vector<16xi32>
        %and3A_628 = arith.constant -65536 : i32
        %and3A_629 = vector.broadcast %and3A_628 : i32 to vector<16xi32>
        %and3A_630 = arith.andi %add3A_627, %and3A_629 : vector<16xi32>
        %bitcast3A_631 = vector.bitcast %and3A_630 : vector<16xi32> to vector<16xf32>
        %get3A_632 = arith.index_cast %add3A_580 : i32 to index
        %get3A_633 = tpu.vector_load %arg11[%get3A_632] {strides = array<i32>} : memref<16384xf32, #tpu.memory_space<vmem>>, vector<16xf32>,
        %mul3A_634 = arith.mulf %bitcast3A_279, %bitcast3A_597 : vector<16xf32>
        %mul3A_635 = arith.mulf %bitcast3A_295, %bitcast3A_614 : vector<16xf32>
        %add3A_636 = arith.addf %mul3A_634, %mul3A_635 : vector<16xf32>
        %mul3A_637 = arith.mulf %bitcast3A_311, %bitcast3A_631 : vector<16xf32>
        %add3A_638 = arith.addf %add3A_636, %mul3A_637 : vector<16xf32>
        %mul3A_639 = arith.constant -2.000000e+00 : f32
        %mul3A_640 = vector.broadcast %mul3A_639 : f32 to vector<16xf32>
        %mul3A_641 = arith.mulf %mul3A_640, %add3A_638 : vector<16xf32>
        %add3A_642 = arith.addf %mul3A_641, %gather3A_312 : vector<16xf32>
        %add3A_643 = arith.addf %add3A_642, %get3A_633 : vector<16xf32>
        %le3A_644 = arith.constant 4.000000e-02 : f32
        %le3A_645 = vector.broadcast %le3A_644 : f32 to vector<16xf32>
        %le3A_646 = arith.cmpf ole, %add3A_643, %le3A_645 : vector<16xf32>
        %convert_element_type3A_647 = arith.extui %le3A_646 : vector<16xi1> to vector<16xi32>
        %broadcast_in_dim3A_648 = arith.constant true
        %broadcast_in_dim3A_649 = vector.broadcast %broadcast_in_dim3A_648 : i1 to vector<16xi1>
        %masked_cumsum3A_650 = tpu.scan <sum>, %convert_element_type3A_647 masked %broadcast_in_dim3A_649 : vector<16xi32>, vector<16xi1> -> vector<16xi32>
        %all_reduce_population_count3A_651 = tpu.all_reduce %le3A_646 {dim = 0 : i64, kind = #tpu.reduction_kind<sum>} : vector<16xi1> -> vector<16xi32>
        %add3A_652 = arith.constant 48 : i32
        %add3A_653 = arith.addi %mul3A_435, %add3A_652 : i32
        %get3A_654 = arith.index_cast %add3A_653 : i32 to index
        %get3A_655 = tpu.vector_load %arg8[%get3A_654] {strides = array<i32>} : memref<16384xf32, #tpu.memory_space<vmem>>, vector<16xf32>,
        %bitcast3A_656 = vector.bitcast %get3A_655 : vector<16xf32> to vector<16xi32>
        %shift_right_logical3A_657 = arith.constant 16 : i32
        %shift_right_logical3A_658 = vector.broadcast %shift_right_logical3A_657 : i32 to vector<16xi32>
        %shift_right_logical3A_659 = arith.shrui %bitcast3A_656, %shift_right_logical3A_658 : vector<16xi32>
        %and3A_660 = arith.constant 1 : i32
        %and3A_661 = vector.broadcast %and3A_660 : i32 to vector<16xi32>
        %and3A_662 = arith.andi %shift_right_logical3A_659, %and3A_661 : vector<16xi32>
        %add3A_663 = arith.constant 32767 : i32
        %add3A_664 = vector.broadcast %add3A_663 : i32 to vector<16xi32>
        %add3A_665 = arith.addi %add3A_664, %and3A_662 : vector<16xi32>
        %add3A_666 = arith.addi %bitcast3A_656, %add3A_665 : vector<16xi32>
        %and3A_667 = arith.constant -65536 : i32
        %and3A_668 = vector.broadcast %and3A_667 : i32 to vector<16xi32>
        %and3A_669 = arith.andi %add3A_666, %and3A_668 : vector<16xi32>
        %bitcast3A_670 = vector.bitcast %and3A_669 : vector<16xi32> to vector<16xf32>
        %get3A_671 = arith.index_cast %add3A_653 : i32 to index
        %get3A_672 = tpu.vector_load %arg9[%get3A_671] {strides = array<i32>} : memref<16384xf32, #tpu.memory_space<vmem>>, vector<16xf32>,
        %bitcast3A_673 = vector.bitcast %get3A_672 : vector<16xf32> to vector<16xi32>
        %shift_right_logical3A_674 = arith.constant 16 : i32
        %shift_right_logical3A_675 = vector.broadcast %shift_right_logical3A_674 : i32 to vector<16xi32>
        %shift_right_logical3A_676 = arith.shrui %bitcast3A_673, %shift_right_logical3A_675 : vector<16xi32>
        %and3A_677 = arith.constant 1 : i32
        %and3A_678 = vector.broadcast %and3A_677 : i32 to vector<16xi32>
        %and3A_679 = arith.andi %shift_right_logical3A_676, %and3A_678 : vector<16xi32>
        %add3A_680 = arith.constant 32767 : i32
        %add3A_681 = vector.broadcast %add3A_680 : i32 to vector<16xi32>
        %add3A_682 = arith.addi %add3A_681, %and3A_679 : vector<16xi32>
        %add3A_683 = arith.addi %bitcast3A_673, %add3A_682 : vector<16xi32>
        %and3A_684 = arith.constant -65536 : i32
        %and3A_685 = vector.broadcast %and3A_684 : i32 to vector<16xi32>
        %and3A_686 = arith.andi %add3A_683, %and3A_685 : vector<16xi32>
        %bitcast3A_687 = vector.bitcast %and3A_686 : vector<16xi32> to vector<16xf32>
        %get3A_688 = arith.index_cast %add3A_653 : i32 to index
        %get3A_689 = tpu.vector_load %arg10[%get3A_688] {strides = array<i32>} : memref<16384xf32, #tpu.memory_space<vmem>>, vector<16xf32>,
        %bitcast3A_690 = vector.bitcast %get3A_689 : vector<16xf32> to vector<16xi32>
        %shift_right_logical3A_691 = arith.constant 16 : i32
        %shift_right_logical3A_692 = vector.broadcast %shift_right_logical3A_691 : i32 to vector<16xi32>
        %shift_right_logical3A_693 = arith.shrui %bitcast3A_690, %shift_right_logical3A_692 : vector<16xi32>
        %and3A_694 = arith.constant 1 : i32
        %and3A_695 = vector.broadcast %and3A_694 : i32 to vector<16xi32>
        %and3A_696 = arith.andi %shift_right_logical3A_693, %and3A_695 : vector<16xi32>
        %add3A_697 = arith.constant 32767 : i32
        %add3A_698 = vector.broadcast %add3A_697 : i32 to vector<16xi32>
        %add3A_699 = arith.addi %add3A_698, %and3A_696 : vector<16xi32>
        %add3A_700 = arith.addi %bitcast3A_690, %add3A_699 : vector<16xi32>
        %and3A_701 = arith.constant -65536 : i32
        %and3A_702 = vector.broadcast %and3A_701 : i32 to vector<16xi32>
        %and3A_703 = arith.andi %add3A_700, %and3A_702 : vector<16xi32>
        %bitcast3A_704 = vector.bitcast %and3A_703 : vector<16xi32> to vector<16xf32>
        %get3A_705 = arith.index_cast %add3A_653 : i32 to index
        %get3A_706 = tpu.vector_load %arg11[%get3A_705] {strides = array<i32>} : memref<16384xf32, #tpu.memory_space<vmem>>, vector<16xf32>,
        %mul3A_707 = arith.mulf %bitcast3A_279, %bitcast3A_670 : vector<16xf32>
        %mul3A_708 = arith.mulf %bitcast3A_295, %bitcast3A_687 : vector<16xf32>
        %add3A_709 = arith.addf %mul3A_707, %mul3A_708 : vector<16xf32>
        %mul3A_710 = arith.mulf %bitcast3A_311, %bitcast3A_704 : vector<16xf32>
        %add3A_711 = arith.addf %add3A_709, %mul3A_710 : vector<16xf32>
        %mul3A_712 = arith.constant -2.000000e+00 : f32
        %mul3A_713 = vector.broadcast %mul3A_712 : f32 to vector<16xf32>
        %mul3A_714 = arith.mulf %mul3A_713, %add3A_711 : vector<16xf32>
        %add3A_715 = arith.addf %mul3A_714, %gather3A_312 : vector<16xf32>
        %add3A_716 = arith.addf %add3A_715, %get3A_706 : vector<16xf32>
        %le3A_717 = arith.constant 4.000000e-02 : f32
        %le3A_718 = vector.broadcast %le3A_717 : f32 to vector<16xf32>
        %le3A_719 = arith.cmpf ole, %add3A_716, %le3A_718 : vector<16xf32>
        %convert_element_type3A_720 = arith.extui %le3A_719 : vector<16xi1> to vector<16xi32>
        %broadcast_in_dim3A_721 = arith.constant true
        %broadcast_in_dim3A_722 = vector.broadcast %broadcast_in_dim3A_721 : i1 to vector<16xi1>
        %masked_cumsum3A_723 = tpu.scan <sum>, %convert_element_type3A_720 masked %broadcast_in_dim3A_722 : vector<16xi32>, vector<16xi1> -> vector<16xi32>
        %all_reduce_population_count3A_724 = tpu.all_reduce %le3A_719 {dim = 0 : i64, kind = #tpu.reduction_kind<sum>} : vector<16xi1> -> vector<16xi32>
        %add3A_725 = arith.constant 64 : i32
        %add3A_726 = arith.addi %mul3A_435, %add3A_725 : i32
        %get3A_727 = arith.index_cast %add3A_726 : i32 to index
        %get3A_728 = tpu.vector_load %arg8[%get3A_727] {strides = array<i32>} : memref<16384xf32, #tpu.memory_space<vmem>>, vector<16xf32>,
        %bitcast3A_729 = vector.bitcast %get3A_728 : vector<16xf32> to vector<16xi32>
        %shift_right_logical3A_730 = arith.constant 16 : i32
        %shift_right_logical3A_731 = vector.broadcast %shift_right_logical3A_730 : i32 to vector<16xi32>
        %shift_right_logical3A_732 = arith.shrui %bitcast3A_729, %shift_right_logical3A_731 : vector<16xi32>
        %and3A_733 = arith.constant 1 : i32
        %and3A_734 = vector.broadcast %and3A_733 : i32 to vector<16xi32>
        %and3A_735 = arith.andi %shift_right_logical3A_732, %and3A_734 : vector<16xi32>
        %add3A_736 = arith.constant 32767 : i32
        %add3A_737 = vector.broadcast %add3A_736 : i32 to vector<16xi32>
        %add3A_738 = arith.addi %add3A_737, %and3A_735 : vector<16xi32>
        %add3A_739 = arith.addi %bitcast3A_729, %add3A_738 : vector<16xi32>
        %and3A_740 = arith.constant -65536 : i32
        %and3A_741 = vector.broadcast %and3A_740 : i32 to vector<16xi32>
        %and3A_742 = arith.andi %add3A_739, %and3A_741 : vector<16xi32>
        %bitcast3A_743 = vector.bitcast %and3A_742 : vector<16xi32> to vector<16xf32>
        %get3A_744 = arith.index_cast %add3A_726 : i32 to index
        %get3A_745 = tpu.vector_load %arg9[%get3A_744] {strides = array<i32>} : memref<16384xf32, #tpu.memory_space<vmem>>, vector<16xf32>,
        %bitcast3A_746 = vector.bitcast %get3A_745 : vector<16xf32> to vector<16xi32>
        %shift_right_logical3A_747 = arith.constant 16 : i32
        %shift_right_logical3A_748 = vector.broadcast %shift_right_logical3A_747 : i32 to vector<16xi32>
        %shift_right_logical3A_749 = arith.shrui %bitcast3A_746, %shift_right_logical3A_748 : vector<16xi32>
        %and3A_750 = arith.constant 1 : i32
        %and3A_751 = vector.broadcast %and3A_750 : i32 to vector<16xi32>
        %and3A_752 = arith.andi %shift_right_logical3A_749, %and3A_751 : vector<16xi32>
        %add3A_753 = arith.constant 32767 : i32
        %add3A_754 = vector.broadcast %add3A_753 : i32 to vector<16xi32>
        %add3A_755 = arith.addi %add3A_754, %and3A_752 : vector<16xi32>
        %add3A_756 = arith.addi %bitcast3A_746, %add3A_755 : vector<16xi32>
        %and3A_757 = arith.constant -65536 : i32
        %and3A_758 = vector.broadcast %and3A_757 : i32 to vector<16xi32>
        %and3A_759 = arith.andi %add3A_756, %and3A_758 : vector<16xi32>
        %bitcast3A_760 = vector.bitcast %and3A_759 : vector<16xi32> to vector<16xf32>
        %get3A_761 = arith.index_cast %add3A_726 : i32 to index
        %get3A_762 = tpu.vector_load %arg10[%get3A_761] {strides = array<i32>} : memref<16384xf32, #tpu.memory_space<vmem>>, vector<16xf32>,
        %bitcast3A_763 = vector.bitcast %get3A_762 : vector<16xf32> to vector<16xi32>
        %shift_right_logical3A_764 = arith.constant 16 : i32
        %shift_right_logical3A_765 = vector.broadcast %shift_right_logical3A_764 : i32 to vector<16xi32>
        %shift_right_logical3A_766 = arith.shrui %bitcast3A_763, %shift_right_logical3A_765 : vector<16xi32>
        %and3A_767 = arith.constant 1 : i32
        %and3A_768 = vector.broadcast %and3A_767 : i32 to vector<16xi32>
        %and3A_769 = arith.andi %shift_right_logical3A_766, %and3A_768 : vector<16xi32>
        %add3A_770 = arith.constant 32767 : i32
        %add3A_771 = vector.broadcast %add3A_770 : i32 to vector<16xi32>
        %add3A_772 = arith.addi %add3A_771, %and3A_769 : vector<16xi32>
        %add3A_773 = arith.addi %bitcast3A_763, %add3A_772 : vector<16xi32>
        %and3A_774 = arith.constant -65536 : i32
        %and3A_775 = vector.broadcast %and3A_774 : i32 to vector<16xi32>
        %and3A_776 = arith.andi %add3A_773, %and3A_775 : vector<16xi32>
        %bitcast3A_777 = vector.bitcast %and3A_776 : vector<16xi32> to vector<16xf32>
        %get3A_778 = arith.index_cast %add3A_726 : i32 to index
        %get3A_779 = tpu.vector_load %arg11[%get3A_778] {strides = array<i32>} : memref<16384xf32, #tpu.memory_space<vmem>>, vector<16xf32>,
        %mul3A_780 = arith.mulf %bitcast3A_279, %bitcast3A_743 : vector<16xf32>
        %mul3A_781 = arith.mulf %bitcast3A_295, %bitcast3A_760 : vector<16xf32>
        %add3A_782 = arith.addf %mul3A_780, %mul3A_781 : vector<16xf32>
        %mul3A_783 = arith.mulf %bitcast3A_311, %bitcast3A_777 : vector<16xf32>
        %add3A_784 = arith.addf %add3A_782, %mul3A_783 : vector<16xf32>
        %mul3A_785 = arith.constant -2.000000e+00 : f32
        %mul3A_786 = vector.broadcast %mul3A_785 : f32 to vector<16xf32>
        %mul3A_787 = arith.mulf %mul3A_786, %add3A_784 : vector<16xf32>
        %add3A_788 = arith.addf %mul3A_787, %gather3A_312 : vector<16xf32>
        %add3A_789 = arith.addf %add3A_788, %get3A_779 : vector<16xf32>
        %le3A_790 = arith.constant 4.000000e-02 : f32
        %le3A_791 = vector.broadcast %le3A_790 : f32 to vector<16xf32>
        %le3A_792 = arith.cmpf ole, %add3A_789, %le3A_791 : vector<16xf32>
        %convert_element_type3A_793 = arith.extui %le3A_792 : vector<16xi1> to vector<16xi32>
        %broadcast_in_dim3A_794 = arith.constant true
        %broadcast_in_dim3A_795 = vector.broadcast %broadcast_in_dim3A_794 : i1 to vector<16xi1>
        %masked_cumsum3A_796 = tpu.scan <sum>, %convert_element_type3A_793 masked %broadcast_in_dim3A_795 : vector<16xi32>, vector<16xi1> -> vector<16xi32>
        %all_reduce_population_count3A_797 = tpu.all_reduce %le3A_792 {dim = 0 : i64, kind = #tpu.reduction_kind<sum>} : vector<16xi1> -> vector<16xi32>
        %add3A_798 = arith.constant 80 : i32
        %add3A_799 = arith.addi %mul3A_435, %add3A_798 : i32
        %get3A_800 = arith.index_cast %add3A_799 : i32 to index
        %get3A_801 = tpu.vector_load %arg8[%get3A_800] {strides = array<i32>} : memref<16384xf32, #tpu.memory_space<vmem>>, vector<16xf32>,
        %bitcast3A_802 = vector.bitcast %get3A_801 : vector<16xf32> to vector<16xi32>
        %shift_right_logical3A_803 = arith.constant 16 : i32
        %shift_right_logical3A_804 = vector.broadcast %shift_right_logical3A_803 : i32 to vector<16xi32>
        %shift_right_logical3A_805 = arith.shrui %bitcast3A_802, %shift_right_logical3A_804 : vector<16xi32>
        %and3A_806 = arith.constant 1 : i32
        %and3A_807 = vector.broadcast %and3A_806 : i32 to vector<16xi32>
        %and3A_808 = arith.andi %shift_right_logical3A_805, %and3A_807 : vector<16xi32>
        %add3A_809 = arith.constant 32767 : i32
        %add3A_810 = vector.broadcast %add3A_809 : i32 to vector<16xi32>
        %add3A_811 = arith.addi %add3A_810, %and3A_808 : vector<16xi32>
        %add3A_812 = arith.addi %bitcast3A_802, %add3A_811 : vector<16xi32>
        %and3A_813 = arith.constant -65536 : i32
        %and3A_814 = vector.broadcast %and3A_813 : i32 to vector<16xi32>
        %and3A_815 = arith.andi %add3A_812, %and3A_814 : vector<16xi32>
        %bitcast3A_816 = vector.bitcast %and3A_815 : vector<16xi32> to vector<16xf32>
        %get3A_817 = arith.index_cast %add3A_799 : i32 to index
        %get3A_818 = tpu.vector_load %arg9[%get3A_817] {strides = array<i32>} : memref<16384xf32, #tpu.memory_space<vmem>>, vector<16xf32>,
        %bitcast3A_819 = vector.bitcast %get3A_818 : vector<16xf32> to vector<16xi32>
        %shift_right_logical3A_820 = arith.constant 16 : i32
        %shift_right_logical3A_821 = vector.broadcast %shift_right_logical3A_820 : i32 to vector<16xi32>
        %shift_right_logical3A_822 = arith.shrui %bitcast3A_819, %shift_right_logical3A_821 : vector<16xi32>
        %and3A_823 = arith.constant 1 : i32
        %and3A_824 = vector.broadcast %and3A_823 : i32 to vector<16xi32>
        %and3A_825 = arith.andi %shift_right_logical3A_822, %and3A_824 : vector<16xi32>
        %add3A_826 = arith.constant 32767 : i32
        %add3A_827 = vector.broadcast %add3A_826 : i32 to vector<16xi32>
        %add3A_828 = arith.addi %add3A_827, %and3A_825 : vector<16xi32>
        %add3A_829 = arith.addi %bitcast3A_819, %add3A_828 : vector<16xi32>
        %and3A_830 = arith.constant -65536 : i32
        %and3A_831 = vector.broadcast %and3A_830 : i32 to vector<16xi32>
        %and3A_832 = arith.andi %add3A_829, %and3A_831 : vector<16xi32>
        %bitcast3A_833 = vector.bitcast %and3A_832 : vector<16xi32> to vector<16xf32>
        %get3A_834 = arith.index_cast %add3A_799 : i32 to index
        %get3A_835 = tpu.vector_load %arg10[%get3A_834] {strides = array<i32>} : memref<16384xf32, #tpu.memory_space<vmem>>, vector<16xf32>,
        %bitcast3A_836 = vector.bitcast %get3A_835 : vector<16xf32> to vector<16xi32>
        %shift_right_logical3A_837 = arith.constant 16 : i32
        %shift_right_logical3A_838 = vector.broadcast %shift_right_logical3A_837 : i32 to vector<16xi32>
        %shift_right_logical3A_839 = arith.shrui %bitcast3A_836, %shift_right_logical3A_838 : vector<16xi32>
        %and3A_840 = arith.constant 1 : i32
        %and3A_841 = vector.broadcast %and3A_840 : i32 to vector<16xi32>
        %and3A_842 = arith.andi %shift_right_logical3A_839, %and3A_841 : vector<16xi32>
        %add3A_843 = arith.constant 32767 : i32
        %add3A_844 = vector.broadcast %add3A_843 : i32 to vector<16xi32>
        %add3A_845 = arith.addi %add3A_844, %and3A_842 : vector<16xi32>
        %add3A_846 = arith.addi %bitcast3A_836, %add3A_845 : vector<16xi32>
        %and3A_847 = arith.constant -65536 : i32
        %and3A_848 = vector.broadcast %and3A_847 : i32 to vector<16xi32>
        %and3A_849 = arith.andi %add3A_846, %and3A_848 : vector<16xi32>
        %bitcast3A_850 = vector.bitcast %and3A_849 : vector<16xi32> to vector<16xf32>
        %get3A_851 = arith.index_cast %add3A_799 : i32 to index
        %get3A_852 = tpu.vector_load %arg11[%get3A_851] {strides = array<i32>} : memref<16384xf32, #tpu.memory_space<vmem>>, vector<16xf32>,
        %mul3A_853 = arith.mulf %bitcast3A_279, %bitcast3A_816 : vector<16xf32>
        %mul3A_854 = arith.mulf %bitcast3A_295, %bitcast3A_833 : vector<16xf32>
        %add3A_855 = arith.addf %mul3A_853, %mul3A_854 : vector<16xf32>
        %mul3A_856 = arith.mulf %bitcast3A_311, %bitcast3A_850 : vector<16xf32>
        %add3A_857 = arith.addf %add3A_855, %mul3A_856 : vector<16xf32>
        %mul3A_858 = arith.constant -2.000000e+00 : f32
        %mul3A_859 = vector.broadcast %mul3A_858 : f32 to vector<16xf32>
        %mul3A_860 = arith.mulf %mul3A_859, %add3A_857 : vector<16xf32>
        %add3A_861 = arith.addf %mul3A_860, %gather3A_312 : vector<16xf32>
        %add3A_862 = arith.addf %add3A_861, %get3A_852 : vector<16xf32>
        %le3A_863 = arith.constant 4.000000e-02 : f32
        %le3A_864 = vector.broadcast %le3A_863 : f32 to vector<16xf32>
        %le3A_865 = arith.cmpf ole, %add3A_862, %le3A_864 : vector<16xf32>
        %convert_element_type3A_866 = arith.extui %le3A_865 : vector<16xi1> to vector<16xi32>
        %broadcast_in_dim3A_867 = arith.constant true
        %broadcast_in_dim3A_868 = vector.broadcast %broadcast_in_dim3A_867 : i1 to vector<16xi1>
        %masked_cumsum3A_869 = tpu.scan <sum>, %convert_element_type3A_866 masked %broadcast_in_dim3A_868 : vector<16xi32>, vector<16xi1> -> vector<16xi32>
        %all_reduce_population_count3A_870 = tpu.all_reduce %le3A_865 {dim = 0 : i64, kind = #tpu.reduction_kind<sum>} : vector<16xi1> -> vector<16xi32>
        %add3A_871 = arith.constant 96 : i32
        %add3A_872 = arith.addi %mul3A_435, %add3A_871 : i32
        %get3A_873 = arith.index_cast %add3A_872 : i32 to index
        %get3A_874 = tpu.vector_load %arg8[%get3A_873] {strides = array<i32>} : memref<16384xf32, #tpu.memory_space<vmem>>, vector<16xf32>,
        %bitcast3A_875 = vector.bitcast %get3A_874 : vector<16xf32> to vector<16xi32>
        %shift_right_logical3A_876 = arith.constant 16 : i32
        %shift_right_logical3A_877 = vector.broadcast %shift_right_logical3A_876 : i32 to vector<16xi32>
        %shift_right_logical3A_878 = arith.shrui %bitcast3A_875, %shift_right_logical3A_877 : vector<16xi32>
        %and3A_879 = arith.constant 1 : i32
        %and3A_880 = vector.broadcast %and3A_879 : i32 to vector<16xi32>
        %and3A_881 = arith.andi %shift_right_logical3A_878, %and3A_880 : vector<16xi32>
        %add3A_882 = arith.constant 32767 : i32
        %add3A_883 = vector.broadcast %add3A_882 : i32 to vector<16xi32>
        %add3A_884 = arith.addi %add3A_883, %and3A_881 : vector<16xi32>
        %add3A_885 = arith.addi %bitcast3A_875, %add3A_884 : vector<16xi32>
        %and3A_886 = arith.constant -65536 : i32
        %and3A_887 = vector.broadcast %and3A_886 : i32 to vector<16xi32>
        %and3A_888 = arith.andi %add3A_885, %and3A_887 : vector<16xi32>
        %bitcast3A_889 = vector.bitcast %and3A_888 : vector<16xi32> to vector<16xf32>
        %get3A_890 = arith.index_cast %add3A_872 : i32 to index
        %get3A_891 = tpu.vector_load %arg9[%get3A_890] {strides = array<i32>} : memref<16384xf32, #tpu.memory_space<vmem>>, vector<16xf32>,
        %bitcast3A_892 = vector.bitcast %get3A_891 : vector<16xf32> to vector<16xi32>
        %shift_right_logical3A_893 = arith.constant 16 : i32
        %shift_right_logical3A_894 = vector.broadcast %shift_right_logical3A_893 : i32 to vector<16xi32>
        %shift_right_logical3A_895 = arith.shrui %bitcast3A_892, %shift_right_logical3A_894 : vector<16xi32>
        %and3A_896 = arith.constant 1 : i32
        %and3A_897 = vector.broadcast %and3A_896 : i32 to vector<16xi32>
        %and3A_898 = arith.andi %shift_right_logical3A_895, %and3A_897 : vector<16xi32>
        %add3A_899 = arith.constant 32767 : i32
        %add3A_900 = vector.broadcast %add3A_899 : i32 to vector<16xi32>
        %add3A_901 = arith.addi %add3A_900, %and3A_898 : vector<16xi32>
        %add3A_902 = arith.addi %bitcast3A_892, %add3A_901 : vector<16xi32>
        %and3A_903 = arith.constant -65536 : i32
        %and3A_904 = vector.broadcast %and3A_903 : i32 to vector<16xi32>
        %and3A_905 = arith.andi %add3A_902, %and3A_904 : vector<16xi32>
        %bitcast3A_906 = vector.bitcast %and3A_905 : vector<16xi32> to vector<16xf32>
        %get3A_907 = arith.index_cast %add3A_872 : i32 to index
        %get3A_908 = tpu.vector_load %arg10[%get3A_907] {strides = array<i32>} : memref<16384xf32, #tpu.memory_space<vmem>>, vector<16xf32>,
        %bitcast3A_909 = vector.bitcast %get3A_908 : vector<16xf32> to vector<16xi32>
        %shift_right_logical3A_910 = arith.constant 16 : i32
        %shift_right_logical3A_911 = vector.broadcast %shift_right_logical3A_910 : i32 to vector<16xi32>
        %shift_right_logical3A_912 = arith.shrui %bitcast3A_909, %shift_right_logical3A_911 : vector<16xi32>
        %and3A_913 = arith.constant 1 : i32
        %and3A_914 = vector.broadcast %and3A_913 : i32 to vector<16xi32>
        %and3A_915 = arith.andi %shift_right_logical3A_912, %and3A_914 : vector<16xi32>
        %add3A_916 = arith.constant 32767 : i32
        %add3A_917 = vector.broadcast %add3A_916 : i32 to vector<16xi32>
        %add3A_918 = arith.addi %add3A_917, %and3A_915 : vector<16xi32>
        %add3A_919 = arith.addi %bitcast3A_909, %add3A_918 : vector<16xi32>
        %and3A_920 = arith.constant -65536 : i32
        %and3A_921 = vector.broadcast %and3A_920 : i32 to vector<16xi32>
        %and3A_922 = arith.andi %add3A_919, %and3A_921 : vector<16xi32>
        %bitcast3A_923 = vector.bitcast %and3A_922 : vector<16xi32> to vector<16xf32>
        %get3A_924 = arith.index_cast %add3A_872 : i32 to index
        %get3A_925 = tpu.vector_load %arg11[%get3A_924] {strides = array<i32>} : memref<16384xf32, #tpu.memory_space<vmem>>, vector<16xf32>,
        %mul3A_926 = arith.mulf %bitcast3A_279, %bitcast3A_889 : vector<16xf32>
        %mul3A_927 = arith.mulf %bitcast3A_295, %bitcast3A_906 : vector<16xf32>
        %add3A_928 = arith.addf %mul3A_926, %mul3A_927 : vector<16xf32>
        %mul3A_929 = arith.mulf %bitcast3A_311, %bitcast3A_923 : vector<16xf32>
        %add3A_930 = arith.addf %add3A_928, %mul3A_929 : vector<16xf32>
        %mul3A_931 = arith.constant -2.000000e+00 : f32
        %mul3A_932 = vector.broadcast %mul3A_931 : f32 to vector<16xf32>
        %mul3A_933 = arith.mulf %mul3A_932, %add3A_930 : vector<16xf32>
        %add3A_934 = arith.addf %mul3A_933, %gather3A_312 : vector<16xf32>
        %add3A_935 = arith.addf %add3A_934, %get3A_925 : vector<16xf32>
        %le3A_936 = arith.constant 4.000000e-02 : f32
        %le3A_937 = vector.broadcast %le3A_936 : f32 to vector<16xf32>
        %le3A_938 = arith.cmpf ole, %add3A_935, %le3A_937 : vector<16xf32>
        %convert_element_type3A_939 = arith.extui %le3A_938 : vector<16xi1> to vector<16xi32>
        %broadcast_in_dim3A_940 = arith.constant true
        %broadcast_in_dim3A_941 = vector.broadcast %broadcast_in_dim3A_940 : i1 to vector<16xi1>
        %masked_cumsum3A_942 = tpu.scan <sum>, %convert_element_type3A_939 masked %broadcast_in_dim3A_941 : vector<16xi32>, vector<16xi1> -> vector<16xi32>
        %all_reduce_population_count3A_943 = tpu.all_reduce %le3A_938 {dim = 0 : i64, kind = #tpu.reduction_kind<sum>} : vector<16xi1> -> vector<16xi32>
        %add3A_944 = arith.constant 112 : i32
        %add3A_945 = arith.addi %mul3A_435, %add3A_944 : i32
        %get3A_946 = arith.index_cast %add3A_945 : i32 to index
        %get3A_947 = tpu.vector_load %arg8[%get3A_946] {strides = array<i32>} : memref<16384xf32, #tpu.memory_space<vmem>>, vector<16xf32>,
        %bitcast3A_948 = vector.bitcast %get3A_947 : vector<16xf32> to vector<16xi32>
        %shift_right_logical3A_949 = arith.constant 16 : i32
        %shift_right_logical3A_950 = vector.broadcast %shift_right_logical3A_949 : i32 to vector<16xi32>
        %shift_right_logical3A_951 = arith.shrui %bitcast3A_948, %shift_right_logical3A_950 : vector<16xi32>
        %and3A_952 = arith.constant 1 : i32
        %and3A_953 = vector.broadcast %and3A_952 : i32 to vector<16xi32>
        %and3A_954 = arith.andi %shift_right_logical3A_951, %and3A_953 : vector<16xi32>
        %add3A_955 = arith.constant 32767 : i32
        %add3A_956 = vector.broadcast %add3A_955 : i32 to vector<16xi32>
        %add3A_957 = arith.addi %add3A_956, %and3A_954 : vector<16xi32>
        %add3A_958 = arith.addi %bitcast3A_948, %add3A_957 : vector<16xi32>
        %and3A_959 = arith.constant -65536 : i32
        %and3A_960 = vector.broadcast %and3A_959 : i32 to vector<16xi32>
        %and3A_961 = arith.andi %add3A_958, %and3A_960 : vector<16xi32>
        %bitcast3A_962 = vector.bitcast %and3A_961 : vector<16xi32> to vector<16xf32>
        %get3A_963 = arith.index_cast %add3A_945 : i32 to index
        %get3A_964 = tpu.vector_load %arg9[%get3A_963] {strides = array<i32>} : memref<16384xf32, #tpu.memory_space<vmem>>, vector<16xf32>,
        %bitcast3A_965 = vector.bitcast %get3A_964 : vector<16xf32> to vector<16xi32>
        %shift_right_logical3A_966 = arith.constant 16 : i32
        %shift_right_logical3A_967 = vector.broadcast %shift_right_logical3A_966 : i32 to vector<16xi32>
        %shift_right_logical3A_968 = arith.shrui %bitcast3A_965, %shift_right_logical3A_967 : vector<16xi32>
        %and3A_969 = arith.constant 1 : i32
        %and3A_970 = vector.broadcast %and3A_969 : i32 to vector<16xi32>
        %and3A_971 = arith.andi %shift_right_logical3A_968, %and3A_970 : vector<16xi32>
        %add3A_972 = arith.constant 32767 : i32
        %add3A_973 = vector.broadcast %add3A_972 : i32 to vector<16xi32>
        %add3A_974 = arith.addi %add3A_973, %and3A_971 : vector<16xi32>
        %add3A_975 = arith.addi %bitcast3A_965, %add3A_974 : vector<16xi32>
        %and3A_976 = arith.constant -65536 : i32
        %and3A_977 = vector.broadcast %and3A_976 : i32 to vector<16xi32>
        %and3A_978 = arith.andi %add3A_975, %and3A_977 : vector<16xi32>
        %bitcast3A_979 = vector.bitcast %and3A_978 : vector<16xi32> to vector<16xf32>
        %get3A_980 = arith.index_cast %add3A_945 : i32 to index
        %get3A_981 = tpu.vector_load %arg10[%get3A_980] {strides = array<i32>} : memref<16384xf32, #tpu.memory_space<vmem>>, vector<16xf32>,
        %bitcast3A_982 = vector.bitcast %get3A_981 : vector<16xf32> to vector<16xi32>
        %shift_right_logical3A_983 = arith.constant 16 : i32
        %shift_right_logical3A_984 = vector.broadcast %shift_right_logical3A_983 : i32 to vector<16xi32>
        %shift_right_logical3A_985 = arith.shrui %bitcast3A_982, %shift_right_logical3A_984 : vector<16xi32>
        %and3A_986 = arith.constant 1 : i32
        %and3A_987 = vector.broadcast %and3A_986 : i32 to vector<16xi32>
        %and3A_988 = arith.andi %shift_right_logical3A_985, %and3A_987 : vector<16xi32>
        %add3A_989 = arith.constant 32767 : i32
        %add3A_990 = vector.broadcast %add3A_989 : i32 to vector<16xi32>
        %add3A_991 = arith.addi %add3A_990, %and3A_988 : vector<16xi32>
        %add3A_992 = arith.addi %bitcast3A_982, %add3A_991 : vector<16xi32>
        %and3A_993 = arith.constant -65536 : i32
        %and3A_994 = vector.broadcast %and3A_993 : i32 to vector<16xi32>
        %and3A_995 = arith.andi %add3A_992, %and3A_994 : vector<16xi32>
        %bitcast3A_996 = vector.bitcast %and3A_995 : vector<16xi32> to vector<16xf32>
        %get3A_997 = arith.index_cast %add3A_945 : i32 to index
        %get3A_998 = tpu.vector_load %arg11[%get3A_997] {strides = array<i32>} : memref<16384xf32, #tpu.memory_space<vmem>>, vector<16xf32>,
        %mul3A_999 = arith.mulf %bitcast3A_279, %bitcast3A_962 : vector<16xf32>
        %mul3A_1000 = arith.mulf %bitcast3A_295, %bitcast3A_979 : vector<16xf32>
        %add3A_1001 = arith.addf %mul3A_999, %mul3A_1000 : vector<16xf32>
        %mul3A_1002 = arith.mulf %bitcast3A_311, %bitcast3A_996 : vector<16xf32>
        %add3A_1003 = arith.addf %add3A_1001, %mul3A_1002 : vector<16xf32>
        %mul3A_1004 = arith.constant -2.000000e+00 : f32
        %mul3A_1005 = vector.broadcast %mul3A_1004 : f32 to vector<16xf32>
        %mul3A_1006 = arith.mulf %mul3A_1005, %add3A_1003 : vector<16xf32>
        %add3A_1007 = arith.addf %mul3A_1006, %gather3A_312 : vector<16xf32>
        %add3A_1008 = arith.addf %add3A_1007, %get3A_998 : vector<16xf32>
        %le3A_1009 = arith.constant 4.000000e-02 : f32
        %le3A_1010 = vector.broadcast %le3A_1009 : f32 to vector<16xf32>
        %le3A_1011 = arith.cmpf ole, %add3A_1008, %le3A_1010 : vector<16xf32>
        %convert_element_type3A_1012 = arith.extui %le3A_1011 : vector<16xi1> to vector<16xi32>
        %broadcast_in_dim3A_1013 = arith.constant true
        %broadcast_in_dim3A_1014 = vector.broadcast %broadcast_in_dim3A_1013 : i1 to vector<16xi1>
        %masked_cumsum3A_1015 = tpu.scan <sum>, %convert_element_type3A_1012 masked %broadcast_in_dim3A_1014 : vector<16xi32>, vector<16xi1> -> vector<16xi32>
        %all_reduce_population_count3A_1016 = tpu.all_reduce %le3A_1011 {dim = 0 : i64, kind = #tpu.reduction_kind<sum>} : vector<16xi1> -> vector<16xi32>
        %add3A_1017 = arith.constant 128 : i32
        %add3A_1018 = arith.addi %mul3A_435, %add3A_1017 : i32
        %get3A_1019 = arith.index_cast %add3A_1018 : i32 to index
        %get3A_1020 = tpu.vector_load %arg8[%get3A_1019] {strides = array<i32>} : memref<16384xf32, #tpu.memory_space<vmem>>, vector<16xf32>,
        %bitcast3A_1021 = vector.bitcast %get3A_1020 : vector<16xf32> to vector<16xi32>
        %shift_right_logical3A_1022 = arith.constant 16 : i32
        %shift_right_logical3A_1023 = vector.broadcast %shift_right_logical3A_1022 : i32 to vector<16xi32>
        %shift_right_logical3A_1024 = arith.shrui %bitcast3A_1021, %shift_right_logical3A_1023 : vector<16xi32>
        %and3A_1025 = arith.constant 1 : i32
        %and3A_1026 = vector.broadcast %and3A_1025 : i32 to vector<16xi32>
        %and3A_1027 = arith.andi %shift_right_logical3A_1024, %and3A_1026 : vector<16xi32>
        %add3A_1028 = arith.constant 32767 : i32
        %add3A_1029 = vector.broadcast %add3A_1028 : i32 to vector<16xi32>
        %add3A_1030 = arith.addi %add3A_1029, %and3A_1027 : vector<16xi32>
        %add3A_1031 = arith.addi %bitcast3A_1021, %add3A_1030 : vector<16xi32>
        %and3A_1032 = arith.constant -65536 : i32
        %and3A_1033 = vector.broadcast %and3A_1032 : i32 to vector<16xi32>
        %and3A_1034 = arith.andi %add3A_1031, %and3A_1033 : vector<16xi32>
        %bitcast3A_1035 = vector.bitcast %and3A_1034 : vector<16xi32> to vector<16xf32>
        %get3A_1036 = arith.index_cast %add3A_1018 : i32 to index
        %get3A_1037 = tpu.vector_load %arg9[%get3A_1036] {strides = array<i32>} : memref<16384xf32, #tpu.memory_space<vmem>>, vector<16xf32>,
        %bitcast3A_1038 = vector.bitcast %get3A_1037 : vector<16xf32> to vector<16xi32>
        %shift_right_logical3A_1039 = arith.constant 16 : i32
        %shift_right_logical3A_1040 = vector.broadcast %shift_right_logical3A_1039 : i32 to vector<16xi32>
        %shift_right_logical3A_1041 = arith.shrui %bitcast3A_1038, %shift_right_logical3A_1040 : vector<16xi32>
        %and3A_1042 = arith.constant 1 : i32
        %and3A_1043 = vector.broadcast %and3A_1042 : i32 to vector<16xi32>
        %and3A_1044 = arith.andi %shift_right_logical3A_1041, %and3A_1043 : vector<16xi32>
        %add3A_1045 = arith.constant 32767 : i32
        %add3A_1046 = vector.broadcast %add3A_1045 : i32 to vector<16xi32>
        %add3A_1047 = arith.addi %add3A_1046, %and3A_1044 : vector<16xi32>
        %add3A_1048 = arith.addi %bitcast3A_1038, %add3A_1047 : vector<16xi32>
        %and3A_1049 = arith.constant -65536 : i32
        %and3A_1050 = vector.broadcast %and3A_1049 : i32 to vector<16xi32>
        %and3A_1051 = arith.andi %add3A_1048, %and3A_1050 : vector<16xi32>
        %bitcast3A_1052 = vector.bitcast %and3A_1051 : vector<16xi32> to vector<16xf32>
        %get3A_1053 = arith.index_cast %add3A_1018 : i32 to index
        %get3A_1054 = tpu.vector_load %arg10[%get3A_1053] {strides = array<i32>} : memref<16384xf32, #tpu.memory_space<vmem>>, vector<16xf32>,
        %bitcast3A_1055 = vector.bitcast %get3A_1054 : vector<16xf32> to vector<16xi32>
        %shift_right_logical3A_1056 = arith.constant 16 : i32
        %shift_right_logical3A_1057 = vector.broadcast %shift_right_logical3A_1056 : i32 to vector<16xi32>
        %shift_right_logical3A_1058 = arith.shrui %bitcast3A_1055, %shift_right_logical3A_1057 : vector<16xi32>
        %and3A_1059 = arith.constant 1 : i32
        %and3A_1060 = vector.broadcast %and3A_1059 : i32 to vector<16xi32>
        %and3A_1061 = arith.andi %shift_right_logical3A_1058, %and3A_1060 : vector<16xi32>
        %add3A_1062 = arith.constant 32767 : i32
        %add3A_1063 = vector.broadcast %add3A_1062 : i32 to vector<16xi32>
        %add3A_1064 = arith.addi %add3A_1063, %and3A_1061 : vector<16xi32>
        %add3A_1065 = arith.addi %bitcast3A_1055, %add3A_1064 : vector<16xi32>
        %and3A_1066 = arith.constant -65536 : i32
        %and3A_1067 = vector.broadcast %and3A_1066 : i32 to vector<16xi32>
        %and3A_1068 = arith.andi %add3A_1065, %and3A_1067 : vector<16xi32>
        %bitcast3A_1069 = vector.bitcast %and3A_1068 : vector<16xi32> to vector<16xf32>
        %get3A_1070 = arith.index_cast %add3A_1018 : i32 to index
        %get3A_1071 = tpu.vector_load %arg11[%get3A_1070] {strides = array<i32>} : memref<16384xf32, #tpu.memory_space<vmem>>, vector<16xf32>,
        %mul3A_1072 = arith.mulf %bitcast3A_279, %bitcast3A_1035 : vector<16xf32>
        %mul3A_1073 = arith.mulf %bitcast3A_295, %bitcast3A_1052 : vector<16xf32>
        %add3A_1074 = arith.addf %mul3A_1072, %mul3A_1073 : vector<16xf32>
        %mul3A_1075 = arith.mulf %bitcast3A_311, %bitcast3A_1069 : vector<16xf32>
        %add3A_1076 = arith.addf %add3A_1074, %mul3A_1075 : vector<16xf32>
        %mul3A_1077 = arith.constant -2.000000e+00 : f32
        %mul3A_1078 = vector.broadcast %mul3A_1077 : f32 to vector<16xf32>
        %mul3A_1079 = arith.mulf %mul3A_1078, %add3A_1076 : vector<16xf32>
        %add3A_1080 = arith.addf %mul3A_1079, %gather3A_312 : vector<16xf32>
        %add3A_1081 = arith.addf %add3A_1080, %get3A_1071 : vector<16xf32>
        %le3A_1082 = arith.constant 4.000000e-02 : f32
        %le3A_1083 = vector.broadcast %le3A_1082 : f32 to vector<16xf32>
        %le3A_1084 = arith.cmpf ole, %add3A_1081, %le3A_1083 : vector<16xf32>
        %convert_element_type3A_1085 = arith.extui %le3A_1084 : vector<16xi1> to vector<16xi32>
        %broadcast_in_dim3A_1086 = arith.constant true
        %broadcast_in_dim3A_1087 = vector.broadcast %broadcast_in_dim3A_1086 : i1 to vector<16xi1>
        %masked_cumsum3A_1088 = tpu.scan <sum>, %convert_element_type3A_1085 masked %broadcast_in_dim3A_1087 : vector<16xi32>, vector<16xi1> -> vector<16xi32>
        %all_reduce_population_count3A_1089 = tpu.all_reduce %le3A_1084 {dim = 0 : i64, kind = #tpu.reduction_kind<sum>} : vector<16xi1> -> vector<16xi32>
        %add3A_1090 = arith.constant 144 : i32
        %add3A_1091 = arith.addi %mul3A_435, %add3A_1090 : i32
        %get3A_1092 = arith.index_cast %add3A_1091 : i32 to index
        %get3A_1093 = tpu.vector_load %arg8[%get3A_1092] {strides = array<i32>} : memref<16384xf32, #tpu.memory_space<vmem>>, vector<16xf32>,
        %bitcast3A_1094 = vector.bitcast %get3A_1093 : vector<16xf32> to vector<16xi32>
        %shift_right_logical3A_1095 = arith.constant 16 : i32
        %shift_right_logical3A_1096 = vector.broadcast %shift_right_logical3A_1095 : i32 to vector<16xi32>
        %shift_right_logical3A_1097 = arith.shrui %bitcast3A_1094, %shift_right_logical3A_1096 : vector<16xi32>
        %and3A_1098 = arith.constant 1 : i32
        %and3A_1099 = vector.broadcast %and3A_1098 : i32 to vector<16xi32>
        %and3A_1100 = arith.andi %shift_right_logical3A_1097, %and3A_1099 : vector<16xi32>
        %add3A_1101 = arith.constant 32767 : i32
        %add3A_1102 = vector.broadcast %add3A_1101 : i32 to vector<16xi32>
        %add3A_1103 = arith.addi %add3A_1102, %and3A_1100 : vector<16xi32>
        %add3A_1104 = arith.addi %bitcast3A_1094, %add3A_1103 : vector<16xi32>
        %and3A_1105 = arith.constant -65536 : i32
        %and3A_1106 = vector.broadcast %and3A_1105 : i32 to vector<16xi32>
        %and3A_1107 = arith.andi %add3A_1104, %and3A_1106 : vector<16xi32>
        %bitcast3A_1108 = vector.bitcast %and3A_1107 : vector<16xi32> to vector<16xf32>
        %get3A_1109 = arith.index_cast %add3A_1091 : i32 to index
        %get3A_1110 = tpu.vector_load %arg9[%get3A_1109] {strides = array<i32>} : memref<16384xf32, #tpu.memory_space<vmem>>, vector<16xf32>,
        %bitcast3A_1111 = vector.bitcast %get3A_1110 : vector<16xf32> to vector<16xi32>
        %shift_right_logical3A_1112 = arith.constant 16 : i32
        %shift_right_logical3A_1113 = vector.broadcast %shift_right_logical3A_1112 : i32 to vector<16xi32>
        %shift_right_logical3A_1114 = arith.shrui %bitcast3A_1111, %shift_right_logical3A_1113 : vector<16xi32>
        %and3A_1115 = arith.constant 1 : i32
        %and3A_1116 = vector.broadcast %and3A_1115 : i32 to vector<16xi32>
        %and3A_1117 = arith.andi %shift_right_logical3A_1114, %and3A_1116 : vector<16xi32>
        %add3A_1118 = arith.constant 32767 : i32
        %add3A_1119 = vector.broadcast %add3A_1118 : i32 to vector<16xi32>
        %add3A_1120 = arith.addi %add3A_1119, %and3A_1117 : vector<16xi32>
        %add3A_1121 = arith.addi %bitcast3A_1111, %add3A_1120 : vector<16xi32>
        %and3A_1122 = arith.constant -65536 : i32
        %and3A_1123 = vector.broadcast %and3A_1122 : i32 to vector<16xi32>
        %and3A_1124 = arith.andi %add3A_1121, %and3A_1123 : vector<16xi32>
        %bitcast3A_1125 = vector.bitcast %and3A_1124 : vector<16xi32> to vector<16xf32>
        %get3A_1126 = arith.index_cast %add3A_1091 : i32 to index
        %get3A_1127 = tpu.vector_load %arg10[%get3A_1126] {strides = array<i32>} : memref<16384xf32, #tpu.memory_space<vmem>>, vector<16xf32>,
        %bitcast3A_1128 = vector.bitcast %get3A_1127 : vector<16xf32> to vector<16xi32>
        %shift_right_logical3A_1129 = arith.constant 16 : i32
        %shift_right_logical3A_1130 = vector.broadcast %shift_right_logical3A_1129 : i32 to vector<16xi32>
        %shift_right_logical3A_1131 = arith.shrui %bitcast3A_1128, %shift_right_logical3A_1130 : vector<16xi32>
        %and3A_1132 = arith.constant 1 : i32
        %and3A_1133 = vector.broadcast %and3A_1132 : i32 to vector<16xi32>
        %and3A_1134 = arith.andi %shift_right_logical3A_1131, %and3A_1133 : vector<16xi32>
        %add3A_1135 = arith.constant 32767 : i32
        %add3A_1136 = vector.broadcast %add3A_1135 : i32 to vector<16xi32>
        %add3A_1137 = arith.addi %add3A_1136, %and3A_1134 : vector<16xi32>
        %add3A_1138 = arith.addi %bitcast3A_1128, %add3A_1137 : vector<16xi32>
        %and3A_1139 = arith.constant -65536 : i32
        %and3A_1140 = vector.broadcast %and3A_1139 : i32 to vector<16xi32>
        %and3A_1141 = arith.andi %add3A_1138, %and3A_1140 : vector<16xi32>
        %bitcast3A_1142 = vector.bitcast %and3A_1141 : vector<16xi32> to vector<16xf32>
        %get3A_1143 = arith.index_cast %add3A_1091 : i32 to index
        %get3A_1144 = tpu.vector_load %arg11[%get3A_1143] {strides = array<i32>} : memref<16384xf32, #tpu.memory_space<vmem>>, vector<16xf32>,
        %mul3A_1145 = arith.mulf %bitcast3A_279, %bitcast3A_1108 : vector<16xf32>
        %mul3A_1146 = arith.mulf %bitcast3A_295, %bitcast3A_1125 : vector<16xf32>
        %add3A_1147 = arith.addf %mul3A_1145, %mul3A_1146 : vector<16xf32>
        %mul3A_1148 = arith.mulf %bitcast3A_311, %bitcast3A_1142 : vector<16xf32>
        %add3A_1149 = arith.addf %add3A_1147, %mul3A_1148 : vector<16xf32>
        %mul3A_1150 = arith.constant -2.000000e+00 : f32
        %mul3A_1151 = vector.broadcast %mul3A_1150 : f32 to vector<16xf32>
        %mul3A_1152 = arith.mulf %mul3A_1151, %add3A_1149 : vector<16xf32>
        %add3A_1153 = arith.addf %mul3A_1152, %gather3A_312 : vector<16xf32>
        %add3A_1154 = arith.addf %add3A_1153, %get3A_1144 : vector<16xf32>
        %le3A_1155 = arith.constant 4.000000e-02 : f32
        %le3A_1156 = vector.broadcast %le3A_1155 : f32 to vector<16xf32>
        %le3A_1157 = arith.cmpf ole, %add3A_1154, %le3A_1156 : vector<16xf32>
        %convert_element_type3A_1158 = arith.extui %le3A_1157 : vector<16xi1> to vector<16xi32>
        %broadcast_in_dim3A_1159 = arith.constant true
        %broadcast_in_dim3A_1160 = vector.broadcast %broadcast_in_dim3A_1159 : i1 to vector<16xi1>
        %masked_cumsum3A_1161 = tpu.scan <sum>, %convert_element_type3A_1158 masked %broadcast_in_dim3A_1160 : vector<16xi32>, vector<16xi1> -> vector<16xi32>
        %all_reduce_population_count3A_1162 = tpu.all_reduce %le3A_1157 {dim = 0 : i64, kind = #tpu.reduction_kind<sum>} : vector<16xi1> -> vector<16xi32>
        %add3A_1163 = arith.constant 160 : i32
        %add3A_1164 = arith.addi %mul3A_435, %add3A_1163 : i32
        %get3A_1165 = arith.index_cast %add3A_1164 : i32 to index
        %get3A_1166 = tpu.vector_load %arg8[%get3A_1165] {strides = array<i32>} : memref<16384xf32, #tpu.memory_space<vmem>>, vector<16xf32>,
        %bitcast3A_1167 = vector.bitcast %get3A_1166 : vector<16xf32> to vector<16xi32>
        %shift_right_logical3A_1168 = arith.constant 16 : i32
        %shift_right_logical3A_1169 = vector.broadcast %shift_right_logical3A_1168 : i32 to vector<16xi32>
        %shift_right_logical3A_1170 = arith.shrui %bitcast3A_1167, %shift_right_logical3A_1169 : vector<16xi32>
        %and3A_1171 = arith.constant 1 : i32
        %and3A_1172 = vector.broadcast %and3A_1171 : i32 to vector<16xi32>
        %and3A_1173 = arith.andi %shift_right_logical3A_1170, %and3A_1172 : vector<16xi32>
        %add3A_1174 = arith.constant 32767 : i32
        %add3A_1175 = vector.broadcast %add3A_1174 : i32 to vector<16xi32>
        %add3A_1176 = arith.addi %add3A_1175, %and3A_1173 : vector<16xi32>
        %add3A_1177 = arith.addi %bitcast3A_1167, %add3A_1176 : vector<16xi32>
        %and3A_1178 = arith.constant -65536 : i32
        %and3A_1179 = vector.broadcast %and3A_1178 : i32 to vector<16xi32>
        %and3A_1180 = arith.andi %add3A_1177, %and3A_1179 : vector<16xi32>
        %bitcast3A_1181 = vector.bitcast %and3A_1180 : vector<16xi32> to vector<16xf32>
        %get3A_1182 = arith.index_cast %add3A_1164 : i32 to index
        %get3A_1183 = tpu.vector_load %arg9[%get3A_1182] {strides = array<i32>} : memref<16384xf32, #tpu.memory_space<vmem>>, vector<16xf32>,
        %bitcast3A_1184 = vector.bitcast %get3A_1183 : vector<16xf32> to vector<16xi32>
        %shift_right_logical3A_1185 = arith.constant 16 : i32
        %shift_right_logical3A_1186 = vector.broadcast %shift_right_logical3A_1185 : i32 to vector<16xi32>
        %shift_right_logical3A_1187 = arith.shrui %bitcast3A_1184, %shift_right_logical3A_1186 : vector<16xi32>
        %and3A_1188 = arith.constant 1 : i32
        %and3A_1189 = vector.broadcast %and3A_1188 : i32 to vector<16xi32>
        %and3A_1190 = arith.andi %shift_right_logical3A_1187, %and3A_1189 : vector<16xi32>
        %add3A_1191 = arith.constant 32767 : i32
        %add3A_1192 = vector.broadcast %add3A_1191 : i32 to vector<16xi32>
        %add3A_1193 = arith.addi %add3A_1192, %and3A_1190 : vector<16xi32>
        %add3A_1194 = arith.addi %bitcast3A_1184, %add3A_1193 : vector<16xi32>
        %and3A_1195 = arith.constant -65536 : i32
        %and3A_1196 = vector.broadcast %and3A_1195 : i32 to vector<16xi32>
        %and3A_1197 = arith.andi %add3A_1194, %and3A_1196 : vector<16xi32>
        %bitcast3A_1198 = vector.bitcast %and3A_1197 : vector<16xi32> to vector<16xf32>
        %get3A_1199 = arith.index_cast %add3A_1164 : i32 to index
        %get3A_1200 = tpu.vector_load %arg10[%get3A_1199] {strides = array<i32>} : memref<16384xf32, #tpu.memory_space<vmem>>, vector<16xf32>,
        %bitcast3A_1201 = vector.bitcast %get3A_1200 : vector<16xf32> to vector<16xi32>
        %shift_right_logical3A_1202 = arith.constant 16 : i32
        %shift_right_logical3A_1203 = vector.broadcast %shift_right_logical3A_1202 : i32 to vector<16xi32>
        %shift_right_logical3A_1204 = arith.shrui %bitcast3A_1201, %shift_right_logical3A_1203 : vector<16xi32>
        %and3A_1205 = arith.constant 1 : i32
        %and3A_1206 = vector.broadcast %and3A_1205 : i32 to vector<16xi32>
        %and3A_1207 = arith.andi %shift_right_logical3A_1204, %and3A_1206 : vector<16xi32>
        %add3A_1208 = arith.constant 32767 : i32
        %add3A_1209 = vector.broadcast %add3A_1208 : i32 to vector<16xi32>
        %add3A_1210 = arith.addi %add3A_1209, %and3A_1207 : vector<16xi32>
        %add3A_1211 = arith.addi %bitcast3A_1201, %add3A_1210 : vector<16xi32>
        %and3A_1212 = arith.constant -65536 : i32
        %and3A_1213 = vector.broadcast %and3A_1212 : i32 to vector<16xi32>
        %and3A_1214 = arith.andi %add3A_1211, %and3A_1213 : vector<16xi32>
        %bitcast3A_1215 = vector.bitcast %and3A_1214 : vector<16xi32> to vector<16xf32>
        %get3A_1216 = arith.index_cast %add3A_1164 : i32 to index
        %get3A_1217 = tpu.vector_load %arg11[%get3A_1216] {strides = array<i32>} : memref<16384xf32, #tpu.memory_space<vmem>>, vector<16xf32>,
        %mul3A_1218 = arith.mulf %bitcast3A_279, %bitcast3A_1181 : vector<16xf32>
        %mul3A_1219 = arith.mulf %bitcast3A_295, %bitcast3A_1198 : vector<16xf32>
        %add3A_1220 = arith.addf %mul3A_1218, %mul3A_1219 : vector<16xf32>
        %mul3A_1221 = arith.mulf %bitcast3A_311, %bitcast3A_1215 : vector<16xf32>
        %add3A_1222 = arith.addf %add3A_1220, %mul3A_1221 : vector<16xf32>
        %mul3A_1223 = arith.constant -2.000000e+00 : f32
        %mul3A_1224 = vector.broadcast %mul3A_1223 : f32 to vector<16xf32>
        %mul3A_1225 = arith.mulf %mul3A_1224, %add3A_1222 : vector<16xf32>
        %add3A_1226 = arith.addf %mul3A_1225, %gather3A_312 : vector<16xf32>
        %add3A_1227 = arith.addf %add3A_1226, %get3A_1217 : vector<16xf32>
        %le3A_1228 = arith.constant 4.000000e-02 : f32
        %le3A_1229 = vector.broadcast %le3A_1228 : f32 to vector<16xf32>
        %le3A_1230 = arith.cmpf ole, %add3A_1227, %le3A_1229 : vector<16xf32>
        %convert_element_type3A_1231 = arith.extui %le3A_1230 : vector<16xi1> to vector<16xi32>
        %broadcast_in_dim3A_1232 = arith.constant true
        %broadcast_in_dim3A_1233 = vector.broadcast %broadcast_in_dim3A_1232 : i1 to vector<16xi1>
        %masked_cumsum3A_1234 = tpu.scan <sum>, %convert_element_type3A_1231 masked %broadcast_in_dim3A_1233 : vector<16xi32>, vector<16xi1> -> vector<16xi32>
        %all_reduce_population_count3A_1235 = tpu.all_reduce %le3A_1230 {dim = 0 : i64, kind = #tpu.reduction_kind<sum>} : vector<16xi1> -> vector<16xi32>
        %add3A_1236 = arith.constant 176 : i32
        %add3A_1237 = arith.addi %mul3A_435, %add3A_1236 : i32
        %get3A_1238 = arith.index_cast %add3A_1237 : i32 to index
        %get3A_1239 = tpu.vector_load %arg8[%get3A_1238] {strides = array<i32>} : memref<16384xf32, #tpu.memory_space<vmem>>, vector<16xf32>,
        %bitcast3A_1240 = vector.bitcast %get3A_1239 : vector<16xf32> to vector<16xi32>
        %shift_right_logical3A_1241 = arith.constant 16 : i32
        %shift_right_logical3A_1242 = vector.broadcast %shift_right_logical3A_1241 : i32 to vector<16xi32>
        %shift_right_logical3A_1243 = arith.shrui %bitcast3A_1240, %shift_right_logical3A_1242 : vector<16xi32>
        %and3A_1244 = arith.constant 1 : i32
        %and3A_1245 = vector.broadcast %and3A_1244 : i32 to vector<16xi32>
        %and3A_1246 = arith.andi %shift_right_logical3A_1243, %and3A_1245 : vector<16xi32>
        %add3A_1247 = arith.constant 32767 : i32
        %add3A_1248 = vector.broadcast %add3A_1247 : i32 to vector<16xi32>
        %add3A_1249 = arith.addi %add3A_1248, %and3A_1246 : vector<16xi32>
        %add3A_1250 = arith.addi %bitcast3A_1240, %add3A_1249 : vector<16xi32>
        %and3A_1251 = arith.constant -65536 : i32
        %and3A_1252 = vector.broadcast %and3A_1251 : i32 to vector<16xi32>
        %and3A_1253 = arith.andi %add3A_1250, %and3A_1252 : vector<16xi32>
        %bitcast3A_1254 = vector.bitcast %and3A_1253 : vector<16xi32> to vector<16xf32>
        %get3A_1255 = arith.index_cast %add3A_1237 : i32 to index
        %get3A_1256 = tpu.vector_load %arg9[%get3A_1255] {strides = array<i32>} : memref<16384xf32, #tpu.memory_space<vmem>>, vector<16xf32>,
        %bitcast3A_1257 = vector.bitcast %get3A_1256 : vector<16xf32> to vector<16xi32>
        %shift_right_logical3A_1258 = arith.constant 16 : i32
        %shift_right_logical3A_1259 = vector.broadcast %shift_right_logical3A_1258 : i32 to vector<16xi32>
        %shift_right_logical3A_1260 = arith.shrui %bitcast3A_1257, %shift_right_logical3A_1259 : vector<16xi32>
        %and3A_1261 = arith.constant 1 : i32
        %and3A_1262 = vector.broadcast %and3A_1261 : i32 to vector<16xi32>
        %and3A_1263 = arith.andi %shift_right_logical3A_1260, %and3A_1262 : vector<16xi32>
        %add3A_1264 = arith.constant 32767 : i32
        %add3A_1265 = vector.broadcast %add3A_1264 : i32 to vector<16xi32>
        %add3A_1266 = arith.addi %add3A_1265, %and3A_1263 : vector<16xi32>
        %add3A_1267 = arith.addi %bitcast3A_1257, %add3A_1266 : vector<16xi32>
        %and3A_1268 = arith.constant -65536 : i32
        %and3A_1269 = vector.broadcast %and3A_1268 : i32 to vector<16xi32>
        %and3A_1270 = arith.andi %add3A_1267, %and3A_1269 : vector<16xi32>
        %bitcast3A_1271 = vector.bitcast %and3A_1270 : vector<16xi32> to vector<16xf32>
        %get3A_1272 = arith.index_cast %add3A_1237 : i32 to index
        %get3A_1273 = tpu.vector_load %arg10[%get3A_1272] {strides = array<i32>} : memref<16384xf32, #tpu.memory_space<vmem>>, vector<16xf32>,
        %bitcast3A_1274 = vector.bitcast %get3A_1273 : vector<16xf32> to vector<16xi32>
        %shift_right_logical3A_1275 = arith.constant 16 : i32
        %shift_right_logical3A_1276 = vector.broadcast %shift_right_logical3A_1275 : i32 to vector<16xi32>
        %shift_right_logical3A_1277 = arith.shrui %bitcast3A_1274, %shift_right_logical3A_1276 : vector<16xi32>
        %and3A_1278 = arith.constant 1 : i32
        %and3A_1279 = vector.broadcast %and3A_1278 : i32 to vector<16xi32>
        %and3A_1280 = arith.andi %shift_right_logical3A_1277, %and3A_1279 : vector<16xi32>
        %add3A_1281 = arith.constant 32767 : i32
        %add3A_1282 = vector.broadcast %add3A_1281 : i32 to vector<16xi32>
        %add3A_1283 = arith.addi %add3A_1282, %and3A_1280 : vector<16xi32>
        %add3A_1284 = arith.addi %bitcast3A_1274, %add3A_1283 : vector<16xi32>
        %and3A_1285 = arith.constant -65536 : i32
        %and3A_1286 = vector.broadcast %and3A_1285 : i32 to vector<16xi32>
        %and3A_1287 = arith.andi %add3A_1284, %and3A_1286 : vector<16xi32>
        %bitcast3A_1288 = vector.bitcast %and3A_1287 : vector<16xi32> to vector<16xf32>
        %get3A_1289 = arith.index_cast %add3A_1237 : i32 to index
        %get3A_1290 = tpu.vector_load %arg11[%get3A_1289] {strides = array<i32>} : memref<16384xf32, #tpu.memory_space<vmem>>, vector<16xf32>,
        %mul3A_1291 = arith.mulf %bitcast3A_279, %bitcast3A_1254 : vector<16xf32>
        %mul3A_1292 = arith.mulf %bitcast3A_295, %bitcast3A_1271 : vector<16xf32>
        %add3A_1293 = arith.addf %mul3A_1291, %mul3A_1292 : vector<16xf32>
        %mul3A_1294 = arith.mulf %bitcast3A_311, %bitcast3A_1288 : vector<16xf32>
        %add3A_1295 = arith.addf %add3A_1293, %mul3A_1294 : vector<16xf32>
        %mul3A_1296 = arith.constant -2.000000e+00 : f32
        %mul3A_1297 = vector.broadcast %mul3A_1296 : f32 to vector<16xf32>
        %mul3A_1298 = arith.mulf %mul3A_1297, %add3A_1295 : vector<16xf32>
        %add3A_1299 = arith.addf %mul3A_1298, %gather3A_312 : vector<16xf32>
        %add3A_1300 = arith.addf %add3A_1299, %get3A_1290 : vector<16xf32>
        %le3A_1301 = arith.constant 4.000000e-02 : f32
        %le3A_1302 = vector.broadcast %le3A_1301 : f32 to vector<16xf32>
        %le3A_1303 = arith.cmpf ole, %add3A_1300, %le3A_1302 : vector<16xf32>
        %convert_element_type3A_1304 = arith.extui %le3A_1303 : vector<16xi1> to vector<16xi32>
        %broadcast_in_dim3A_1305 = arith.constant true
        %broadcast_in_dim3A_1306 = vector.broadcast %broadcast_in_dim3A_1305 : i1 to vector<16xi1>
        %masked_cumsum3A_1307 = tpu.scan <sum>, %convert_element_type3A_1304 masked %broadcast_in_dim3A_1306 : vector<16xi32>, vector<16xi1> -> vector<16xi32>
        %all_reduce_population_count3A_1308 = tpu.all_reduce %le3A_1303 {dim = 0 : i64, kind = #tpu.reduction_kind<sum>} : vector<16xi1> -> vector<16xi32>
        %add3A_1309 = arith.constant 192 : i32
        %add3A_1310 = arith.addi %mul3A_435, %add3A_1309 : i32
        %get3A_1311 = arith.index_cast %add3A_1310 : i32 to index
        %get3A_1312 = tpu.vector_load %arg8[%get3A_1311] {strides = array<i32>} : memref<16384xf32, #tpu.memory_space<vmem>>, vector<16xf32>,
        %bitcast3A_1313 = vector.bitcast %get3A_1312 : vector<16xf32> to vector<16xi32>
        %shift_right_logical3A_1314 = arith.constant 16 : i32
        %shift_right_logical3A_1315 = vector.broadcast %shift_right_logical3A_1314 : i32 to vector<16xi32>
        %shift_right_logical3A_1316 = arith.shrui %bitcast3A_1313, %shift_right_logical3A_1315 : vector<16xi32>
        %and3A_1317 = arith.constant 1 : i32
        %and3A_1318 = vector.broadcast %and3A_1317 : i32 to vector<16xi32>
        %and3A_1319 = arith.andi %shift_right_logical3A_1316, %and3A_1318 : vector<16xi32>
        %add3A_1320 = arith.constant 32767 : i32
        %add3A_1321 = vector.broadcast %add3A_1320 : i32 to vector<16xi32>
        %add3A_1322 = arith.addi %add3A_1321, %and3A_1319 : vector<16xi32>
        %add3A_1323 = arith.addi %bitcast3A_1313, %add3A_1322 : vector<16xi32>
        %and3A_1324 = arith.constant -65536 : i32
        %and3A_1325 = vector.broadcast %and3A_1324 : i32 to vector<16xi32>
        %and3A_1326 = arith.andi %add3A_1323, %and3A_1325 : vector<16xi32>
        %bitcast3A_1327 = vector.bitcast %and3A_1326 : vector<16xi32> to vector<16xf32>
        %get3A_1328 = arith.index_cast %add3A_1310 : i32 to index
        %get3A_1329 = tpu.vector_load %arg9[%get3A_1328] {strides = array<i32>} : memref<16384xf32, #tpu.memory_space<vmem>>, vector<16xf32>,
        %bitcast3A_1330 = vector.bitcast %get3A_1329 : vector<16xf32> to vector<16xi32>
        %shift_right_logical3A_1331 = arith.constant 16 : i32
        %shift_right_logical3A_1332 = vector.broadcast %shift_right_logical3A_1331 : i32 to vector<16xi32>
        %shift_right_logical3A_1333 = arith.shrui %bitcast3A_1330, %shift_right_logical3A_1332 : vector<16xi32>
        %and3A_1334 = arith.constant 1 : i32
        %and3A_1335 = vector.broadcast %and3A_1334 : i32 to vector<16xi32>
        %and3A_1336 = arith.andi %shift_right_logical3A_1333, %and3A_1335 : vector<16xi32>
        %add3A_1337 = arith.constant 32767 : i32
        %add3A_1338 = vector.broadcast %add3A_1337 : i32 to vector<16xi32>
        %add3A_1339 = arith.addi %add3A_1338, %and3A_1336 : vector<16xi32>
        %add3A_1340 = arith.addi %bitcast3A_1330, %add3A_1339 : vector<16xi32>
        %and3A_1341 = arith.constant -65536 : i32
        %and3A_1342 = vector.broadcast %and3A_1341 : i32 to vector<16xi32>
        %and3A_1343 = arith.andi %add3A_1340, %and3A_1342 : vector<16xi32>
        %bitcast3A_1344 = vector.bitcast %and3A_1343 : vector<16xi32> to vector<16xf32>
        %get3A_1345 = arith.index_cast %add3A_1310 : i32 to index
        %get3A_1346 = tpu.vector_load %arg10[%get3A_1345] {strides = array<i32>} : memref<16384xf32, #tpu.memory_space<vmem>>, vector<16xf32>,
        %bitcast3A_1347 = vector.bitcast %get3A_1346 : vector<16xf32> to vector<16xi32>
        %shift_right_logical3A_1348 = arith.constant 16 : i32
        %shift_right_logical3A_1349 = vector.broadcast %shift_right_logical3A_1348 : i32 to vector<16xi32>
        %shift_right_logical3A_1350 = arith.shrui %bitcast3A_1347, %shift_right_logical3A_1349 : vector<16xi32>
        %and3A_1351 = arith.constant 1 : i32
        %and3A_1352 = vector.broadcast %and3A_1351 : i32 to vector<16xi32>
        %and3A_1353 = arith.andi %shift_right_logical3A_1350, %and3A_1352 : vector<16xi32>
        %add3A_1354 = arith.constant 32767 : i32
        %add3A_1355 = vector.broadcast %add3A_1354 : i32 to vector<16xi32>
        %add3A_1356 = arith.addi %add3A_1355, %and3A_1353 : vector<16xi32>
        %add3A_1357 = arith.addi %bitcast3A_1347, %add3A_1356 : vector<16xi32>
        %and3A_1358 = arith.constant -65536 : i32
        %and3A_1359 = vector.broadcast %and3A_1358 : i32 to vector<16xi32>
        %and3A_1360 = arith.andi %add3A_1357, %and3A_1359 : vector<16xi32>
        %bitcast3A_1361 = vector.bitcast %and3A_1360 : vector<16xi32> to vector<16xf32>
        %get3A_1362 = arith.index_cast %add3A_1310 : i32 to index
        %get3A_1363 = tpu.vector_load %arg11[%get3A_1362] {strides = array<i32>} : memref<16384xf32, #tpu.memory_space<vmem>>, vector<16xf32>,
        %mul3A_1364 = arith.mulf %bitcast3A_279, %bitcast3A_1327 : vector<16xf32>
        %mul3A_1365 = arith.mulf %bitcast3A_295, %bitcast3A_1344 : vector<16xf32>
        %add3A_1366 = arith.addf %mul3A_1364, %mul3A_1365 : vector<16xf32>
        %mul3A_1367 = arith.mulf %bitcast3A_311, %bitcast3A_1361 : vector<16xf32>
        %add3A_1368 = arith.addf %add3A_1366, %mul3A_1367 : vector<16xf32>
        %mul3A_1369 = arith.constant -2.000000e+00 : f32
        %mul3A_1370 = vector.broadcast %mul3A_1369 : f32 to vector<16xf32>
        %mul3A_1371 = arith.mulf %mul3A_1370, %add3A_1368 : vector<16xf32>
        %add3A_1372 = arith.addf %mul3A_1371, %gather3A_312 : vector<16xf32>
        %add3A_1373 = arith.addf %add3A_1372, %get3A_1363 : vector<16xf32>
        %le3A_1374 = arith.constant 4.000000e-02 : f32
        %le3A_1375 = vector.broadcast %le3A_1374 : f32 to vector<16xf32>
        %le3A_1376 = arith.cmpf ole, %add3A_1373, %le3A_1375 : vector<16xf32>
        %convert_element_type3A_1377 = arith.extui %le3A_1376 : vector<16xi1> to vector<16xi32>
        %broadcast_in_dim3A_1378 = arith.constant true
        %broadcast_in_dim3A_1379 = vector.broadcast %broadcast_in_dim3A_1378 : i1 to vector<16xi1>
        %masked_cumsum3A_1380 = tpu.scan <sum>, %convert_element_type3A_1377 masked %broadcast_in_dim3A_1379 : vector<16xi32>, vector<16xi1> -> vector<16xi32>
        %all_reduce_population_count3A_1381 = tpu.all_reduce %le3A_1376 {dim = 0 : i64, kind = #tpu.reduction_kind<sum>} : vector<16xi1> -> vector<16xi32>
        %add3A_1382 = arith.constant 208 : i32
        %add3A_1383 = arith.addi %mul3A_435, %add3A_1382 : i32
        %get3A_1384 = arith.index_cast %add3A_1383 : i32 to index
        %get3A_1385 = tpu.vector_load %arg8[%get3A_1384] {strides = array<i32>} : memref<16384xf32, #tpu.memory_space<vmem>>, vector<16xf32>,
        %bitcast3A_1386 = vector.bitcast %get3A_1385 : vector<16xf32> to vector<16xi32>
        %shift_right_logical3A_1387 = arith.constant 16 : i32
        %shift_right_logical3A_1388 = vector.broadcast %shift_right_logical3A_1387 : i32 to vector<16xi32>
        %shift_right_logical3A_1389 = arith.shrui %bitcast3A_1386, %shift_right_logical3A_1388 : vector<16xi32>
        %and3A_1390 = arith.constant 1 : i32
        %and3A_1391 = vector.broadcast %and3A_1390 : i32 to vector<16xi32>
        %and3A_1392 = arith.andi %shift_right_logical3A_1389, %and3A_1391 : vector<16xi32>
        %add3A_1393 = arith.constant 32767 : i32
        %add3A_1394 = vector.broadcast %add3A_1393 : i32 to vector<16xi32>
        %add3A_1395 = arith.addi %add3A_1394, %and3A_1392 : vector<16xi32>
        %add3A_1396 = arith.addi %bitcast3A_1386, %add3A_1395 : vector<16xi32>
        %and3A_1397 = arith.constant -65536 : i32
        %and3A_1398 = vector.broadcast %and3A_1397 : i32 to vector<16xi32>
        %and3A_1399 = arith.andi %add3A_1396, %and3A_1398 : vector<16xi32>
        %bitcast3A_1400 = vector.bitcast %and3A_1399 : vector<16xi32> to vector<16xf32>
        %get3A_1401 = arith.index_cast %add3A_1383 : i32 to index
        %get3A_1402 = tpu.vector_load %arg9[%get3A_1401] {strides = array<i32>} : memref<16384xf32, #tpu.memory_space<vmem>>, vector<16xf32>,
        %bitcast3A_1403 = vector.bitcast %get3A_1402 : vector<16xf32> to vector<16xi32>
        %shift_right_logical3A_1404 = arith.constant 16 : i32
        %shift_right_logical3A_1405 = vector.broadcast %shift_right_logical3A_1404 : i32 to vector<16xi32>
        %shift_right_logical3A_1406 = arith.shrui %bitcast3A_1403, %shift_right_logical3A_1405 : vector<16xi32>
        %and3A_1407 = arith.constant 1 : i32
        %and3A_1408 = vector.broadcast %and3A_1407 : i32 to vector<16xi32>
        %and3A_1409 = arith.andi %shift_right_logical3A_1406, %and3A_1408 : vector<16xi32>
        %add3A_1410 = arith.constant 32767 : i32
        %add3A_1411 = vector.broadcast %add3A_1410 : i32 to vector<16xi32>
        %add3A_1412 = arith.addi %add3A_1411, %and3A_1409 : vector<16xi32>
        %add3A_1413 = arith.addi %bitcast3A_1403, %add3A_1412 : vector<16xi32>
        %and3A_1414 = arith.constant -65536 : i32
        %and3A_1415 = vector.broadcast %and3A_1414 : i32 to vector<16xi32>
        %and3A_1416 = arith.andi %add3A_1413, %and3A_1415 : vector<16xi32>
        %bitcast3A_1417 = vector.bitcast %and3A_1416 : vector<16xi32> to vector<16xf32>
        %get3A_1418 = arith.index_cast %add3A_1383 : i32 to index
        %get3A_1419 = tpu.vector_load %arg10[%get3A_1418] {strides = array<i32>} : memref<16384xf32, #tpu.memory_space<vmem>>, vector<16xf32>,
        %bitcast3A_1420 = vector.bitcast %get3A_1419 : vector<16xf32> to vector<16xi32>
        %shift_right_logical3A_1421 = arith.constant 16 : i32
        %shift_right_logical3A_1422 = vector.broadcast %shift_right_logical3A_1421 : i32 to vector<16xi32>
        %shift_right_logical3A_1423 = arith.shrui %bitcast3A_1420, %shift_right_logical3A_1422 : vector<16xi32>
        %and3A_1424 = arith.constant 1 : i32
        %and3A_1425 = vector.broadcast %and3A_1424 : i32 to vector<16xi32>
        %and3A_1426 = arith.andi %shift_right_logical3A_1423, %and3A_1425 : vector<16xi32>
        %add3A_1427 = arith.constant 32767 : i32
        %add3A_1428 = vector.broadcast %add3A_1427 : i32 to vector<16xi32>
        %add3A_1429 = arith.addi %add3A_1428, %and3A_1426 : vector<16xi32>
        %add3A_1430 = arith.addi %bitcast3A_1420, %add3A_1429 : vector<16xi32>
        %and3A_1431 = arith.constant -65536 : i32
        %and3A_1432 = vector.broadcast %and3A_1431 : i32 to vector<16xi32>
        %and3A_1433 = arith.andi %add3A_1430, %and3A_1432 : vector<16xi32>
        %bitcast3A_1434 = vector.bitcast %and3A_1433 : vector<16xi32> to vector<16xf32>
        %get3A_1435 = arith.index_cast %add3A_1383 : i32 to index
        %get3A_1436 = tpu.vector_load %arg11[%get3A_1435] {strides = array<i32>} : memref<16384xf32, #tpu.memory_space<vmem>>, vector<16xf32>,
        %mul3A_1437 = arith.mulf %bitcast3A_279, %bitcast3A_1400 : vector<16xf32>
        %mul3A_1438 = arith.mulf %bitcast3A_295, %bitcast3A_1417 : vector<16xf32>
        %add3A_1439 = arith.addf %mul3A_1437, %mul3A_1438 : vector<16xf32>
        %mul3A_1440 = arith.mulf %bitcast3A_311, %bitcast3A_1434 : vector<16xf32>
        %add3A_1441 = arith.addf %add3A_1439, %mul3A_1440 : vector<16xf32>
        %mul3A_1442 = arith.constant -2.000000e+00 : f32
        %mul3A_1443 = vector.broadcast %mul3A_1442 : f32 to vector<16xf32>
        %mul3A_1444 = arith.mulf %mul3A_1443, %add3A_1441 : vector<16xf32>
        %add3A_1445 = arith.addf %mul3A_1444, %gather3A_312 : vector<16xf32>
        %add3A_1446 = arith.addf %add3A_1445, %get3A_1436 : vector<16xf32>
        %le3A_1447 = arith.constant 4.000000e-02 : f32
        %le3A_1448 = vector.broadcast %le3A_1447 : f32 to vector<16xf32>
        %le3A_1449 = arith.cmpf ole, %add3A_1446, %le3A_1448 : vector<16xf32>
        %convert_element_type3A_1450 = arith.extui %le3A_1449 : vector<16xi1> to vector<16xi32>
        %broadcast_in_dim3A_1451 = arith.constant true
        %broadcast_in_dim3A_1452 = vector.broadcast %broadcast_in_dim3A_1451 : i1 to vector<16xi1>
        %masked_cumsum3A_1453 = tpu.scan <sum>, %convert_element_type3A_1450 masked %broadcast_in_dim3A_1452 : vector<16xi32>, vector<16xi1> -> vector<16xi32>
        %all_reduce_population_count3A_1454 = tpu.all_reduce %le3A_1449 {dim = 0 : i64, kind = #tpu.reduction_kind<sum>} : vector<16xi1> -> vector<16xi32>
        %add3A_1455 = arith.constant 224 : i32
        %add3A_1456 = arith.addi %mul3A_435, %add3A_1455 : i32
        %get3A_1457 = arith.index_cast %add3A_1456 : i32 to index
        %get3A_1458 = tpu.vector_load %arg8[%get3A_1457] {strides = array<i32>} : memref<16384xf32, #tpu.memory_space<vmem>>, vector<16xf32>,
        %bitcast3A_1459 = vector.bitcast %get3A_1458 : vector<16xf32> to vector<16xi32>
        %shift_right_logical3A_1460 = arith.constant 16 : i32
        %shift_right_logical3A_1461 = vector.broadcast %shift_right_logical3A_1460 : i32 to vector<16xi32>
        %shift_right_logical3A_1462 = arith.shrui %bitcast3A_1459, %shift_right_logical3A_1461 : vector<16xi32>
        %and3A_1463 = arith.constant 1 : i32
        %and3A_1464 = vector.broadcast %and3A_1463 : i32 to vector<16xi32>
        %and3A_1465 = arith.andi %shift_right_logical3A_1462, %and3A_1464 : vector<16xi32>
        %add3A_1466 = arith.constant 32767 : i32
        %add3A_1467 = vector.broadcast %add3A_1466 : i32 to vector<16xi32>
        %add3A_1468 = arith.addi %add3A_1467, %and3A_1465 : vector<16xi32>
        %add3A_1469 = arith.addi %bitcast3A_1459, %add3A_1468 : vector<16xi32>
        %and3A_1470 = arith.constant -65536 : i32
        %and3A_1471 = vector.broadcast %and3A_1470 : i32 to vector<16xi32>
        %and3A_1472 = arith.andi %add3A_1469, %and3A_1471 : vector<16xi32>
        %bitcast3A_1473 = vector.bitcast %and3A_1472 : vector<16xi32> to vector<16xf32>
        %get3A_1474 = arith.index_cast %add3A_1456 : i32 to index
        %get3A_1475 = tpu.vector_load %arg9[%get3A_1474] {strides = array<i32>} : memref<16384xf32, #tpu.memory_space<vmem>>, vector<16xf32>,
        %bitcast3A_1476 = vector.bitcast %get3A_1475 : vector<16xf32> to vector<16xi32>
        %shift_right_logical3A_1477 = arith.constant 16 : i32
        %shift_right_logical3A_1478 = vector.broadcast %shift_right_logical3A_1477 : i32 to vector<16xi32>
        %shift_right_logical3A_1479 = arith.shrui %bitcast3A_1476, %shift_right_logical3A_1478 : vector<16xi32>
        %and3A_1480 = arith.constant 1 : i32
        %and3A_1481 = vector.broadcast %and3A_1480 : i32 to vector<16xi32>
        %and3A_1482 = arith.andi %shift_right_logical3A_1479, %and3A_1481 : vector<16xi32>
        %add3A_1483 = arith.constant 32767 : i32
        %add3A_1484 = vector.broadcast %add3A_1483 : i32 to vector<16xi32>
        %add3A_1485 = arith.addi %add3A_1484, %and3A_1482 : vector<16xi32>
        %add3A_1486 = arith.addi %bitcast3A_1476, %add3A_1485 : vector<16xi32>
        %and3A_1487 = arith.constant -65536 : i32
        %and3A_1488 = vector.broadcast %and3A_1487 : i32 to vector<16xi32>
        %and3A_1489 = arith.andi %add3A_1486, %and3A_1488 : vector<16xi32>
        %bitcast3A_1490 = vector.bitcast %and3A_1489 : vector<16xi32> to vector<16xf32>
        %get3A_1491 = arith.index_cast %add3A_1456 : i32 to index
        %get3A_1492 = tpu.vector_load %arg10[%get3A_1491] {strides = array<i32>} : memref<16384xf32, #tpu.memory_space<vmem>>, vector<16xf32>,
        %bitcast3A_1493 = vector.bitcast %get3A_1492 : vector<16xf32> to vector<16xi32>
        %shift_right_logical3A_1494 = arith.constant 16 : i32
        %shift_right_logical3A_1495 = vector.broadcast %shift_right_logical3A_1494 : i32 to vector<16xi32>
        %shift_right_logical3A_1496 = arith.shrui %bitcast3A_1493, %shift_right_logical3A_1495 : vector<16xi32>
        %and3A_1497 = arith.constant 1 : i32
        %and3A_1498 = vector.broadcast %and3A_1497 : i32 to vector<16xi32>
        %and3A_1499 = arith.andi %shift_right_logical3A_1496, %and3A_1498 : vector<16xi32>
        %add3A_1500 = arith.constant 32767 : i32
        %add3A_1501 = vector.broadcast %add3A_1500 : i32 to vector<16xi32>
        %add3A_1502 = arith.addi %add3A_1501, %and3A_1499 : vector<16xi32>
        %add3A_1503 = arith.addi %bitcast3A_1493, %add3A_1502 : vector<16xi32>
        %and3A_1504 = arith.constant -65536 : i32
        %and3A_1505 = vector.broadcast %and3A_1504 : i32 to vector<16xi32>
        %and3A_1506 = arith.andi %add3A_1503, %and3A_1505 : vector<16xi32>
        %bitcast3A_1507 = vector.bitcast %and3A_1506 : vector<16xi32> to vector<16xf32>
        %get3A_1508 = arith.index_cast %add3A_1456 : i32 to index
        %get3A_1509 = tpu.vector_load %arg11[%get3A_1508] {strides = array<i32>} : memref<16384xf32, #tpu.memory_space<vmem>>, vector<16xf32>,
        %mul3A_1510 = arith.mulf %bitcast3A_279, %bitcast3A_1473 : vector<16xf32>
        %mul3A_1511 = arith.mulf %bitcast3A_295, %bitcast3A_1490 : vector<16xf32>
        %add3A_1512 = arith.addf %mul3A_1510, %mul3A_1511 : vector<16xf32>
        %mul3A_1513 = arith.mulf %bitcast3A_311, %bitcast3A_1507 : vector<16xf32>
        %add3A_1514 = arith.addf %add3A_1512, %mul3A_1513 : vector<16xf32>
        %mul3A_1515 = arith.constant -2.000000e+00 : f32
        %mul3A_1516 = vector.broadcast %mul3A_1515 : f32 to vector<16xf32>
        %mul3A_1517 = arith.mulf %mul3A_1516, %add3A_1514 : vector<16xf32>
        %add3A_1518 = arith.addf %mul3A_1517, %gather3A_312 : vector<16xf32>
        %add3A_1519 = arith.addf %add3A_1518, %get3A_1509 : vector<16xf32>
        %le3A_1520 = arith.constant 4.000000e-02 : f32
        %le3A_1521 = vector.broadcast %le3A_1520 : f32 to vector<16xf32>
        %le3A_1522 = arith.cmpf ole, %add3A_1519, %le3A_1521 : vector<16xf32>
        %convert_element_type3A_1523 = arith.extui %le3A_1522 : vector<16xi1> to vector<16xi32>
        %broadcast_in_dim3A_1524 = arith.constant true
        %broadcast_in_dim3A_1525 = vector.broadcast %broadcast_in_dim3A_1524 : i1 to vector<16xi1>
        %masked_cumsum3A_1526 = tpu.scan <sum>, %convert_element_type3A_1523 masked %broadcast_in_dim3A_1525 : vector<16xi32>, vector<16xi1> -> vector<16xi32>
        %all_reduce_population_count3A_1527 = tpu.all_reduce %le3A_1522 {dim = 0 : i64, kind = #tpu.reduction_kind<sum>} : vector<16xi1> -> vector<16xi32>
        %add3A_1528 = arith.constant 240 : i32
        %add3A_1529 = arith.addi %mul3A_435, %add3A_1528 : i32
        %get3A_1530 = arith.index_cast %add3A_1529 : i32 to index
        %get3A_1531 = tpu.vector_load %arg8[%get3A_1530] {strides = array<i32>} : memref<16384xf32, #tpu.memory_space<vmem>>, vector<16xf32>,
        %bitcast3A_1532 = vector.bitcast %get3A_1531 : vector<16xf32> to vector<16xi32>
        %shift_right_logical3A_1533 = arith.constant 16 : i32
        %shift_right_logical3A_1534 = vector.broadcast %shift_right_logical3A_1533 : i32 to vector<16xi32>
        %shift_right_logical3A_1535 = arith.shrui %bitcast3A_1532, %shift_right_logical3A_1534 : vector<16xi32>
        %and3A_1536 = arith.constant 1 : i32
        %and3A_1537 = vector.broadcast %and3A_1536 : i32 to vector<16xi32>
        %and3A_1538 = arith.andi %shift_right_logical3A_1535, %and3A_1537 : vector<16xi32>
        %add3A_1539 = arith.constant 32767 : i32
        %add3A_1540 = vector.broadcast %add3A_1539 : i32 to vector<16xi32>
        %add3A_1541 = arith.addi %add3A_1540, %and3A_1538 : vector<16xi32>
        %add3A_1542 = arith.addi %bitcast3A_1532, %add3A_1541 : vector<16xi32>
        %and3A_1543 = arith.constant -65536 : i32
        %and3A_1544 = vector.broadcast %and3A_1543 : i32 to vector<16xi32>
        %and3A_1545 = arith.andi %add3A_1542, %and3A_1544 : vector<16xi32>
        %bitcast3A_1546 = vector.bitcast %and3A_1545 : vector<16xi32> to vector<16xf32>
        %get3A_1547 = arith.index_cast %add3A_1529 : i32 to index
        %get3A_1548 = tpu.vector_load %arg9[%get3A_1547] {strides = array<i32>} : memref<16384xf32, #tpu.memory_space<vmem>>, vector<16xf32>,
        %bitcast3A_1549 = vector.bitcast %get3A_1548 : vector<16xf32> to vector<16xi32>
        %shift_right_logical3A_1550 = arith.constant 16 : i32
        %shift_right_logical3A_1551 = vector.broadcast %shift_right_logical3A_1550 : i32 to vector<16xi32>
        %shift_right_logical3A_1552 = arith.shrui %bitcast3A_1549, %shift_right_logical3A_1551 : vector<16xi32>
        %and3A_1553 = arith.constant 1 : i32
        %and3A_1554 = vector.broadcast %and3A_1553 : i32 to vector<16xi32>
        %and3A_1555 = arith.andi %shift_right_logical3A_1552, %and3A_1554 : vector<16xi32>
        %add3A_1556 = arith.constant 32767 : i32
        %add3A_1557 = vector.broadcast %add3A_1556 : i32 to vector<16xi32>
        %add3A_1558 = arith.addi %add3A_1557, %and3A_1555 : vector<16xi32>
        %add3A_1559 = arith.addi %bitcast3A_1549, %add3A_1558 : vector<16xi32>
        %and3A_1560 = arith.constant -65536 : i32
        %and3A_1561 = vector.broadcast %and3A_1560 : i32 to vector<16xi32>
        %and3A_1562 = arith.andi %add3A_1559, %and3A_1561 : vector<16xi32>
        %bitcast3A_1563 = vector.bitcast %and3A_1562 : vector<16xi32> to vector<16xf32>
        %get3A_1564 = arith.index_cast %add3A_1529 : i32 to index
        %get3A_1565 = tpu.vector_load %arg10[%get3A_1564] {strides = array<i32>} : memref<16384xf32, #tpu.memory_space<vmem>>, vector<16xf32>,
        %bitcast3A_1566 = vector.bitcast %get3A_1565 : vector<16xf32> to vector<16xi32>
        %shift_right_logical3A_1567 = arith.constant 16 : i32
        %shift_right_logical3A_1568 = vector.broadcast %shift_right_logical3A_1567 : i32 to vector<16xi32>
        %shift_right_logical3A_1569 = arith.shrui %bitcast3A_1566, %shift_right_logical3A_1568 : vector<16xi32>
        %and3A_1570 = arith.constant 1 : i32
        %and3A_1571 = vector.broadcast %and3A_1570 : i32 to vector<16xi32>
        %and3A_1572 = arith.andi %shift_right_logical3A_1569, %and3A_1571 : vector<16xi32>
        %add3A_1573 = arith.constant 32767 : i32
        %add3A_1574 = vector.broadcast %add3A_1573 : i32 to vector<16xi32>
        %add3A_1575 = arith.addi %add3A_1574, %and3A_1572 : vector<16xi32>
        %add3A_1576 = arith.addi %bitcast3A_1566, %add3A_1575 : vector<16xi32>
        %and3A_1577 = arith.constant -65536 : i32
        %and3A_1578 = vector.broadcast %and3A_1577 : i32 to vector<16xi32>
        %and3A_1579 = arith.andi %add3A_1576, %and3A_1578 : vector<16xi32>
        %bitcast3A_1580 = vector.bitcast %and3A_1579 : vector<16xi32> to vector<16xf32>
        %get3A_1581 = arith.index_cast %add3A_1529 : i32 to index
        %get3A_1582 = tpu.vector_load %arg11[%get3A_1581] {strides = array<i32>} : memref<16384xf32, #tpu.memory_space<vmem>>, vector<16xf32>,
        %mul3A_1583 = arith.mulf %bitcast3A_279, %bitcast3A_1546 : vector<16xf32>
        %mul3A_1584 = arith.mulf %bitcast3A_295, %bitcast3A_1563 : vector<16xf32>
        %add3A_1585 = arith.addf %mul3A_1583, %mul3A_1584 : vector<16xf32>
        %mul3A_1586 = arith.mulf %bitcast3A_311, %bitcast3A_1580 : vector<16xf32>
        %add3A_1587 = arith.addf %add3A_1585, %mul3A_1586 : vector<16xf32>
        %mul3A_1588 = arith.constant -2.000000e+00 : f32
        %mul3A_1589 = vector.broadcast %mul3A_1588 : f32 to vector<16xf32>
        %mul3A_1590 = arith.mulf %mul3A_1589, %add3A_1587 : vector<16xf32>
        %add3A_1591 = arith.addf %mul3A_1590, %gather3A_312 : vector<16xf32>
        %add3A_1592 = arith.addf %add3A_1591, %get3A_1582 : vector<16xf32>
        %le3A_1593 = arith.constant 4.000000e-02 : f32
        %le3A_1594 = vector.broadcast %le3A_1593 : f32 to vector<16xf32>
        %le3A_1595 = arith.cmpf ole, %add3A_1592, %le3A_1594 : vector<16xf32>
        %convert_element_type3A_1596 = arith.extui %le3A_1595 : vector<16xi1> to vector<16xi32>
        %broadcast_in_dim3A_1597 = arith.constant true
        %broadcast_in_dim3A_1598 = vector.broadcast %broadcast_in_dim3A_1597 : i1 to vector<16xi1>
        %masked_cumsum3A_1599 = tpu.scan <sum>, %convert_element_type3A_1596 masked %broadcast_in_dim3A_1598 : vector<16xi32>, vector<16xi1> -> vector<16xi32>
        %all_reduce_population_count3A_1600 = tpu.all_reduce %le3A_1595 {dim = 0 : i64, kind = #tpu.reduction_kind<sum>} : vector<16xi1> -> vector<16xi32>
        %add3A_1601 = arith.addi %while3A_433, %masked_cumsum3A : vector<16xi32>
        %sub3A_1602 = arith.constant 1 : i32
        %sub3A_1603 = vector.broadcast %sub3A_1602 : i32 to vector<16xi32>
        %sub3A_1604 = arith.subi %add3A_1601, %sub3A_1603 : vector<16xi32>
        %lt3A_1605 = arith.constant 32 : i32
        %lt3A_1606 = vector.broadcast %lt3A_1605 : i32 to vector<16xi32>
        %lt3A_1607 = arith.cmpi slt, %sub3A_1604, %lt3A_1606 : vector<16xi32>
        %and3A_1608 = arith.andi %le3A_502, %lt3A_1607 : vector<16xi1>
        %add3A_1609 = arith.constant 0 : i32
        %add3A_1610 = arith.addi %mul3A_435, %add3A_1609 : i32
        %add3A_1611 = vector.broadcast %add3A_1610 : i32 to vector<16xi32>
        %add3A_1612 = arith.addi %iota3A, %add3A_1611 : vector<16xi32>
        tpu.vector_store_idx %arg16[%sub3A_1604], %add3A_1612 masked %and3A_1608 : memref<64xi32, #tpu.memory_space<vmem>>[vector<16xi32>], vector<16xi32>, vector<16xi1>
        %add3A_1613 = arith.addi %while3A_433, %all_reduce_population_count3A : vector<16xi32>
        %add3A_1614 = arith.addi %add3A_1613, %masked_cumsum3A_577 : vector<16xi32>
        %sub3A_1615 = arith.constant 1 : i32
        %sub3A_1616 = vector.broadcast %sub3A_1615 : i32 to vector<16xi32>
        %sub3A_1617 = arith.subi %add3A_1614, %sub3A_1616 : vector<16xi32>
        %lt3A_1618 = arith.constant 32 : i32
        %lt3A_1619 = vector.broadcast %lt3A_1618 : i32 to vector<16xi32>
        %lt3A_1620 = arith.cmpi slt, %sub3A_1617, %lt3A_1619 : vector<16xi32>
        %and3A_1621 = arith.andi %le3A_573, %lt3A_1620 : vector<16xi1>
        %add3A_1622 = arith.constant 16 : i32
        %add3A_1623 = arith.addi %mul3A_435, %add3A_1622 : i32
        %add3A_1624 = vector.broadcast %add3A_1623 : i32 to vector<16xi32>
        %add3A_1625 = arith.addi %iota3A, %add3A_1624 : vector<16xi32>
        tpu.vector_store_idx %arg16[%sub3A_1617], %add3A_1625 masked %and3A_1621 : memref<64xi32, #tpu.memory_space<vmem>>[vector<16xi32>], vector<16xi32>, vector<16xi1>
        %add3A_1626 = arith.addi %add3A_1613, %all_reduce_population_count3A_578 : vector<16xi32>
        %add3A_1627 = arith.addi %add3A_1626, %masked_cumsum3A_650 : vector<16xi32>
        %sub3A_1628 = arith.constant 1 : i32
        %sub3A_1629 = vector.broadcast %sub3A_1628 : i32 to vector<16xi32>
        %sub3A_1630 = arith.subi %add3A_1627, %sub3A_1629 : vector<16xi32>
        %lt3A_1631 = arith.constant 32 : i32
        %lt3A_1632 = vector.broadcast %lt3A_1631 : i32 to vector<16xi32>
        %lt3A_1633 = arith.cmpi slt, %sub3A_1630, %lt3A_1632 : vector<16xi32>
        %and3A_1634 = arith.andi %le3A_646, %lt3A_1633 : vector<16xi1>
        %add3A_1635 = arith.constant 32 : i32
        %add3A_1636 = arith.addi %mul3A_435, %add3A_1635 : i32
        %add3A_1637 = vector.broadcast %add3A_1636 : i32 to vector<16xi32>
        %add3A_1638 = arith.addi %iota3A, %add3A_1637 : vector<16xi32>
        tpu.vector_store_idx %arg16[%sub3A_1630], %add3A_1638 masked %and3A_1634 : memref<64xi32, #tpu.memory_space<vmem>>[vector<16xi32>], vector<16xi32>, vector<16xi1>
        %add3A_1639 = arith.addi %add3A_1626, %all_reduce_population_count3A_651 : vector<16xi32>
        %add3A_1640 = arith.addi %add3A_1639, %masked_cumsum3A_723 : vector<16xi32>
        %sub3A_1641 = arith.constant 1 : i32
        %sub3A_1642 = vector.broadcast %sub3A_1641 : i32 to vector<16xi32>
        %sub3A_1643 = arith.subi %add3A_1640, %sub3A_1642 : vector<16xi32>
        %lt3A_1644 = arith.constant 32 : i32
        %lt3A_1645 = vector.broadcast %lt3A_1644 : i32 to vector<16xi32>
        %lt3A_1646 = arith.cmpi slt, %sub3A_1643, %lt3A_1645 : vector<16xi32>
        %and3A_1647 = arith.andi %le3A_719, %lt3A_1646 : vector<16xi1>
        %add3A_1648 = arith.constant 48 : i32
        %add3A_1649 = arith.addi %mul3A_435, %add3A_1648 : i32
        %add3A_1650 = vector.broadcast %add3A_1649 : i32 to vector<16xi32>
        %add3A_1651 = arith.addi %iota3A, %add3A_1650 : vector<16xi32>
        tpu.vector_store_idx %arg16[%sub3A_1643], %add3A_1651 masked %and3A_1647 : memref<64xi32, #tpu.memory_space<vmem>>[vector<16xi32>], vector<16xi32>, vector<16xi1>
        %add3A_1652 = arith.addi %add3A_1639, %all_reduce_population_count3A_724 : vector<16xi32>
        %add3A_1653 = arith.addi %add3A_1652, %masked_cumsum3A_796 : vector<16xi32>
        %sub3A_1654 = arith.constant 1 : i32
        %sub3A_1655 = vector.broadcast %sub3A_1654 : i32 to vector<16xi32>
        %sub3A_1656 = arith.subi %add3A_1653, %sub3A_1655 : vector<16xi32>
        %lt3A_1657 = arith.constant 32 : i32
        %lt3A_1658 = vector.broadcast %lt3A_1657 : i32 to vector<16xi32>
        %lt3A_1659 = arith.cmpi slt, %sub3A_1656, %lt3A_1658 : vector<16xi32>
        %and3A_1660 = arith.andi %le3A_792, %lt3A_1659 : vector<16xi1>
        %add3A_1661 = arith.constant 64 : i32
        %add3A_1662 = arith.addi %mul3A_435, %add3A_1661 : i32
        %add3A_1663 = vector.broadcast %add3A_1662 : i32 to vector<16xi32>
        %add3A_1664 = arith.addi %iota3A, %add3A_1663 : vector<16xi32>
        tpu.vector_store_idx %arg16[%sub3A_1656], %add3A_1664 masked %and3A_1660 : memref<64xi32, #tpu.memory_space<vmem>>[vector<16xi32>], vector<16xi32>, vector<16xi1>
        %add3A_1665 = arith.addi %add3A_1652, %all_reduce_population_count3A_797 : vector<16xi32>
        %add3A_1666 = arith.addi %add3A_1665, %masked_cumsum3A_869 : vector<16xi32>
        %sub3A_1667 = arith.constant 1 : i32
        %sub3A_1668 = vector.broadcast %sub3A_1667 : i32 to vector<16xi32>
        %sub3A_1669 = arith.subi %add3A_1666, %sub3A_1668 : vector<16xi32>
        %lt3A_1670 = arith.constant 32 : i32
        %lt3A_1671 = vector.broadcast %lt3A_1670 : i32 to vector<16xi32>
        %lt3A_1672 = arith.cmpi slt, %sub3A_1669, %lt3A_1671 : vector<16xi32>
        %and3A_1673 = arith.andi %le3A_865, %lt3A_1672 : vector<16xi1>
        %add3A_1674 = arith.constant 80 : i32
        %add3A_1675 = arith.addi %mul3A_435, %add3A_1674 : i32
        %add3A_1676 = vector.broadcast %add3A_1675 : i32 to vector<16xi32>
        %add3A_1677 = arith.addi %iota3A, %add3A_1676 : vector<16xi32>
        tpu.vector_store_idx %arg16[%sub3A_1669], %add3A_1677 masked %and3A_1673 : memref<64xi32, #tpu.memory_space<vmem>>[vector<16xi32>], vector<16xi32>, vector<16xi1>
        %add3A_1678 = arith.addi %add3A_1665, %all_reduce_population_count3A_870 : vector<16xi32>
        %add3A_1679 = arith.addi %add3A_1678, %masked_cumsum3A_942 : vector<16xi32>
        %sub3A_1680 = arith.constant 1 : i32
        %sub3A_1681 = vector.broadcast %sub3A_1680 : i32 to vector<16xi32>
        %sub3A_1682 = arith.subi %add3A_1679, %sub3A_1681 : vector<16xi32>
        %lt3A_1683 = arith.constant 32 : i32
        %lt3A_1684 = vector.broadcast %lt3A_1683 : i32 to vector<16xi32>
        %lt3A_1685 = arith.cmpi slt, %sub3A_1682, %lt3A_1684 : vector<16xi32>
        %and3A_1686 = arith.andi %le3A_938, %lt3A_1685 : vector<16xi1>
        %add3A_1687 = arith.constant 96 : i32
        %add3A_1688 = arith.addi %mul3A_435, %add3A_1687 : i32
        %add3A_1689 = vector.broadcast %add3A_1688 : i32 to vector<16xi32>
        %add3A_1690 = arith.addi %iota3A, %add3A_1689 : vector<16xi32>
        tpu.vector_store_idx %arg16[%sub3A_1682], %add3A_1690 masked %and3A_1686 : memref<64xi32, #tpu.memory_space<vmem>>[vector<16xi32>], vector<16xi32>, vector<16xi1>
        %add3A_1691 = arith.addi %add3A_1678, %all_reduce_population_count3A_943 : vector<16xi32>
        %add3A_1692 = arith.addi %add3A_1691, %masked_cumsum3A_1015 : vector<16xi32>
        %sub3A_1693 = arith.constant 1 : i32
        %sub3A_1694 = vector.broadcast %sub3A_1693 : i32 to vector<16xi32>
        %sub3A_1695 = arith.subi %add3A_1692, %sub3A_1694 : vector<16xi32>
        %lt3A_1696 = arith.constant 32 : i32
        %lt3A_1697 = vector.broadcast %lt3A_1696 : i32 to vector<16xi32>
        %lt3A_1698 = arith.cmpi slt, %sub3A_1695, %lt3A_1697 : vector<16xi32>
        %and3A_1699 = arith.andi %le3A_1011, %lt3A_1698 : vector<16xi1>
        %add3A_1700 = arith.constant 112 : i32
        %add3A_1701 = arith.addi %mul3A_435, %add3A_1700 : i32
        %add3A_1702 = vector.broadcast %add3A_1701 : i32 to vector<16xi32>
        %add3A_1703 = arith.addi %iota3A, %add3A_1702 : vector<16xi32>
        tpu.vector_store_idx %arg16[%sub3A_1695], %add3A_1703 masked %and3A_1699 : memref<64xi32, #tpu.memory_space<vmem>>[vector<16xi32>], vector<16xi32>, vector<16xi1>
        %add3A_1704 = arith.addi %add3A_1691, %all_reduce_population_count3A_1016 : vector<16xi32>
        %add3A_1705 = arith.addi %add3A_1704, %masked_cumsum3A_1088 : vector<16xi32>
        %sub3A_1706 = arith.constant 1 : i32
        %sub3A_1707 = vector.broadcast %sub3A_1706 : i32 to vector<16xi32>
        %sub3A_1708 = arith.subi %add3A_1705, %sub3A_1707 : vector<16xi32>
        %lt3A_1709 = arith.constant 32 : i32
        %lt3A_1710 = vector.broadcast %lt3A_1709 : i32 to vector<16xi32>
        %lt3A_1711 = arith.cmpi slt, %sub3A_1708, %lt3A_1710 : vector<16xi32>
        %and3A_1712 = arith.andi %le3A_1084, %lt3A_1711 : vector<16xi1>
        %add3A_1713 = arith.constant 128 : i32
        %add3A_1714 = arith.addi %mul3A_435, %add3A_1713 : i32
        %add3A_1715 = vector.broadcast %add3A_1714 : i32 to vector<16xi32>
        %add3A_1716 = arith.addi %iota3A, %add3A_1715 : vector<16xi32>
        tpu.vector_store_idx %arg16[%sub3A_1708], %add3A_1716 masked %and3A_1712 : memref<64xi32, #tpu.memory_space<vmem>>[vector<16xi32>], vector<16xi32>, vector<16xi1>
        %add3A_1717 = arith.addi %add3A_1704, %all_reduce_population_count3A_1089 : vector<16xi32>
        %add3A_1718 = arith.addi %add3A_1717, %masked_cumsum3A_1161 : vector<16xi32>
        %sub3A_1719 = arith.constant 1 : i32
        %sub3A_1720 = vector.broadcast %sub3A_1719 : i32 to vector<16xi32>
        %sub3A_1721 = arith.subi %add3A_1718, %sub3A_1720 : vector<16xi32>
        %lt3A_1722 = arith.constant 32 : i32
        %lt3A_1723 = vector.broadcast %lt3A_1722 : i32 to vector<16xi32>
        %lt3A_1724 = arith.cmpi slt, %sub3A_1721, %lt3A_1723 : vector<16xi32>
        %and3A_1725 = arith.andi %le3A_1157, %lt3A_1724 : vector<16xi1>
        %add3A_1726 = arith.constant 144 : i32
        %add3A_1727 = arith.addi %mul3A_435, %add3A_1726 : i32
        %add3A_1728 = vector.broadcast %add3A_1727 : i32 to vector<16xi32>
        %add3A_1729 = arith.addi %iota3A, %add3A_1728 : vector<16xi32>
        tpu.vector_store_idx %arg16[%sub3A_1721], %add3A_1729 masked %and3A_1725 : memref<64xi32, #tpu.memory_space<vmem>>[vector<16xi32>], vector<16xi32>, vector<16xi1>
        %add3A_1730 = arith.addi %add3A_1717, %all_reduce_population_count3A_1162 : vector<16xi32>
        %add3A_1731 = arith.addi %add3A_1730, %masked_cumsum3A_1234 : vector<16xi32>
        %sub3A_1732 = arith.constant 1 : i32
        %sub3A_1733 = vector.broadcast %sub3A_1732 : i32 to vector<16xi32>
        %sub3A_1734 = arith.subi %add3A_1731, %sub3A_1733 : vector<16xi32>
        %lt3A_1735 = arith.constant 32 : i32
        %lt3A_1736 = vector.broadcast %lt3A_1735 : i32 to vector<16xi32>
        %lt3A_1737 = arith.cmpi slt, %sub3A_1734, %lt3A_1736 : vector<16xi32>
        %and3A_1738 = arith.andi %le3A_1230, %lt3A_1737 : vector<16xi1>
        %add3A_1739 = arith.constant 160 : i32
        %add3A_1740 = arith.addi %mul3A_435, %add3A_1739 : i32
        %add3A_1741 = vector.broadcast %add3A_1740 : i32 to vector<16xi32>
        %add3A_1742 = arith.addi %iota3A, %add3A_1741 : vector<16xi32>
        tpu.vector_store_idx %arg16[%sub3A_1734], %add3A_1742 masked %and3A_1738 : memref<64xi32, #tpu.memory_space<vmem>>[vector<16xi32>], vector<16xi32>, vector<16xi1>
        %add3A_1743 = arith.addi %add3A_1730, %all_reduce_population_count3A_1235 : vector<16xi32>
        %add3A_1744 = arith.addi %add3A_1743, %masked_cumsum3A_1307 : vector<16xi32>
        %sub3A_1745 = arith.constant 1 : i32
        %sub3A_1746 = vector.broadcast %sub3A_1745 : i32 to vector<16xi32>
        %sub3A_1747 = arith.subi %add3A_1744, %sub3A_1746 : vector<16xi32>
        %lt3A_1748 = arith.constant 32 : i32
        %lt3A_1749 = vector.broadcast %lt3A_1748 : i32 to vector<16xi32>
        %lt3A_1750 = arith.cmpi slt, %sub3A_1747, %lt3A_1749 : vector<16xi32>
        %and3A_1751 = arith.andi %le3A_1303, %lt3A_1750 : vector<16xi1>
        %add3A_1752 = arith.constant 176 : i32
        %add3A_1753 = arith.addi %mul3A_435, %add3A_1752 : i32
        %add3A_1754 = vector.broadcast %add3A_1753 : i32 to vector<16xi32>
        %add3A_1755 = arith.addi %iota3A, %add3A_1754 : vector<16xi32>
        tpu.vector_store_idx %arg16[%sub3A_1747], %add3A_1755 masked %and3A_1751 : memref<64xi32, #tpu.memory_space<vmem>>[vector<16xi32>], vector<16xi32>, vector<16xi1>
        %add3A_1756 = arith.addi %add3A_1743, %all_reduce_population_count3A_1308 : vector<16xi32>
        %add3A_1757 = arith.addi %add3A_1756, %masked_cumsum3A_1380 : vector<16xi32>
        %sub3A_1758 = arith.constant 1 : i32
        %sub3A_1759 = vector.broadcast %sub3A_1758 : i32 to vector<16xi32>
        %sub3A_1760 = arith.subi %add3A_1757, %sub3A_1759 : vector<16xi32>
        %lt3A_1761 = arith.constant 32 : i32
        %lt3A_1762 = vector.broadcast %lt3A_1761 : i32 to vector<16xi32>
        %lt3A_1763 = arith.cmpi slt, %sub3A_1760, %lt3A_1762 : vector<16xi32>
        %and3A_1764 = arith.andi %le3A_1376, %lt3A_1763 : vector<16xi1>
        %add3A_1765 = arith.constant 192 : i32
        %add3A_1766 = arith.addi %mul3A_435, %add3A_1765 : i32
        %add3A_1767 = vector.broadcast %add3A_1766 : i32 to vector<16xi32>
        %add3A_1768 = arith.addi %iota3A, %add3A_1767 : vector<16xi32>
        tpu.vector_store_idx %arg16[%sub3A_1760], %add3A_1768 masked %and3A_1764 : memref<64xi32, #tpu.memory_space<vmem>>[vector<16xi32>], vector<16xi32>, vector<16xi1>
        %add3A_1769 = arith.addi %add3A_1756, %all_reduce_population_count3A_1381 : vector<16xi32>
        %add3A_1770 = arith.addi %add3A_1769, %masked_cumsum3A_1453 : vector<16xi32>
        %sub3A_1771 = arith.constant 1 : i32
        %sub3A_1772 = vector.broadcast %sub3A_1771 : i32 to vector<16xi32>
        %sub3A_1773 = arith.subi %add3A_1770, %sub3A_1772 : vector<16xi32>
        %lt3A_1774 = arith.constant 32 : i32
        %lt3A_1775 = vector.broadcast %lt3A_1774 : i32 to vector<16xi32>
        %lt3A_1776 = arith.cmpi slt, %sub3A_1773, %lt3A_1775 : vector<16xi32>
        %and3A_1777 = arith.andi %le3A_1449, %lt3A_1776 : vector<16xi1>
        %add3A_1778 = arith.constant 208 : i32
        %add3A_1779 = arith.addi %mul3A_435, %add3A_1778 : i32
        %add3A_1780 = vector.broadcast %add3A_1779 : i32 to vector<16xi32>
        %add3A_1781 = arith.addi %iota3A, %add3A_1780 : vector<16xi32>
        tpu.vector_store_idx %arg16[%sub3A_1773], %add3A_1781 masked %and3A_1777 : memref<64xi32, #tpu.memory_space<vmem>>[vector<16xi32>], vector<16xi32>, vector<16xi1>
        %add3A_1782 = arith.addi %add3A_1769, %all_reduce_population_count3A_1454 : vector<16xi32>
        %add3A_1783 = arith.addi %add3A_1782, %masked_cumsum3A_1526 : vector<16xi32>
        %sub3A_1784 = arith.constant 1 : i32
        %sub3A_1785 = vector.broadcast %sub3A_1784 : i32 to vector<16xi32>
        %sub3A_1786 = arith.subi %add3A_1783, %sub3A_1785 : vector<16xi32>
        %lt3A_1787 = arith.constant 32 : i32
        %lt3A_1788 = vector.broadcast %lt3A_1787 : i32 to vector<16xi32>
        %lt3A_1789 = arith.cmpi slt, %sub3A_1786, %lt3A_1788 : vector<16xi32>
        %and3A_1790 = arith.andi %le3A_1522, %lt3A_1789 : vector<16xi1>
        %add3A_1791 = arith.constant 224 : i32
        %add3A_1792 = arith.addi %mul3A_435, %add3A_1791 : i32
        %add3A_1793 = vector.broadcast %add3A_1792 : i32 to vector<16xi32>
        %add3A_1794 = arith.addi %iota3A, %add3A_1793 : vector<16xi32>
        tpu.vector_store_idx %arg16[%sub3A_1786], %add3A_1794 masked %and3A_1790 : memref<64xi32, #tpu.memory_space<vmem>>[vector<16xi32>], vector<16xi32>, vector<16xi1>
        %add3A_1795 = arith.addi %add3A_1782, %all_reduce_population_count3A_1527 : vector<16xi32>
        %add3A_1796 = arith.addi %add3A_1795, %masked_cumsum3A_1599 : vector<16xi32>
        %sub3A_1797 = arith.constant 1 : i32
        %sub3A_1798 = vector.broadcast %sub3A_1797 : i32 to vector<16xi32>
        %sub3A_1799 = arith.subi %add3A_1796, %sub3A_1798 : vector<16xi32>
        %lt3A_1800 = arith.constant 32 : i32
        %lt3A_1801 = vector.broadcast %lt3A_1800 : i32 to vector<16xi32>
        %lt3A_1802 = arith.cmpi slt, %sub3A_1799, %lt3A_1801 : vector<16xi32>
        %and3A_1803 = arith.andi %le3A_1595, %lt3A_1802 : vector<16xi1>
        %add3A_1804 = arith.constant 240 : i32
        %add3A_1805 = arith.addi %mul3A_435, %add3A_1804 : i32
        %add3A_1806 = vector.broadcast %add3A_1805 : i32 to vector<16xi32>
        %add3A_1807 = arith.addi %iota3A, %add3A_1806 : vector<16xi32>
        tpu.vector_store_idx %arg16[%sub3A_1799], %add3A_1807 masked %and3A_1803 : memref<64xi32, #tpu.memory_space<vmem>>[vector<16xi32>], vector<16xi32>, vector<16xi1>
        %add3A_1808 = arith.addi %add3A_1795, %all_reduce_population_count3A_1600 : vector<16xi32>
        %add3A_1809 = arith.constant 1 : i32
        %add3A_1810 = arith.addi %while3A_432, %add3A_1809 : i32
        scf.yield %add3A_1810, %add3A_1808 : i32, vector<16xi32>
      }
      %gather3A_317 = tpu.vector_load_idx %arg16[%broadcast_in_dim3A_80] : memref<64xi32, #tpu.memory_space<vmem>>[vector<16xi32>], vector<16xi32>,
      %eq3A_318 = arith.constant 0 : i32
      %eq3A_319 = vector.broadcast %eq3A_318 : i32 to vector<16xi32>
      %eq3A_320 = arith.cmpi eq, %while3A_316#1, %eq3A_319 : vector<16xi32>
      %broadcast_in_dim3A_321 = arith.constant 16383 : i32
      %broadcast_in_dim3A_322 = vector.broadcast %broadcast_in_dim3A_321 : i32 to vector<16xi32>
      %select_n3A_323 = arith.select %eq3A_320, %broadcast_in_dim3A_322, %gather3A_317 : vector<16xi1>, vector<16xi32>
      %add3A_324 = arith.constant 0 : i32
      %add3A_325 = vector.broadcast %add3A_324 : i32 to vector<16xi32>
      %add3A_326 = arith.addi %iota3A, %add3A_325 : vector<16xi32>
      %get3A_327 = arith.constant 0 : index
      %get3A_328 = tpu.vector_load %arg16[%get3A_327] {strides = array<i32>} : memref<64xi32, #tpu.memory_space<vmem>>, vector<16xi32>,
      %lt3A_329 = arith.cmpi slt, %add3A_326, %while3A_316#1 : vector<16xi32>
      %select_n3A_330 = arith.select %lt3A_329, %get3A_328, %select_n3A_323 : vector<16xi1>, vector<16xi32>
      %mul3A_331 = arith.constant 16384 : i32
      %mul3A_332 = arith.muli %select_n3A, %mul3A_331 : i32
      %add3A_333 = vector.broadcast %mul3A_332 : i32 to vector<16xi32>
      %add3A_334 = arith.addi %select_n3A_330, %add3A_333 : vector<16xi32>
      %swap3A_335 = arith.constant 0 : index
      %swap3A_336 = tpu.vector_load %arg18[%swap3A_335] {strides = array<i32>} : memref<32xi32, #tpu.memory_space<vmem>>, vector<16xi32>,
      tpu.vector_store %arg18[%swap3A_335], %add3A_334 {strides = array<i32>} : memref<32xi32, #tpu.memory_space<vmem>>, vector<16xi32>,
      %add3A_337 = arith.constant 16 : i32
      %add3A_338 = vector.broadcast %add3A_337 : i32 to vector<16xi32>
      %add3A_339 = arith.addi %iota3A, %add3A_338 : vector<16xi32>
      %get3A_340 = arith.constant 16 : index
      %get3A_341 = tpu.vector_load %arg16[%get3A_340] {strides = array<i32>} : memref<64xi32, #tpu.memory_space<vmem>>, vector<16xi32>,
      %lt3A_342 = arith.cmpi slt, %add3A_339, %while3A_316#1 : vector<16xi32>
      %select_n3A_343 = arith.select %lt3A_342, %get3A_341, %select_n3A_323 : vector<16xi1>, vector<16xi32>
      %mul3A_344 = arith.constant 16384 : i32
      %mul3A_345 = arith.muli %select_n3A, %mul3A_344 : i32
      %add3A_346 = vector.broadcast %mul3A_345 : i32 to vector<16xi32>
      %add3A_347 = arith.addi %select_n3A_343, %add3A_346 : vector<16xi32>
      %swap3A_348 = arith.constant 16 : index
      %swap3A_349 = tpu.vector_load %arg18[%swap3A_348] {strides = array<i32>} : memref<32xi32, #tpu.memory_space<vmem>>, vector<16xi32>,
      tpu.vector_store %arg18[%swap3A_348], %add3A_347 {strides = array<i32>} : memref<32xi32, #tpu.memory_space<vmem>>, vector<16xi32>,
      %dma_wait3A_350 = arith.constant 0 : i32
      %dma_wait3A_351 = arith.constant 0 : i32
      %dma_wait3A_352 = tpu.memref_slice %arg2[%dma_wait3A_350, %dma_wait3A_351] : memref<32768x128xf32, #tpu.memory_space<hbm>> -> memref<32768x128xf32, #tpu.memory_space<hbm>>
      tpu.wait_indirect_dma semaphore(%arg21 : memref<!tpu.dma_semaphore, #tpu.memory_space<semaphore_mem>>) src(%dma_wait3A_352 : memref<32768x128xf32, #tpu.memory_space<hbm>>) dst(%arg19 : memref<32x128xf32, #tpu.memory_space<vmem>>)
      %broadcast_in_dim3A_353 = vector.broadcast %mul3A_172 : i32 to vector<16xi32>
      %gather3A_354 = tpu.vector_load_idx %arg12[%broadcast_in_dim3A_353] : memref<64xf32, #tpu.memory_space<vmem>>[vector<16xi32>], vector<16xf32>,
      %gather3A_355 = tpu.vector_load_idx %arg13[%broadcast_in_dim3A_353] : memref<64xf32, #tpu.memory_space<vmem>>[vector<16xi32>], vector<16xf32>,
      %gather3A_356 = tpu.vector_load_idx %arg14[%broadcast_in_dim3A_353] : memref<64xf32, #tpu.memory_space<vmem>>[vector<16xi32>], vector<16xf32>,
      %add3A_357 = arith.constant 0 : i32
      %add3A_358 = vector.broadcast %add3A_357 : i32 to vector<16xi32>
      %add3A_359 = arith.addi %iota3A, %add3A_358 : vector<16xi32>
      %get3A_360 = arith.constant 0 : index
      %get3A_361 = tpu.vector_load %arg17[%get3A_360] {strides = array<i32>} : memref<32xi32, #tpu.memory_space<vmem>>, vector<16xi32>,
      %mul3A_362 = arith.constant 16384 : i32
      %mul3A_363 = arith.muli %select_n3A, %mul3A_362 : i32
      %sub3A_364 = vector.broadcast %mul3A_363 : i32 to vector<16xi32>
      %sub3A_365 = arith.subi %get3A_361, %sub3A_364 : vector<16xi32>
      %gather3A_366 = tpu.vector_load_idx %arg8[%sub3A_365] : memref<16384xf32, #tpu.memory_space<vmem>>[vector<16xi32>], vector<16xf32>,
      %gather3A_367 = tpu.vector_load_idx %arg9[%sub3A_365] : memref<16384xf32, #tpu.memory_space<vmem>>[vector<16xi32>], vector<16xf32>,
      %gather3A_368 = tpu.vector_load_idx %arg10[%sub3A_365] : memref<16384xf32, #tpu.memory_space<vmem>>[vector<16xi32>], vector<16xf32>,
      %broadcast_in_dim3A_369 = arith.constant 0 : i32
      %broadcast_in_dim3A_370 = vector.broadcast %broadcast_in_dim3A_369 : i32 to vector<16xi32>
      %add3A_371 = arith.constant 68 : i32
      %add3A_372 = vector.broadcast %add3A_371 : i32 to vector<16xi32>
      %add3A_373 = arith.addi %broadcast_in_dim3A_370, %add3A_372 : vector<16xi32>
      %gather3A_374 = tpu.vector_load_idx %arg19[%add3A_359, %add3A_373] : memref<32x128xf32, #tpu.memory_space<vmem>>[vector<16xi32>, vector<16xi32>], vector<16xf32>,
      %sub3A_375 = arith.subf %gather3A_366, %gather3A_354 : vector<16xf32>
      tpu.vector_store_idx %arg19[%add3A_359, %broadcast_in_dim3A_370], %sub3A_375 : memref<32x128xf32, #tpu.memory_space<vmem>>[vector<16xi32>, vector<16xi32>], vector<16xf32>,
      %add3A_376 = arith.constant 1 : i32
      %add3A_377 = vector.broadcast %add3A_376 : i32 to vector<16xi32>
      %add3A_378 = arith.addi %broadcast_in_dim3A_370, %add3A_377 : vector<16xi32>
      %sub3A_379 = arith.subf %gather3A_367, %gather3A_355 : vector<16xf32>
      tpu.vector_store_idx %arg19[%add3A_359, %add3A_378], %sub3A_379 : memref<32x128xf32, #tpu.memory_space<vmem>>[vector<16xi32>, vector<16xi32>], vector<16xf32>,
      %add3A_380 = arith.constant 2 : i32
      %add3A_381 = vector.broadcast %add3A_380 : i32 to vector<16xi32>
      %add3A_382 = arith.addi %broadcast_in_dim3A_370, %add3A_381 : vector<16xi32>
      %sub3A_383 = arith.subf %gather3A_368, %gather3A_356 : vector<16xf32>
      tpu.vector_store_idx %arg19[%add3A_359, %add3A_382], %sub3A_383 : memref<32x128xf32, #tpu.memory_space<vmem>>[vector<16xi32>, vector<16xi32>], vector<16xf32>,
      %add3A_384 = arith.constant 3 : i32
      %add3A_385 = vector.broadcast %add3A_384 : i32 to vector<16xi32>
      %add3A_386 = arith.addi %broadcast_in_dim3A_370, %add3A_385 : vector<16xi32>
      tpu.vector_store_idx %arg19[%add3A_359, %add3A_386], %gather3A_374 : memref<32x128xf32, #tpu.memory_space<vmem>>[vector<16xi32>, vector<16xi32>], vector<16xf32>,
      %add3A_387 = arith.constant 16 : i32
      %add3A_388 = vector.broadcast %add3A_387 : i32 to vector<16xi32>
      %add3A_389 = arith.addi %iota3A, %add3A_388 : vector<16xi32>
      %get3A_390 = arith.constant 16 : index
      %get3A_391 = tpu.vector_load %arg17[%get3A_390] {strides = array<i32>} : memref<32xi32, #tpu.memory_space<vmem>>, vector<16xi32>,
      %mul3A_392 = arith.constant 16384 : i32
      %mul3A_393 = arith.muli %select_n3A, %mul3A_392 : i32
      %sub3A_394 = vector.broadcast %mul3A_393 : i32 to vector<16xi32>
      %sub3A_395 = arith.subi %get3A_391, %sub3A_394 : vector<16xi32>
      %gather3A_396 = tpu.vector_load_idx %arg8[%sub3A_395] : memref<16384xf32, #tpu.memory_space<vmem>>[vector<16xi32>], vector<16xf32>,
      %gather3A_397 = tpu.vector_load_idx %arg9[%sub3A_395] : memref<16384xf32, #tpu.memory_space<vmem>>[vector<16xi32>], vector<16xf32>,
      %gather3A_398 = tpu.vector_load_idx %arg10[%sub3A_395] : memref<16384xf32, #tpu.memory_space<vmem>>[vector<16xi32>], vector<16xf32>,
      %broadcast_in_dim3A_399 = arith.constant 0 : i32
      %broadcast_in_dim3A_400 = vector.broadcast %broadcast_in_dim3A_399 : i32 to vector<16xi32>
      %add3A_401 = arith.constant 68 : i32
      %add3A_402 = vector.broadcast %add3A_401 : i32 to vector<16xi32>
      %add3A_403 = arith.addi %broadcast_in_dim3A_400, %add3A_402 : vector<16xi32>
      %gather3A_404 = tpu.vector_load_idx %arg19[%add3A_389, %add3A_403] : memref<32x128xf32, #tpu.memory_space<vmem>>[vector<16xi32>, vector<16xi32>], vector<16xf32>,
      %sub3A_405 = arith.subf %gather3A_396, %gather3A_354 : vector<16xf32>
      tpu.vector_store_idx %arg19[%add3A_389, %broadcast_in_dim3A_400], %sub3A_405 : memref<32x128xf32, #tpu.memory_space<vmem>>[vector<16xi32>, vector<16xi32>], vector<16xf32>,
      %add3A_406 = arith.constant 1 : i32
      %add3A_407 = vector.broadcast %add3A_406 : i32 to vector<16xi32>
      %add3A_408 = arith.addi %broadcast_in_dim3A_400, %add3A_407 : vector<16xi32>
      %sub3A_409 = arith.subf %gather3A_397, %gather3A_355 : vector<16xf32>
      tpu.vector_store_idx %arg19[%add3A_389, %add3A_408], %sub3A_409 : memref<32x128xf32, #tpu.memory_space<vmem>>[vector<16xi32>, vector<16xi32>], vector<16xf32>,
      %add3A_410 = arith.constant 2 : i32
      %add3A_411 = vector.broadcast %add3A_410 : i32 to vector<16xi32>
      %add3A_412 = arith.addi %broadcast_in_dim3A_400, %add3A_411 : vector<16xi32>
      %sub3A_413 = arith.subf %gather3A_398, %gather3A_356 : vector<16xf32>
      tpu.vector_store_idx %arg19[%add3A_389, %add3A_412], %sub3A_413 : memref<32x128xf32, #tpu.memory_space<vmem>>[vector<16xi32>, vector<16xi32>], vector<16xf32>,
      %add3A_414 = arith.constant 3 : i32
      %add3A_415 = vector.broadcast %add3A_414 : i32 to vector<16xi32>
      %add3A_416 = arith.addi %broadcast_in_dim3A_400, %add3A_415 : vector<16xi32>
      tpu.vector_store_idx %arg19[%add3A_389, %add3A_416], %gather3A_404 : memref<32x128xf32, #tpu.memory_space<vmem>>[vector<16xi32>, vector<16xi32>], vector<16xf32>,
      %add3A_417 = arith.addi %add3A_35, %mul3A_172 : i32
      %mul3A_418 = arith.constant 32 : i32
      %mul3A_419 = arith.muli %add3A_417, %mul3A_418 : i32
      %dma_start3A_420 = arith.constant 0 : i32
      %dma_start3A_421 = tpu.memref_slice %arg7[%mul3A_419, %dma_start3A_420] : memref<65536x128xf32, #tpu.memory_space<hbm>> -> memref<32x128xf32, #tpu.memory_space<hbm>>
      %dma_start3A_422 = arith.constant 0 : i32
      %dma_start3A_423 = tpu.memref_slice %arg7[%mul3A_419, %dma_start3A_422] : memref<65536x128xf32, #tpu.memory_space<hbm>> -> memref<32x128xf32, #tpu.memory_space<hbm>>
      tpu.enqueue_dma source(%arg19 : memref<32x128xf32, #tpu.memory_space<vmem>>) target(%dma_start3A_423 : memref<32x128xf32, #tpu.memory_space<hbm>>) target_semaphore(%arg23 : memref<!tpu.dma_semaphore, #tpu.memory_space<semaphore_mem>>)
      %gt3A_424 = arith.constant 0 : i32
      %gt3A_425 = arith.cmpi sgt, %scan3A_170, %gt3A_424 : i32
      %convert_element_type3A_426 = arith.extui %gt3A_425 : i1 to i32
      %cond3A_427 = arith.constant 0 : i32
      %cond3A_428 = arith.cmpi ne, %convert_element_type3A_426, %cond3A_427 : i32
      scf.if %cond3A_428 {
        %dma_wait3A_432 = arith.constant 0 : i32
        %dma_wait3A_433 = arith.constant 0 : i32
        %dma_wait3A_434 = tpu.memref_slice %arg7[%dma_wait3A_432, %dma_wait3A_433] : memref<65536x128xf32, #tpu.memory_space<hbm>> -> memref<32x128xf32, #tpu.memory_space<hbm>>
        %dma_wait3A_435 = arith.constant 0 : i32
        %dma_wait3A_436 = arith.constant 0 : i32
        %dma_wait3A_437 = tpu.memref_slice %arg7[%dma_wait3A_435, %dma_wait3A_436] : memref<65536x128xf32, #tpu.memory_space<hbm>> -> memref<32x128xf32, #tpu.memory_space<hbm>>
        tpu.wait_dma2 semaphore(%arg24 : memref<!tpu.dma_semaphore, #tpu.memory_space<semaphore_mem>>) src(%arg20 : memref<32x128xf32, #tpu.memory_space<vmem>>) dst(%dma_wait3A_437 : memref<32x128xf32, #tpu.memory_space<hbm>>)
      } else {
      }
      %dma_start3A_429 = arith.constant 0 : i32
      %dma_start3A_430 = arith.constant 0 : i32
      %dma_start3A_431 = tpu.memref_slice %arg2[%dma_start3A_429, %dma_start3A_430] : memref<32768x128xf32, #tpu.memory_space<hbm>> -> memref<32768x128xf32, #tpu.memory_space<hbm>>
      tpu.enqueue_indirect_dma source(%dma_start3A_431 : memref<32768x128xf32, #tpu.memory_space<hbm>>) target(%arg20 : memref<32x128xf32, #tpu.memory_space<vmem>>) offsets(%arg18 : memref<32xi32, #tpu.memory_space<vmem>>) semaphore(%arg22 : memref<!tpu.dma_semaphore, #tpu.memory_space<semaphore_mem>>)
    }
    %scan3A_85 = arith.constant 32 : i32
    %dma_wait3A = arith.constant 0 : i32
    %dma_wait3A_86 = arith.constant 0 : i32
    %dma_wait3A_87 = tpu.memref_slice %arg2[%dma_wait3A, %dma_wait3A_86] : memref<32768x128xf32, #tpu.memory_space<hbm>> -> memref<32768x128xf32, #tpu.memory_space<hbm>>
    tpu.wait_indirect_dma semaphore(%arg22 : memref<!tpu.dma_semaphore, #tpu.memory_space<semaphore_mem>>) src(%dma_wait3A_87 : memref<32768x128xf32, #tpu.memory_space<hbm>>) dst(%arg20 : memref<32x128xf32, #tpu.memory_space<vmem>>)
    %broadcast_in_dim3A_88 = arith.constant 63 : i32
    %broadcast_in_dim3A_89 = vector.broadcast %broadcast_in_dim3A_88 : i32 to vector<16xi32>
    %gather3A = tpu.vector_load_idx %arg12[%broadcast_in_dim3A_89] : memref<64xf32, #tpu.memory_space<vmem>>[vector<16xi32>], vector<16xf32>,
    %gather3A_90 = tpu.vector_load_idx %arg13[%broadcast_in_dim3A_89] : memref<64xf32, #tpu.memory_space<vmem>>[vector<16xi32>], vector<16xf32>,
    %gather3A_91 = tpu.vector_load_idx %arg14[%broadcast_in_dim3A_89] : memref<64xf32, #tpu.memory_space<vmem>>[vector<16xi32>], vector<16xf32>,
    %add3A_92 = arith.constant 0 : i32
    %add3A_93 = vector.broadcast %add3A_92 : i32 to vector<16xi32>
    %add3A_94 = arith.addi %iota3A, %add3A_93 : vector<16xi32>
    %get3A = arith.constant 0 : index
    %get3A_95 = tpu.vector_load %arg18[%get3A] {strides = array<i32>} : memref<32xi32, #tpu.memory_space<vmem>>, vector<16xi32>,
    %mul3A_96 = arith.constant 16384 : i32
    %mul3A_97 = arith.muli %select_n3A, %mul3A_96 : i32
    %sub3A_98 = vector.broadcast %mul3A_97 : i32 to vector<16xi32>
    %sub3A_99 = arith.subi %get3A_95, %sub3A_98 : vector<16xi32>
    %gather3A_100 = tpu.vector_load_idx %arg8[%sub3A_99] : memref<16384xf32, #tpu.memory_space<vmem>>[vector<16xi32>], vector<16xf32>,
    %gather3A_101 = tpu.vector_load_idx %arg9[%sub3A_99] : memref<16384xf32, #tpu.memory_space<vmem>>[vector<16xi32>], vector<16xf32>,
    %gather3A_102 = tpu.vector_load_idx %arg10[%sub3A_99] : memref<16384xf32, #tpu.memory_space<vmem>>[vector<16xi32>], vector<16xf32>,
    %broadcast_in_dim3A_103 = arith.constant 0 : i32
    %broadcast_in_dim3A_104 = vector.broadcast %broadcast_in_dim3A_103 : i32 to vector<16xi32>
    %add3A_105 = arith.constant 68 : i32
    %add3A_106 = vector.broadcast %add3A_105 : i32 to vector<16xi32>
    %add3A_107 = arith.addi %broadcast_in_dim3A_104, %add3A_106 : vector<16xi32>
    %gather3A_108 = tpu.vector_load_idx %arg20[%add3A_94, %add3A_107] : memref<32x128xf32, #tpu.memory_space<vmem>>[vector<16xi32>, vector<16xi32>], vector<16xf32>,
    %sub3A_109 = arith.subf %gather3A_100, %gather3A : vector<16xf32>
    tpu.vector_store_idx %arg20[%add3A_94, %broadcast_in_dim3A_104], %sub3A_109 : memref<32x128xf32, #tpu.memory_space<vmem>>[vector<16xi32>, vector<16xi32>], vector<16xf32>,
    %add3A_110 = arith.constant 1 : i32
    %add3A_111 = vector.broadcast %add3A_110 : i32 to vector<16xi32>
    %add3A_112 = arith.addi %broadcast_in_dim3A_104, %add3A_111 : vector<16xi32>
    %sub3A_113 = arith.subf %gather3A_101, %gather3A_90 : vector<16xf32>
    tpu.vector_store_idx %arg20[%add3A_94, %add3A_112], %sub3A_113 : memref<32x128xf32, #tpu.memory_space<vmem>>[vector<16xi32>, vector<16xi32>], vector<16xf32>,
    %add3A_114 = arith.constant 2 : i32
    %add3A_115 = vector.broadcast %add3A_114 : i32 to vector<16xi32>
    %add3A_116 = arith.addi %broadcast_in_dim3A_104, %add3A_115 : vector<16xi32>
    %sub3A_117 = arith.subf %gather3A_102, %gather3A_91 : vector<16xf32>
    tpu.vector_store_idx %arg20[%add3A_94, %add3A_116], %sub3A_117 : memref<32x128xf32, #tpu.memory_space<vmem>>[vector<16xi32>, vector<16xi32>], vector<16xf32>,
    %add3A_118 = arith.constant 3 : i32
    %add3A_119 = vector.broadcast %add3A_118 : i32 to vector<16xi32>
    %add3A_120 = arith.addi %broadcast_in_dim3A_104, %add3A_119 : vector<16xi32>
    tpu.vector_store_idx %arg20[%add3A_94, %add3A_120], %gather3A_108 : memref<32x128xf32, #tpu.memory_space<vmem>>[vector<16xi32>, vector<16xi32>], vector<16xf32>,
    %add3A_121 = arith.constant 16 : i32
    %add3A_122 = vector.broadcast %add3A_121 : i32 to vector<16xi32>
    %add3A_123 = arith.addi %iota3A, %add3A_122 : vector<16xi32>
    %get3A_124 = arith.constant 16 : index
    %get3A_125 = tpu.vector_load %arg18[%get3A_124] {strides = array<i32>} : memref<32xi32, #tpu.memory_space<vmem>>, vector<16xi32>,
    %mul3A_126 = arith.constant 16384 : i32
    %mul3A_127 = arith.muli %select_n3A, %mul3A_126 : i32
    %sub3A_128 = vector.broadcast %mul3A_127 : i32 to vector<16xi32>
    %sub3A_129 = arith.subi %get3A_125, %sub3A_128 : vector<16xi32>
    %gather3A_130 = tpu.vector_load_idx %arg8[%sub3A_129] : memref<16384xf32, #tpu.memory_space<vmem>>[vector<16xi32>], vector<16xf32>,
    %gather3A_131 = tpu.vector_load_idx %arg9[%sub3A_129] : memref<16384xf32, #tpu.memory_space<vmem>>[vector<16xi32>], vector<16xf32>,
    %gather3A_132 = tpu.vector_load_idx %arg10[%sub3A_129] : memref<16384xf32, #tpu.memory_space<vmem>>[vector<16xi32>], vector<16xf32>,
    %broadcast_in_dim3A_133 = arith.constant 0 : i32
    %broadcast_in_dim3A_134 = vector.broadcast %broadcast_in_dim3A_133 : i32 to vector<16xi32>
    %add3A_135 = arith.constant 68 : i32
    %add3A_136 = vector.broadcast %add3A_135 : i32 to vector<16xi32>
    %add3A_137 = arith.addi %broadcast_in_dim3A_134, %add3A_136 : vector<16xi32>
    %gather3A_138 = tpu.vector_load_idx %arg20[%add3A_123, %add3A_137] : memref<32x128xf32, #tpu.memory_space<vmem>>[vector<16xi32>, vector<16xi32>], vector<16xf32>,
    %sub3A_139 = arith.subf %gather3A_130, %gather3A : vector<16xf32>
    tpu.vector_store_idx %arg20[%add3A_123, %broadcast_in_dim3A_134], %sub3A_139 : memref<32x128xf32, #tpu.memory_space<vmem>>[vector<16xi32>, vector<16xi32>], vector<16xf32>,
    %add3A_140 = arith.constant 1 : i32
    %add3A_141 = vector.broadcast %add3A_140 : i32 to vector<16xi32>
    %add3A_142 = arith.addi %broadcast_in_dim3A_134, %add3A_141 : vector<16xi32>
    %sub3A_143 = arith.subf %gather3A_131, %gather3A_90 : vector<16xf32>
    tpu.vector_store_idx %arg20[%add3A_123, %add3A_142], %sub3A_143 : memref<32x128xf32, #tpu.memory_space<vmem>>[vector<16xi32>, vector<16xi32>], vector<16xf32>,
    %add3A_144 = arith.constant 2 : i32
    %add3A_145 = vector.broadcast %add3A_144 : i32 to vector<16xi32>
    %add3A_146 = arith.addi %broadcast_in_dim3A_134, %add3A_145 : vector<16xi32>
    %sub3A_147 = arith.subf %gather3A_132, %gather3A_91 : vector<16xf32>
    tpu.vector_store_idx %arg20[%add3A_123, %add3A_146], %sub3A_147 : memref<32x128xf32, #tpu.memory_space<vmem>>[vector<16xi32>, vector<16xi32>], vector<16xf32>,
    %add3A_148 = arith.constant 3 : i32
    %add3A_149 = vector.broadcast %add3A_148 : i32 to vector<16xi32>
    %add3A_150 = arith.addi %broadcast_in_dim3A_134, %add3A_149 : vector<16xi32>
    tpu.vector_store_idx %arg20[%add3A_123, %add3A_150], %gather3A_138 : memref<32x128xf32, #tpu.memory_space<vmem>>[vector<16xi32>, vector<16xi32>], vector<16xf32>,
    %add3A_151 = arith.constant 63 : i32
    %add3A_152 = arith.addi %add3A_35, %add3A_151 : i32
    %mul3A_153 = arith.constant 32 : i32
    %mul3A_154 = arith.muli %add3A_152, %mul3A_153 : i32
    %dma_start3A = arith.constant 0 : i32
    %dma_start3A_155 = tpu.memref_slice %arg7[%mul3A_154, %dma_start3A] : memref<65536x128xf32, #tpu.memory_space<hbm>> -> memref<32x128xf32, #tpu.memory_space<hbm>>
    %dma_start3A_156 = arith.constant 0 : i32
    %dma_start3A_157 = tpu.memref_slice %arg7[%mul3A_154, %dma_start3A_156] : memref<65536x128xf32, #tpu.memory_space<hbm>> -> memref<32x128xf32, #tpu.memory_space<hbm>>
    tpu.enqueue_dma source(%arg20 : memref<32x128xf32, #tpu.memory_space<vmem>>) target(%dma_start3A_157 : memref<32x128xf32, #tpu.memory_space<hbm>>) target_semaphore(%arg24 : memref<!tpu.dma_semaphore, #tpu.memory_space<semaphore_mem>>)
    %dma_wait3A_158 = arith.constant 0 : i32
    %dma_wait3A_159 = arith.constant 0 : i32
    %dma_wait3A_160 = tpu.memref_slice %arg7[%dma_wait3A_158, %dma_wait3A_159] : memref<65536x128xf32, #tpu.memory_space<hbm>> -> memref<32x128xf32, #tpu.memory_space<hbm>>
    %dma_wait3A_161 = arith.constant 0 : i32
    %dma_wait3A_162 = arith.constant 0 : i32
    %dma_wait3A_163 = tpu.memref_slice %arg7[%dma_wait3A_161, %dma_wait3A_162] : memref<65536x128xf32, #tpu.memory_space<hbm>> -> memref<32x128xf32, #tpu.memory_space<hbm>>
    tpu.wait_dma2 semaphore(%arg23 : memref<!tpu.dma_semaphore, #tpu.memory_space<semaphore_mem>>) src(%arg19 : memref<32x128xf32, #tpu.memory_space<vmem>>) dst(%dma_wait3A_163 : memref<32x128xf32, #tpu.memory_space<hbm>>)
    %dma_wait3A_164 = arith.constant 0 : i32
    %dma_wait3A_165 = arith.constant 0 : i32
    %dma_wait3A_166 = tpu.memref_slice %arg7[%dma_wait3A_164, %dma_wait3A_165] : memref<65536x128xf32, #tpu.memory_space<hbm>> -> memref<32x128xf32, #tpu.memory_space<hbm>>
    %dma_wait3A_167 = arith.constant 0 : i32
    %dma_wait3A_168 = arith.constant 0 : i32
    %dma_wait3A_169 = tpu.memref_slice %arg7[%dma_wait3A_167, %dma_wait3A_168] : memref<65536x128xf32, #tpu.memory_space<hbm>> -> memref<32x128xf32, #tpu.memory_space<hbm>>
    tpu.wait_dma2 semaphore(%arg24 : memref<!tpu.dma_semaphore, #tpu.memory_space<semaphore_mem>>) src(%arg20 : memref<32x128xf32, #tpu.memory_space<vmem>>) dst(%dma_wait3A_169 : memref<32x128xf32, #tpu.memory_space<hbm>>)
    return
  }
}

</mosaic_0001>

<sc_bundles>
// kernel: kernel.3.cloned.1.call-start
scs
__scs_entry_jumppad:
0x0: {  	(pc) =	sbr.rel $0x88, $3  }
0x1: {  	(tag) =	ssettag $0x0;
	lr =	simm.s32 $0x1  }
0x2: {  	[smem:$0x3F9E] =	sst lr;
	_ =	strace $0xD0000000  }
0x3: {  	_ = 	snop  }
0x4: {  	_ = 	snop  }
0x5: {  	_ = 	snop  }
0x6: {  	_ = 	snop  }
0x7: {  	_ = 	snop  }
__scs_overlays_trampoline_lowered:
0x8: {  	[smem:$0x3FAD] =	sst s0  }
0x9: {  	[smem:$0x3FAE] =	sst s1  }
0xa: {  	[smem:$0x3FAF] =	sst s2  }
0xb: {  	[smem:$0x3FB0] =	sst s3  }
0xc: {  	[smem:$0x3FB1] =	sst s4  }
0xd: {  	[smem:$0x3FB2] =	sst s5  }
0xe: {  	[smem:$0x3FB3] =	sst s6  }
0xf: {  	[smem:$0x3FB4] =	sst s7  }
0x10: {  	[smem:$0x3FB5] =	sst s8  }
0x11: {  	[smem:$0x3FB6] =	sst s9;
	s0 =	simm.s32 @!p0 $0x0  }
0x12: {  	s1 =	sld [smem:$0x3F9C];
	s0 =	simm.s32 @p0 $0x1  }
0x13: {  	[smem:$0x3FB7] =	sst s0;
	s0 =	simm.s32 @!p1 $0x0  }
0x14: {  	s2 =	sld [smem:$0x3F9B];
	s0 =	simm.s32 @p1 $0x1  }
0x15: {  	[smem:$0x3FB8] =	sst s0;
	s0 =	simm.s32 @!p2 $0x0  }
0x16: {  	s3 =	sld [smem:$0x3FDB];
	s0 =	simm.s32 @p2 $0x1  }
0x17: {  	s4 =	simm.s32 $0x1BF5;
	[smem:$0x3FBA] =	sst s0  }
0x18: {  	s0 =	sld [smem:$0x3F9D];
	_ =	swait.ge [sflag:s4], $0x0  }
0x19: {  	s7 =	sld [smem:$0x3F9E]  }
0x1a: {  	s8 =	sadd.s32 $0xFFFFE003, lr  }
0x1b: {  	s9 =	sadd.s32 $0xFFFFFEF7, lr;
	s5 =	simm.s32 $0xFFFFFFFF;
	p2 =	slt.u32 s8, $0xFFFFF086  }
0x1c: {  	p1 =	slt.u32 s9, $0xF7A;
	s5 =	simm.s32 @!p2 $0x0  }
0x1d: {  	s5 =	simm.s32 @p1 $0x1;
	p0 =	seq.s32 s7, s2  }
0x1e: {  	s7 =	smul.u32 @!p0 $0xF7A, s2;
	p2 =	seq.s32 @!p0 s5, $0x0  }
0x1f: {  	s9 =	smul.u32 $0xF7A, s1;
	s8 =	simm.s32 @!p0 $0x1BF5;
	p2 =	por !p2, p0  }
0x20: {  	[sflag:s8] =	ssyncset.s32 @!p0 $0xFFFFF086;
	s6 =	sadd.s32 @!p0 s3, s7;
	s7 =	simm.s32 @!p0 $0x108  }
0x21: {  	s3 =	sadd.s32 s3, s9;
	s6 =	sadd.s32 @!p0 $0x88, s6;
	s7 =	simm.s32 @p2 $0x1082  }
0x22: {  	[simem:s7], [sflag:s8] =	dma.local @!p0 [hbm:s6], $0xF7A  }
0x23: {  	s9 =	sor.u32 $0xD0000000, s2;
	s6 =	simm.s32 $0x108;
	_ =	swait.ge @!p0 [sflag:s8], $0x0  }
0x24: {  	s3 =	sadd.s32 $0x88, s3;
	s6 =	simm.s32 @!p1 $0x1082;
	[sflag:s4] =	ssyncset.s32 $0xFFFFF086  }
0x25: {  	[simem:s6], [sflag:s4] =	dma.local [hbm:s3], $0xF7A  }
0x26: {  	[smem:$0x3F9E] =	sst s1;
	(tag) =	ssettag s2;
	_ =	strace s9  }
0x27: {  	s1 =	sld [smem:$0x3FAE]  }
0x28: {  	s2 =	sld [smem:$0x3FAF]  }
0x29: {  	s4 =	sld [smem:$0x3FB1]  }
0x2a: {  	p0 =	seq.s32 s5, $0x0;
	s5 =	sld [smem:$0x3FB2]  }
0x2b: {  	s6 =	sld [smem:$0x3FB3]  }
0x2c: {  	s7 =	sld [smem:$0x3FB4]  }
0x2d: {  	s3 =	simm.s32 $0x108;
	s8 =	sld [smem:$0x3FB5]  }
0x2e: {  	s3 =	simm.s32 @!p0 $0x1082;
	s9 =	sld [smem:$0x3FB6]  }
0x2f: {  	lr =	sadd.s32 s0, s3;
	s0 =	sld [smem:$0x3FAD]  }
0x30: {  	s3 =	sld [smem:$0x3FB0]  }
0x31: {  	[smem:$0x3FB9] =	sst s10  }
0x32: {  	s10 =	sld [smem:$0x3FB7];
	_ =	sdelay $0x3  }
0x33: {  	p0 =	seq.s32 s10, $0x1;
	s10 =	sld [smem:$0x3FB9];
	_ =	sdelay $0x3  }
0x34: {  	[smem:$0x3FB9] =	sst s10  }
0x35: {  	s10 =	sld [smem:$0x3FB8];
	_ =	sdelay $0x3  }
0x36: {  	p1 =	seq.s32 s10, $0x1;
	s10 =	sld [smem:$0x3FB9];
	_ =	sdelay $0x3  }
0x37: {  	[smem:$0x3FB9] =	sst s10  }
0x38: {  	s10 =	sld [smem:$0x3FBA]  }
0x39: {  	_ = 	snop;
	(pc) =	sbr.ind lr, $3  }
0x3a: {  	_ = 	snop  }
0x3b: {  	_ = 	snop  }
0x3c: {  	p2 =	seq.s32 s10, $0x1;
	s10 =	sld [smem:$0x3FB9]  }
0x3d: {  	_ =	shalt  }
0x3e: {  	_ =	shalt  }
0x3f: {  	_ =	shalt  }
0x40: {  	_ =	shalt  }
0x41: {  	_ =	shalt  }
0x42: {  	_ =	shalt  }
0x43: {  	_ =	shalt  }
0x44: {  	_ =	shalt  }
0x45: {  	_ =	shalt  }
0x46: {  	_ =	shalt  }
0x47: {  	_ =	shalt  }
0x48: {  	_ =	shalt  }
0x49: {  	_ =	shalt  }
0x4a: {  	_ =	shalt  }
0x4b: {  	_ =	shalt  }
0x4c: {  	_ =	shalt  }
0x4d: {  	_ =	shalt  }
0x4e: {  	_ =	shalt  }
0x4f: {  	_ =	shalt  }
0x50: {  	_ =	shalt  }
0x51: {  	_ =	shalt  }
0x52: {  	_ =	shalt  }
0x53: {  	_ =	shalt  }
0x54: {  	_ =	shalt  }
0x55: {  	_ =	shalt  }
0x56: {  	_ =	shalt  }
0x57: {  	_ =	shalt  }
0x58: {  	_ =	shalt  }
0x59: {  	_ =	shalt  }
0x5a: {  	_ =	shalt  }
0x5b: {  	_ =	shalt  }
0x5c: {  	_ =	shalt  }
0x5d: {  	_ =	shalt  }
0x5e: {  	_ =	shalt  }
0x5f: {  	_ =	shalt  }
0x60: {  	_ =	shalt  }
0x61: {  	_ =	shalt  }
0x62: {  	_ =	shalt  }
0x63: {  	_ =	shalt  }
0x64: {  	_ =	shalt  }
0x65: {  	_ =	shalt  }
0x66: {  	_ =	shalt  }
0x67: {  	_ =	shalt  }
0x68: {  	_ =	shalt  }
0x69: {  	_ =	shalt  }
0x6a: {  	_ =	shalt  }
0x6b: {  	_ =	shalt  }
0x6c: {  	_ =	shalt  }
0x6d: {  	_ =	shalt  }
0x6e: {  	_ =	shalt  }
0x6f: {  	_ =	shalt  }
0x70: {  	_ =	shalt  }
0x71: {  	_ =	shalt  }
0x72: {  	_ =	shalt  }
0x73: {  	_ =	shalt  }
0x74: {  	_ =	shalt  }
0x75: {  	_ =	shalt  }
0x76: {  	_ =	shalt  }
0x77: {  	_ =	shalt  }
0x78: {  	_ =	shalt  }
0x79: {  	_ =	shalt  }
0x7a: {  	_ =	shalt  }
0x7b: {  	_ =	shalt  }
0x7c: {  	_ =	shalt  }
0x7d: {  	_ =	shalt  }
0x7e: {  	_ =	shalt  }
0x7f: {  	_ =	shalt  }
0x80: {  	_ =	shalt  }
0x81: {  	_ =	shalt  }
0x82: {  	_ =	shalt  }
0x83: {  	_ =	shalt  }
0x84: {  	_ =	shalt  }
0x85: {  	_ =	shalt  }
0x86: {  	_ =	shalt  }
0x87: {  	_ =	shalt  }
.Lfunc_end0:
.L_simem_size_0:
called_computation_lowered:
.L_overlay_start_0:
0x88: {  	s2 =	sld [smem:$0x3FD9]  }
0x89: {  	s3 =	sld [smem:$0x3FFE];
	_ =	sdelay $0x1  }
0x8a: {  	s1 =	srdreg.scid  }
0x8b: {  	s0 =	sand.u32 $0x1, s1  }
0x8c: {  	s17 =	sshll.u32 s0, $0xA;
	s2 =	sadd.s32 s3, s2  }
0x8d: {  	s2 =	sadd.s32 s2, s17  }
0x8e: {  	[smem:$0x3FC5] =	sst s2  }
0x8f: {  	_ = 	snop  }
0x90: {  	s2 =	sld [smem:$0x3FD0];
	(tm) =	ssettm $0x1  }
0x91: {  	s18 =	sld [smem:$0x3FFB];
	_ =	sdelay $0x3  }
0x92: {  	_ =	strace s18  }
0x93: {  	s3 =	sld [smem:$0x3FFC];
	_ =	sdelay $0x3  }
0x94: {  	_ =	strace s3  }
0x95: {  	s3 =	sld [smem:$0x3FFD];
	_ =	sdelay $0x3  }
0x96: {  	_ =	strace s3  }
0x97: {  	_ =	strace $0x8FFFFFFF  }
0x98: {  	s19 =	sld [smem:$0x3FDB];
	_ =	sdelay $0x1  }
0x99: {  	s4 =	simm.s32 $_scs_section_size  }
0x9a: {  	s5 =	simm.s32 $_size__tile_overlayer_lowered;
	s6 =	simm.s32 $_tile_overlayer_lowered  }
0x9b: {  	s22 =	simm.s32 $0x1BFF;
	s21 =	sshll.u32 s6, $0x1;
	s3 =	sadd.s32 s4, s19  }
0x9c: {  	s7 =	simm.s32 $0x0;
	s20 =	sshll.u32 s5, $0x1;
	s5 =	sadd.s32 s21, s3  }
0x9d: {  	[timem:s7], [sflag:s22] =	dma.local [hbm:s5], s20  }
0x9e: {  	_ =	swait.ge [sflag:s22], s20  }
0x9f: {  	s4 =	ssub.s32 $0x0, s20;
	[sflag:s22] =	ssyncset.done $0x0  }
0xa0: {  	[sflag:s22] =	ssyncadd.s32 s4;
	_ =	sdelay $0x1  }
0xa1: {  	s23 =	simm.s32 $0x1B8B  }
0xa2: {  	_ =	swait.ge [sflag:s23], $0x1  }
0xa3: {  	[sflag:s23] =	ssyncset.done $0x0  }
0xa4: {  	s25 =	simm.s32 $0x1B8E;
	s24 =	sld [smem:$0x3FFE];
	[sflag:s23] =	ssyncadd.s32 $0xFFFFFFFF  }
0xa5: {  	s26 =	simm.s32 $execute0_lowered;
	[smem:$0x3FD2] =	sst s25  }
0xa6: {  	s5 =	sshll.u32 s26, $0x1;
	_ =	strace $0x80000046;
	[dreg:$0x1] =	wrdreg $0xFFFFFFFF  }
0xa7: {  	s28 =	simm.s32 $_size_execute0_lowered;
	s3 =	sadd.s32 s3, s5;
	[dreg:$0x0] =	wrdreg $0x0  }
0xa8: {  	s5 =	sshll.u32 s28, $0x1;
	[dreg:$0x2] =	wrdreg s3  }
0xa9: {  	[dreg:$0x3] =	wrdreg s5  }
0xaa: {  	[dreg:$0x4] =	wrdreg $0xC0  }
0xab: {  	_ =	task [dreg:s7], $0x5FFFF  }
0xac: {  	[dreg:$0x1] =	wrdreg $0xFFFFFFFF  }
0xad: {  	[dreg:$0x0] =	wrdreg $0x60  }
0xae: {  	[dreg:$0x2] =	wrdreg s2  }
0xaf: {  	[dreg:$0x3] =	wrdreg s24  }
0xb0: {  	[dreg:$0x4] =	wrdreg $0x9  }
0xb1: {  	_ =	task.clear_ibuf [dreg:s7], $0x5FFFF;
	_ =	strace $0x90000046  }
0xb2: {  	s29 =	simm.s32 $0x9;
	_ =	strace $0x80000048  }
0xb3: {  	_ =	swait.ge [sflag:s29], $0x1  }
0xb4: {  	[sflag:s29] =	ssyncadd.s32 $0xFFFFFFFF  }
0xb5: {  	_ =	strace $0x90000048  }
0xb6: {  	_ =	sfence  }
0xb7: {  	s30 =	sld [smem:$0x0];
	_ =	sdelay $0x2  }
0xb8: {  	s31 =	sshll.u32 s1, $0xD;
	s1 =	sshrl.u32 s1, $0x2  }
0xb9: {  	s3 =	sand.u32 $0x4000, s31;
	s1 =	sadd.s32 s1, s30  }
0xba: {  	s0 =	sor.u32 s3, s0;
	s1 =	sshll.u32 s1, $0x11  }
0xbb: {  	s0 =	sor.u32 s1, s0  }
0xbc: {  	s0 =	sadd.s32 $0x8F2B, s0  }
0xbd: {  	[sflag:s0] =	ssyncadd.remote.s32 $0x1  }
0xbe: {  	_ =	sfence.sel $0xFFFF  }
0xbf: {  	[dreg:$0x0] =	wrdreg $0xFFFFFFFF;
	(pc) =	sbr.abs _section_cstart, $3  }
0xc0: {  	[dreg:$0x1] =	wrdreg $0xFFFFFFFF  }
0xc1: {  	_ =	task.clear_ibuf [dreg:s7], $0x2FFFF;
	_ =	strace $0x9FFFFFFF  }
0xc2: {  	(tm) =	ssettm $0x7FFFFFFF  }
0xc3: {  	_ =	shalt  }
tec
execute0_lowered:
.L_overlay_start_1:
0x0: {  	(tag) =	ssettag $0x1  }
0x1: {  	s1 =	rddreg [dreg:$0x0]  }
0x2: {  	s0 =	rddreg [dreg:$0x1];
	s2 =	simm.s32 $0x0;
	s8 =	stileid.u32  }
0x3: {  	s5 =	srdreg.scid;
	[smem:$0x7FF] =	sst s2  }
0x4: {  	v0 =	vimm.f32 $1.000000000e+00;
	s28 =	simm.s32 $0x10380;
	s29 =	simm.s32 $0x1;
	_ =	strace $0x80000047  }
0x5: {  	s30 =	simm.s32 $0x10300;
	s31 =	simm.s32 $0x11380;
	s3 =	sshrl.u32 s8, $0x3;
	(xrf0) =	vmin.scan.msk.f32 $0xffff, v0  }
0x6: {  	s6 =	sadd.s32 $0x1600, s0;
	s20 =	sand.u32 $0x1, s5;
	s21 =	sshll.u32 s8, $0x1  }
0x7: {  	s8 =	sadd.s32 $0x200, s0;
	s4 =	sshll.u32 s3, $0xB;
	s11 =	smul.u32 $0x1800, s3  }
0x8: {  	s9 =	ssub.s32 $0x2, s20;
	s5 =	sand.u32 $0xE, s21;
	s13 =	smul.u32 $0x3, s3  }
0x9: {  	s22 =	sshll.u32 s3, $0xA;
	s15 =	smul.u32 $0xC00, s3;
	s3 =	sshll.u32 s3, $0xE  }
0xa: {  	s7 =	sadd.s32 s4, s0;
	s10 =	sshrl.u32 s9, $0x1;
	s4 =	sor.u32 s20, s5  }
0xb: {  	s12 =	sshll.u32 s4, $0x6;
	s4 =	sadd.s32 $0x4600, s0;
	s9 =	ssub.s32 s9, s10;
	v0, _, _ =	vpop (xrf0)  }
0xc: {  	s23 =	sadd.s32 s6, s11;
	s24 =	sadd.s32 $0x1, s13;
	s25 =	sadd.s32 $0x2, s13;
	(v2sf) =	vpush v0, $0xF  }
0xd: {  	s5 =	sor.u32 s22, s12;
	[dreg:$0x3] =	wrdreg s23;
	s26 =	sshll.u32 s24, $0xB  }
0xe: {  	s14 =	sshll.u32 s25, $0xB;
	s16 =	sor.u32 s15, s12;
	s17 =	sshll.u32 s24, $0xA  }
0xf: {  	s18 =	sshll.u32 s25, $0xA;
	s13 =	sadd.s32 s6, s26;
	s6 =	sadd.s32 s6, s14  }
0x10: {  	s14 =	sadd.s32 $0x600, s7;
	s7 =	sor.u32 s12, s17;
	s20 =	sor.u32 s12, s18  }
0x11: {  	s22 =	sshll.u32 s5, $0x9;
	s23 =	sshrl.u32 s5, $0x3;
	[dreg:$0x4] =	wrdreg s13  }
0x12: {  	s26 =	smax.u32 s9, $0x1;
	s17 =	simm.s32 $0x4000;
	[dreg:$0x5] =	wrdreg s6  }
0x13: {  	s18 =	simm.s32 $0x8000;
	[dreg:$0x6] =	wrdreg s14;
	s6 =	sshrl.u32 s16, $0x3  }
0x14: {  	s19 =	sshrl.u32 s7, $0x3;
	s21 =	sshrl.u32 s20, $0x3;
	s7 =	sadd.s32 s22, s4  }
0x15: {  	s0 =	sadd.s32 s0, s23;
	[dreg:$0xc] =	wrdreg s26;
	s20 =	simm.s32 $0x10000  }
0x16: {  	s22 =	simm.s32 $0x10100;
	s23 =	simm.s32 $0x10180;
	s26 =	simm.s32 $0x10280  }
0x17: {  	s6 =	sadd.s32 s8, s6;
	[dreg:$0xa] =	wrdreg s0;
	s25 =	sadd.s32 $0x7E00, s7  }
.Ltmp0:
0x18: {  	s0 =	simm.s32 $0x2;
	[dreg:$0x7] =	wrdreg s6;
	(pc) =	sbr.rel .LBB2_1-.Ltmp0, $4  }
0x19: {  	s6 =	sadd.s32 s8, s19;
	[dreg:$0xb] =	wrdreg s25;
	s25 =	simm.s32 $0x20  }
0x1a: {  	[dreg:$0x8] =	wrdreg s6;
	s6 =	sadd.s32 s8, s21;
	s21 =	simm.s32 $0x10080  }
0x1b: {  	v1 =	vimm.s32 $0x0;
	v0 =	vmov s3;
	s3 =	simm.s32 $0x3;
	s8 =	simm.s32 $0x0;
	s24 =	spop (v2sf)  }
0x1c: {  	v2 =	vlaneseq.u32;
	v3 =	vimm.f32 $0.0e+00;
	v4 =	vimm.s32 $0x3F;
	[dreg:$0x9] =	wrdreg s6;
	p0 =	sgt.f32 s24, $0.0e+00;
	s24 =	simm.s32 $0x10200  }
.LBB2_11:
0x1d: {  	_ =	swait.ge [sflag:s0], $0x1000  }
0x1e: {  	[sflag:s0] =	ssyncset.done $0x0  }
0x1f: {  	[sflag:s0] =	ssyncadd.s32 $0xFFFFF000  }
0x20: {  	v15 =	vld [tilespmem:$0x10300];
	_ =	sdelay $0x4  }
0x21: {  	v16 =	vsub.s32 v15, v0  }
0x22: {  	v15 =	vand.u32 $0x7F, v15;
	v16 =	vand.u32 $0xFFFFFF80, v16  }
0x23: {  	v15 =	vor.u32 v15, v16;
	_ =	sdelay $0x1  }
0x24: {  	v63 =	vld.idx.msk [tilespmem:v4+s20+$0x0], $0xffff  }
0x25: {  	v17 =	vld.idx.msk [tilespmem:v4+s21+$0x0], $0xffff  }
0x26: {  	v18 =	vld.idx.msk [tilespmem:v4+s22+$0x0], $0xffff  }
0x27: {  	v19 =	vld.idx.msk [tilespmem:v15+s2+$0x0], $0xffff  }
0x28: {  	v20 =	vld.idx.msk [tilespmem:v15+s17+$0x0], $0xffff  }
0x29: {  	v15 =	vld.idx.msk [tilespmem:v15+s18+$0x0], $0xffff;
	_ =	sdelay $0x2  }
0x2a: {  	v8 =	vld.idx.msk [tilespmem:v8+s31+$0x0], $0xffff;
	v19 =	vsub.f32 v19, v63  }
0x2b: {  	v20 =	vsub.f32 v20, v17  }
0x2c: {  	[tilespmem:v6+s31+$0x0] =	vst.idx.msk $0xffff, v19;
	v6 =	vsub.f32 v15, v18  }
0x2d: {  	[tilespmem:v5+s31+$0x0] =	vst.idx.msk $0xffff, v20  }
0x2e: {  	[tilespmem:v7+s31+$0x0] =	vst.idx.msk $0xffff, v6  }
0x2f: {  	[tilespmem:v9+s31+$0x0] =	vst.idx.msk $0xffff, v8  }
0x30: {  	v5 =	vld [tilespmem:$0x10310];
	_ =	sdelay $0x4  }
0x31: {  	v6 =	vsub.s32 v5, v0  }
0x32: {  	v5 =	vand.u32 $0x7F, v5;
	v6 =	vand.u32 $0xFFFFFF80, v6  }
0x33: {  	v5 =	vor.u32 v5, v6;
	_ =	sdelay $0x4  }
0x34: {  	v6 =	vld.idx.msk [tilespmem:v5+s2+$0x0], $0xffff  }
0x35: {  	v7 =	vld.idx.msk [tilespmem:v5+s17+$0x0], $0xffff  }
0x36: {  	v5 =	vld.idx.msk [tilespmem:v5+s18+$0x0], $0xffff;
	_ =	sdelay $0x2  }
0x37: {  	v8 =	vld.idx.msk [tilespmem:v12+s31+$0x0], $0xffff;
	v6 =	vsub.f32 v6, v63  }
0x38: {  	v7 =	vsub.f32 v7, v17  }
0x39: {  	v5 =	vsub.f32 v5, v18;
	[tilespmem:v13+s31+$0x0] =	vst.idx.msk $0xffff, v6  }
0x3a: {  	[tilespmem:v10+s31+$0x0] =	vst.idx.msk $0xffff, v7  }
0x3b: {  	[tilespmem:v11+s31+$0x0] =	vst.idx.msk $0xffff, v5  }
0x3c: {  	s6 =	rddreg [dreg:$0xb];
	[tilespmem:v14+s31+$0x0] =	vst.idx.msk $0xffff, v8  }
0x3d: {  	[hbm4b:s6+s2] =	stream.linear.scatter [tilespmem:s31], [sflag:$0x4], $0x1000, $0x38;
	[tilespmem:$0x12380] =	vst v63  }
0x3e: {  	_ =	swait.ge [sflag:s3], $0x1000  }
0x3f: {  	[sflag:s3] =	ssyncset.done $0x0  }
0x40: {  	s7 =	simm.s32 $0x4;
	[sflag:s3] =	ssyncadd.s32 $0xFFFFF000  }
0x41: {  	_ =	swait.ge [sflag:s7], $0x1000  }
0x42: {  	s8 =	rddreg [dreg:$0xd]  }
0x43: {  	s19 =	rddreg [dreg:$0xc];
	s8 =	sadd.s32 $0x1, s8  }
0x44: {  	p1 =	sne.s32 s8, s19  }
.Ltmp1:
0x45: {  	_ = 	snop;
	(pc) =	sbr.rel @!p1 .LBB2_12-.Ltmp1, $3  }
0x46: {  	_ =	sdelay $0x1  }
0x47: {  	[sflag:s7] =	ssyncset.done $0x0  }
0x48: {  	[sflag:s7] =	ssyncadd.s32 $0xFFFFF000  }
.LBB2_1:
0x49: {  	[dreg:$0xd] =	wrdreg s8  }
0x4a: {  	s6 =	rddreg [dreg:$0x3];
	s7 =	simm.s32 $0x5  }
0x4b: {  	[tilespmem:s2], [sflag:$0x5] =	stream.linear.gather [hbm4b:s6+s2], $0x4000, $0x38;
	[tilespmem:$0x12380] =	vst v63  }
0x4c: {  	_ =	swait.ge [sflag:s7], $0x4000  }
0x4d: {  	[sflag:s7] =	ssyncset.done $0x0  }
0x4e: {  	s10 =	rddreg [dreg:$0x4];
	[sflag:s7] =	ssyncadd.s32 $0xFFFFC000  }
0x4f: {  	[tilespmem:s17], [sflag:$0x5] =	stream.linear.gather [hbm4b:s10+s2], $0x4000, $0x38;
	[tilespmem:$0x12380] =	vst v63  }
0x50: {  	_ =	swait.ge [sflag:s7], $0x4000  }
0x51: {  	[sflag:s7] =	ssyncset.done $0x0  }
0x52: {  	s11 =	rddreg [dreg:$0x5];
	[sflag:s7] =	ssyncadd.s32 $0xFFFFC000  }
0x53: {  	[tilespmem:s18], [sflag:$0x5] =	stream.linear.gather [hbm4b:s11+s2], $0x4000, $0x38;
	[tilespmem:$0x12380] =	vst v63  }
0x54: {  	_ =	swait.ge [sflag:s7], $0x4000  }
0x55: {  	[sflag:s7] =	ssyncset.done $0x0  }
0x56: {  	s13 =	simm.s32 $0xC000;
	s12 =	rddreg [dreg:$0x6];
	[sflag:s7] =	ssyncadd.s32 $0xFFFFC000  }
0x57: {  	[tilespmem:s13], [sflag:$0x5] =	stream.linear.gather [hbm4b:s12+s2], $0x4000, $0x38;
	[tilespmem:$0x12380] =	vst v63  }
0x58: {  	_ =	swait.ge [sflag:s7], $0x4000  }
0x59: {  	[sflag:s7] =	ssyncset.done $0x0  }
0x5a: {  	s14 =	rddreg [dreg:$0x7];
	[sflag:s7] =	ssyncadd.s32 $0xFFFFC000  }
0x5b: {  	[tilespmem:s20], [sflag:$0x5] =	stream.linear.gather [hbm4b:s14+s2], $0x40, $0x38;
	[tilespmem:$0x12380] =	vst v63  }
0x5c: {  	_ =	swait.ge [sflag:s7], $0x40  }
0x5d: {  	[sflag:s7] =	ssyncset.done $0x0  }
0x5e: {  	s15 =	rddreg [dreg:$0x8];
	[sflag:s7] =	ssyncadd.s32 $0xFFFFFFC0  }
0x5f: {  	[tilespmem:s21], [sflag:$0x5] =	stream.linear.gather [hbm4b:s15+s2], $0x40, $0x38;
	[tilespmem:$0x12380] =	vst v63  }
0x60: {  	_ =	swait.ge [sflag:s7], $0x40  }
0x61: {  	[sflag:s7] =	ssyncset.done $0x0  }
0x62: {  	s16 =	rddreg [dreg:$0x9];
	[sflag:s7] =	ssyncadd.s32 $0xFFFFFFC0  }
0x63: {  	[tilespmem:s22], [sflag:$0x5] =	stream.linear.gather [hbm4b:s16+s2], $0x40, $0x38;
	[tilespmem:$0x12380] =	vst v63  }
0x64: {  	_ =	swait.ge [sflag:s7], $0x40  }
0x65: {  	[sflag:s7] =	ssyncset.done $0x0  }
.Ltmp2:
0x66: {  	s19 =	rddreg [dreg:$0xa];
	[sflag:s7] =	ssyncadd.s32 $0xFFFFFFC0;
	(pc) =	sbr.rel .LBB2_2-.Ltmp2, $4  }
0x67: {  	[tilespmem:s23], [sflag:$0x5] =	stream.linear.gather [hbm4b:s19+s2], $0x40, $0x38;
	[tilespmem:$0x12380] =	vst v63  }
0x68: {  	_ =	swait.ge [sflag:s7], $0x40  }
0x69: {  	[sflag:s7] =	ssyncset.done $0x0  }
0x6a: {  	[sflag:s7] =	ssyncadd.s32 $0xFFFFFFC0;
	s7 =	simm.s32 $0x0  }
.LBB2_9:
0x6b: {  	v7 =	vpsel p2, v7, v7  }
.LBB2_10:
0x6c: {  	v8 =	vld.msk [tilespmem:s24+$0x0], $0xffff  }
0x6d: {  	v9 =	vld [tilespmem:$0x10200]  }
0x6e: {  	v10 =	vld [tilespmem:$0x10210];
	_ =	sdelay $0x1  }
0x6f: {  	vm0 =	veq.s32 v7, $0x0  }
0x70: {  	vm14 =	vgt.s32 v7, v2;
	v8 =	vsel vm0, $0x3FFF, v8  }
0x71: {  	vm15 =	vgt.s32 v7, v6;
	v9 =	vsel vm14, v9, v8  }
0x72: {  	v7 =	vsel vm15, v10, v8;
	v6 =	vadd.s32 v0, v9  }
0x73: {  	[tilespmem:$0x10300] =	vst v6;
	v6 =	vadd.s32 v0, v7  }
0x74: {  	[tilespmem:$0x10310] =	vst v6  }
0x75: {  	_ =	swait.ge [sflag:s29], $0x1000  }
0x76: {  	[sflag:s29] =	ssyncset.done $0x0  }
0x77: {  	[sflag:s29] =	ssyncadd.s32 $0xFFFFF000  }
0x78: {  	v6 =	vld [tilespmem:$0x10280];
	_ =	sdelay $0x4  }
0x79: {  	v7 =	vsub.s32 v6, v0  }
0x7a: {  	v6 =	vand.u32 $0x7F, v6;
	v7 =	vand.u32 $0xFFFFFF80, v7  }
0x7b: {  	v7 =	vor.u32 v6, v7;
	_ =	sdelay $0x1  }
0x7c: {  	v14 =	vld.idx.msk [tilespmem:v5+s20+$0x0], $0xffff  }
0x7d: {  	v15 =	vld.idx.msk [tilespmem:v5+s21+$0x0], $0xffff;
	v6 =	vmul.u32 $0x80, v2  }
0x7e: {  	v16 =	vld.idx.msk [tilespmem:v5+s22+$0x0], $0xffff  }
0x7f: {  	v8 =	vor.u32 $0x44, v6;
	v9 =	vld.idx.msk [tilespmem:v7+s2+$0x0], $0xffff  }
0x80: {  	v10 =	vld.idx.msk [tilespmem:v7+s17+$0x0], $0xffff  }
0x81: {  	v11 =	vld.idx.msk [tilespmem:v7+s18+$0x0], $0xffff  }
0x82: {  	v5 =	vor.u32 $0x1, v6  }
0x83: {  	v7 =	vor.u32 $0x2, v6  }
0x84: {  	v12 =	vld.idx.msk [tilespmem:v8+s28+$0x0], $0xffff;
	v13 =	vsub.f32 v9, v14;
	v9 =	vor.u32 $0x3, v6  }
0x85: {  	v10 =	vsub.f32 v10, v15  }
0x86: {  	v11 =	vsub.f32 v11, v16;
	[tilespmem:v6+s28+$0x0] =	vst.idx.msk $0xffff, v13  }
0x87: {  	[tilespmem:v5+s28+$0x0] =	vst.idx.msk $0xffff, v10  }
0x88: {  	[tilespmem:v7+s28+$0x0] =	vst.idx.msk $0xffff, v11  }
0x89: {  	[tilespmem:v9+s28+$0x0] =	vst.idx.msk $0xffff, v12  }
0x8a: {  	v10 =	vld [tilespmem:$0x10290];
	_ =	sdelay $0x4  }
0x8b: {  	v11 =	vsub.s32 v10, v0  }
0x8c: {  	v10 =	vand.u32 $0x7F, v10;
	v11 =	vand.u32 $0xFFFFFF80, v11  }
0x8d: {  	v10 =	vor.u32 v10, v11;
	_ =	sdelay $0x4  }
0x8e: {  	v12 =	vor.u32 $0x844, v6;
	v17 =	vld.idx.msk [tilespmem:v10+s2+$0x0], $0xffff  }
0x8f: {  	v18 =	vld.idx.msk [tilespmem:v10+s17+$0x0], $0xffff  }
0x90: {  	v13 =	vor.u32 $0x800, v6;
	v19 =	vld.idx.msk [tilespmem:v10+s18+$0x0], $0xffff  }
0x91: {  	v10 =	vor.u32 $0x801, v6  }
0x92: {  	v11 =	vor.u32 $0x802, v6  }
0x93: {  	v20 =	vld.idx.msk [tilespmem:v12+s28+$0x0], $0xffff;
	v17 =	vsub.f32 v17, v14;
	v14 =	vor.u32 $0x803, v6  }
0x94: {  	v15 =	vsub.f32 v18, v15  }
0x95: {  	s6 =	sadd.s32 s5, s8;
	v16 =	vsub.f32 v19, v16;
	[tilespmem:v13+s28+$0x0] =	vst.idx.msk $0xffff, v17  }
0x96: {  	s6 =	sshll.u32 s6, $0x9;
	[tilespmem:v10+s28+$0x0] =	vst.idx.msk $0xffff, v15  }
0x97: {  	s6 =	sand.u32 $0x1FFFFC00, s6;
	[tilespmem:v11+s28+$0x0] =	vst.idx.msk $0xffff, v16  }
0x98: {  	s6 =	sadd.s32 s4, s6;
	[tilespmem:v14+s28+$0x0] =	vst.idx.msk $0xffff, v20  }
0x99: {  	[hbm4b:s6+s2] =	stream.linear.scatter [tilespmem:s28], [sflag:$0x3], $0x1000, $0x38;
	[tilespmem:$0x12380] =	vst v63  }
0x9a: {  	s6 =	simm.s32 @!p1 $0x4  }
0x9b: {  	_ =	swait.ge @!p1 [sflag:s6], $0x1000  }
0x9c: {  	s7 =	sadd.s32 $0x1, s7;
	[sflag:s6] =	ssyncset.done @!p1 $0x0  }
0x9d: {  	[sflag:s6] =	ssyncadd.s32 @!p1 $0xFFFFF000;
	p1 =	sne.s32 s7, $0x20  }
.Ltmp3:
0x9e: {  	_ = 	snop;
	(pc) =	sbr.rel @!p1 .LBB2_11-.Ltmp3, $2  }
0x9f: {  	_ =	sdelay $0x2  }
0xa0: {  	[tilespmem:s31], [sflag:$0x2] =	stream.indirect.gather [hbm4b:s1+s25], $0x80, s30, s25, $0xb8;
	[tilespmem:$0x12380] =	vst v63  }
.LBB2_2:
.Ltmp4:
0xa1: {  	(pc) =	sbr.rel @!p0 .LBB2_6-.Ltmp4, $4  }
0xa2: {  	_ = 	snop  }
0xa3: {  	s8 =	sshll.u32 s7, $0x1  }
0xa4: {  	v5 =	vmov s8  }
0xa5: {  	v7 =	vimm.s32 $0x0;
	v5 =	vbroadcast v5, $0x0  }
0xa6: {  	_ =	sdelay $0x4  }
0xa7: {  	v6 =	vld.idx.msk [tilespmem:v5+s20+$0x0], $0xffff  }
0xa8: {  	v8 =	vld.idx.msk [tilespmem:v5+s21+$0x0], $0xffff  }
0xa9: {  	v9 =	vld.idx.msk [tilespmem:v5+s22+$0x0], $0xffff;
	_ =	sdelay $0x4  }
0xaa: {  	v10 =	vshrl.u32 v6, $0x10;
	v11 =	vshrl.u32 v8, $0x10;
	v12 =	vshrl.u32 v9, $0x10  }
0xab: {  	v10 =	vand.u32 $0x1, v10;
	v11 =	vand.u32 $0x1, v11;
	v12 =	vand.u32 $0x1, v12  }
0xac: {  	v6 =	vadd.s32 v10, v6;
	v8 =	vadd.s32 v11, v8;
	v9 =	vadd.s32 v12, v9  }
0xad: {  	s14 =	simm.s32 $0x0;
	s9 =	simm.s32 $0xF0;
	s10 =	simm.s32 $0xC080;
	v6 =	vadd.s32 $0x7FFF, v6;
	v8 =	vadd.s32 $0x7FFF, v8;
	v9 =	vadd.s32 $0x7FFF, v9  }
0xae: {  	s11 =	simm.s32 $0x8080;
	s12 =	simm.s32 $0x4080;
	s13 =	simm.s32 $0x80;
	v10 =	vld.idx.msk [tilespmem:v5+s23+$0x0], $0xffff;
	v6 =	vand.u32 $0xFFFF0000, v6;
	v8 =	vand.u32 $0xFFFF0000, v8;
	v9 =	vand.u32 $0xFFFF0000, v9  }
.LBB2_4:
0xaf: {  	v11 =	vld [tilespmem:s13+$0xFFFFFF80]  }
0xb0: {  	v12 =	vld [tilespmem:s12+$0xFFFFFF80]  }
0xb1: {  	v13 =	vld [tilespmem:s11+$0xFFFFFF80]  }
0xb2: {  	v26 =	vld [tilespmem:s13+$0xFFFFFF90]  }
0xb3: {  	v27 =	vld [tilespmem:s12+$0xFFFFFF90]  }
0xb4: {  	v29 =	vld [tilespmem:s11+$0xFFFFFF90]  }
0xb5: {  	v17 =	vld [tilespmem:s13+$0xFFFFFFA0]  }
0xb6: {  	v33 =	vld [tilespmem:s12+$0xFFFFFFA0]  }
0xb7: {  	v34 =	vld [tilespmem:s11+$0xFFFFFFA0]  }
0xb8: {  	v37 =	vld [tilespmem:s13+$0xFFFFFFB0]  }
0xb9: {  	v38 =	vld [tilespmem:s12+$0xFFFFFFB0]  }
0xba: {  	v40 =	vld [tilespmem:s11+$0xFFFFFFB0]  }
0xbb: {  	v21 =	vld [tilespmem:s13+$0xFFFFFFC0]  }
0xbc: {  	v45 =	vld [tilespmem:s12+$0xFFFFFFC0]  }
0xbd: {  	v46 =	vld [tilespmem:s11+$0xFFFFFFC0]  }
0xbe: {  	v51 =	vld [tilespmem:s13+$0xFFFFFFD0]  }
0xbf: {  	v52 =	vld [tilespmem:s12+$0xFFFFFFD0];
	v14 =	vshrl.u32 v11, $0x10  }
0xc0: {  	v56 =	vld [tilespmem:s11+$0xFFFFFFD0];
	v15 =	vshrl.u32 v12, $0x10;
	v25 =	vshrl.u32 v13, $0x10;
	v30 =	vshrl.u32 v26, $0x10  }
0xc1: {  	v16 =	vshrl.u32 v27, $0x10;
	v32 =	vshrl.u32 v29, $0x10;
	v35 =	vshrl.u32 v17, $0x10  }
0xc2: {  	v18 =	vshrl.u32 v33, $0x10;
	v36 =	vshrl.u32 v34, $0x10;
	v43 =	vshrl.u32 v37, $0x10  }
0xc3: {  	v20 =	vshrl.u32 v38, $0x10;
	v44 =	vshrl.u32 v40, $0x10;
	v48 =	vshrl.u32 v21, $0x10  }
0xc4: {  	v49 =	vshrl.u32 v45, $0x10;
	v50 =	vshrl.u32 v46, $0x10;
	v59 =	vshrl.u32 v51, $0x10  }
0xc5: {  	v61 =	vld [tilespmem:s12+$0xFFFFFFE0];
	v23 =	vshrl.u32 v52, $0x10;
	v60 =	vshrl.u32 v56, $0x10;
	v14 =	vand.u32 $0x1, v14  }
0xc6: {  	v15 =	vand.u32 $0x1, v15;
	v16 =	vand.u32 $0x1, v16;
	v18 =	vand.u32 $0x1, v18  }
0xc7: {  	v20 =	vand.u32 $0x1, v20;
	v23 =	vand.u32 $0x1, v23;
	v11 =	vadd.s32 v14, v11  }
0xc8: {  	v12 =	vadd.s32 v15, v12;
	v14 =	vand.u32 $0x1, v25;
	v31 =	vadd.s32 v16, v27  }
0xc9: {  	v15 =	vand.u32 $0x1, v32;
	v16 =	vadd.s32 v18, v33;
	v18 =	vadd.s32 v20, v38  }
0xca: {  	v20 =	vand.u32 $0x1, v50;
	v27 =	vshrl.u32 v61, $0x10;
	v11 =	vadd.s32 $0x7FFF, v11  }
0xcb: {  	v12 =	vadd.s32 $0x7FFF, v12;
	v13 =	vadd.s32 v14, v13;
	v14 =	vadd.s32 $0x7FFF, v31  }
0xcc: {  	v16 =	vadd.s32 $0x7FFF, v16;
	v11 =	vand.u32 $0xFFFF0000, v11;
	v12 =	vand.u32 $0xFFFF0000, v12  }
0xcd: {  	v18 =	vadd.s32 $0x7FFF, v18;
	v11 =	vmul.f32 v11, v6;
	v12 =	vmul.f32 v12, v8  }
0xce: {  	v13 =	vadd.s32 $0x7FFF, v13;
	v14 =	vand.u32 $0xFFFF0000, v14;
	v16 =	vand.u32 $0xFFFF0000, v16  }
0xcf: {  	v24 =	vld [tilespmem:s13+$0xFFFFFFE0];
	v13 =	vand.u32 $0xFFFF0000, v13;
	v11 =	vadd.f32 v12, v11;
	v12 =	vand.u32 $0x1, v30  }
0xd0: {  	v18 =	vand.u32 $0xFFFF0000, v18;
	v28 =	vmul.f32 v13, v9;
	v12 =	vadd.s32 v12, v26  }
0xd1: {  	v14 =	vmul.f32 v14, v8;
	v16 =	vmul.f32 v16, v8;
	v12 =	vadd.s32 $0x7FFF, v12  }
0xd2: {  	v62 =	vld [tilespmem:s11+$0xFFFFFFE0];
	v13 =	vadd.s32 v15, v29;
	v11 =	vadd.f32 v28, v11;
	v12 =	vand.u32 $0xFFFF0000, v12  }
0xd3: {  	v19 =	vld [tilespmem:s10+$0xFFFFFF80];
	v18 =	vmul.f32 v18, v8;
	v13 =	vadd.s32 $0x7FFF, v13;
	v12 =	vmul.f32 v12, v6  }
0xd4: {  	v13 =	vand.u32 $0xFFFF0000, v13;
	v26 =	vshrl.u32 v24, $0x10;
	v11 =	vadd.f32 v11, v11  }
0xd5: {  	v13 =	vmul.f32 v13, v9;
	v12 =	vadd.f32 v14, v12;
	v14 =	vand.u32 $0x1, v35  }
0xd6: {  	v11 =	vsub.f32 v10, v11;
	v14 =	vadd.s32 v14, v17;
	v17 =	vand.u32 $0x1, v36  }
0xd7: {  	v30 =	vld [tilespmem:s12+$0xFFFFFFF0];
	v28 =	vshrl.u32 v62, $0x10;
	v14 =	vadd.s32 $0x7FFF, v14;
	v15 =	vadd.s32 v17, v34  }
0xd8: {  	v11 =	vadd.f32 v11, v19;
	v12 =	vadd.f32 v13, v12;
	v19 =	vand.u32 $0x1, v43  }
0xd9: {  	v14 =	vand.u32 $0xFFFF0000, v14;
	v15 =	vadd.s32 $0x7FFF, v15;
	v17 =	vadd.s32 v19, v37  }
0xda: {  	v29 =	vld [tilespmem:s13+$0xFFFFFFF0];
	v19 =	vand.u32 $0x1, v44;
	v14 =	vmul.f32 v14, v6;
	v39 =	vand.u32 $0xFFFF0000, v15  }
0xdb: {  	vm4 =	vle.f32 v11, $3.999999910e-02;
	v41 =	vadd.f32 v12, v12;
	v17 =	vadd.s32 $0x7FFF, v17  }
0xdc: {  	v15 =	vadd.s32 v19, v40;
	v19 =	vadd.s32 v20, v46;
	v40 =	vshrl.u32 v30, $0x10  }
0xdd: {  	v42 =	vld [tilespmem:s10+$0xFFFFFF90];
	v13 =	vmul.f32 v39, v9;
	v11 =	vsel vm4, $0x1, v1;
	v12 =	vmpcnt.ones.xlane vm4  }
0xde: {  	v35 =	vld [tilespmem:s11+$0xFFFFFFF0];
	v17 =	vand.u32 $0xFFFF0000, v17;
	v15 =	vadd.s32 $0x7FFF, v15;
	v19 =	vadd.s32 $0x7FFF, v19  }
0xdf: {  	v44 =	vld [tilespmem:s13+$0x0];
	v39 =	vshrl.u32 v29, $0x10;
	v14 =	vadd.f32 v16, v14;
	v16 =	vsub.f32 v10, v41  }
0xe0: {  	v17 =	vmul.f32 v17, v6;
	v15 =	vand.u32 $0xFFFF0000, v15;
	v53 =	vand.u32 $0xFFFF0000, v19  }
0xe1: {  	v15 =	vmul.f32 v15, v9;
	v55 =	vmul.f32 v53, v9;
	v13 =	vadd.f32 v13, v14  }
0xe2: {  	v12 =	vadd.s32 v7, v12;
	v14 =	vadd.f32 v16, v42;
	v47 =	vadd.f32 v18, v17  }
0xe3: {  	v17 =	vand.u32 $0x1, v48;
	v18 =	vand.u32 $0x1, v49;
	v42 =	vshrl.u32 v35, $0x10  }
0xe4: {  	v46 =	vshrl.u32 v44, $0x10;
	v17 =	vadd.s32 v17, v21;
	v18 =	vadd.s32 v18, v45  }
0xe5: {  	v22 =	vld [tilespmem:s10+$0xFFFFFFA0];
	v21 =	vadd.s32 v23, v52;
	v23 =	vand.u32 $0x1, v28;
	v48 =	vand.u32 $0x1, v46  }
0xe6: {  	v13 =	vadd.f32 v13, v13;
	v17 =	vadd.s32 $0x7FFF, v17;
	v18 =	vadd.s32 $0x7FFF, v18  }
0xe7: {  	v15 =	vadd.f32 v15, v47;
	vm1 =	vle.f32 v14, $3.999999910e-02;
	v21 =	vadd.s32 $0x7FFF, v21  }
0xe8: {  	v58 =	vld [tilespmem:s10+$0xFFFFFFB0];
	v17 =	vand.u32 $0xFFFF0000, v17;
	v18 =	vand.u32 $0xFFFF0000, v18;
	v13 =	vsub.f32 v10, v13  }
0xe9: {  	v17 =	vmul.f32 v17, v6;
	v18 =	vmul.f32 v18, v8;
	v57 =	vadd.f32 v15, v15  }
0xea: {  	v21 =	vand.u32 $0xFFFF0000, v21;
	v15 =	vmpcnt.ones.xlane vm1;
	v22 =	vadd.f32 v13, v22  }
0xeb: {  	v50 =	vld [tilespmem:s13+$0x10];
	v21 =	vmul.f32 v21, v8;
	v54 =	vadd.f32 v18, v17;
	v19 =	vsub.f32 v10, v57  }
0xec: {  	v13 =	vsel vm1, $0x1, v1;
	v15 =	vadd.s32 v12, v15;
	vm5 =	vle.f32 v22, $3.999999910e-02  }
0xed: {  	v16 =	vadd.f32 v55, v54;
	v22 =	vand.u32 $0x1, v59;
	v17 =	vadd.f32 v19, v58  }
0xee: {  	v53 =	vld [tilespmem:s12+$0x10];
	v14 =	vsel vm5, $0x1, v1;
	v20 =	vadd.s32 v22, v51;
	v22 =	vand.u32 $0x1, v60  }
0xef: {  	v54 =	vld [tilespmem:s11+$0x10];
	v16 =	vadd.f32 v16, v16;
	v20 =	vadd.s32 $0x7FFF, v20;
	v18 =	vadd.s32 v22, v56  }
0xf0: {  	v58 =	vld [tilespmem:s12+$0x20];
	v22 =	vadd.s32 v23, v62;
	vm6 =	vle.f32 v17, $3.999999910e-02;
	v56 =	vshrl.u32 v50, $0x10  }
0xf1: {  	v25 =	vld [tilespmem:s10+$0xFFFFFFC0];
	v20 =	vand.u32 $0xFFFF0000, v20;
	v18 =	vadd.s32 $0x7FFF, v18;
	v22 =	vadd.s32 $0x7FFF, v22  }
0xf2: {  	v17 =	vmpcnt.ones.xlane vm6;
	v20 =	vmul.f32 v20, v6;
	v18 =	vand.u32 $0xFFFF0000, v18  }
0xf3: {  	v16 =	vsub.f32 v10, v16;
	v32 =	vand.u32 $0xFFFF0000, v22;
	v18 =	vmul.f32 v18, v9  }
0xf4: {  	v34 =	vmul.f32 v32, v9;
	v32 =	vshrl.u32 v53, $0x10;
	v57 =	vshrl.u32 v54, $0x10  }
0xf5: {  	v62 =	vshrl.u32 v58, $0x10;
	v63 =	vadd.f32 v21, v20;
	v20 =	vand.u32 $0x1, v26  }
0xf6: {  	v21 =	vand.u32 $0x1, v27;
	v33 =	vadd.f32 v16, v25;
	v16 =	vsel vm6, $0x1, v1  }
0xf7: {  	v25 =	vand.u32 $0x1, v40;
	v32 =	vand.u32 $0x1, v32;
	v20 =	vadd.s32 v20, v24  }
0xf8: {  	v21 =	vadd.s32 v21, v61;
	v41 =	vadd.s32 v25, v30;
	v24 =	vand.u32 $0x1, v42  }
0xf9: {  	v20 =	vadd.s32 $0x7FFF, v20;
	v21 =	vadd.s32 $0x7FFF, v21;
	v31 =	vadd.f32 v18, v63  }
0xfa: {  	v27 =	vld [tilespmem:s12+$0x0];
	v18 =	vmpcnt.ones.xlane vm5;
	vm2 =	vle.f32 v33, $3.999999910e-02;
	v23 =	vadd.s32 $0x7FFF, v41  }
0xfb: {  	v22 =	vadd.s32 v24, v35;
	v20 =	vand.u32 $0xFFFF0000, v20;
	v21 =	vand.u32 $0xFFFF0000, v21  }
0xfc: {  	v59 =	vld [tilespmem:s11+$0x20];
	v23 =	vand.u32 $0xFFFF0000, v23;
	v22 =	vadd.s32 $0x7FFF, v22;
	v20 =	vmul.f32 v20, v6  }
0xfd: {  	v33 =	vld [tilespmem:s13+$0x20];
	v21 =	vmul.f32 v21, v8;
	v36 =	vadd.f32 v31, v31;
	v23 =	vmul.f32 v23, v8  }
0xfe: {  	v63 =	vld [tilespmem:s13+$0x30];
	v22 =	vand.u32 $0xFFFF0000, v22;
	v31 =	vimm.s32 $0x0;
	v18 =	vadd.s32 v15, v18  }
0xff: {  	v28 =	vmul.f32 v22, v9;
	v22 =	vmpcnt.ones.xlane vm2;
	v47 =	vshrl.u32 v27, $0x10  }
0x100: {  	v26 =	vld [tilespmem:s10+$0xFFFFFFD0];
	v17 =	vadd.s32 v18, v17;
	v20 =	vadd.f32 v21, v20;
	v38 =	vsub.f32 v10, v36  }
0x101: {  	v21 =	vand.u32 $0x1, v39;
	v49 =	vand.u32 $0x1, v47;
	v36 =	vshrl.u32 v59, $0x10  }
0x102: {  	v21 =	vadd.s32 v21, v29;
	v51 =	vadd.s32 v49, v27;
	v27 =	vadd.s32 v32, v53  }
0x103: {  	v61 =	vshrl.u32 v33, $0x10;
	v32 =	vand.u32 $0x1, v36;
	v40 =	vshrl.u32 v63, $0x10  }
0x104: {  	v43 =	vld [tilespmem:s10+$0xFFFFFFE0];
	v36 =	vimm.s32 $0x0;
	v22 =	vadd.s32 v17, v22;
	v37 =	vadd.f32 v34, v20  }
0x105: {  	v29 =	vld [tilespmem:s11+$0x0];
	v21 =	vadd.s32 $0x7FFF, v21;
	v20 =	vadd.f32 v38, v26;
	v24 =	vadd.s32 $0x7FFF, v51  }
0x106: {  	v27 =	vadd.s32 $0x7FFF, v27;
	v38 =	vld [tilespmem:s11+$0x30];
	v21 =	vand.u32 $0xFFFF0000, v21;
	v19 =	vadd.f32 v37, v37  }
0x107: {  	v34 =	vld [tilespmem:s13+$0x40];
	v24 =	vand.u32 $0xFFFF0000, v24;
	v27 =	vand.u32 $0xFFFF0000, v27;
	v21 =	vmul.f32 v21, v6  }
0x108: {  	vm10 =	vle.f32 v20, $3.999999910e-02;
	v24 =	vmul.f32 v24, v8;
	v45 =	vsub.f32 v10, v19  }
0x109: {  	v27 =	vmul.f32 v27, v8;
	v37 =	vld [tilespmem:s12+$0x30];
	v20 =	vsel vm10, $0x1, v1;
	v23 =	vadd.f32 v23, v21  }
0x10a: {  	v19 =	vsel vm2, $0x1, v1;
	v21 =	vmpcnt.ones.xlane vm10;
	v25 =	vadd.f32 v45, v43  }
0x10b: {  	v52 =	vshrl.u32 v29, $0x10;
	v42 =	vshrl.u32 v38, $0x10;
	v23 =	vadd.f32 v28, v23  }
0x10c: {  	v53 =	vshrl.u32 v34, $0x10;
	v21 =	vadd.s32 v22, v21;
	vm0 =	vle.f32 v25, $3.999999910e-02  }
0x10d: {  	v55 =	vld [tilespmem:s10+$0xFFFFFFF0];
	v28 =	vadd.f32 v23, v23;
	v23 =	vadd.s32 v48, v44;
	v25 =	vand.u32 $0x1, v52  }
0x10e: {  	v41 =	vshrl.u32 v37, $0x10;
	v23 =	vadd.s32 $0x7FFF, v23;
	v25 =	vadd.s32 v25, v29  }
0x10f: {  	v31 =	vsel vm0, $0xFFFFFFFF, v31;
	v23 =	vand.u32 $0xFFFF0000, v23;
	v25 =	vadd.s32 $0x7FFF, v25  }
0x110: {  	v52 =	vld [tilespmem:s11+$0x40];
	[tilespmem:$0x1FFC0] =	vst v31;
	v28 =	vsub.f32 v10, v28;
	v31 =	vand.u32 $0x1, v42;
	v30 =	vmul.f32 v23, v6  }
0x111: {  	v23 =	vsel vm0, $0x1, v1;
	v25 =	vand.u32 $0xFFFF0000, v25;
	v31 =	vadd.s32 v31, v38  }
0x112: {  	v49 =	vld [tilespmem:s12+$0x40];
	v38 =	vimm.s32 $0x0;
	v25 =	vmul.f32 v25, v9;
	v28 =	vadd.f32 v28, v55  }
0x113: {  	v31 =	vadd.s32 $0x7FFF, v31;
	v24 =	vadd.f32 v24, v30;
	v30 =	vand.u32 $0x1, v56  }
0x114: {  	v45 =	vand.u32 $0xFFFF0000, v31;
	v26 =	vadd.s32 v30, v50;
	v30 =	vand.u32 $0x1, v57  }
0x115: {  	v47 =	vmul.f32 v45, v9;
	vm3 =	vle.f32 v28, $3.999999910e-02;
	v57 =	vshrl.u32 v52, $0x10  }
0x116: {  	v26 =	vadd.s32 $0x7FFF, v26;
	v29 =	vadd.s32 v30, v54;
	v24 =	vadd.f32 v25, v24  }
0x117: {  	v30 =	vadd.s32 v32, v59;
	v35 =	vmpcnt.ones.xlane vm3;
	v54 =	vshrl.u32 v49, $0x10  }
0x118: {  	v26 =	vand.u32 $0xFFFF0000, v26;
	v29 =	vadd.s32 $0x7FFF, v29;
	v30 =	vadd.s32 $0x7FFF, v30  }
0x119: {  	v56 =	vld [tilespmem:s13+$0x50];
	v55 =	vand.u32 $0x1, v54;
	v26 =	vmul.f32 v26, v6;
	v60 =	vand.u32 $0xFFFF0000, v29  }
0x11a: {  	v29 =	vand.u32 $0x1, v62;
	v24 =	vadd.f32 v24, v24;
	v39 =	vand.u32 $0xFFFF0000, v30  }
0x11b: {  	v30 =	vand.u32 $0x1, v41;
	v25 =	vmul.f32 v60, v9;
	v29 =	vadd.s32 v29, v58  }
0x11c: {  	v43 =	vld [tilespmem:s10+$0x0];
	v30 =	vadd.s32 v30, v37;
	v26 =	vadd.f32 v27, v26;
	v27 =	vand.u32 $0x1, v61  }
0x11d: {  	v29 =	vadd.s32 $0x7FFF, v29;
	v30 =	vadd.s32 $0x7FFF, v30;
	v24 =	vsub.f32 v10, v24  }
0x11e: {  	v58 =	vld [tilespmem:s12+$0x50];
	v61 =	vshrl.u32 v56, $0x10;
	v27 =	vadd.s32 v27, v33;
	v29 =	vand.u32 $0xFFFF0000, v29  }
0x11f: {  	v30 =	vand.u32 $0xFFFF0000, v30;
	v33 =	vand.u32 $0x1, v57;
	v27 =	vadd.s32 $0x7FFF, v27  }
0x120: {  	v29 =	vmul.f32 v29, v8;
	v25 =	vadd.f32 v25, v26;
	v27 =	vand.u32 $0xFFFF0000, v27  }
0x121: {  	v44 =	vld [tilespmem:s10+$0x10];
	v26 =	vmul.f32 v39, v9;
	v48 =	vadd.f32 v24, v43;
	v27 =	vmul.f32 v27, v6  }
0x122: {  	v30 =	vmul.f32 v30, v8;
	v24 =	vsel vm3, $0x1, v1;
	v25 =	vadd.f32 v25, v25  }
0x123: {  	v59 =	vld [tilespmem:s11+$0x50];
	vm9 =	vle.f32 v48, $3.999999910e-02;
	v62 =	vshrl.u32 v58, $0x10;
	v27 =	vadd.f32 v29, v27  }
0x124: {  	v31 =	vmpcnt.ones.xlane vm9;
	v29 =	vand.u32 $0x1, v40;
	v25 =	vsub.f32 v10, v25  }
0x125: {  	v46 =	vld [tilespmem:s10+$0x20];
	v40 =	vimm.s32 $0x0;
	v29 =	vadd.s32 v29, v63;
	v27 =	vadd.f32 v26, v27  }
0x126: {  	v63 =	vld [tilespmem:s13+$0x60];
	v29 =	vadd.s32 $0x7FFF, v29;
	v26 =	vmpcnt.ones.xlane vm0;
	v32 =	vadd.f32 v25, v44  }
0x127: {  	v45 =	vld [tilespmem:s12+$0x60];
	v25 =	vsel vm9, $0x1, v1;
	v29 =	vand.u32 $0xFFFF0000, v29;
	v27 =	vadd.f32 v27, v27  }
0x128: {  	(xrf0) =	vadd.scan.msk.s32 $0xffff, v11;
	v44 =	vshrl.u32 v59, $0x10;
	v29 =	vmul.f32 v29, v6;
	vm7 =	vle.f32 v32, $3.999999910e-02  }
0x129: {  	(xrf0) =	vadd.scan.msk.s32 $0xffff, v13;
	v26 =	vadd.s32 v21, v26;
	v32 =	vmpcnt.ones.xlane vm7;
	v27 =	vsub.f32 v10, v27  }
0x12a: {  	(xrf0) =	vadd.scan.msk.s32 $0xffff, v14;
	v36 =	vsel vm7, $0xFFFFFFFF, v36;
	v14 =	vadd.s32 v26, v35;
	v29 =	vadd.f32 v30, v29  }
0x12b: {  	v30 =	vadd.s32 v55, v49;
	v48 =	vshrl.u32 v63, $0x10;
	v27 =	vadd.f32 v27, v46  }
0x12c: {  	v49 =	vshrl.u32 v45, $0x10;
	v30 =	vadd.s32 $0x7FFF, v30;
	v29 =	vadd.f32 v47, v29  }
0x12d: {  	v30 =	vand.u32 $0xFFFF0000, v30;
	vm8 =	vle.f32 v27, $3.999999910e-02;
	v27 =	vand.u32 $0x1, v53  }
0x12e: {  	v51 =	vadd.f32 v29, v29;
	v29 =	vadd.s32 v33, v52;
	v27 =	vadd.s32 v27, v34  }
0x12f: {  	v46 =	vld [tilespmem:s11+$0x60];
	v30 =	vmul.f32 v30, v8;
	v29 =	vadd.s32 $0x7FFF, v29;
	v27 =	vadd.s32 $0x7FFF, v27  }
0x130: {  	v41 =	vld [tilespmem:s11+$0x70];
	v37 =	vmpcnt.ones.xlane vm8;
	v38 =	vsel vm8, $0xFFFFFFFF, v38;
	v27 =	vand.u32 $0xFFFF0000, v27  }
0x131: {  	v34 =	vand.u32 $0x1, v44;
	v28 =	vsub.f32 v10, v51;
	v27 =	vmul.f32 v27, v6  }
0x132: {  	v60 =	vand.u32 $0xFFFF0000, v29;
	v29 =	vand.u32 $0x1, v61;
	v33 =	vadd.s32 v34, v59  }
0x133: {  	v50 =	vld [tilespmem:s10+$0x30];
	v29 =	vadd.s32 v29, v56;
	v27 =	vadd.f32 v30, v27;
	v30 =	vand.u32 $0x1, v62  }
0x134: {  	v33 =	vadd.s32 $0x7FFF, v33;
	v51 =	vshrl.u32 v46, $0x10;
	v30 =	vadd.s32 v30, v58  }
0x135: {  	v52 =	vld [tilespmem:s12+$0x70];
	v56 =	vshrl.u32 v41, $0x10;
	v29 =	vadd.s32 $0x7FFF, v29;
	v30 =	vadd.s32 $0x7FFF, v30  }
0x136: {  	v47 =	vand.u32 $0xFFFF0000, v33;
	v29 =	vand.u32 $0xFFFF0000, v29;
	v30 =	vand.u32 $0xFFFF0000, v30  }
0x137: {  	v33 =	vand.u32 $0x1, v49;
	v29 =	vmul.f32 v29, v6;
	v30 =	vmul.f32 v30, v8  }
0x138: {  	[tilespmem:$0x1FFD0] =	vst v36;
	v28 =	vadd.f32 v28, v50;
	v36 =	vand.u32 $0x1, v51;
	v33 =	vadd.s32 v33, v45  }
0x139: {  	v50 =	vld [tilespmem:s13+$0x70];
	v34 =	vadd.s32 v36, v46;
	v29 =	vadd.f32 v30, v29;
	v30 =	vand.u32 $0x1, v48  }
0x13a: {  	v55 =	vshrl.u32 v52, $0x10;
	v36 =	vand.u32 $0x1, v56;
	v30 =	vadd.s32 v30, v63  }
0x13b: {  	vm11 =	vle.f32 v28, $3.999999910e-02;
	v33 =	vadd.s32 $0x7FFF, v33;
	v30 =	vadd.s32 $0x7FFF, v30  }
0x13c: {  	v28 =	vmul.f32 v60, v9;
	v33 =	vand.u32 $0xFFFF0000, v33;
	v30 =	vand.u32 $0xFFFF0000, v30  }
0x13d: {  	v34 =	vadd.s32 $0x7FFF, v34;
	v33 =	vmul.f32 v33, v8;
	v30 =	vmul.f32 v30, v6  }
0x13e: {  	v36 =	vadd.s32 v36, v41;
	v53 =	vand.u32 $0xFFFF0000, v34;
	v54 =	vshrl.u32 v50, $0x10  }
0x13f: {  	v34 =	vand.u32 $0x1, v55;
	v30 =	vadd.f32 v33, v30;
	v33 =	vand.u32 $0x1, v54  }
0x140: {  	v36 =	vadd.s32 $0x7FFF, v36;
	v34 =	vadd.s32 v34, v52;
	v33 =	vadd.s32 v33, v50  }
0x141: {  	v27 =	vadd.f32 v28, v27;
	v34 =	vadd.s32 $0x7FFF, v34;
	v33 =	vadd.s32 $0x7FFF, v33  }
0x142: {  	v28 =	vmul.f32 v47, v9;
	v34 =	vand.u32 $0xFFFF0000, v34;
	v33 =	vand.u32 $0xFFFF0000, v33  }
0x143: {  	v57 =	vld [tilespmem:s10+$0x40];
	v36 =	vand.u32 $0xFFFF0000, v36;
	v34 =	vmul.f32 v34, v8;
	v33 =	vmul.f32 v33, v6  }
0x144: {  	v27 =	vadd.f32 v27, v27;
	v28 =	vadd.f32 v28, v29;
	v29 =	vmul.f32 v53, v9  }
0x145: {  	v49 =	vsel vm8, $0x1, v1;
	v58 =	vmul.f32 v36, v9;
	v33 =	vadd.f32 v34, v33  }
0x146: {  	(xrf0) =	vadd.scan.msk.s32 $0xffff, v16;
	v59 =	vld [tilespmem:s10+$0x50];
	v46 =	vsel vm7, $0x1, v1;
	v27 =	vsub.f32 v10, v27;
	v29 =	vadd.f32 v29, v30  }
0x147: {  	(xrf0) =	vadd.scan.msk.s32 $0xffff, v19;
	v60 =	vld [tilespmem:s10+$0x60];
	v39 =	vmpcnt.ones.xlane vm11;
	v28 =	vadd.f32 v28, v28;
	v33 =	vadd.f32 v58, v33  }
0x148: {  	(xrf0) =	vadd.scan.msk.s32 $0xffff, v20;
	v62 =	vld [tilespmem:s10+$0x70];
	v41, _, _ =	vpop (xrf0);
	v40 =	vsel vm11, $0xFFFFFFFF, v40;
	v11 =	vadd.f32 v27, v57;
	v61 =	vadd.f32 v29, v29  }
0x149: {  	[tilespmem:$0x1FFE0] =	vst v38;
	v7 =	vadd.s32 v41, v7;
	v63 =	vsub.f32 v10, v28;
	v34 =	vadd.f32 v33, v33  }
0x14a: {  	(xrf0) =	vadd.scan.msk.s32 $0xffff, v23;
	v51 =	vsel vm11, $0x1, v1;
	vm15 =	vle.f32 v11, $3.999999910e-02;
	v11 =	vsub.f32 v10, v61  }
0x14b: {  	v43, _, _ =	vpop (xrf0);
	(xrf0) =	vadd.scan.msk.s32 $0xffff, v24;
	v27 =	vadd.s32 v14, v31;
	v13 =	vadd.f32 v63, v59;
	v36 =	vsub.f32 v10, v34  }
0x14c: {  	[tilespmem:$0x1FFF0] =	vst v40;
	v38 =	vmpcnt.ones.xlane vm15;
	v28 =	vadd.s32 v27, v32;
	v11 =	vadd.f32 v11, v60  }
0x14d: {  	v45, _, _ =	vpop (xrf0);
	(xrf0) =	vadd.scan.msk.s32 $0xffff, v25;
	v16 =	vadd.s32 v28, v37;
	vm12 =	vle.f32 v13, $3.999999910e-02;
	v40 =	vadd.f32 v36, v62  }
0x14e: {  	v48, _, _ =	vpop (xrf0);
	(xrf0) =	vadd.scan.msk.s32 $0xffff, v46;
	v42 =	vmpcnt.ones.xlane vm12;
	vm13 =	vle.f32 v11, $3.999999910e-02;
	v11 =	vadd.s32 v16, v39  }
0x14f: {  	v50, _, _ =	vpop (xrf0);
	(xrf0) =	vadd.scan.msk.s32 $0xffff, v49;
	v44 =	vmpcnt.ones.xlane vm13;
	v13 =	vadd.s32 v11, v38;
	vm14 =	vle.f32 v40, $3.999999910e-02  }
0x150: {  	v54 =	vsel vm15, $0x1, v1;
	v53, _, _ =	vpop (xrf0);
	(xrf0) =	vadd.scan.msk.s32 $0xffff, v51;
	v23 =	vadd.s32 v13, v42;
	v47 =	vmpcnt.ones.xlane vm14  }
0x151: {  	v52 =	vadd.s32 $0xFFFFFFFF, v7;
	v56, _, _ =	vpop (xrf0);
	(xrf0) =	vadd.scan.msk.s32 $0xffff, v54;
	v57 =	vsel vm12, $0x1, v1;
	v20 =	vadd.s32 v23, v44  }
0x152: {  	v12 =	vadd.s32 v43, v12;
	v58, _, _ =	vpop (xrf0);
	(xrf0) =	vadd.scan.msk.s32 $0xffff, v57;
	v59 =	vsel vm13, $0x1, v1;
	v7 =	vadd.s32 v20, v47  }
0x153: {  	vm7 =	vlt.s32 v52, $0x20;
	v61, _, _ =	vpop (xrf0);
	(xrf0) =	vadd.scan.msk.s32 $0xffff, v59;
	v60 =	vsel vm14, $0x1, v1;
	vm11 =	vlt.s32 v7, $0x20  }
0x154: {  	v12 =	vadd.s32 $0xFFFFFFFF, v12;
	v15 =	vadd.s32 v45, v15;
	v62, _, _ =	vpop (xrf0);
	(xrf0) =	vadd.scan.msk.s32 $0xffff, v60;
	v55 =	vsel vm11, $0x3F800000, v3  }
0x155: {  	s19 =	sadd.s32 $0xFFFFFF20, s9;
	vm7 =	vmand vm4, vm7;
	v15 =	vadd.s32 $0xFFFFFFFF, v15;
	vm4 =	vlt.s32 v12, $0x20;
	v63, _, _ =	vpop (xrf0);
	(xrf0) =	vmin.scan.msk.f32 $0xffff, v55  }
0x156: {  	s6 =	sadd.s32 $0xFFFFFF30, s9;
	v45 =	vor.u32 s19, v2;
	vm4 =	vmand vm1, vm4;
	vm8 =	vlt.s32 v15, $0x20;
	v36, _, _ =	vpop (xrf0)  }
0x157: {  	s16 =	sadd.s32 $0xFFFFFF40, s9;
	vm5 =	vmand vm5, vm8;
	v46 =	vor.u32 s6, v2;
	v18 =	vadd.s32 v48, v18;
	v37, _, _ =	vpop (xrf0)  }
0x158: {  	s19 =	sadd.s32 $0xFFFFFF60, s9;
	v48 =	vor.u32 s16, v2;
	v18 =	vadd.s32 $0xFFFFFFFF, v18;
	v17 =	vadd.s32 v50, v17;
	v38, _, _ =	vpop (xrf0)  }
0x159: {  	s16 =	sadd.s32 $0xFFFFFF80, s9;
	v51 =	vor.u32 s19, v2;
	s19 =	sadd.s32 $0xFFFFFF90, s9;
	v17 =	vadd.s32 $0xFFFFFFFF, v17;
	v22 =	vadd.s32 v53, v22;
	v39, _, _ =	vpop (xrf0)  }
0x15a: {  	v53 =	vor.u32 s16, v2;
	v54 =	vor.u32 s19, v2;
	v21 =	vadd.s32 v56, v21;
	v41, _, _ =	vpop (xrf0)  }
0x15b: {  	v22 =	vadd.s32 $0xFFFFFFFF, v22;
	v21 =	vadd.s32 $0xFFFFFFFF, v21;
	v14 =	vadd.s32 v61, v14;
	v42, _, _ =	vpop (xrf0)  }
0x15c: {  	vm0 =	vlt.s32 v22, $0x20;
	v14 =	vadd.s32 $0xFFFFFFFF, v14;
	(v2sf) =	vpush v42, $0xF  }
0x15d: {  	s15 =	sadd.s32 $0xFFFFFF10, s9;
	vm10 =	vmand vm10, vm0;
	v26 =	vadd.s32 v58, v26;
	vm1 =	vlt.s32 v14, $0x20  }
0x15e: {  	s6 =	sadd.s32 $0xFFFFFF70, s9;
	v26 =	vadd.s32 $0xFFFFFFFF, v26;
	vm9 =	vmand vm9, vm1;
	v44 =	vor.u32 s15, v2;
	s15 =	sadd.s32 $0xFFFFFF50, s9;
	v40 =	vld [tilespmem:$0x1FFC0]  }
0x15f: {  	[tilespmem:v52+s24+$0x0] =	vst.idx.msk vm7, v44;
	v50 =	vor.u32 s15, v2;
	v52 =	vor.u32 s6, v2;
	v19 =	vadd.s32 v62, v27  }
0x160: {  	v19 =	vadd.s32 $0xFFFFFFFF, v19;
	v25 =	vadd.s32 v63, v28;
	vm11 =	vlt.s32 v18, $0x20  }
0x161: {  	v43 =	vld [tilespmem:$0x1FFD0];
	v25 =	vadd.s32 $0xFFFFFFFF, v25;
	vm11 =	vmand vm6, vm11;
	vm6 =	vlt.s32 v17, $0x20  }
0x162: {  	v16 =	vadd.s32 v36, v16;
	vm7 =	vlt.s32 v25, $0x20;
	v47 =	vld [tilespmem:$0x1FFE0];
	vm8 =	vmand vm2, vm6  }
0x163: {  	v49 =	vld [tilespmem:$0x1FFF0];
	v16 =	vadd.s32 $0xFFFFFFFF, v16;
	vm0 =	vnez.u8 v40;
	vm6 =	vlt.s32 v21, $0x20  }
0x164: {  	v11 =	vadd.s32 v37, v11;
	vm6 =	vmand vm0, vm6;
	vm0 =	vlt.s32 v26, $0x20  }
0x165: {  	[tilespmem:v12+s24+$0x0] =	vst.idx.msk vm4, v45;
	vm1 =	vlt.s32 v16, $0x20;
	v11 =	vadd.s32 $0xFFFFFFFF, v11;
	vm3 =	vmand vm3, vm0  }
0x166: {  	[tilespmem:v15+s24+$0x0] =	vst.idx.msk vm5, v46;
	v13 =	vadd.s32 v38, v13;
	vm2 =	vlt.s32 v19, $0x20;
	vm0 =	vnez.u8 v43  }
0x167: {  	vm5 =	vlt.s32 v11, $0x20;
	vm4 =	vnez.u8 v47;
	vm2 =	vmand vm0, vm2;
	[tilespmem:v18+s24+$0x0] =	vst.idx.msk vm11, v48  }
0x168: {  	v55 =	vadd.s32 v39, v23;
	vm0 =	vmand vm4, vm7;
	vm4 =	vnez.u8 v49;
	[tilespmem:v17+s24+$0x0] =	vst.idx.msk vm8, v50  }
0x169: {  	v13 =	vadd.s32 $0xFFFFFFFF, v13;
	v56 =	vadd.s32 $0xFFFFFFFF, v55;
	vm7 =	vmand vm4, vm1;
	[tilespmem:v22+s24+$0x0] =	vst.idx.msk vm10, v51  }
0x16a: {  	v57 =	vadd.s32 v41, v20;
	vm1 =	vmand vm15, vm5;
	vm10 =	vlt.s32 v13, $0x20;
	[tilespmem:v21+s24+$0x0] =	vst.idx.msk vm6, v52  }
0x16b: {  	p1 =	sgt.u32 s14, $0x3E;
	s16 =	sadd.s32 $0xFFFFFFA0, s9;
	v58 =	vadd.s32 $0xFFFFFFFF, v57;
	vm11 =	vmand vm12, vm10;
	vm12 =	vlt.s32 v56, $0x20;
	[tilespmem:v26+s24+$0x0] =	vst.idx.msk vm3, v53;
	s15 =	spop (v2sf)  }
0x16c: {  	s19 =	sadd.s32 $0xFFFFFFB0, s9;
	v59 =	vor.u32 s16, v2;
	vm4 =	vmand vm13, vm12;
	vm13 =	vlt.s32 v58, $0x20;
	[tilespmem:v14+s24+$0x0] =	vst.idx.msk vm9, v54;
	p2 =	sgt.f32 @!p1 s15, $0.0e+00  }
0x16d: {  	s16 =	sadd.s32 $0xFFFFFFC0, s9;
	v60 =	vor.u32 s19, v2;
	vm15 =	vmand vm14, vm13;
	[tilespmem:v19+s24+$0x0] =	vst.idx.msk vm2, v59  }
0x16e: {  	v61 =	vor.u32 s16, v2;
	s19 =	sadd.s32 $0xFFFFFFD0, s9;
	[tilespmem:v25+s24+$0x0] =	vst.idx.msk vm0, v60;
	p2 =	por p1, !p2  }
.Ltmp5:
0x16f: {  	s16 =	sadd.s32 $0xFFFFFFE0, s9;
	v62 =	vor.u32 s19, v2;
	[tilespmem:v16+s24+$0x0] =	vst.idx.msk vm7, v61;
	(pc) =	sbr.rel @!p2 .LBB2_4-.Ltmp5, $4  }
0x170: {  	s19 =	sadd.s32 $0xFFFFFFF0, s9;
	[tilespmem:v11+s24+$0x0] =	vst.idx.msk vm1, v62;
	v11 =	vor.u32 s16, v2  }
0x171: {  	[tilespmem:v13+s24+$0x0] =	vst.idx.msk vm11, v11;
	v11 =	vor.u32 s19, v2  }
0x172: {  	s14 =	sadd.s32 $0x1, s14;
	s11 =	sadd.s32 $0x100, s11;
	s12 =	sadd.s32 $0x100, s12;
	v63 =	vor.u32 s9, v2;
	[tilespmem:v56+s24+$0x0] =	vst.idx.msk vm4, v11  }
0x173: {  	s13 =	sadd.s32 $0x100, s13;
	s10 =	sadd.s32 $0x100, s10;
	s9 =	sadd.s32 $0x100, s9;
	[tilespmem:v58+s24+$0x0] =	vst.idx.msk vm15, v63  }
0x174: {  	v7 =	vpsel p1, v7, v7  }
.LBB2_6:
0x175: {  	v6 =	vld.msk [tilespmem:s24+$0x0], $0xffff  }
0x176: {  	v8 =	vld [tilespmem:$0x10200]  }
0x177: {  	v9 =	vld [tilespmem:$0x10210];
	_ =	sdelay $0x1  }
0x178: {  	vm0 =	veq.s32 v7, $0x0  }
0x179: {  	vm14 =	vgt.s32 v7, v2;
	v10 =	vsel vm0, $0x3FFF, v6;
	v6 =	vor.u32 $0x10, v2  }
0x17a: {  	v8 =	vsel vm14, v8, v10;
	vm15 =	vgt.s32 v7, v6  }
0x17b: {  	v7 =	vadd.s32 v0, v8;
	v8 =	vsel vm15, v9, v10  }
0x17c: {  	[tilespmem:$0x10280] =	vst v7;
	v7 =	vadd.s32 v0, v8  }
0x17d: {  	p1 =	seq.s32 s7, $0x0;
	[tilespmem:$0x10290] =	vst v7  }
0x17e: {  	_ =	swait.ge @!p1 [sflag:s0], $0x1000  }
0x17f: {  	[sflag:s0] =	ssyncset.done @!p1 $0x0  }
0x180: {  	[sflag:s0] =	ssyncadd.s32 @!p1 $0xFFFFF000  }
0x181: {  	v7 =	vld @!p1 [tilespmem:$0x10300];
	_ =	sdelay $0x2  }
0x182: {  	s6 =	sadd.s32 @!p1 $0xFFFFFFFF, s8  }
0x183: {  	v8 =	vmov @!p1 s6  }
0x184: {  	v9 =	vsub.s32 @!p1 v7, v0  }
0x185: {  	v7 =	vand.u32 @!p1 $0x7F, v7;
	v9 =	vand.u32 @!p1 $0xFFFFFF80, v9  }
0x186: {  	v7 =	vor.u32 @!p1 v7, v9;
	_ =	sdelay $0x1  }
0x187: {  	v10 =	vld.idx.msk @!p1 [tilespmem:v8+s21+$0x0], $0xffff  }
0x188: {  	v11 =	vmul.u32 @!p1 $0x80, v2;
	v9 =	vld.idx.msk @!p1 [tilespmem:v8+s20+$0x0], $0xffff  }
0x189: {  	v8 =	vld.idx.msk @!p1 [tilespmem:v8+s22+$0x0], $0xffff  }
0x18a: {  	v13 =	vor.u32 @!p1 $0x44, v11;
	v12 =	vld.idx.msk @!p1 [tilespmem:v7+s2+$0x0], $0xffff  }
0x18b: {  	v14 =	vld.idx.msk @!p1 [tilespmem:v7+s17+$0x0], $0xffff  }
0x18c: {  	v7 =	vld.idx.msk @!p1 [tilespmem:v7+s18+$0x0], $0xffff  }
0x18d: {  	v15 =	vor.u32 @!p1 $0x1, v11  }
0x18e: {  	v16 =	vor.u32 @!p1 $0x2, v11  }
0x18f: {  	v17 =	vor.u32 @!p1 $0x3, v11;
	v13 =	vld.idx.msk @!p1 [tilespmem:v13+s31+$0x0], $0xffff;
	v12 =	vsub.f32 @!p1 v12, v9  }
0x190: {  	v14 =	vsub.f32 @!p1 v14, v10  }
0x191: {  	v7 =	vsub.f32 @!p1 v7, v8;
	[tilespmem:v11+s31+$0x0] =	vst.idx.msk @!p1 $0xffff, v12  }
0x192: {  	[tilespmem:v15+s31+$0x0] =	vst.idx.msk @!p1 $0xffff, v14  }
0x193: {  	[tilespmem:v16+s31+$0x0] =	vst.idx.msk @!p1 $0xffff, v7  }
0x194: {  	[tilespmem:v17+s31+$0x0] =	vst.idx.msk @!p1 $0xffff, v13  }
0x195: {  	v7 =	vld @!p1 [tilespmem:$0x10310];
	_ =	sdelay $0x4  }
0x196: {  	v12 =	vsub.s32 @!p1 v7, v0  }
0x197: {  	v7 =	vand.u32 @!p1 $0x7F, v7;
	v12 =	vand.u32 @!p1 $0xFFFFFF80, v12  }
0x198: {  	v7 =	vor.u32 @!p1 v7, v12;
	_ =	sdelay $0x4  }
0x199: {  	v13 =	vor.u32 @!p1 $0x844, v11;
	v12 =	vld.idx.msk @!p1 [tilespmem:v7+s2+$0x0], $0xffff  }
0x19a: {  	v14 =	vld.idx.msk @!p1 [tilespmem:v7+s17+$0x0], $0xffff  }
0x19b: {  	v15 =	vor.u32 @!p1 $0x800, v11;
	v7 =	vld.idx.msk @!p1 [tilespmem:v7+s18+$0x0], $0xffff  }
0x19c: {  	v16 =	vor.u32 @!p1 $0x801, v11  }
0x19d: {  	v17 =	vor.u32 @!p1 $0x802, v11  }
0x19e: {  	v11 =	vor.u32 @!p1 $0x803, v11;
	v9 =	vsub.f32 @!p1 v12, v9;
	v12 =	vld.idx.msk @!p1 [tilespmem:v13+s31+$0x0], $0xffff  }
0x19f: {  	v10 =	vsub.f32 @!p1 v14, v10  }
0x1a0: {  	s6 =	sadd.s32 @!p1 s5, s6;
	v7 =	vsub.f32 @!p1 v7, v8;
	[tilespmem:v15+s31+$0x0] =	vst.idx.msk @!p1 $0xffff, v9  }
0x1a1: {  	s6 =	sshll.u32 @!p1 s6, $0x9;
	[tilespmem:v16+s31+$0x0] =	vst.idx.msk @!p1 $0xffff, v10  }
0x1a2: {  	s6 =	sand.u32 @!p1 $0x1FFFFE00, s6;
	[tilespmem:v17+s31+$0x0] =	vst.idx.msk @!p1 $0xffff, v7  }
0x1a3: {  	s6 =	sadd.s32 @!p1 s4, s6;
	[tilespmem:v11+s31+$0x0] =	vst.idx.msk @!p1 $0xffff, v12  }
0x1a4: {  	[hbm4b:s6+s2] =	stream.linear.scatter @!p1 [tilespmem:s31], [sflag:$0x4], $0x1000, $0x38;
	[tilespmem:$0x12380] =	vst v63  }
.Ltmp6:
0x1a5: {  	_ = 	snop;
	(pc) =	sbr.rel @!p0 .LBB2_10-.Ltmp6, $4  }
0x1a6: {  	_ =	swait.ge @!p1 [sflag:s3], $0x1000  }
0x1a7: {  	[sflag:s3] =	ssyncset.done @!p1 $0x0  }
0x1a8: {  	[sflag:s3] =	ssyncadd.s32 @!p1 $0xFFFFF000  }
0x1a9: {  	v7 =	vimm.s32 $0x0;
	[tilespmem:s28], [sflag:$0x1] =	stream.indirect.gather [hbm4b:s1+s25], $0x80, s26, s25, $0xb8;
	[tilespmem:$0x12380] =	vst v63  }
0x1aa: {  	s6 =	sor.u32 $0x1, s8  }
0x1ab: {  	v11 =	vmov s6;
	_ =	sdelay $0x4  }
0x1ac: {  	v8 =	vld.idx.msk [tilespmem:v11+s20+$0x0], $0xffff  }
0x1ad: {  	v9 =	vld.idx.msk [tilespmem:v11+s21+$0x0], $0xffff  }
0x1ae: {  	v10 =	vld.idx.msk [tilespmem:v11+s22+$0x0], $0xffff;
	_ =	sdelay $0x4  }
0x1af: {  	v12 =	vshrl.u32 v8, $0x10;
	v13 =	vshrl.u32 v9, $0x10;
	v14 =	vshrl.u32 v10, $0x10  }
0x1b0: {  	v12 =	vand.u32 $0x1, v12;
	v13 =	vand.u32 $0x1, v13;
	v14 =	vand.u32 $0x1, v14  }
0x1b1: {  	v8 =	vadd.s32 v12, v8;
	v9 =	vadd.s32 v13, v9;
	v10 =	vadd.s32 v14, v10  }
0x1b2: {  	s14 =	simm.s32 $0x0;
	s9 =	simm.s32 $0xF0;
	s10 =	simm.s32 $0xC080;
	v8 =	vadd.s32 $0x7FFF, v8;
	v9 =	vadd.s32 $0x7FFF, v9;
	v10 =	vadd.s32 $0x7FFF, v10  }
0x1b3: {  	s11 =	simm.s32 $0x8080;
	s12 =	simm.s32 $0x4080;
	s13 =	simm.s32 $0x80;
	v11 =	vld.idx.msk [tilespmem:v11+s23+$0x0], $0xffff;
	v8 =	vand.u32 $0xFFFF0000, v8;
	v9 =	vand.u32 $0xFFFF0000, v9;
	v10 =	vand.u32 $0xFFFF0000, v10  }
.LBB2_8:
0x1b4: {  	v12 =	vld [tilespmem:s13+$0xFFFFFF80]  }
0x1b5: {  	v13 =	vld [tilespmem:s12+$0xFFFFFF80]  }
0x1b6: {  	v14 =	vld [tilespmem:s11+$0xFFFFFF80]  }
0x1b7: {  	v21 =	vld [tilespmem:s13+$0xFFFFFF90]  }
0x1b8: {  	v22 =	vld [tilespmem:s12+$0xFFFFFF90]  }
0x1b9: {  	v24 =	vld [tilespmem:s11+$0xFFFFFF90]  }
0x1ba: {  	v18 =	vld [tilespmem:s13+$0xFFFFFFA0]  }
0x1bb: {  	v28 =	vld [tilespmem:s12+$0xFFFFFFA0]  }
0x1bc: {  	v29 =	vld [tilespmem:s11+$0xFFFFFFA0]  }
0x1bd: {  	v32 =	vld [tilespmem:s13+$0xFFFFFFB0]  }
0x1be: {  	v35 =	vld [tilespmem:s11+$0xFFFFFFB0]  }
0x1bf: {  	v40 =	vld [tilespmem:s12+$0xFFFFFFC0]  }
0x1c0: {  	v41 =	vld [tilespmem:s11+$0xFFFFFFC0]  }
0x1c1: {  	v46 =	vld [tilespmem:s13+$0xFFFFFFD0]  }
0x1c2: {  	v51 =	vld [tilespmem:s11+$0xFFFFFFD0]  }
0x1c3: {  	v56 =	vld [tilespmem:s12+$0xFFFFFFE0];
	v15 =	vshrl.u32 v12, $0x10  }
0x1c4: {  	v57 =	vld [tilespmem:s11+$0xFFFFFFE0];
	v16 =	vshrl.u32 v13, $0x10;
	v20 =	vshrl.u32 v14, $0x10;
	v25 =	vshrl.u32 v21, $0x10  }
0x1c5: {  	v17 =	vshrl.u32 v22, $0x10;
	v27 =	vshrl.u32 v24, $0x10;
	v30 =	vshrl.u32 v18, $0x10  }
0x1c6: {  	v19 =	vshrl.u32 v28, $0x10;
	v31 =	vshrl.u32 v29, $0x10;
	v38 =	vshrl.u32 v32, $0x10  }
0x1c7: {  	v39 =	vshrl.u32 v35, $0x10;
	v44 =	vshrl.u32 v40, $0x10;
	v45 =	vshrl.u32 v41, $0x10  }
0x1c8: {  	v54 =	vshrl.u32 v46, $0x10;
	v55 =	vshrl.u32 v51, $0x10;
	v60 =	vshrl.u32 v56, $0x10  }
0x1c9: {  	v61 =	vshrl.u32 v57, $0x10;
	v15 =	vand.u32 $0x1, v15;
	v16 =	vand.u32 $0x1, v16  }
0x1ca: {  	v17 =	vand.u32 $0x1, v17;
	v19 =	vand.u32 $0x1, v19;
	v12 =	vadd.s32 v15, v12  }
0x1cb: {  	v13 =	vadd.s32 v16, v13;
	v15 =	vand.u32 $0x1, v20;
	v26 =	vadd.s32 v17, v22  }
0x1cc: {  	v17 =	vadd.s32 v19, v28;
	v12 =	vadd.s32 $0x7FFF, v12;
	v13 =	vadd.s32 $0x7FFF, v13  }
0x1cd: {  	v47 =	vld [tilespmem:s12+$0xFFFFFFD0];
	v14 =	vadd.s32 v15, v14;
	v15 =	vadd.s32 $0x7FFF, v26;
	v17 =	vadd.s32 $0x7FFF, v17  }
0x1ce: {  	v22 =	vld [tilespmem:s13+$0xFFFFFFC0];
	v12 =	vand.u32 $0xFFFF0000, v12;
	v13 =	vand.u32 $0xFFFF0000, v13;
	v14 =	vadd.s32 $0x7FFF, v14  }
0x1cf: {  	v33 =	vld [tilespmem:s12+$0xFFFFFFB0];
	v15 =	vand.u32 $0xFFFF0000, v15;
	v17 =	vand.u32 $0xFFFF0000, v17;
	v12 =	vmul.f32 v12, v8  }
0x1d0: {  	v13 =	vmul.f32 v13, v9;
	v14 =	vand.u32 $0xFFFF0000, v14;
	v15 =	vmul.f32 v15, v9  }
0x1d1: {  	v16 =	vand.u32 $0x1, v27;
	v17 =	vmul.f32 v17, v9;
	v23 =	vmul.f32 v14, v10  }
0x1d2: {  	v14 =	vadd.s32 v16, v24;
	v24 =	vshrl.u32 v47, $0x10;
	v12 =	vadd.f32 v13, v12  }
0x1d3: {  	v13 =	vand.u32 $0x1, v25;
	v14 =	vadd.s32 $0x7FFF, v14;
	v43 =	vshrl.u32 v22, $0x10  }
0x1d4: {  	v24 =	vand.u32 $0x1, v24;
	v25 =	vld [tilespmem:s13+$0xFFFFFFE0];
	v13 =	vadd.s32 v13, v21;
	v21 =	vshrl.u32 v33, $0x10  }
0x1d5: {  	v14 =	vand.u32 $0xFFFF0000, v14;
	v13 =	vadd.s32 $0x7FFF, v13;
	v21 =	vand.u32 $0x1, v21  }
0x1d6: {  	v12 =	vadd.f32 v23, v12;
	v13 =	vand.u32 $0xFFFF0000, v13;
	v19 =	vadd.s32 v21, v33  }
0x1d7: {  	v20 =	vld [tilespmem:s10+$0xFFFFFF80];
	v14 =	vmul.f32 v14, v10;
	v13 =	vmul.f32 v13, v8;
	v19 =	vadd.s32 $0x7FFF, v19  }
0x1d8: {  	v21 =	vand.u32 $0x1, v45;
	v12 =	vadd.f32 v12, v12;
	v19 =	vand.u32 $0xFFFF0000, v19  }
0x1d9: {  	v59 =	vshrl.u32 v25, $0x10;
	v13 =	vadd.f32 v15, v13;
	v15 =	vand.u32 $0x1, v30  }
0x1da: {  	v12 =	vsub.f32 v11, v12;
	v15 =	vadd.s32 v15, v18;
	v18 =	vand.u32 $0x1, v31  }
0x1db: {  	v19 =	vmul.f32 v19, v9;
	v15 =	vadd.s32 $0x7FFF, v15;
	v16 =	vadd.s32 v18, v29  }
0x1dc: {  	v12 =	vadd.f32 v12, v20;
	v13 =	vadd.f32 v14, v13;
	v20 =	vand.u32 $0x1, v38  }
0x1dd: {  	v15 =	vand.u32 $0xFFFF0000, v15;
	v16 =	vadd.s32 $0x7FFF, v16;
	v18 =	vadd.s32 v20, v32  }
0x1de: {  	v20 =	vand.u32 $0x1, v39;
	v15 =	vmul.f32 v15, v8;
	v34 =	vand.u32 $0xFFFF0000, v16  }
0x1df: {  	v62 =	vld [tilespmem:s13+$0xFFFFFFF0];
	vm4 =	vle.f32 v12, $3.999999910e-02;
	v36 =	vadd.f32 v13, v13;
	v18 =	vadd.s32 $0x7FFF, v18  }
0x1e0: {  	v37 =	vld [tilespmem:s10+$0xFFFFFF90];
	v16 =	vadd.s32 v20, v35;
	v20 =	vadd.s32 v21, v41;
	v14 =	vmul.f32 v34, v10  }
0x1e1: {  	v63 =	vld [tilespmem:s12+$0xFFFFFFF0];
	v12 =	vsel vm4, $0x1, v1;
	v13 =	vmpcnt.ones.xlane vm4;
	v18 =	vand.u32 $0xFFFF0000, v18  }
0x1e2: {  	v32 =	vld [tilespmem:s11+$0xFFFFFFF0];
	v16 =	vadd.s32 $0x7FFF, v16;
	v20 =	vadd.s32 $0x7FFF, v20;
	v15 =	vadd.f32 v17, v15  }
0x1e3: {  	v17 =	vsub.f32 v11, v36;
	v18 =	vmul.f32 v18, v8;
	v16 =	vand.u32 $0xFFFF0000, v16  }
0x1e4: {  	v41 =	vld [tilespmem:s13+$0x0];
	v48 =	vand.u32 $0xFFFF0000, v20;
	v36 =	vshrl.u32 v62, $0x10;
	v16 =	vmul.f32 v16, v10  }
0x1e5: {  	v50 =	vmul.f32 v48, v10;
	v13 =	vadd.s32 v7, v13;
	v14 =	vadd.f32 v14, v15  }
0x1e6: {  	v15 =	vadd.f32 v17, v37;
	v42 =	vadd.f32 v19, v18;
	v18 =	vand.u32 $0x1, v43  }
0x1e7: {  	v19 =	vand.u32 $0x1, v44;
	v37 =	vshrl.u32 v63, $0x10;
	v39 =	vshrl.u32 v32, $0x10  }
0x1e8: {  	v18 =	vadd.s32 v18, v22;
	v19 =	vadd.s32 v19, v40;
	v22 =	vadd.s32 v24, v47  }
0x1e9: {  	v23 =	vld [tilespmem:s10+$0xFFFFFFA0];
	v24 =	vand.u32 $0x1, v61;
	v43 =	vshrl.u32 v41, $0x10;
	v14 =	vadd.f32 v14, v14  }
0x1ea: {  	v18 =	vadd.s32 $0x7FFF, v18;
	v19 =	vadd.s32 $0x7FFF, v19;
	v16 =	vadd.f32 v16, v42  }
0x1eb: {  	vm1 =	vle.f32 v15, $3.999999910e-02;
	v22 =	vadd.s32 $0x7FFF, v22;
	v45 =	vand.u32 $0x1, v43  }
0x1ec: {  	v53 =	vld [tilespmem:s10+$0xFFFFFFB0];
	v18 =	vand.u32 $0xFFFF0000, v18;
	v19 =	vand.u32 $0xFFFF0000, v19;
	v14 =	vsub.f32 v11, v14  }
0x1ed: {  	v47 =	vld [tilespmem:s13+$0x10];
	v18 =	vmul.f32 v18, v8;
	v19 =	vmul.f32 v19, v9;
	v52 =	vadd.f32 v16, v16  }
0x1ee: {  	v22 =	vand.u32 $0xFFFF0000, v22;
	v16 =	vmpcnt.ones.xlane vm1;
	v23 =	vadd.f32 v14, v23  }
0x1ef: {  	v22 =	vmul.f32 v22, v9;
	v49 =	vadd.f32 v19, v18;
	v20 =	vsub.f32 v11, v52  }
0x1f0: {  	v14 =	vsel vm1, $0x1, v1;
	v16 =	vadd.s32 v13, v16;
	vm5 =	vle.f32 v23, $3.999999910e-02  }
0x1f1: {  	v17 =	vadd.f32 v50, v49;
	v23 =	vand.u32 $0x1, v54;
	v18 =	vadd.f32 v20, v53  }
0x1f2: {  	v53 =	vshrl.u32 v47, $0x10;
	v15 =	vsel vm5, $0x1, v1;
	v21 =	vadd.s32 v23, v46  }
0x1f3: {  	v23 =	vand.u32 $0x1, v55;
	v17 =	vadd.f32 v17, v17;
	v21 =	vadd.s32 $0x7FFF, v21  }
0x1f4: {  	v26 =	vld [tilespmem:s10+$0xFFFFFFC0];
	v19 =	vadd.s32 v23, v51;
	v23 =	vadd.s32 v24, v57;
	vm6 =	vle.f32 v18, $3.999999910e-02  }
0x1f5: {  	v55 =	vld [tilespmem:s12+$0x20];
	v21 =	vand.u32 $0xFFFF0000, v21;
	v19 =	vadd.s32 $0x7FFF, v19;
	v23 =	vadd.s32 $0x7FFF, v23  }
0x1f6: {  	v18 =	vmpcnt.ones.xlane vm6;
	v21 =	vmul.f32 v21, v8;
	v19 =	vand.u32 $0xFFFF0000, v19  }
0x1f7: {  	v51 =	vld [tilespmem:s11+$0x10];
	v17 =	vsub.f32 v11, v17;
	v29 =	vand.u32 $0xFFFF0000, v23;
	v19 =	vmul.f32 v19, v10  }
0x1f8: {  	v31 =	vmul.f32 v29, v10;
	v58 =	vadd.f32 v22, v21;
	v21 =	vand.u32 $0x1, v59  }
0x1f9: {  	v22 =	vand.u32 $0x1, v60;
	v30 =	vadd.f32 v17, v26;
	v17 =	vsel vm6, $0x1, v1  }
0x1fa: {  	v26 =	vand.u32 $0x1, v37;
	v59 =	vshrl.u32 v55, $0x10;
	v21 =	vadd.s32 v21, v25  }
0x1fb: {  	v22 =	vadd.s32 v22, v56;
	v38 =	vadd.s32 v26, v63;
	v25 =	vand.u32 $0x1, v39  }
0x1fc: {  	v54 =	vshrl.u32 v51, $0x10;
	v21 =	vadd.s32 $0x7FFF, v21;
	v22 =	vadd.s32 $0x7FFF, v22  }
0x1fd: {  	v50 =	vld [tilespmem:s12+$0x10];
	v28 =	vadd.f32 v19, v58;
	v19 =	vmpcnt.ones.xlane vm5;
	vm2 =	vle.f32 v30, $3.999999910e-02  }
0x1fe: {  	v60 =	vld [tilespmem:s13+$0x30];
	v24 =	vadd.s32 $0x7FFF, v38;
	v23 =	vadd.s32 v25, v32;
	v32 =	vimm.s32 $0x0  }
0x1ff: {  	v56 =	vld [tilespmem:s11+$0x20];
	v21 =	vand.u32 $0xFFFF0000, v21;
	v22 =	vand.u32 $0xFFFF0000, v22;
	v24 =	vand.u32 $0xFFFF0000, v24  }
0x200: {  	v63 =	vld [tilespmem:s11+$0x30];
	v23 =	vadd.s32 $0x7FFF, v23;
	v21 =	vmul.f32 v21, v8;
	v22 =	vmul.f32 v22, v9  }
0x201: {  	v30 =	vld [tilespmem:s11+$0x0];
	v33 =	vadd.f32 v28, v28;
	v24 =	vmul.f32 v24, v9;
	v23 =	vand.u32 $0xFFFF0000, v23  }
0x202: {  	v27 =	vld [tilespmem:s10+$0xFFFFFFD0];
	v19 =	vadd.s32 v16, v19;
	v29 =	vmul.f32 v23, v10;
	v23 =	vmpcnt.ones.xlane vm2  }
0x203: {  	v28 =	vld [tilespmem:s12+$0x0];
	v37 =	vshrl.u32 v60, $0x10;
	v18 =	vadd.s32 v19, v18;
	v21 =	vadd.f32 v22, v21  }
0x204: {  	v35 =	vsub.f32 v11, v33;
	v22 =	vand.u32 $0x1, v36;
	v33 =	vshrl.u32 v50, $0x10  }
0x205: {  	v61 =	vshrl.u32 v56, $0x10;
	v39 =	vshrl.u32 v63, $0x10;
	v22 =	vadd.s32 v22, v62  }
0x206: {  	v49 =	vshrl.u32 v30, $0x10;
	v33 =	vand.u32 $0x1, v33;
	v34 =	vadd.f32 v31, v21  }
0x207: {  	v40 =	vld [tilespmem:s10+$0xFFFFFFE0];
	v23 =	vadd.s32 v18, v23;
	v22 =	vadd.s32 $0x7FFF, v22;
	v21 =	vadd.f32 v35, v27  }
0x208: {  	v62 =	vld [tilespmem:s12+$0x30];
	v22 =	vand.u32 $0xFFFF0000, v22;
	v44 =	vshrl.u32 v28, $0x10;
	v20 =	vadd.f32 v34, v34  }
0x209: {  	v35 =	vld [tilespmem:s13+$0x40];
	v22 =	vmul.f32 v22, v8;
	vm10 =	vle.f32 v21, $3.999999910e-02;
	v46 =	vand.u32 $0x1, v44  }
0x20a: {  	v21 =	vsel vm10, $0x1, v1;
	v48 =	vadd.s32 v46, v28;
	v28 =	vadd.s32 v33, v50  }
0x20b: {  	v34 =	vld [tilespmem:s13+$0x20];
	v33 =	vand.u32 $0x1, v61;
	v42 =	vsub.f32 v11, v20;
	v20 =	vsel vm2, $0x1, v1  }
0x20c: {  	v24 =	vadd.f32 v24, v22;
	v22 =	vmpcnt.ones.xlane vm10;
	v25 =	vadd.s32 $0x7FFF, v48  }
0x20d: {  	v28 =	vadd.s32 $0x7FFF, v28;
	v38 =	vshrl.u32 v62, $0x10;
	v25 =	vand.u32 $0xFFFF0000, v25  }
0x20e: {  	v28 =	vand.u32 $0xFFFF0000, v28;
	v50 =	vshrl.u32 v35, $0x10;
	v26 =	vadd.f32 v42, v40  }
0x20f: {  	v24 =	vadd.f32 v29, v24;
	v25 =	vmul.f32 v25, v9;
	v28 =	vmul.f32 v28, v9  }
0x210: {  	v22 =	vadd.s32 v23, v22;
	v58 =	vshrl.u32 v34, $0x10;
	vm0 =	vle.f32 v26, $3.999999910e-02  }
0x211: {  	v52 =	vld [tilespmem:s10+$0xFFFFFFF0];
	v29 =	vadd.f32 v24, v24;
	v24 =	vadd.s32 v45, v41;
	v26 =	vand.u32 $0x1, v49  }
0x212: {  	v24 =	vadd.s32 $0x7FFF, v24;
	v26 =	vadd.s32 v26, v30;
	v32 =	vsel vm0, $0xFFFFFFFF, v32  }
0x213: {  	v24 =	vand.u32 $0xFFFF0000, v24;
	v26 =	vadd.s32 $0x7FFF, v26;
	v29 =	vsub.f32 v11, v29  }
0x214: {  	v49 =	vld [tilespmem:s11+$0x40];
	[tilespmem:$0x1FF80] =	vst v32;
	v32 =	vand.u32 $0x1, v39;
	v39 =	vimm.s32 $0x0;
	v31 =	vmul.f32 v24, v8  }
0x215: {  	v24 =	vsel vm0, $0x1, v1;
	v26 =	vand.u32 $0xFFFF0000, v26;
	v32 =	vadd.s32 v32, v63  }
0x216: {  	v46 =	vld [tilespmem:s12+$0x40];
	v26 =	vmul.f32 v26, v10;
	v29 =	vadd.f32 v29, v52;
	v32 =	vadd.s32 $0x7FFF, v32  }
0x217: {  	v25 =	vadd.f32 v25, v31;
	v31 =	vand.u32 $0x1, v53;
	v42 =	vand.u32 $0xFFFF0000, v32  }
0x218: {  	v27 =	vadd.s32 v31, v47;
	v31 =	vand.u32 $0x1, v54;
	v44 =	vmul.f32 v42, v10  }
0x219: {  	vm3 =	vle.f32 v29, $3.999999910e-02;
	v54 =	vshrl.u32 v49, $0x10;
	v27 =	vadd.s32 $0x7FFF, v27  }
0x21a: {  	v30 =	vadd.s32 v31, v51;
	v25 =	vadd.f32 v26, v25;
	v31 =	vadd.s32 v33, v56  }
0x21b: {  	v51 =	vshrl.u32 v46, $0x10;
	v27 =	vand.u32 $0xFFFF0000, v27;
	v30 =	vadd.s32 $0x7FFF, v30  }
0x21c: {  	v53 =	vld [tilespmem:s13+$0x50];
	v31 =	vadd.s32 $0x7FFF, v31;
	v52 =	vand.u32 $0x1, v51;
	v27 =	vmul.f32 v27, v8  }
0x21d: {  	v57 =	vand.u32 $0xFFFF0000, v30;
	v30 =	vand.u32 $0x1, v59;
	v25 =	vadd.f32 v25, v25  }
0x21e: {  	v56 =	vld [tilespmem:s11+$0x50];
	v36 =	vand.u32 $0xFFFF0000, v31;
	v31 =	vand.u32 $0x1, v38;
	v26 =	vmul.f32 v57, v10  }
0x21f: {  	v42 =	vld [tilespmem:s11+$0x70];
	v30 =	vadd.s32 v30, v55;
	v31 =	vadd.s32 v31, v62;
	v27 =	vadd.f32 v28, v27  }
0x220: {  	v28 =	vand.u32 $0x1, v58;
	v30 =	vadd.s32 $0x7FFF, v30;
	v31 =	vadd.s32 $0x7FFF, v31  }
0x221: {  	v40 =	vld [tilespmem:s10+$0x0];
	v25 =	vsub.f32 v11, v25;
	v58 =	vshrl.u32 v53, $0x10;
	v28 =	vadd.s32 v28, v34  }
0x222: {  	v30 =	vand.u32 $0xFFFF0000, v30;
	v31 =	vand.u32 $0xFFFF0000, v31;
	v28 =	vadd.s32 $0x7FFF, v28  }
0x223: {  	v34 =	vand.u32 $0x1, v54;
	v61 =	vshrl.u32 v56, $0x10;
	v28 =	vand.u32 $0xFFFF0000, v28  }
0x224: {  	v55 =	vld [tilespmem:s12+$0x50];
	v54 =	vshrl.u32 v42, $0x10;
	v30 =	vmul.f32 v30, v9;
	v28 =	vmul.f32 v28, v8  }
0x225: {  	v26 =	vadd.f32 v26, v27;
	v27 =	vmul.f32 v36, v10;
	v31 =	vmul.f32 v31, v9  }
0x226: {  	v41 =	vld [tilespmem:s10+$0x10];
	v45 =	vadd.f32 v25, v40;
	v25 =	vsel vm3, $0x1, v1;
	v28 =	vadd.f32 v30, v28  }
0x227: {  	v36 =	vmpcnt.ones.xlane vm3;
	v26 =	vadd.f32 v26, v26;
	v30 =	vand.u32 $0x1, v37  }
0x228: {  	vm9 =	vle.f32 v45, $3.999999910e-02;
	v30 =	vadd.s32 v30, v60;
	v28 =	vadd.f32 v27, v28  }
0x229: {  	v43 =	vld [tilespmem:s10+$0x20];
	v59 =	vshrl.u32 v55, $0x10;
	v26 =	vsub.f32 v11, v26;
	v30 =	vadd.s32 $0x7FFF, v30  }
0x22a: {  	v32 =	vmpcnt.ones.xlane vm9;
	v30 =	vand.u32 $0xFFFF0000, v30;
	v28 =	vadd.f32 v28, v28  }
0x22b: {  	v37 =	vimm.s32 $0x0;
	v33 =	vadd.f32 v26, v41;
	v30 =	vmul.f32 v30, v8  }
0x22c: {  	v60 =	vld [tilespmem:s13+$0x60];
	v27 =	vmpcnt.ones.xlane vm0;
	v26 =	vsel vm9, $0x1, v1;
	v28 =	vsub.f32 v11, v28  }
0x22d: {  	v41 =	vimm.s32 $0x0;
	vm7 =	vle.f32 v33, $3.999999910e-02;
	v30 =	vadd.f32 v31, v30  }
0x22e: {  	v63 =	vld [tilespmem:s11+$0x60];
	v27 =	vadd.s32 v22, v27;
	v31 =	vadd.s32 v52, v46;
	v28 =	vadd.f32 v28, v43  }
0x22f: {  	v37 =	vsel vm7, $0xFFFFFFFF, v37;
	v31 =	vadd.s32 $0x7FFF, v31;
	v30 =	vadd.f32 v44, v30  }
0x230: {  	v31 =	vand.u32 $0xFFFF0000, v31;
	vm8 =	vle.f32 v28, $3.999999910e-02;
	v28 =	vand.u32 $0x1, v50  }
0x231: {  	v46 =	vshrl.u32 v60, $0x10;
	v31 =	vmul.f32 v31, v9;
	v28 =	vadd.s32 v28, v35  }
0x232: {  	v48 =	vadd.f32 v30, v30;
	v30 =	vadd.s32 v34, v49;
	v28 =	vadd.s32 $0x7FFF, v28  }
0x233: {  	v49 =	vshrl.u32 v63, $0x10;
	v30 =	vadd.s32 $0x7FFF, v30;
	v28 =	vand.u32 $0xFFFF0000, v28  }
0x234: {  	[tilespmem:$0x1FF90] =	vst v37;
	v35 =	vand.u32 $0x1, v61;
	v37 =	vand.u32 $0x1, v49;
	v28 =	vmul.f32 v28, v8  }
0x235: {  	v47 =	vld [tilespmem:s10+$0x30];
	v29 =	vsub.f32 v11, v48;
	v57 =	vand.u32 $0xFFFF0000, v30;
	v30 =	vand.u32 $0x1, v58  }
0x236: {  	v62 =	vld [tilespmem:s12+$0x60];
	v34 =	vadd.s32 v35, v56;
	v28 =	vadd.f32 v31, v28;
	v31 =	vand.u32 $0x1, v59  }
0x237: {  	v35 =	vadd.s32 v37, v63;
	v30 =	vadd.s32 v30, v53;
	v31 =	vadd.s32 v31, v55  }
0x238: {  	v37 =	vand.u32 $0x1, v54;
	v30 =	vadd.s32 $0x7FFF, v30;
	v31 =	vadd.s32 $0x7FFF, v31  }
0x239: {  	v34 =	vadd.s32 $0x7FFF, v34;
	v30 =	vand.u32 $0xFFFF0000, v30;
	v31 =	vand.u32 $0xFFFF0000, v31  }
0x23a: {  	v50 =	vld [tilespmem:s12+$0x70];
	v35 =	vadd.s32 $0x7FFF, v35;
	v30 =	vmul.f32 v30, v8;
	v31 =	vmul.f32 v31, v9  }
0x23b: {  	v29 =	vadd.f32 v29, v47;
	v45 =	vand.u32 $0xFFFF0000, v34;
	v47 =	vshrl.u32 v62, $0x10  }
0x23c: {  	v48 =	vld [tilespmem:s13+$0x70];
	v34 =	vand.u32 $0x1, v47;
	v30 =	vadd.f32 v31, v30;
	v31 =	vand.u32 $0x1, v46  }
0x23d: {  	v37 =	vadd.s32 v37, v42;
	v34 =	vadd.s32 v34, v62;
	v31 =	vadd.s32 v31, v60  }
0x23e: {  	v51 =	vand.u32 $0xFFFF0000, v35;
	v34 =	vadd.s32 $0x7FFF, v34;
	v31 =	vadd.s32 $0x7FFF, v31  }
0x23f: {  	v53 =	vshrl.u32 v50, $0x10;
	v34 =	vand.u32 $0xFFFF0000, v34;
	v31 =	vand.u32 $0xFFFF0000, v31  }
0x240: {  	vm11 =	vle.f32 v29, $3.999999910e-02;
	v34 =	vmul.f32 v34, v9;
	v31 =	vmul.f32 v31, v8  }
0x241: {  	v29 =	vmul.f32 v57, v10;
	v35 =	vand.u32 $0x1, v53;
	v52 =	vshrl.u32 v48, $0x10  }
0x242: {  	v35 =	vadd.s32 v35, v50;
	v31 =	vadd.f32 v34, v31;
	v34 =	vand.u32 $0x1, v52  }
0x243: {  	v28 =	vadd.f32 v29, v28;
	v35 =	vadd.s32 $0x7FFF, v35;
	v34 =	vadd.s32 v34, v48  }
0x244: {  	v29 =	vmul.f32 v45, v10;
	v35 =	vand.u32 $0xFFFF0000, v35;
	v34 =	vadd.s32 $0x7FFF, v34  }
0x245: {  	(xrf0) =	vadd.scan.msk.s32 $0xffff, v12;
	v37 =	vadd.s32 $0x7FFF, v37;
	v35 =	vmul.f32 v35, v9;
	v34 =	vand.u32 $0xFFFF0000, v34  }
0x246: {  	(xrf0) =	vadd.scan.msk.s32 $0xffff, v14;
	v29 =	vadd.f32 v29, v30;
	v30 =	vmul.f32 v51, v10;
	v34 =	vmul.f32 v34, v8  }
0x247: {  	(xrf0) =	vadd.scan.msk.s32 $0xffff, v15;
	v33 =	vmpcnt.ones.xlane vm7;
	v15 =	vadd.s32 v27, v36;
	v37 =	vand.u32 $0xFFFF0000, v37  }
0x248: {  	v56 =	vmul.f32 v37, v10;
	v55 =	vld [tilespmem:s10+$0x40];
	v30 =	vadd.f32 v30, v31;
	v34 =	vadd.f32 v35, v34  }
0x249: {  	v43 =	vsel vm7, $0x1, v1;
	v38 =	vmpcnt.ones.xlane vm8;
	v58 =	vld [tilespmem:s10+$0x60];
	v28 =	vadd.f32 v28, v28  }
0x24a: {  	(xrf0) =	vadd.scan.msk.s32 $0xffff, v17;
	v39 =	vsel vm8, $0xFFFFFFFF, v39;
	v57 =	vld [tilespmem:s10+$0x50];
	v60 =	vadd.f32 v30, v30;
	v34 =	vadd.f32 v56, v34  }
0x24b: {  	(xrf0) =	vadd.scan.msk.s32 $0xffff, v20;
	v40 =	vmpcnt.ones.xlane vm11;
	v28 =	vsub.f32 v11, v28;
	v29 =	vadd.f32 v29, v29  }
0x24c: {  	(xrf0) =	vadd.scan.msk.s32 $0xffff, v21;
	v61 =	vld [tilespmem:s10+$0x70];
	v41 =	vsel vm11, $0xFFFFFFFF, v41;
	v63 =	vadd.f32 v34, v34;
	v34 =	vsub.f32 v11, v60  }
0x24d: {  	[tilespmem:$0x1FFA0] =	vst v39;
	v59 =	vadd.f32 v28, v55;
	v28 =	vadd.s32 v15, v32;
	v62 =	vsub.f32 v11, v29  }
0x24e: {  	[tilespmem:$0x1FFB0] =	vst v41;
	v46 =	vsel vm8, $0x1, v1;
	v29 =	vadd.s32 v28, v33;
	v12 =	vadd.f32 v34, v58  }
0x24f: {  	v17 =	vadd.s32 v29, v38;
	v38, _, _ =	vpop (xrf0);
	(xrf0) =	vadd.scan.msk.s32 $0xffff, v24;
	v14 =	vadd.f32 v62, v57;
	v35 =	vsub.f32 v11, v63  }
0x250: {  	vm15 =	vle.f32 v59, $3.999999910e-02;
	vm13 =	vle.f32 v12, $3.999999910e-02;
	v12 =	vadd.s32 v17, v40;
	v40, _, _ =	vpop (xrf0);
	(xrf0) =	vadd.scan.msk.s32 $0xffff, v25  }
0x251: {  	v36 =	vmpcnt.ones.xlane vm15;
	vm12 =	vle.f32 v14, $3.999999910e-02;
	v37 =	vadd.f32 v35, v61;
	v42, _, _ =	vpop (xrf0);
	(xrf0) =	vadd.scan.msk.s32 $0xffff, v26  }
0x252: {  	v51 =	vsel vm15, $0x1, v1;
	v48 =	vsel vm11, $0x1, v1;
	v39 =	vmpcnt.ones.xlane vm12;
	v45, _, _ =	vpop (xrf0);
	(xrf0) =	vadd.scan.msk.s32 $0xffff, v43  }
0x253: {  	v41 =	vmpcnt.ones.xlane vm13;
	v14 =	vadd.s32 v12, v36;
	vm14 =	vle.f32 v37, $3.999999910e-02;
	v47, _, _ =	vpop (xrf0);
	(xrf0) =	vadd.scan.msk.s32 $0xffff, v46  }
0x254: {  	v7 =	vadd.s32 v38, v7;
	v24 =	vadd.s32 v14, v39;
	v44 =	vmpcnt.ones.xlane vm14;
	v50, _, _ =	vpop (xrf0);
	(xrf0) =	vadd.scan.msk.s32 $0xffff, v48  }
0x255: {  	v49 =	vadd.s32 $0xFFFFFFFF, v7;
	v54 =	vsel vm12, $0x1, v1;
	v21 =	vadd.s32 v24, v41;
	v53, _, _ =	vpop (xrf0);
	(xrf0) =	vadd.scan.msk.s32 $0xffff, v51  }
0x256: {  	vm7 =	vlt.s32 v49, $0x20;
	v56 =	vsel vm13, $0x1, v1;
	v7 =	vadd.s32 v21, v44;
	v55, _, _ =	vpop (xrf0);
	(xrf0) =	vadd.scan.msk.s32 $0xffff, v54  }
0x257: {  	v13 =	vadd.s32 v40, v13;
	v57 =	vsel vm14, $0x1, v1;
	vm11 =	vlt.s32 v7, $0x20;
	v58, _, _ =	vpop (xrf0);
	(xrf0) =	vadd.scan.msk.s32 $0xffff, v56  }
0x258: {  	s6 =	sadd.s32 $0xFFFFFF10, s9;
	s15 =	sadd.s32 $0xFFFFFF20, s9;
	vm7 =	vmand vm4, vm7;
	v13 =	vadd.s32 $0xFFFFFFFF, v13;
	v52 =	vsel vm11, $0x3F800000, v3;
	v59, _, _ =	vpop (xrf0);
	(xrf0) =	vadd.scan.msk.s32 $0xffff, v57  }
0x259: {  	v16 =	vadd.s32 v42, v16;
	v42 =	vor.u32 s6, v2;
	v43 =	vor.u32 s15, v2;
	v60, _, _ =	vpop (xrf0);
	(xrf0) =	vmin.scan.msk.f32 $0xffff, v52  }
0x25a: {  	s19 =	sadd.s32 $0xFFFFFF40, s9;
	v19 =	vadd.s32 v45, v19;
	v16 =	vadd.s32 $0xFFFFFFFF, v16;
	vm4 =	vlt.s32 v13, $0x20;
	v61, _, _ =	vpop (xrf0)  }
0x25b: {  	s15 =	sadd.s32 $0xFFFFFF50, s9;
	v46 =	vor.u32 s19, v2;
	v19 =	vadd.s32 $0xFFFFFFFF, v19;
	vm4 =	vmand vm1, vm4;
	v62, _, _ =	vpop (xrf0)  }
0x25c: {  	vm8 =	vlt.s32 v16, $0x20;
	v18 =	vadd.s32 v47, v18;
	v48 =	vor.u32 s15, v2;
	v63, _, _ =	vpop (xrf0)  }
0x25d: {  	s16 =	sadd.s32 $0xFFFFFF30, s9;
	v38 =	vld [tilespmem:$0x1FF80];
	s6 =	sadd.s32 $0xFFFFFF70, s9;
	s19 =	sadd.s32 $0xFFFFFF80, s9;
	vm5 =	vmand vm5, vm8;
	v18 =	vadd.s32 $0xFFFFFFFF, v18;
	v23 =	vadd.s32 v50, v23;
	v37, _, _ =	vpop (xrf0)  }
0x25e: {  	v44 =	vor.u32 s16, v2;
	s16 =	sadd.s32 $0xFFFFFF60, s9;
	v50 =	vor.u32 s6, v2;
	v51 =	vor.u32 s19, v2;
	v39, _, _ =	vpop (xrf0)  }
0x25f: {  	[tilespmem:v49+s24+$0x0] =	vst.idx.msk vm7, v42;
	v22 =	vadd.s32 v53, v22;
	v23 =	vadd.s32 $0xFFFFFFFF, v23;
	v49 =	vor.u32 s16, v2;
	v40, _, _ =	vpop (xrf0)  }
0x260: {  	vm11 =	vlt.s32 v19, $0x20;
	v22 =	vadd.s32 $0xFFFFFFFF, v22;
	(v2sf) =	vpush v40, $0xF  }
0x261: {  	vm0 =	vlt.s32 v23, $0x20;
	v27 =	vadd.s32 v55, v27;
	vm11 =	vmand vm6, vm11  }
0x262: {  	v45 =	vld [tilespmem:$0x1FFA0];
	vm6 =	vlt.s32 v18, $0x20;
	vm10 =	vmand vm10, vm0;
	vm0 =	vnez.u8 v38  }
0x263: {  	v41 =	vld [tilespmem:$0x1FF90];
	v27 =	vadd.s32 $0xFFFFFFFF, v27;
	v15 =	vadd.s32 v58, v15;
	vm8 =	vmand vm2, vm6  }
0x264: {  	s16 =	sadd.s32 $0xFFFFFF90, s9;
	vm6 =	vlt.s32 v22, $0x20;
	v20 =	vadd.s32 v59, v28;
	v15 =	vadd.s32 $0xFFFFFFFF, v15  }
0x265: {  	v52 =	vor.u32 s16, v2;
	vm6 =	vmand vm0, vm6;
	v20 =	vadd.s32 $0xFFFFFFFF, v20  }
0x266: {  	v47 =	vld [tilespmem:$0x1FFB0];
	vm0 =	vlt.s32 v27, $0x20;
	vm1 =	vlt.s32 v15, $0x20;
	v26 =	vadd.s32 v60, v29  }
0x267: {  	[tilespmem:v13+s24+$0x0] =	vst.idx.msk vm4, v43;
	vm4 =	vnez.u8 v45;
	vm2 =	vlt.s32 v20, $0x20;
	vm3 =	vmand vm3, vm0  }
0x268: {  	vm9 =	vmand vm9, vm1;
	vm0 =	vnez.u8 v41;
	v26 =	vadd.s32 $0xFFFFFFFF, v26  }
0x269: {  	v17 =	vadd.s32 v61, v17;
	vm2 =	vmand vm0, vm2;
	vm7 =	vlt.s32 v26, $0x20  }
0x26a: {  	[tilespmem:v16+s24+$0x0] =	vst.idx.msk vm5, v44;
	v17 =	vadd.s32 $0xFFFFFFFF, v17;
	v12 =	vadd.s32 v62, v12;
	vm0 =	vmand vm4, vm7  }
0x26b: {  	vm1 =	vlt.s32 v17, $0x20;
	v12 =	vadd.s32 $0xFFFFFFFF, v12;
	vm4 =	vnez.u8 v47;
	[tilespmem:v19+s24+$0x0] =	vst.idx.msk vm11, v46  }
0x26c: {  	v14 =	vadd.s32 v63, v14;
	vm7 =	vmand vm4, vm1;
	vm5 =	vlt.s32 v12, $0x20;
	[tilespmem:v18+s24+$0x0] =	vst.idx.msk vm8, v48  }
0x26d: {  	v14 =	vadd.s32 $0xFFFFFFFF, v14;
	v53 =	vadd.s32 v37, v24;
	vm1 =	vmand vm15, vm5;
	[tilespmem:v23+s24+$0x0] =	vst.idx.msk vm10, v49  }
0x26e: {  	v54 =	vadd.s32 $0xFFFFFFFF, v53;
	v55 =	vadd.s32 v39, v21;
	vm10 =	vlt.s32 v14, $0x20;
	[tilespmem:v22+s24+$0x0] =	vst.idx.msk vm6, v50  }
0x26f: {  	p2 =	sgt.u32 s14, $0x3E;
	s16 =	sadd.s32 $0xFFFFFFA0, s9;
	v56 =	vadd.s32 $0xFFFFFFFF, v55;
	vm11 =	vmand vm12, vm10;
	vm12 =	vlt.s32 v54, $0x20;
	[tilespmem:v27+s24+$0x0] =	vst.idx.msk vm3, v51;
	s15 =	spop (v2sf)  }
0x270: {  	s19 =	sadd.s32 $0xFFFFFFB0, s9;
	v57 =	vor.u32 s16, v2;
	vm4 =	vmand vm13, vm12;
	vm13 =	vlt.s32 v56, $0x20;
	[tilespmem:v15+s24+$0x0] =	vst.idx.msk vm9, v52;
	p3 =	sgt.f32 @!p2 s15, $0.0e+00  }
0x271: {  	v58 =	vor.u32 s19, v2;
	s16 =	sadd.s32 $0xFFFFFFC0, s9;
	vm15 =	vmand vm14, vm13;
	[tilespmem:v20+s24+$0x0] =	vst.idx.msk vm2, v57  }
0x272: {  	s19 =	sadd.s32 $0xFFFFFFD0, s9;
	v59 =	vor.u32 s16, v2;
	[tilespmem:v26+s24+$0x0] =	vst.idx.msk vm0, v58;
	p3 =	por p2, !p3  }
.Ltmp7:
0x273: {  	v60 =	vor.u32 s19, v2;
	s16 =	sadd.s32 $0xFFFFFFE0, s9;
	[tilespmem:v17+s24+$0x0] =	vst.idx.msk vm7, v59;
	(pc) =	sbr.rel @!p3 .LBB2_8-.Ltmp7, $4  }
0x274: {  	s19 =	sadd.s32 $0xFFFFFFF0, s9;
	v61 =	vor.u32 s16, v2;
	[tilespmem:v12+s24+$0x0] =	vst.idx.msk vm1, v60  }
0x275: {  	v62 =	vor.u32 s19, v2;
	[tilespmem:v14+s24+$0x0] =	vst.idx.msk vm11, v61  }
0x276: {  	s14 =	sadd.s32 $0x1, s14;
	s11 =	sadd.s32 $0x100, s11;
	s12 =	sadd.s32 $0x100, s12;
	v63 =	vor.u32 s9, v2;
	[tilespmem:v54+s24+$0x0] =	vst.idx.msk vm4, v62  }
0x277: {  	s13 =	sadd.s32 $0x100, s13;
	s10 =	sadd.s32 $0x100, s10;
	s9 =	sadd.s32 $0x100, s9;
	[tilespmem:v56+s24+$0x0] =	vst.idx.msk vm15, v63  }
.Ltmp8:
0x278: {  	_ = 	snop;
	(pc) =	sbr.rel .LBB2_9-.Ltmp8, $1  }
0x279: {  	_ =	sdelay $0x3  }
.LBB2_12:
0x27a: {  	_ =	sfence.sel $0x180000  }
0x27b: {  	[bflag:$0x0] =	sbarrier.arrive $0xFFFF  }
0x27c: {  	_ =	strace $0x90000047  }
0x27d: {  	s0 =	stileid.u32;
	[bflag:$0x2] =	sbarrier.arrive $0xFFFF  }
0x27e: {  	p0 =	sne.s32 s0, $0x0;
	s0 =	rddreg [dreg:$0x2]  }
0x27f: {  	s0 =	sadd.s32 @!p0 $0x100000, s0  }
0x280: {  	[sflag:s0] =	ssyncadd.tile.s32 @!p0 $0x1;
	_ =	shalt  }
.Lfunc_end2:
_tile_overlayer_lowered:
.L_overlay_start_2:
0x281: {  	(tag) =	ssettag $0x2  }
0x282: {  	s0 =	rddreg [dreg:$0x0];
	s2 =	stileid.u32  }
0x283: {  	s1 =	rddreg [dreg:$0x1];
	p0 =	sne.s32 s2, $0x0  }
0x284: {  	s3 =	rddreg [dreg:$0x2];
	[bflag:$0x3] =	sbarrier.arrive $0xFFFF;
	s2 =	simm.s32 @!p0 $0x1C05  }
0x285: {  	[timem:s3], [sflag:s2] =	dma.local @!p0 [hbm:s0], s1  }
0x286: {  	s0 =	simm.s32 @!p0 $0x5  }
0x287: {  	_ =	swait.ge @!p0 [sflag:s0], s1  }
0x288: {  	s1 =	ssub.s32 @!p0 $0x0, s1;
	[sflag:s0] =	ssyncset.done @!p0 $0x0  }
0x289: {  	[sflag:s0] =	ssyncadd.s32 @!p0 s1  }
0x28a: {  	[bflag:$0x3] =	sbarrier.arrive $0xFFFF  }
0x28b: {  	_ =	shalt  }

</sc_bundles>
